<compile_context>
chip_gen: v7x
topology: tpu7x:2x2x1
jax: 0.10.2.dev20260603
libtpu: 0.0.44.dev20260713+nightly
codegen_flags: <defaults>
</compile_context>

<pallas_src>
import functools

import jax
import jax.numpy as jnp
from jax import lax
from jax.experimental import pallas as pl
from jax.experimental.pallas import tpu as pltpu
from jax.experimental.pallas import tpu_sc as plsc

NC, NS, L = 2, 16, 16
NW = NC * NS
SHIFT = 15
LO = (97 << 23) >> SHIFT
HI = (127 << 23) >> SHIFT
NB = HI - LO + 1
NBPAD = 7936
LOBITS = LO << SHIFT
KSEL = 2048
CCAP = 4096
CHUNK = 2000
SPV = 80000
SPCH = SPV // CHUNK
LN2 = 0.6931471805599453
_PHASE = 99


def _iota():
    return lax.iota(jnp.int32, L)


def _lane(v, i):
    return jnp.sum(jnp.where(_iota() == i, v, jnp.zeros_like(v)))


def _splat_gather(ref, idx):
    return plsc.load_gather(ref, [jnp.full((L,), idx, jnp.int32)])


def _vlog(x):
    bits = lax.bitcast_convert_type(x, jnp.int32)
    n = ((bits >> 23) & 255) - 127
    mant = lax.bitcast_convert_type(
        (bits & 0x7FFFFF) | 0x3F800000, jnp.float32)
    big = mant > 1.4142135
    mant = jnp.where(big, mant * 0.5, mant)
    n = (n + jnp.where(big, 1, 0)).astype(jnp.float32)
    z = (mant - 1.0) / (mant + 1.0)
    z2 = z * z
    lnm = 2.0 * z * (1.0 + z2 * (1.0 / 3.0 + z2 * (
        1.0 / 5.0 + z2 * (1.0 / 7.0 + z2 / 9.0))))
    return n * LN2 + lnm


def _make_sc_call(B, V):
    NCHUNK = V // CHUNK
    ROWS = B // NW
    mesh = plsc.VectorSubcoreMesh(
        core_axis_name="c", subcore_axis_name="s",
        num_cores=NC, num_subcores=NS)

    @functools.partial(
        pl.kernel,
        out_type=(
            jax.ShapeDtypeStruct((B * L,), jnp.int32),
            jax.ShapeDtypeStruct((B * L,), jnp.float32),
        ),
        mesh=mesh,
        compiler_params=pltpu.CompilerParams(needs_layout_passes=False),
        scratch_types=[
            pltpu.VMEM((CHUNK,), jnp.float32),
            pltpu.VMEM((CHUNK,), jnp.float32),
            pltpu.VMEM((L,), jnp.float32),
            pltpu.VMEM((NBPAD,), jnp.int32),
            pltpu.VMEM((CCAP,), jnp.int32),
            pltpu.VMEM((CCAP,), jnp.int32),
            pltpu.VMEM((CCAP,), jnp.int32),
            pltpu.VMEM((CCAP,), jnp.int32),
            pltpu.VMEM((CCAP,), jnp.float32),
            pltpu.VMEM((256,), jnp.int32),
            pltpu.VMEM((256,), jnp.int32),
            pltpu.VMEM((NBPAD,), jnp.int32),
            pltpu.VMEM((L,), jnp.int32),
            pltpu.VMEM((L,), jnp.float32),
            pltpu.VMEM_SHARED((NS * SPV,), jnp.float32),
            pltpu.SemaphoreType.DMA,
            pltpu.SemaphoreType.DMA,
            pltpu.SemaphoreType.DMA,
            pltpu.SemaphoreType.DMA,
        ],
    )
    def sampler(logits_hbm, params_hbm, tok_hbm, lp_hbm,
                bufA, bufB, pbuf, hist, cb, ci, cb2, ci2, csum,
                rhist, rbase, hcs, otok, olp, spr, semA, semB,
                semSA, semSB):
        wid = lax.axis_index("s") * NC + lax.axis_index("c")
        sid = lax.axis_index("s")
        iota = _iota()
        z16f = jnp.zeros((L,), jnp.float32)
        z16i = jnp.zeros((L,), jnp.int32)

        def issue(c, buf, sem, row):
            @pl.when(c < SPCH)
            def _():
                pltpu.async_copy(
                    spr.at[pl.ds(sid * SPV + c * CHUNK, CHUNK)], buf, sem)

            @pl.when(c >= SPCH)
            def _():
                pltpu.async_copy(
                    logits_hbm.at[pl.ds(row * V + c * CHUNK, CHUNK)],
                    buf, sem)

        def stream(row, inner, init):
            issue(0, bufA, semA, row)
            issue(1, bufB, semB, row)

            def outer(g, carry):
                c0 = 2 * g
                pltpu.make_async_copy(
                    logits_hbm.at[pl.ds(0, CHUNK)], bufA, semA).wait()
                carry = inner(bufA, c0, carry)

                @pl.when(c0 + 2 < NCHUNK)
                def _():
                    issue(c0 + 2, bufA, semA, row)

                pltpu.make_async_copy(
                    logits_hbm.at[pl.ds(0, CHUNK)], bufB, semB).wait()
                carry = inner(bufB, c0 + 1, carry)

                @pl.when(c0 + 3 < NCHUNK)
                def _():
                    issue(c0 + 3, bufB, semB, row)

                return carry

            return lax.fori_loop(0, NCHUNK // 2, outer, init)

        def streamA(row, inner, init):
            def src(c):
                return logits_hbm.at[pl.ds(row * V + c * CHUNK, CHUNK)]

            def dst(c):
                return spr.at[pl.ds(sid * SPV + c * CHUNK, CHUNK)]

            pltpu.async_copy(src(0), bufA, semA)
            pltpu.async_copy(src(1), bufB, semB)

            def outer(g, carry):
                c0 = 2 * g
                pltpu.make_async_copy(src(0), bufA, semA).wait()
                carry = inner(bufA, c0, carry)

                @pl.when(c0 < SPCH)
                def _():
                    pltpu.async_copy(bufA, dst(c0), semSA)

                pltpu.make_async_copy(src(1), bufB, semB).wait()
                carry = inner(bufB, c0 + 1, carry)

                @pl.when(c0 + 1 < SPCH)
                def _():
                    pltpu.async_copy(bufB, dst(c0 + 1), semSB)

                @pl.when(c0 + 2 < NCHUNK)
                def _():
                    @pl.when(c0 < SPCH)
                    def _():
                        pltpu.make_async_copy(bufA, dst(0), semSA).wait()
                    pltpu.async_copy(src(c0 + 2), bufA, semA)

                @pl.when(c0 + 3 < NCHUNK)
                def _():
                    @pl.when(c0 + 1 < SPCH)
                    def _():
                        pltpu.make_async_copy(bufB, dst(0), semSB).wait()
                    pltpu.async_copy(src(c0 + 3), bufB, semB)

                return carry

            return lax.fori_loop(0, NCHUNK // 2, outer, init)

        def row_body(rl, _unused):
            row = wid * ROWS + rl
            pltpu.sync_copy(params_hbm.at[pl.ds(row * L, L)], pbuf)
            pv = pbuf[...]
            temp = _lane(pv, 0)
            top_p = _lane(pv, 1)
            min_p = _lane(pv, 2)
            unif = _lane(pv, 3)
            topk = jnp.int32(_lane(pv, 4))

            def inner_max(bref, _c, acc):
                def body(j, a):
                    return jnp.maximum(a, bref[pl.ds(j * L, L)])
                return plsc.parallel_loop(
                    0, CHUNK // L, unroll=25, carry=acc)(body)
            with jax.named_scope("passA"):
                macc = streamA(row, inner_max,
                               jnp.full((L,), -jnp.inf, jnp.float32))
            m = jnp.max(macc / temp)

            if _PHASE == 1:
                otok[...] = z16i
                olp[...] = macc + temp
                pltpu.sync_copy(otok, tok_hbm.at[pl.ds(row * L, L)])
                pltpu.sync_copy(olp, lp_hbm.at[pl.ds(row * L, L)])
                return _unused

            def hz(i):
                hist[pl.ds(i * L, L)] = z16i
            plsc.parallel_loop(0, NBPAD // L, unroll=8)(hz)

            ones16 = jnp.ones((L,), jnp.int32)

            def inner_hist(bref, _c, zacc):
                def body(j, za):
                    v = bref[pl.ds(j * L, L)]
                    e = jnp.exp(v / temp - m)
                    bits = lax.bitcast_convert_type(e, jnp.int32)
                    b = jnp.clip((bits >> SHIFT) - LO, 0, NB - 1)
                    inr = bits >= LOBITS
                    plsc.addupdate_scatter(hist, [b], ones16, mask=inr)
                    return za + e
                return plsc.parallel_loop(
                    0, CHUNK // L, unroll=5, carry=zacc)(body)
            with jax.named_scope("passB"):
                zacc = stream(row, inner_hist, z16f)
            Z = jnp.sum(zacc)

            if _PHASE == 2:
                otok[...] = z16i
                olp[...] = zacc + m
                pltpu.sync_copy(otok, tok_hbm.at[pl.ds(row * L, L)])
                pltpu.sync_copy(olp, lp_hbm.at[pl.ds(row * L, L)])
                return _unused

            kselr = topk + 1

            def hsum(k):
                hcs[pl.ds(k * L, L)] = plsc.cumsum(hist[pl.ds(k * L, L)])
            plsc.parallel_loop(0, NBPAD // L, unroll=8)(hsum)

            NCC = NBPAD // L // L
            def tcoarse(kk, car):
                done, kc, cum = car
                base = (NCC - 1 - kk) * L
                totals = plsc.load_gather(
                    hcs, [(base + iota) * L + (L - 1)])
                rv = lax.rev(totals, (0,))
                cs = plsc.cumsum(rv) + cum
                crossed = cs >= kselr
                anyc = jnp.max(jnp.where(crossed, 1, 0))
                ff = jnp.max(plsc.all_reduce_ffs(crossed))
                take = (done == 0) & (anyc == 1)
                kc = jnp.where(take, base + (L - 1) - ff, kc)
                cumb = jnp.sum(jnp.where(iota < ff, rv, 0))
                cum = jnp.where(take, cum + cumb,
                                jnp.where(done == 1, cum, jnp.max(cs)))
                done = jnp.where(take, 1, done)
                return done, kc, cum
            done, kc, cumc = lax.fori_loop(
                0, NCC, tcoarse, (jnp.int32(0), jnp.int32(0), jnp.int32(0)))
            rv = lax.rev(hist[pl.ds(kc * L, L)], (0,))
            cs = plsc.cumsum(rv) + cumc
            crossed = cs >= kselr
            ff = jnp.max(plsc.all_reduce_ffs(crossed))
            T = jnp.where(done == 1,
                          kc * L + (L - 1) - jnp.minimum(ff, L - 1), 0)
            tbits = (T + LO) << SHIFT

            if _PHASE == 3:
                otok[...] = jnp.full((L,), T + done, jnp.int32)
                olp[...] = zacc + m
                pltpu.sync_copy(otok, tok_hbm.at[pl.ds(row * L, L)])
                pltpu.sync_copy(olp, lp_hbm.at[pl.ds(row * L, L)])
                return _unused

            e_thrv = lax.bitcast_convert_type(
                jnp.full((L,), tbits, jnp.int32), jnp.float32)
            vloose = _lane((_vlog(e_thrv) - 1e-4 + m) * temp, 0)

            def inner_comp(bref, c, basev):
                def body(j, basev):
                    v = bref[pl.ds(j * L, L)]
                    ok = (v >= vloose) & (basev <= CCAP - 32)
                    pos = basev + plsc.cumsum(ok.astype(jnp.int32)) - 1
                    plsc.store_scatter(
                        cb2, [pos],
                        lax.bitcast_convert_type(v, jnp.int32), mask=ok)
                    plsc.store_scatter(
                        ci2, [pos], c * CHUNK + j * L + iota, mask=ok)
                    return basev + plsc.all_reduce_population_count(ok)
                return lax.fori_loop(0, CHUNK // L, body, basev)
            with jax.named_scope("passC"):
                sbase = stream(row, inner_comp, z16i)
            scnt = jnp.max(sbase)

            def mini(j, basev):
                v = lax.bitcast_convert_type(cb2[pl.ds(j * L, L)],
                                             jnp.float32)
                e = jnp.exp(v / temp - m)
                bits = lax.bitcast_convert_type(e, jnp.int32)
                ok = (bits >= tbits) & ((j * L + iota) < scnt)
                pos = basev + plsc.cumsum(ok.astype(jnp.int32)) - 1
                plsc.store_scatter(cb, [pos], bits, mask=ok)
                plsc.store_scatter(ci, [pos], ci2[pl.ds(j * L, L)],
                                   mask=ok)
                return basev + plsc.all_reduce_population_count(ok)
            cntv = lax.fori_loop(0, (scnt + (L - 1)) >> 4, mini, z16i)
            cnt = jnp.max(cntv)

            @pl.when(cnt <= CCAP - 2 * L)
            def _():
                cb[pl.ds(cnt, L)] = z16i
                ci[pl.ds(cnt, L)] = z16i
                cb[pl.ds(cnt + L, L)] = z16i
                ci[pl.ds(cnt + L, L)] = z16i

            nch = (cnt + (L - 1)) >> 4

            if _PHASE == 4:
                otok[...] = jnp.full((L,), cnt + T, jnp.int32)
                olp[...] = z16f + Z
                pltpu.sync_copy(otok, tok_hbm.at[pl.ds(row * L, L)])
                pltpu.sync_copy(olp, lp_hbm.at[pl.ds(row * L, L)])
                return _unused

            bufs = [(cb, ci, cb2, ci2), (cb2, ci2, cb, ci)]
            with jax.named_scope("sort"):
                for pi, s in enumerate((0, 8, 16, 24)):
                    in_b, in_i, out_b, out_i = bufs[pi % 2]
                    for i in range(256 // L):
                        rhist[pl.ds(i * L, L)] = z16i

                    def rh(j, in_b=in_b, s=s):
                        k = in_b[pl.ds(j * L, L)]
                        d = 255 - ((k >> s) & 255)
                        plsc.addupdate_scatter(rhist, [d], ones16)
                    plsc.parallel_loop(0, nch, unroll=2)(rh)

                    def rp(i, car):
                        v = rhist[pl.ds(i * L, L)]
                        cs = plsc.cumsum(v)
                        rbase[pl.ds(i * L, L)] = cs - v + car
                        return car + jnp.max(cs)
                    lax.fori_loop(0, 256 // L, rp, jnp.int32(0))

                    def rs(j, c, in_b=in_b, in_i=in_i, out_b=out_b,
                           out_i=out_i, s=s):
                        k = in_b[pl.ds(j * L, L)]
                        iv = in_i[pl.ds(j * L, L)]
                        d = 255 - ((k >> s) & 255)
                        c16, last = plsc.scan_count(d)
                        off = plsc.load_gather(rbase, [d]) + c16 - 1
                        plsc.store_scatter(out_b, [off], k)
                        plsc.store_scatter(out_i, [off], iv)
                        plsc.addupdate_scatter(rbase, [d], c16, mask=last)
                        return c
                    lax.fori_loop(0, nch, rs, 0)

            if _PHASE == 5:
                otok[...] = cb[pl.ds(0, L)] + cnt
                olp[...] = z16f + Z
                pltpu.sync_copy(otok, tok_hbm.at[pl.ds(row * L, L)])
                pltpu.sync_copy(olp, lp_hbm.at[pl.ds(row * L, L)])
                return _unused

            e0 = lax.bitcast_convert_type(cb[pl.ds(0, L)], jnp.float32)
            thr = _lane(e0 / Z * min_p, 0)

            def csb(j, car):
                cums, cntp, cntm = car
                e = lax.bitcast_convert_type(
                    cb[pl.ds(j * L, L)], jnp.float32)
                p = e / Z
                cs = plsc.cumsum(p) + cums
                csum[pl.ds(j * L, L)] = cs
                valid = (j * L + iota) < cnt
                excl = cs - p
                cntp = cntp + jnp.sum(
                    ((excl <= top_p) & valid).astype(jnp.int32))
                cntm = cntm + jnp.sum(
                    ((p >= thr) & valid).astype(jnp.int32))
                return jnp.max(cs), cntp, cntm
            _cs, cntp, cntm = lax.fori_loop(
                0, nch, csb, (jnp.float32(0), jnp.int32(0), jnp.int32(0)))

            BIG = jnp.int32(1 << 30)
            cp_eff = jnp.where(cntp < cnt, cntp, BIG)
            cm_eff = jnp.where(cntm < cnt, cntm, BIG)
            Reff = jnp.minimum(jnp.minimum(jnp.minimum(topk, cp_eff),
                                           cm_eff), cnt)
            total = jnp.max(_splat_gather(csum, Reff - 1))
            u = unif * total

            def scount(j, acc):
                cs = csum[pl.ds(j * L, L)]
                gi = j * L + iota
                return acc + jnp.sum(
                    ((cs < u) & (gi < Reff)).astype(jnp.int32))
            srank = lax.fori_loop(0, nch, scount, jnp.int32(0))
            srank = jnp.minimum(srank, Reff - 1)

            tokv = _splat_gather(ci, srank)
            psv = lax.bitcast_convert_type(
                _splat_gather(cb, srank), jnp.float32) / Z

            exact = cntp < cnt
            sk_exact = jnp.max(_splat_gather(csum, cntp - 1))
            q = top_p * Z
            run0 = jnp.max(_splat_gather(csum, cnt - 1)) * Z

            def wcond(car):
                k, run, sk, done = car
                return (done == 0) & (k < NBPAD // L)

            def wbody(car):
                k, run, sk, done = car
                bb = T - 1 - (k * L + iota)
                maskv = bb >= 0
                cv = plsc.load_gather(hist, [jnp.maximum(bb, 0)])
                mid = lax.bitcast_convert_type(
                    ((bb + LO) << SHIFT) | (1 << (SHIFT - 1)), jnp.float32)
                mass = jnp.where(maskv, cv.astype(jnp.float32) * mid, 0.0)
                mcs = plsc.cumsum(mass) + run
                crossed = (mcs > q) & maskv
                anyc = jnp.max(jnp.where(crossed, 1, 0))
                ff = jnp.max(plsc.all_reduce_ffs(crossed))
                runbv = mcs - mass
                nusev = (q - runbv) / mid
                nusiv = nusev.astype(jnp.int32).astype(jnp.float32)
                nusev = nusiv + jnp.where(nusiv < nusev, 1.0, 0.0) + 1.0
                sknv = (runbv + nusev * mid) / Z
                skn = _lane(sknv, ff)
                hit = (anyc == 1)
                sk = jnp.where(hit, skn, sk)
                done = jnp.where(hit | (jnp.max(jnp.where(maskv, 1, 0))
                                        == 0), 1, done)
                return k + 1, jnp.max(mcs), sk, done

            _k, _r, sk_apx, _d = lax.while_loop(
                wcond, wbody,
                (jnp.int32(0), run0, jnp.float32(1.0),
                 jnp.where(exact, jnp.int32(1), jnp.int32(0))))
            sum_kept = jnp.where(exact, sk_exact,
                                 jnp.minimum(sk_apx, 1.0))

            lpv = _vlog(psv) - _vlog(jnp.full((L,), sum_kept, jnp.float32))

            di = tokv
            for k_, val_ in enumerate([cnt, cntp, cntm, T, Reff, srank,
                                       done, topk], start=1):
                di = jnp.where(iota == k_, val_, di)
            df = lpv
            for k_, val_ in enumerate([sum_kept, sk_exact, sk_apx, Z,
                                       total, u, thr, m,
                                       jnp.where(exact, 1.0, 0.0)],
                                      start=1):
                df = jnp.where(iota == k_, val_, df)
            otok[...] = di
            olp[...] = df
            pltpu.sync_copy(otok, tok_hbm.at[pl.ds(row * L, L)])
            pltpu.sync_copy(olp, lp_hbm.at[pl.ds(row * L, L)])
            return _unused

        lax.fori_loop(0, ROWS, row_body, 0)

    return sampler


def kernel(logits, temperatures, top_ks, top_ps, min_ps, uniform_samples):
    B, V = logits.shape
    zcol = jnp.zeros((B,), jnp.float32)
    params = jnp.stack(
        [temperatures[:, 0], top_ps, min_ps, uniform_samples,
         top_ks.astype(jnp.float32)] + [zcol] * (L - 5), axis=1)
    tok1d, lp1d = _make_sc_call(B, V)(
        logits.reshape(B * V), params.reshape(B * L))
    return (tok1d.reshape(B, L)[:, 0], lp1d.reshape(B, L)[:, 0])

# --- scband reference (transcript-rebuilt; emitter-appended) ---
"""Pipeline reference for scband-sampler-72035191488970 (READ-ONLY COPY).

The authoritative reference and input builder live on the scoring server;
editing this copy changes nothing except your own understanding.
"""

import jax, jax.numpy as jnp
import numpy as np

B, V = 128, 100000

def setup_inputs(seed: int = 0) -> dict:
    key = jax.random.key(seed)
    ks = jax.random.split(key, 6)
    logits = jax.random.normal(ks[0], (B, V), dtype=jnp.float32) * 2.0
    temperatures = jax.random.uniform(ks[1], (B, 1), minval=0.5, maxval=1.5, dtype=jnp.float32)
    top_ks = jax.random.randint(ks[2], (B,), 1, 2048).astype(jnp.int32)
    top_ps = jax.random.uniform(ks[3], (B,), minval=0.7, maxval=1.0, dtype=jnp.float32)
    min_ps = jax.random.uniform(ks[4], (B,), minval=0.0, maxval=0.1, dtype=jnp.float32)
    uniform_samples = jax.random.uniform(ks[5], (B,), dtype=jnp.float32)
    return {"logits": logits, "temperatures": temperatures, "top_ks": top_ks,
            "top_ps": top_ps, "min_ps": min_ps, "uniform_samples": uniform_samples}

def _safe_log(x):
    fmin = jnp.finfo(x.dtype).min
    return jnp.where(x > 0, jnp.log(jnp.where(x > 0, x, 1.0)), fmin)

def reference(logits, temperatures, top_ks, top_ps, min_ps, uniform_samples):
    # pytorch sampling backend path, need_min_p_sampling=True, return_logprob=True
    logits = logits / temperatures
    probs = jax.nn.softmax(logits, axis=-1)
    # sort descending (compute-dominant full-vocab sort)
    order = jnp.argsort(-probs, axis=-1)
    probs_sort = jnp.take_along_axis(probs, order, axis=-1)
    probs_sum = jnp.cumsum(probs_sort, axis=-1)
    ar = jnp.arange(V)[None, :]
    probs_sort = jnp.where(ar >= top_ks[:, None], 0.0, probs_sort)
    probs_sort = jnp.where((probs_sum - probs_sort) > top_ps[:, None], 0.0, probs_sort)
    min_p_thr = probs_sort[:, 0] * min_ps
    probs_sort = jnp.where(probs_sort < min_p_thr[:, None], 0.0, probs_sort)
    # multinomial(num_samples=1) via inverse-CDF with supplied uniforms
    csum = jnp.cumsum(probs_sort, axis=-1)
    total = csum[:, -1:]
    u = uniform_samples[:, None] * total
    sampled_index = jnp.clip(jnp.sum(csum < u, axis=-1, keepdims=True), 0, V - 1)
    probs_idx = order.astype(jnp.int32)
    batch_next_token_ids = jnp.take_along_axis(probs_idx, sampled_index, axis=1).reshape(-1).astype(jnp.int32)
    # top_p_normalize_probs_torch -> log -> clamp
    ps2 = jnp.take_along_axis(probs, order, axis=-1)
    psum2 = jnp.cumsum(ps2, axis=-1)
    ps2 = jnp.where((psum2 - ps2) > top_ps[:, None], 0.0, ps2)
    ps2 = ps2 / jnp.sum(ps2, axis=-1, keepdims=True)
    norm = jnp.zeros_like(ps2).at[jnp.arange(B)[:, None], order].set(ps2)
    logprobs = _safe_log(norm)
    next_token_logprobs = logprobs[jnp.arange(B), batch_next_token_ids]
    return batch_next_token_ids, next_token_logprobs

if __name__ == "__main__":
    import jax
    _d = setup_inputs()
    print(jax.jit(kernel)(*tuple(_d.values())))

</pallas_src>

<mosaic_0001>
#map = affine_map<(d0, d1) -> (0)>
module attributes {stable_mosaic.version = 14 : i64} {
  func.func @sampler(%arg0: i32, %arg1: i32, %arg2: memref<12800000xf32, #tpu.memory_space<hbm>>, %arg3: memref<2048xf32, #tpu.memory_space<hbm>>, %arg4: memref<2048xi32, #tpu.memory_space<hbm>>, %arg5: memref<2048xf32, #tpu.memory_space<hbm>>, %arg6: memref<2000xf32, #tpu.memory_space<vmem>>, %arg7: memref<2000xf32, #tpu.memory_space<vmem>>, %arg8: memref<16xf32, #tpu.memory_space<vmem>>, %arg9: memref<7936xi32, #tpu.memory_space<vmem>>, %arg10: memref<4096xi32, #tpu.memory_space<vmem>>, %arg11: memref<4096xi32, #tpu.memory_space<vmem>>, %arg12: memref<4096xi32, #tpu.memory_space<vmem>>, %arg13: memref<4096xi32, #tpu.memory_space<vmem>>, %arg14: memref<4096xf32, #tpu.memory_space<vmem>>, %arg15: memref<256xi32, #tpu.memory_space<vmem>>, %arg16: memref<256xi32, #tpu.memory_space<vmem>>, %arg17: memref<7936xi32, #tpu.memory_space<vmem>>, %arg18: memref<16xi32, #tpu.memory_space<vmem>>, %arg19: memref<16xf32, #tpu.memory_space<vmem>>, %arg20: memref<1280000xf32, #tpu.memory_space<vmem_shared>>, %arg21: memref<!tpu.dma_semaphore, #tpu.memory_space<semaphore_mem>>, %arg22: memref<!tpu.dma_semaphore, #tpu.memory_space<semaphore_mem>>, %arg23: memref<!tpu.dma_semaphore, #tpu.memory_space<semaphore_mem>>, %arg24: memref<!tpu.dma_semaphore, #tpu.memory_space<semaphore_mem>>) attributes {dimension_semantics = [#tpu.dimension_semantics<core_parallel>, #tpu.dimension_semantics<subcore_parallel>], iteration_bounds = array<i64: 2, 16>, scalar_prefetch = 0 : i64, scratch_operands = 19 : i64, tpu.core_type = #tpu.core_type<sc_vector_subcore>, window_params = [{transform_indices = #map}, {transform_indices = #map}, {transform_indices = #map}, {transform_indices = #map}]} {
    %mul3A = arith.constant 2 : i32
    %mul3A_0 = arith.muli %arg1, %mul3A : i32
    %add3A = arith.addi %mul3A_0, %arg0 : i32
    %iota3A = tpu.iota {dimensions = array<i32: 0>} : vector<16xi32>
    %broadcast_in_dim3A = arith.constant 0.000000e+00 : f32
    %broadcast_in_dim3A_1 = vector.broadcast %broadcast_in_dim3A : f32 to vector<16xf32>
    %broadcast_in_dim3A_2 = arith.constant 0 : i32
    %broadcast_in_dim3A_3 = vector.broadcast %broadcast_in_dim3A_2 : i32 to vector<16xi32>
    %scan3A = arith.constant 0 : i32
    %scan3A_4 = arith.constant 0 : i32
    %scan3A_5 = arith.constant 4 : i32
    %scan3A_6 = arith.addi %scan3A_4, %scan3A_5 : i32
    %scan3A_7 = arith.constant 1 : i32
    scf.for %scan3A_9 = %scan3A_4 to %scan3A_6 step %scan3A_7  : i32 {
      %mul3A_10 = arith.constant 4 : i32
      %mul3A_11 = arith.muli %add3A, %mul3A_10 : i32
      %add3A_12 = arith.addi %mul3A_11, %scan3A_9 : i32
      %mul3A_13 = arith.constant 16 : i32
      %mul3A_14 = arith.muli %add3A_12, %mul3A_13 : i32
      "tpu.region"() ({
        %run_scoped3A = tpu.sem_alloc : memref<!tpu.dma_semaphore, #tpu.memory_space<semaphore_mem>>
        %dma_start3A_827 = tpu.memref_slice %arg3[%mul3A_14] : memref<2048xf32, #tpu.memory_space<hbm>> -> memref<16xf32, #tpu.memory_space<hbm>>
        %dma_start3A_828 = tpu.memref_slice %arg3[%mul3A_14] : memref<2048xf32, #tpu.memory_space<hbm>> -> memref<16xf32, #tpu.memory_space<hbm>>
        tpu.enqueue_dma source(%dma_start3A_828 : memref<16xf32, #tpu.memory_space<hbm>>) target(%arg8 : memref<16xf32, #tpu.memory_space<vmem>>) target_semaphore(%run_scoped3A : memref<!tpu.dma_semaphore, #tpu.memory_space<semaphore_mem>>)
        %dma_wait3A = tpu.memref_slice %arg3[%mul3A_14] : memref<2048xf32, #tpu.memory_space<hbm>> -> memref<16xf32, #tpu.memory_space<hbm>>
        %dma_wait3A_829 = tpu.memref_slice %arg3[%mul3A_14] : memref<2048xf32, #tpu.memory_space<hbm>> -> memref<16xf32, #tpu.memory_space<hbm>>
        tpu.wait_dma2 semaphore(%run_scoped3A : memref<!tpu.dma_semaphore, #tpu.memory_space<semaphore_mem>>) src(%dma_wait3A_829 : memref<16xf32, #tpu.memory_space<hbm>>) dst(%arg8 : memref<16xf32, #tpu.memory_space<vmem>>)
        tpu.yield
      }) : () -> ()
      %get3A = arith.constant 0 : index
      %get3A_15 = tpu.vector_load %arg8[%get3A] {strides = array<i32>} : memref<16xf32, #tpu.memory_space<vmem>>, vector<16xf32>,
      %iota3A_16 = tpu.iota {dimensions = array<i32: 0>} : vector<16xi32>
      %eq3A = arith.constant 0 : i32
      %eq3A_17 = vector.broadcast %eq3A : i32 to vector<16xi32>
      %eq3A_18 = arith.cmpi eq, %iota3A_16, %eq3A_17 : vector<16xi32>
      %broadcast_in_dim3A_19 = arith.constant 0.000000e+00 : f32
      %broadcast_in_dim3A_20 = vector.broadcast %broadcast_in_dim3A_19 : f32 to vector<16xf32>
      %select_n3A = arith.select %eq3A_18, %get3A_15, %broadcast_in_dim3A_20 : vector<16xi1>, vector<16xf32>
      %reduce_sum3A = arith.constant true
      %reduce_sum3A_21 = vector.broadcast %reduce_sum3A : i1 to vector<16xi1>
      %reduce_sum3A_22 = tpu.scan <sum>, %select_n3A masked %reduce_sum3A_21 : vector<16xf32>, vector<16xi1> -> vector<16xf32>
      %reduce_sum3A_23 = vector.extract %reduce_sum3A_22[15] : f32 from vector<16xf32>
      %iota3A_24 = tpu.iota {dimensions = array<i32: 0>} : vector<16xi32>
      %eq3A_25 = arith.constant 1 : i32
      %eq3A_26 = vector.broadcast %eq3A_25 : i32 to vector<16xi32>
      %eq3A_27 = arith.cmpi eq, %iota3A_24, %eq3A_26 : vector<16xi32>
      %broadcast_in_dim3A_28 = arith.constant 0.000000e+00 : f32
      %broadcast_in_dim3A_29 = vector.broadcast %broadcast_in_dim3A_28 : f32 to vector<16xf32>
      %select_n3A_30 = arith.select %eq3A_27, %get3A_15, %broadcast_in_dim3A_29 : vector<16xi1>, vector<16xf32>
      %reduce_sum3A_31 = arith.constant true
      %reduce_sum3A_32 = vector.broadcast %reduce_sum3A_31 : i1 to vector<16xi1>
      %reduce_sum3A_33 = tpu.scan <sum>, %select_n3A_30 masked %reduce_sum3A_32 : vector<16xf32>, vector<16xi1> -> vector<16xf32>
      %reduce_sum3A_34 = vector.extract %reduce_sum3A_33[15] : f32 from vector<16xf32>
      %iota3A_35 = tpu.iota {dimensions = array<i32: 0>} : vector<16xi32>
      %eq3A_36 = arith.constant 2 : i32
      %eq3A_37 = vector.broadcast %eq3A_36 : i32 to vector<16xi32>
      %eq3A_38 = arith.cmpi eq, %iota3A_35, %eq3A_37 : vector<16xi32>
      %broadcast_in_dim3A_39 = arith.constant 0.000000e+00 : f32
      %broadcast_in_dim3A_40 = vector.broadcast %broadcast_in_dim3A_39 : f32 to vector<16xf32>
      %select_n3A_41 = arith.select %eq3A_38, %get3A_15, %broadcast_in_dim3A_40 : vector<16xi1>, vector<16xf32>
      %reduce_sum3A_42 = arith.constant true
      %reduce_sum3A_43 = vector.broadcast %reduce_sum3A_42 : i1 to vector<16xi1>
      %reduce_sum3A_44 = tpu.scan <sum>, %select_n3A_41 masked %reduce_sum3A_43 : vector<16xf32>, vector<16xi1> -> vector<16xf32>
      %reduce_sum3A_45 = vector.extract %reduce_sum3A_44[15] : f32 from vector<16xf32>
      %iota3A_46 = tpu.iota {dimensions = array<i32: 0>} : vector<16xi32>
      %eq3A_47 = arith.constant 3 : i32
      %eq3A_48 = vector.broadcast %eq3A_47 : i32 to vector<16xi32>
      %eq3A_49 = arith.cmpi eq, %iota3A_46, %eq3A_48 : vector<16xi32>
      %broadcast_in_dim3A_50 = arith.constant 0.000000e+00 : f32
      %broadcast_in_dim3A_51 = vector.broadcast %broadcast_in_dim3A_50 : f32 to vector<16xf32>
      %select_n3A_52 = arith.select %eq3A_49, %get3A_15, %broadcast_in_dim3A_51 : vector<16xi1>, vector<16xf32>
      %reduce_sum3A_53 = arith.constant true
      %reduce_sum3A_54 = vector.broadcast %reduce_sum3A_53 : i1 to vector<16xi1>
      %reduce_sum3A_55 = tpu.scan <sum>, %select_n3A_52 masked %reduce_sum3A_54 : vector<16xf32>, vector<16xi1> -> vector<16xf32>
      %reduce_sum3A_56 = vector.extract %reduce_sum3A_55[15] : f32 from vector<16xf32>
      %iota3A_57 = tpu.iota {dimensions = array<i32: 0>} : vector<16xi32>
      %eq3A_58 = arith.constant 4 : i32
      %eq3A_59 = vector.broadcast %eq3A_58 : i32 to vector<16xi32>
      %eq3A_60 = arith.cmpi eq, %iota3A_57, %eq3A_59 : vector<16xi32>
      %broadcast_in_dim3A_61 = arith.constant 0.000000e+00 : f32
      %broadcast_in_dim3A_62 = vector.broadcast %broadcast_in_dim3A_61 : f32 to vector<16xf32>
      %select_n3A_63 = arith.select %eq3A_60, %get3A_15, %broadcast_in_dim3A_62 : vector<16xi1>, vector<16xf32>
      %reduce_sum3A_64 = arith.constant true
      %reduce_sum3A_65 = vector.broadcast %reduce_sum3A_64 : i1 to vector<16xi1>
      %reduce_sum3A_66 = tpu.scan <sum>, %select_n3A_63 masked %reduce_sum3A_65 : vector<16xf32>, vector<16xi1> -> vector<16xf32>
      %reduce_sum3A_67 = vector.extract %reduce_sum3A_66[15] : f32 from vector<16xf32>
      %convert_element_type3A = arith.fptosi %reduce_sum3A_67 : f32 to i32
      %broadcast_in_dim3A_68 = arith.constant 0xFF800000 : f32
      "tpu.trace_start"() <{level = 10 : i32, message = "passA"}> : () -> ()
      %broadcast_in_dim3A_69 = vector.broadcast %broadcast_in_dim3A_68 : f32 to vector<16xf32>
      %mul3A_70 = arith.constant 100000 : i32
      %mul3A_71 = arith.muli %add3A_12, %mul3A_70 : i32
      %add3A_72 = arith.constant 0 : i32
      %add3A_73 = arith.addi %mul3A_71, %add3A_72 : i32
      %dma_start3A = tpu.memref_slice %arg2[%add3A_73] : memref<12800000xf32, #tpu.memory_space<hbm>> -> memref<2000xf32, #tpu.memory_space<hbm>>
      %dma_start3A_74 = tpu.memref_slice %arg2[%add3A_73] : memref<12800000xf32, #tpu.memory_space<hbm>> -> memref<2000xf32, #tpu.memory_space<hbm>>
      tpu.enqueue_dma source(%dma_start3A_74 : memref<2000xf32, #tpu.memory_space<hbm>>) target(%arg6 : memref<2000xf32, #tpu.memory_space<vmem>>) target_semaphore(%arg21 : memref<!tpu.dma_semaphore, #tpu.memory_space<semaphore_mem>>)
      %mul3A_75 = arith.constant 100000 : i32
      %mul3A_76 = arith.muli %add3A_12, %mul3A_75 : i32
      %add3A_77 = arith.constant 2000 : i32
      %add3A_78 = arith.addi %mul3A_76, %add3A_77 : i32
      %dma_start3A_79 = tpu.memref_slice %arg2[%add3A_78] : memref<12800000xf32, #tpu.memory_space<hbm>> -> memref<2000xf32, #tpu.memory_space<hbm>>
      %dma_start3A_80 = tpu.memref_slice %arg2[%add3A_78] : memref<12800000xf32, #tpu.memory_space<hbm>> -> memref<2000xf32, #tpu.memory_space<hbm>>
      tpu.enqueue_dma source(%dma_start3A_80 : memref<2000xf32, #tpu.memory_space<hbm>>) target(%arg7 : memref<2000xf32, #tpu.memory_space<vmem>>) target_semaphore(%arg22 : memref<!tpu.dma_semaphore, #tpu.memory_space<semaphore_mem>>)
      %scan3A_81 = arith.constant 0 : i32
      %scan3A_82 = arith.constant 25 : i32
      %scan3A_83 = arith.addi %scan3A_81, %scan3A_82 : i32
      %scan3A_84 = arith.constant 1 : i32
      %scan3A_85 = scf.for %scan3A_827 = %scan3A_81 to %scan3A_83 step %scan3A_84 iter_args(%scan3A_828 = %broadcast_in_dim3A_69) -> (vector<16xf32>)  : i32 {
        %mul3A_829 = arith.constant 2 : i32
        %mul3A_830 = arith.muli %mul3A_829, %scan3A_827 : i32
        %mul3A_831 = arith.constant 100000 : i32
        %mul3A_832 = arith.muli %add3A_12, %mul3A_831 : i32
        %add3A_833 = arith.constant 0 : i32
        %add3A_834 = arith.addi %mul3A_832, %add3A_833 : i32
        %dma_wait3A = tpu.memref_slice %arg2[%add3A_834] : memref<12800000xf32, #tpu.memory_space<hbm>> -> memref<2000xf32, #tpu.memory_space<hbm>>
        %dma_wait3A_835 = tpu.memref_slice %arg2[%add3A_834] : memref<12800000xf32, #tpu.memory_space<hbm>> -> memref<2000xf32, #tpu.memory_space<hbm>>
        tpu.wait_dma2 semaphore(%arg21 : memref<!tpu.dma_semaphore, #tpu.memory_space<semaphore_mem>>) src(%dma_wait3A_835 : memref<2000xf32, #tpu.memory_space<hbm>>) dst(%arg6 : memref<2000xf32, #tpu.memory_space<vmem>>)
        %parallel_loop3A_836 = arith.constant 0 : i32
        %parallel_loop3A_837 = arith.constant 125 : i32
        %parallel_loop3A_838 = arith.constant 1 : i32
        %parallel_loop3A_839 = scf.for %parallel_loop3A_878 = %parallel_loop3A_836 to %parallel_loop3A_837 step %parallel_loop3A_838 iter_args(%parallel_loop3A_879 = %scan3A_828) -> (vector<16xf32>)  : i32 {
          %parallel_loop3A_880 = arith.constant 16 : i32
          %parallel_loop3A_881 = arith.muli %parallel_loop3A_878, %parallel_loop3A_880 : i32
          %parallel_loop3A_882 = arith.index_cast %parallel_loop3A_881 : i32 to index
          %parallel_loop3A_883 = tpu.vector_load %arg6[%parallel_loop3A_882] {strides = array<i32>} : memref<2000xf32, #tpu.memory_space<vmem>>, vector<16xf32>,
          %parallel_loop3A_884 = arith.maximumf %parallel_loop3A_879, %parallel_loop3A_883 : vector<16xf32>
          scf.yield %parallel_loop3A_884 : vector<16xf32>
        } {sc.loop_unroll_factor = 25 : i64, sc.parallel_access}
        %lt3A_840 = arith.constant 40 : i32
        %lt3A_841 = arith.cmpi slt, %mul3A_830, %lt3A_840 : i32
        %convert_element_type3A_842 = arith.extui %lt3A_841 : i1 to i32
        %cond3A_843 = arith.constant 0 : i32
        %cond3A_844 = arith.cmpi ne, %convert_element_type3A_842, %cond3A_843 : i32
        scf.if %cond3A_844 {
          %mul3A_878 = arith.constant 80000 : i32
          %mul3A_879 = arith.muli %arg1, %mul3A_878 : i32
          %mul3A_880 = arith.constant 2000 : i32
          %mul3A_881 = arith.muli %mul3A_830, %mul3A_880 : i32
          %add3A_882 = arith.addi %mul3A_879, %mul3A_881 : i32
          %dma_start3A_883 = tpu.memref_slice %arg20[%add3A_882] : memref<1280000xf32, #tpu.memory_space<vmem_shared>> -> memref<2000xf32, #tpu.memory_space<vmem_shared>>
          %dma_start3A_884 = tpu.memref_slice %arg20[%add3A_882] : memref<1280000xf32, #tpu.memory_space<vmem_shared>> -> memref<2000xf32, #tpu.memory_space<vmem_shared>>
          tpu.enqueue_dma source(%arg6 : memref<2000xf32, #tpu.memory_space<vmem>>) target(%dma_start3A_884 : memref<2000xf32, #tpu.memory_space<vmem_shared>>) target_semaphore(%arg23 : memref<!tpu.dma_semaphore, #tpu.memory_space<semaphore_mem>>)
        } else {
        }
        %mul3A_845 = arith.constant 100000 : i32
        %mul3A_846 = arith.muli %add3A_12, %mul3A_845 : i32
        %add3A_847 = arith.constant 2000 : i32
        %add3A_848 = arith.addi %mul3A_846, %add3A_847 : i32
        %dma_wait3A_849 = tpu.memref_slice %arg2[%add3A_848] : memref<12800000xf32, #tpu.memory_space<hbm>> -> memref<2000xf32, #tpu.memory_space<hbm>>
        %dma_wait3A_850 = tpu.memref_slice %arg2[%add3A_848] : memref<12800000xf32, #tpu.memory_space<hbm>> -> memref<2000xf32, #tpu.memory_space<hbm>>
        tpu.wait_dma2 semaphore(%arg22 : memref<!tpu.dma_semaphore, #tpu.memory_space<semaphore_mem>>) src(%dma_wait3A_850 : memref<2000xf32, #tpu.memory_space<hbm>>) dst(%arg7 : memref<2000xf32, #tpu.memory_space<vmem>>)
        %add3A_851 = arith.constant 1 : i32
        %add3A_852 = arith.addi %mul3A_830, %add3A_851 : i32
        %parallel_loop3A_853 = arith.constant 0 : i32
        %parallel_loop3A_854 = arith.constant 125 : i32
        %parallel_loop3A_855 = arith.constant 1 : i32
        %parallel_loop3A_856 = scf.for %parallel_loop3A_878 = %parallel_loop3A_853 to %parallel_loop3A_854 step %parallel_loop3A_855 iter_args(%parallel_loop3A_879 = %parallel_loop3A_839) -> (vector<16xf32>)  : i32 {
          %parallel_loop3A_880 = arith.constant 16 : i32
          %parallel_loop3A_881 = arith.muli %parallel_loop3A_878, %parallel_loop3A_880 : i32
          %parallel_loop3A_882 = arith.index_cast %parallel_loop3A_881 : i32 to index
          %parallel_loop3A_883 = tpu.vector_load %arg7[%parallel_loop3A_882] {strides = array<i32>} : memref<2000xf32, #tpu.memory_space<vmem>>, vector<16xf32>,
          %parallel_loop3A_884 = arith.maximumf %parallel_loop3A_879, %parallel_loop3A_883 : vector<16xf32>
          scf.yield %parallel_loop3A_884 : vector<16xf32>
        } {sc.loop_unroll_factor = 25 : i64, sc.parallel_access}
        %add3A_857 = arith.constant 1 : i32
        %add3A_858 = arith.addi %mul3A_830, %add3A_857 : i32
        %lt3A_859 = arith.constant 40 : i32
        %lt3A_860 = arith.cmpi slt, %add3A_858, %lt3A_859 : i32
        %convert_element_type3A_861 = arith.extui %lt3A_860 : i1 to i32
        %cond3A_862 = arith.constant 0 : i32
        %cond3A_863 = arith.cmpi ne, %convert_element_type3A_861, %cond3A_862 : i32
        scf.if %cond3A_863 {
          %add3A_878 = arith.constant 1 : i32
          %add3A_879 = arith.addi %mul3A_830, %add3A_878 : i32
          %mul3A_880 = arith.constant 80000 : i32
          %mul3A_881 = arith.muli %arg1, %mul3A_880 : i32
          %mul3A_882 = arith.constant 2000 : i32
          %mul3A_883 = arith.muli %add3A_879, %mul3A_882 : i32
          %add3A_884 = arith.addi %mul3A_881, %mul3A_883 : i32
          %dma_start3A_885 = tpu.memref_slice %arg20[%add3A_884] : memref<1280000xf32, #tpu.memory_space<vmem_shared>> -> memref<2000xf32, #tpu.memory_space<vmem_shared>>
          %dma_start3A_886 = tpu.memref_slice %arg20[%add3A_884] : memref<1280000xf32, #tpu.memory_space<vmem_shared>> -> memref<2000xf32, #tpu.memory_space<vmem_shared>>
          tpu.enqueue_dma source(%arg7 : memref<2000xf32, #tpu.memory_space<vmem>>) target(%dma_start3A_886 : memref<2000xf32, #tpu.memory_space<vmem_shared>>) target_semaphore(%arg24 : memref<!tpu.dma_semaphore, #tpu.memory_space<semaphore_mem>>)
        } else {
        }
        %add3A_864 = arith.constant 2 : i32
        %add3A_865 = arith.addi %mul3A_830, %add3A_864 : i32
        %lt3A_866 = arith.constant 50 : i32
        %lt3A_867 = arith.cmpi slt, %add3A_865, %lt3A_866 : i32
        %convert_element_type3A_868 = arith.extui %lt3A_867 : i1 to i32
        %cond3A_869 = arith.constant 0 : i32
        %cond3A_870 = arith.cmpi ne, %convert_element_type3A_868, %cond3A_869 : i32
        scf.if %cond3A_870 {
          %lt3A_878 = arith.constant 40 : i32
          %lt3A_879 = arith.cmpi slt, %mul3A_830, %lt3A_878 : i32
          %convert_element_type3A_880 = arith.extui %lt3A_879 : i1 to i32
          %cond3A_881 = arith.constant 0 : i32
          %cond3A_882 = arith.cmpi ne, %convert_element_type3A_880, %cond3A_881 : i32
          scf.if %cond3A_882 {
            %mul3A_892 = arith.constant 80000 : i32
            %mul3A_893 = arith.muli %arg1, %mul3A_892 : i32
            %add3A_894 = arith.constant 0 : i32
            %add3A_895 = arith.addi %mul3A_893, %add3A_894 : i32
            %dma_wait3A_896 = tpu.memref_slice %arg20[%add3A_895] : memref<1280000xf32, #tpu.memory_space<vmem_shared>> -> memref<2000xf32, #tpu.memory_space<vmem_shared>>
            %dma_wait3A_897 = tpu.memref_slice %arg20[%add3A_895] : memref<1280000xf32, #tpu.memory_space<vmem_shared>> -> memref<2000xf32, #tpu.memory_space<vmem_shared>>
            tpu.wait_dma2 semaphore(%arg23 : memref<!tpu.dma_semaphore, #tpu.memory_space<semaphore_mem>>) src(%arg6 : memref<2000xf32, #tpu.memory_space<vmem>>) dst(%dma_wait3A_897 : memref<2000xf32, #tpu.memory_space<vmem_shared>>)
          } else {
          }
          %add3A_883 = arith.constant 2 : i32
          %add3A_884 = arith.addi %mul3A_830, %add3A_883 : i32
          %mul3A_885 = arith.constant 100000 : i32
          %mul3A_886 = arith.muli %add3A_12, %mul3A_885 : i32
          %mul3A_887 = arith.constant 2000 : i32
          %mul3A_888 = arith.muli %add3A_884, %mul3A_887 : i32
          %add3A_889 = arith.addi %mul3A_886, %mul3A_888 : i32
          %dma_start3A_890 = tpu.memref_slice %arg2[%add3A_889] : memref<12800000xf32, #tpu.memory_space<hbm>> -> memref<2000xf32, #tpu.memory_space<hbm>>
          %dma_start3A_891 = tpu.memref_slice %arg2[%add3A_889] : memref<12800000xf32, #tpu.memory_space<hbm>> -> memref<2000xf32, #tpu.memory_space<hbm>>
          tpu.enqueue_dma source(%dma_start3A_891 : memref<2000xf32, #tpu.memory_space<hbm>>) target(%arg6 : memref<2000xf32, #tpu.memory_space<vmem>>) target_semaphore(%arg21 : memref<!tpu.dma_semaphore, #tpu.memory_space<semaphore_mem>>)
        } else {
        }
        %add3A_871 = arith.constant 3 : i32
        %add3A_872 = arith.addi %mul3A_830, %add3A_871 : i32
        %lt3A_873 = arith.constant 50 : i32
        %lt3A_874 = arith.cmpi slt, %add3A_872, %lt3A_873 : i32
        %convert_element_type3A_875 = arith.extui %lt3A_874 : i1 to i32
        %cond3A_876 = arith.constant 0 : i32
        %cond3A_877 = arith.cmpi ne, %convert_element_type3A_875, %cond3A_876 : i32
        scf.if %cond3A_877 {
          %add3A_878 = arith.constant 1 : i32
          %add3A_879 = arith.addi %mul3A_830, %add3A_878 : i32
          %lt3A_880 = arith.constant 40 : i32
          %lt3A_881 = arith.cmpi slt, %add3A_879, %lt3A_880 : i32
          %convert_element_type3A_882 = arith.extui %lt3A_881 : i1 to i32
          %cond3A_883 = arith.constant 0 : i32
          %cond3A_884 = arith.cmpi ne, %convert_element_type3A_882, %cond3A_883 : i32
          scf.if %cond3A_884 {
            %mul3A_894 = arith.constant 80000 : i32
            %mul3A_895 = arith.muli %arg1, %mul3A_894 : i32
            %add3A_896 = arith.constant 0 : i32
            %add3A_897 = arith.addi %mul3A_895, %add3A_896 : i32
            %dma_wait3A_898 = tpu.memref_slice %arg20[%add3A_897] : memref<1280000xf32, #tpu.memory_space<vmem_shared>> -> memref<2000xf32, #tpu.memory_space<vmem_shared>>
            %dma_wait3A_899 = tpu.memref_slice %arg20[%add3A_897] : memref<1280000xf32, #tpu.memory_space<vmem_shared>> -> memref<2000xf32, #tpu.memory_space<vmem_shared>>
            tpu.wait_dma2 semaphore(%arg24 : memref<!tpu.dma_semaphore, #tpu.memory_space<semaphore_mem>>) src(%arg7 : memref<2000xf32, #tpu.memory_space<vmem>>) dst(%dma_wait3A_899 : memref<2000xf32, #tpu.memory_space<vmem_shared>>)
          } else {
          }
          %add3A_885 = arith.constant 3 : i32
          %add3A_886 = arith.addi %mul3A_830, %add3A_885 : i32
          %mul3A_887 = arith.constant 100000 : i32
          %mul3A_888 = arith.muli %add3A_12, %mul3A_887 : i32
          %mul3A_889 = arith.constant 2000 : i32
          %mul3A_890 = arith.muli %add3A_886, %mul3A_889 : i32
          %add3A_891 = arith.addi %mul3A_888, %mul3A_890 : i32
          %dma_start3A_892 = tpu.memref_slice %arg2[%add3A_891] : memref<12800000xf32, #tpu.memory_space<hbm>> -> memref<2000xf32, #tpu.memory_space<hbm>>
          %dma_start3A_893 = tpu.memref_slice %arg2[%add3A_891] : memref<12800000xf32, #tpu.memory_space<hbm>> -> memref<2000xf32, #tpu.memory_space<hbm>>
          tpu.enqueue_dma source(%dma_start3A_893 : memref<2000xf32, #tpu.memory_space<hbm>>) target(%arg7 : memref<2000xf32, #tpu.memory_space<vmem>>) target_semaphore(%arg22 : memref<!tpu.dma_semaphore, #tpu.memory_space<semaphore_mem>>)
        } else {
        }
        scf.yield %parallel_loop3A_856 : vector<16xf32>
      }
      %scan3A_86 = arith.constant 25 : i32
      "tpu.trace_stop"() : () -> ()
      %div3A = vector.broadcast %reduce_sum3A_23 : f32 to vector<16xf32>
      %div3A_87 = arith.divf %scan3A_85, %div3A : vector<16xf32>
      %reduce_max3A = arith.constant true
      %reduce_max3A_88 = vector.broadcast %reduce_max3A : i1 to vector<16xi1>
      %reduce_max3A_89 = tpu.scan <max>, %div3A_87 masked %reduce_max3A_88 : vector<16xf32>, vector<16xi1> -> vector<16xf32>
      %reduce_max3A_90 = vector.extract %reduce_max3A_89[15] : f32 from vector<16xf32>
      %parallel_loop3A = arith.constant 0 : i32
      %parallel_loop3A_91 = arith.constant 496 : i32
      %parallel_loop3A_92 = arith.constant 1 : i32
      scf.for %parallel_loop3A_827 = %parallel_loop3A to %parallel_loop3A_91 step %parallel_loop3A_92  : i32 {
        %parallel_loop3A_828 = arith.constant 16 : i32
        %parallel_loop3A_829 = arith.muli %parallel_loop3A_827, %parallel_loop3A_828 : i32
        %parallel_loop3A_830 = arith.index_cast %parallel_loop3A_829 : i32 to index
        %parallel_loop3A_831 = tpu.vector_load %arg9[%parallel_loop3A_830] {strides = array<i32>} : memref<7936xi32, #tpu.memory_space<vmem>>, vector<16xi32>,
        tpu.vector_store %arg9[%parallel_loop3A_830], %broadcast_in_dim3A_3 {strides = array<i32>} : memref<7936xi32, #tpu.memory_space<vmem>>, vector<16xi32>,
      } {sc.loop_unroll_factor = 8 : i64, sc.parallel_access}
      %broadcast_in_dim3A_93 = arith.constant 1 : i32
      %broadcast_in_dim3A_94 = vector.broadcast %broadcast_in_dim3A_93 : i32 to vector<16xi32>
      "tpu.trace_start"() <{level = 10 : i32, message = "passB"}> : () -> ()
      %mul3A_95 = arith.constant 80000 : i32
      %mul3A_96 = arith.muli %arg1, %mul3A_95 : i32
      %add3A_97 = arith.constant 0 : i32
      %add3A_98 = arith.addi %mul3A_96, %add3A_97 : i32
      %dma_start3A_99 = tpu.memref_slice %arg20[%add3A_98] : memref<1280000xf32, #tpu.memory_space<vmem_shared>> -> memref<2000xf32, #tpu.memory_space<vmem_shared>>
      %dma_start3A_100 = tpu.memref_slice %arg20[%add3A_98] : memref<1280000xf32, #tpu.memory_space<vmem_shared>> -> memref<2000xf32, #tpu.memory_space<vmem_shared>>
      tpu.enqueue_dma source(%dma_start3A_100 : memref<2000xf32, #tpu.memory_space<vmem_shared>>) target(%arg6 : memref<2000xf32, #tpu.memory_space<vmem>>) target_semaphore(%arg21 : memref<!tpu.dma_semaphore, #tpu.memory_space<semaphore_mem>>)
      %mul3A_101 = arith.constant 80000 : i32
      %mul3A_102 = arith.muli %arg1, %mul3A_101 : i32
      %add3A_103 = arith.constant 2000 : i32
      %add3A_104 = arith.addi %mul3A_102, %add3A_103 : i32
      %dma_start3A_105 = tpu.memref_slice %arg20[%add3A_104] : memref<1280000xf32, #tpu.memory_space<vmem_shared>> -> memref<2000xf32, #tpu.memory_space<vmem_shared>>
      %dma_start3A_106 = tpu.memref_slice %arg20[%add3A_104] : memref<1280000xf32, #tpu.memory_space<vmem_shared>> -> memref<2000xf32, #tpu.memory_space<vmem_shared>>
      tpu.enqueue_dma source(%dma_start3A_106 : memref<2000xf32, #tpu.memory_space<vmem_shared>>) target(%arg7 : memref<2000xf32, #tpu.memory_space<vmem>>) target_semaphore(%arg22 : memref<!tpu.dma_semaphore, #tpu.memory_space<semaphore_mem>>)
      %scan3A_107 = arith.constant 0 : i32
      %scan3A_108 = arith.constant 25 : i32
      %scan3A_109 = arith.addi %scan3A_107, %scan3A_108 : i32
      %scan3A_110 = arith.constant 1 : i32
      %scan3A_111 = scf.for %scan3A_827 = %scan3A_107 to %scan3A_109 step %scan3A_110 iter_args(%scan3A_828 = %broadcast_in_dim3A_1) -> (vector<16xf32>)  : i32 {
        %mul3A_829 = arith.constant 2 : i32
        %mul3A_830 = arith.muli %mul3A_829, %scan3A_827 : i32
        %dma_wait3A = arith.constant 0 : i32
        %dma_wait3A_831 = tpu.memref_slice %arg2[%dma_wait3A] : memref<12800000xf32, #tpu.memory_space<hbm>> -> memref<2000xf32, #tpu.memory_space<hbm>>
        %dma_wait3A_832 = arith.constant 0 : i32
        %dma_wait3A_833 = tpu.memref_slice %arg2[%dma_wait3A_832] : memref<12800000xf32, #tpu.memory_space<hbm>> -> memref<2000xf32, #tpu.memory_space<hbm>>
        tpu.wait_dma2 semaphore(%arg21 : memref<!tpu.dma_semaphore, #tpu.memory_space<semaphore_mem>>) src(%dma_wait3A_833 : memref<2000xf32, #tpu.memory_space<hbm>>) dst(%arg6 : memref<2000xf32, #tpu.memory_space<vmem>>)
        %parallel_loop3A_834 = arith.constant 0 : i32
        %parallel_loop3A_835 = arith.constant 125 : i32
        %parallel_loop3A_836 = arith.constant 1 : i32
        %parallel_loop3A_837 = scf.for %parallel_loop3A_862 = %parallel_loop3A_834 to %parallel_loop3A_835 step %parallel_loop3A_836 iter_args(%parallel_loop3A_863 = %scan3A_828) -> (vector<16xf32>)  : i32 {
          %parallel_loop3A_864 = arith.constant 16 : i32
          %parallel_loop3A_865 = arith.muli %parallel_loop3A_862, %parallel_loop3A_864 : i32
          %parallel_loop3A_866 = arith.index_cast %parallel_loop3A_865 : i32 to index
          %parallel_loop3A_867 = tpu.vector_load %arg6[%parallel_loop3A_866] {strides = array<i32>} : memref<2000xf32, #tpu.memory_space<vmem>>, vector<16xf32>,
          %parallel_loop3A_868 = vector.broadcast %reduce_sum3A_23 : f32 to vector<16xf32>
          %parallel_loop3A_869 = arith.divf %parallel_loop3A_867, %parallel_loop3A_868 : vector<16xf32>
          %parallel_loop3A_870 = vector.broadcast %reduce_max3A_90 : f32 to vector<16xf32>
          %parallel_loop3A_871 = arith.subf %parallel_loop3A_869, %parallel_loop3A_870 : vector<16xf32>
          %parallel_loop3A_872 = math.exp %parallel_loop3A_871 : vector<16xf32>
          %parallel_loop3A_873 = tpu.bitcast %parallel_loop3A_872 : vector<16xf32> -> vector<16xi32>
          %parallel_loop3A_874 = arith.constant 15 : i32
          %parallel_loop3A_875 = vector.broadcast %parallel_loop3A_874 : i32 to vector<16xi32>
          %parallel_loop3A_876 = arith.shrsi %parallel_loop3A_873, %parallel_loop3A_875 : vector<16xi32>
          %parallel_loop3A_877 = arith.constant 24832 : i32
          %parallel_loop3A_878 = vector.broadcast %parallel_loop3A_877 : i32 to vector<16xi32>
          %parallel_loop3A_879 = arith.subi %parallel_loop3A_876, %parallel_loop3A_878 : vector<16xi32>
          %parallel_loop3A_880 = arith.constant 0 : i32
          %parallel_loop3A_881 = arith.constant 7680 : i32
          %parallel_loop3A_882 = vector.broadcast %parallel_loop3A_880 : i32 to vector<16xi32>
          %parallel_loop3A_883 = arith.maxsi %parallel_loop3A_882, %parallel_loop3A_879 : vector<16xi32>
          %parallel_loop3A_884 = vector.broadcast %parallel_loop3A_881 : i32 to vector<16xi32>
          %parallel_loop3A_885 = arith.minsi %parallel_loop3A_884, %parallel_loop3A_883 : vector<16xi32>
          %parallel_loop3A_886 = arith.constant 813694976 : i32
          %parallel_loop3A_887 = vector.broadcast %parallel_loop3A_886 : i32 to vector<16xi32>
          %parallel_loop3A_888 = arith.cmpi sge, %parallel_loop3A_873, %parallel_loop3A_887 : vector<16xi32>
          tpu.vector_store_idx %arg9[%parallel_loop3A_885], %broadcast_in_dim3A_94 masked %parallel_loop3A_888 {add = true} : memref<7936xi32, #tpu.memory_space<vmem>>[vector<16xi32>], vector<16xi32>, vector<16xi1>
          %parallel_loop3A_889 = arith.addf %parallel_loop3A_863, %parallel_loop3A_872 : vector<16xf32>
          scf.yield %parallel_loop3A_889 : vector<16xf32>
        } {sc.loop_unroll_factor = 5 : i64, sc.parallel_access}
        %add3A_838 = arith.constant 2 : i32
        %add3A_839 = arith.addi %mul3A_830, %add3A_838 : i32
        %lt3A_840 = arith.constant 50 : i32
        %lt3A_841 = arith.cmpi slt, %add3A_839, %lt3A_840 : i32
        %convert_element_type3A_842 = arith.extui %lt3A_841 : i1 to i32
        %cond3A_843 = arith.constant 0 : i32
        %cond3A_844 = arith.cmpi ne, %convert_element_type3A_842, %cond3A_843 : i32
        scf.if %cond3A_844 {
          %add3A_862 = arith.constant 2 : i32
          %add3A_863 = arith.addi %mul3A_830, %add3A_862 : i32
          %lt3A_864 = arith.constant 40 : i32
          %lt3A_865 = arith.cmpi slt, %add3A_863, %lt3A_864 : i32
          %convert_element_type3A_866 = arith.extui %lt3A_865 : i1 to i32
          %cond3A_867 = arith.constant 0 : i32
          %cond3A_868 = arith.cmpi ne, %convert_element_type3A_866, %cond3A_867 : i32
          scf.if %cond3A_868 {
            %mul3A_874 = arith.constant 80000 : i32
            %mul3A_875 = arith.muli %arg1, %mul3A_874 : i32
            %mul3A_876 = arith.constant 2000 : i32
            %mul3A_877 = arith.muli %add3A_863, %mul3A_876 : i32
            %add3A_878 = arith.addi %mul3A_875, %mul3A_877 : i32
            %dma_start3A_879 = tpu.memref_slice %arg20[%add3A_878] : memref<1280000xf32, #tpu.memory_space<vmem_shared>> -> memref<2000xf32, #tpu.memory_space<vmem_shared>>
            %dma_start3A_880 = tpu.memref_slice %arg20[%add3A_878] : memref<1280000xf32, #tpu.memory_space<vmem_shared>> -> memref<2000xf32, #tpu.memory_space<vmem_shared>>
            tpu.enqueue_dma source(%dma_start3A_880 : memref<2000xf32, #tpu.memory_space<vmem_shared>>) target(%arg6 : memref<2000xf32, #tpu.memory_space<vmem>>) target_semaphore(%arg21 : memref<!tpu.dma_semaphore, #tpu.memory_space<semaphore_mem>>)
          } else {
          }
          %ge3A_869 = arith.constant 40 : i32
          %ge3A_870 = arith.cmpi sge, %add3A_863, %ge3A_869 : i32
          %convert_element_type3A_871 = arith.extui %ge3A_870 : i1 to i32
          %cond3A_872 = arith.constant 0 : i32
          %cond3A_873 = arith.cmpi ne, %convert_element_type3A_871, %cond3A_872 : i32
          scf.if %cond3A_873 {
            %mul3A_874 = arith.constant 100000 : i32
            %mul3A_875 = arith.muli %add3A_12, %mul3A_874 : i32
            %mul3A_876 = arith.constant 2000 : i32
            %mul3A_877 = arith.muli %add3A_863, %mul3A_876 : i32
            %add3A_878 = arith.addi %mul3A_875, %mul3A_877 : i32
            %dma_start3A_879 = tpu.memref_slice %arg2[%add3A_878] : memref<12800000xf32, #tpu.memory_space<hbm>> -> memref<2000xf32, #tpu.memory_space<hbm>>
            %dma_start3A_880 = tpu.memref_slice %arg2[%add3A_878] : memref<12800000xf32, #tpu.memory_space<hbm>> -> memref<2000xf32, #tpu.memory_space<hbm>>
            tpu.enqueue_dma source(%dma_start3A_880 : memref<2000xf32, #tpu.memory_space<hbm>>) target(%arg6 : memref<2000xf32, #tpu.memory_space<vmem>>) target_semaphore(%arg21 : memref<!tpu.dma_semaphore, #tpu.memory_space<semaphore_mem>>)
          } else {
          }
        } else {
        }
        %dma_wait3A_845 = arith.constant 0 : i32
        %dma_wait3A_846 = tpu.memref_slice %arg2[%dma_wait3A_845] : memref<12800000xf32, #tpu.memory_space<hbm>> -> memref<2000xf32, #tpu.memory_space<hbm>>
        %dma_wait3A_847 = arith.constant 0 : i32
        %dma_wait3A_848 = tpu.memref_slice %arg2[%dma_wait3A_847] : memref<12800000xf32, #tpu.memory_space<hbm>> -> memref<2000xf32, #tpu.memory_space<hbm>>
        tpu.wait_dma2 semaphore(%arg22 : memref<!tpu.dma_semaphore, #tpu.memory_space<semaphore_mem>>) src(%dma_wait3A_848 : memref<2000xf32, #tpu.memory_space<hbm>>) dst(%arg7 : memref<2000xf32, #tpu.memory_space<vmem>>)
        %add3A_849 = arith.constant 1 : i32
        %add3A_850 = arith.addi %mul3A_830, %add3A_849 : i32
        %parallel_loop3A_851 = arith.constant 0 : i32
        %parallel_loop3A_852 = arith.constant 125 : i32
        %parallel_loop3A_853 = arith.constant 1 : i32
        %parallel_loop3A_854 = scf.for %parallel_loop3A_862 = %parallel_loop3A_851 to %parallel_loop3A_852 step %parallel_loop3A_853 iter_args(%parallel_loop3A_863 = %parallel_loop3A_837) -> (vector<16xf32>)  : i32 {
          %parallel_loop3A_864 = arith.constant 16 : i32
          %parallel_loop3A_865 = arith.muli %parallel_loop3A_862, %parallel_loop3A_864 : i32
          %parallel_loop3A_866 = arith.index_cast %parallel_loop3A_865 : i32 to index
          %parallel_loop3A_867 = tpu.vector_load %arg7[%parallel_loop3A_866] {strides = array<i32>} : memref<2000xf32, #tpu.memory_space<vmem>>, vector<16xf32>,
          %parallel_loop3A_868 = vector.broadcast %reduce_sum3A_23 : f32 to vector<16xf32>
          %parallel_loop3A_869 = arith.divf %parallel_loop3A_867, %parallel_loop3A_868 : vector<16xf32>
          %parallel_loop3A_870 = vector.broadcast %reduce_max3A_90 : f32 to vector<16xf32>
          %parallel_loop3A_871 = arith.subf %parallel_loop3A_869, %parallel_loop3A_870 : vector<16xf32>
          %parallel_loop3A_872 = math.exp %parallel_loop3A_871 : vector<16xf32>
          %parallel_loop3A_873 = tpu.bitcast %parallel_loop3A_872 : vector<16xf32> -> vector<16xi32>
          %parallel_loop3A_874 = arith.constant 15 : i32
          %parallel_loop3A_875 = vector.broadcast %parallel_loop3A_874 : i32 to vector<16xi32>
          %parallel_loop3A_876 = arith.shrsi %parallel_loop3A_873, %parallel_loop3A_875 : vector<16xi32>
          %parallel_loop3A_877 = arith.constant 24832 : i32
          %parallel_loop3A_878 = vector.broadcast %parallel_loop3A_877 : i32 to vector<16xi32>
          %parallel_loop3A_879 = arith.subi %parallel_loop3A_876, %parallel_loop3A_878 : vector<16xi32>
          %parallel_loop3A_880 = arith.constant 0 : i32
          %parallel_loop3A_881 = arith.constant 7680 : i32
          %parallel_loop3A_882 = vector.broadcast %parallel_loop3A_880 : i32 to vector<16xi32>
          %parallel_loop3A_883 = arith.maxsi %parallel_loop3A_882, %parallel_loop3A_879 : vector<16xi32>
          %parallel_loop3A_884 = vector.broadcast %parallel_loop3A_881 : i32 to vector<16xi32>
          %parallel_loop3A_885 = arith.minsi %parallel_loop3A_884, %parallel_loop3A_883 : vector<16xi32>
          %parallel_loop3A_886 = arith.constant 813694976 : i32
          %parallel_loop3A_887 = vector.broadcast %parallel_loop3A_886 : i32 to vector<16xi32>
          %parallel_loop3A_888 = arith.cmpi sge, %parallel_loop3A_873, %parallel_loop3A_887 : vector<16xi32>
          tpu.vector_store_idx %arg9[%parallel_loop3A_885], %broadcast_in_dim3A_94 masked %parallel_loop3A_888 {add = true} : memref<7936xi32, #tpu.memory_space<vmem>>[vector<16xi32>], vector<16xi32>, vector<16xi1>
          %parallel_loop3A_889 = arith.addf %parallel_loop3A_863, %parallel_loop3A_872 : vector<16xf32>
          scf.yield %parallel_loop3A_889 : vector<16xf32>
        } {sc.loop_unroll_factor = 5 : i64, sc.parallel_access}
        %add3A_855 = arith.constant 3 : i32
        %add3A_856 = arith.addi %mul3A_830, %add3A_855 : i32
        %lt3A_857 = arith.constant 50 : i32
        %lt3A_858 = arith.cmpi slt, %add3A_856, %lt3A_857 : i32
        %convert_element_type3A_859 = arith.extui %lt3A_858 : i1 to i32
        %cond3A_860 = arith.constant 0 : i32
        %cond3A_861 = arith.cmpi ne, %convert_element_type3A_859, %cond3A_860 : i32
        scf.if %cond3A_861 {
          %add3A_862 = arith.constant 3 : i32
          %add3A_863 = arith.addi %mul3A_830, %add3A_862 : i32
          %lt3A_864 = arith.constant 40 : i32
          %lt3A_865 = arith.cmpi slt, %add3A_863, %lt3A_864 : i32
          %convert_element_type3A_866 = arith.extui %lt3A_865 : i1 to i32
          %cond3A_867 = arith.constant 0 : i32
          %cond3A_868 = arith.cmpi ne, %convert_element_type3A_866, %cond3A_867 : i32
          scf.if %cond3A_868 {
            %mul3A_874 = arith.constant 80000 : i32
            %mul3A_875 = arith.muli %arg1, %mul3A_874 : i32
            %mul3A_876 = arith.constant 2000 : i32
            %mul3A_877 = arith.muli %add3A_863, %mul3A_876 : i32
            %add3A_878 = arith.addi %mul3A_875, %mul3A_877 : i32
            %dma_start3A_879 = tpu.memref_slice %arg20[%add3A_878] : memref<1280000xf32, #tpu.memory_space<vmem_shared>> -> memref<2000xf32, #tpu.memory_space<vmem_shared>>
            %dma_start3A_880 = tpu.memref_slice %arg20[%add3A_878] : memref<1280000xf32, #tpu.memory_space<vmem_shared>> -> memref<2000xf32, #tpu.memory_space<vmem_shared>>
            tpu.enqueue_dma source(%dma_start3A_880 : memref<2000xf32, #tpu.memory_space<vmem_shared>>) target(%arg7 : memref<2000xf32, #tpu.memory_space<vmem>>) target_semaphore(%arg22 : memref<!tpu.dma_semaphore, #tpu.memory_space<semaphore_mem>>)
          } else {
          }
          %ge3A_869 = arith.constant 40 : i32
          %ge3A_870 = arith.cmpi sge, %add3A_863, %ge3A_869 : i32
          %convert_element_type3A_871 = arith.extui %ge3A_870 : i1 to i32
          %cond3A_872 = arith.constant 0 : i32
          %cond3A_873 = arith.cmpi ne, %convert_element_type3A_871, %cond3A_872 : i32
          scf.if %cond3A_873 {
            %mul3A_874 = arith.constant 100000 : i32
            %mul3A_875 = arith.muli %add3A_12, %mul3A_874 : i32
            %mul3A_876 = arith.constant 2000 : i32
            %mul3A_877 = arith.muli %add3A_863, %mul3A_876 : i32
            %add3A_878 = arith.addi %mul3A_875, %mul3A_877 : i32
            %dma_start3A_879 = tpu.memref_slice %arg2[%add3A_878] : memref<12800000xf32, #tpu.memory_space<hbm>> -> memref<2000xf32, #tpu.memory_space<hbm>>
            %dma_start3A_880 = tpu.memref_slice %arg2[%add3A_878] : memref<12800000xf32, #tpu.memory_space<hbm>> -> memref<2000xf32, #tpu.memory_space<hbm>>
            tpu.enqueue_dma source(%dma_start3A_880 : memref<2000xf32, #tpu.memory_space<hbm>>) target(%arg7 : memref<2000xf32, #tpu.memory_space<vmem>>) target_semaphore(%arg22 : memref<!tpu.dma_semaphore, #tpu.memory_space<semaphore_mem>>)
          } else {
          }
        } else {
        }
        scf.yield %parallel_loop3A_854 : vector<16xf32>
      }
      %scan3A_112 = arith.constant 25 : i32
      "tpu.trace_stop"() : () -> ()
      %reduce_sum3A_113 = arith.constant true
      %reduce_sum3A_114 = vector.broadcast %reduce_sum3A_113 : i1 to vector<16xi1>
      %reduce_sum3A_115 = tpu.scan <sum>, %scan3A_111 masked %reduce_sum3A_114 : vector<16xf32>, vector<16xi1> -> vector<16xf32>
      %reduce_sum3A_116 = vector.extract %reduce_sum3A_115[15] : f32 from vector<16xf32>
      %add3A_117 = arith.constant 1 : i32
      %add3A_118 = arith.addi %convert_element_type3A, %add3A_117 : i32
      %parallel_loop3A_119 = arith.constant 0 : i32
      %parallel_loop3A_120 = arith.constant 496 : i32
      %parallel_loop3A_121 = arith.constant 1 : i32
      scf.for %parallel_loop3A_827 = %parallel_loop3A_119 to %parallel_loop3A_120 step %parallel_loop3A_121  : i32 {
        %parallel_loop3A_828 = arith.constant 16 : i32
        %parallel_loop3A_829 = arith.muli %parallel_loop3A_827, %parallel_loop3A_828 : i32
        %parallel_loop3A_830 = arith.index_cast %parallel_loop3A_829 : i32 to index
        %parallel_loop3A_831 = tpu.vector_load %arg9[%parallel_loop3A_830] {strides = array<i32>} : memref<7936xi32, #tpu.memory_space<vmem>>, vector<16xi32>,
        %parallel_loop3A_832 = arith.constant true
        %parallel_loop3A_833 = vector.broadcast %parallel_loop3A_832 : i1 to vector<16xi1>
        %parallel_loop3A_834 = tpu.scan <sum>, %parallel_loop3A_831 masked %parallel_loop3A_833 : vector<16xi32>, vector<16xi1> -> vector<16xi32>
        %parallel_loop3A_835 = arith.constant 16 : i32
        %parallel_loop3A_836 = arith.muli %parallel_loop3A_827, %parallel_loop3A_835 : i32
        %parallel_loop3A_837 = arith.index_cast %parallel_loop3A_836 : i32 to index
        %parallel_loop3A_838 = tpu.vector_load %arg17[%parallel_loop3A_837] {strides = array<i32>} : memref<7936xi32, #tpu.memory_space<vmem>>, vector<16xi32>,
        tpu.vector_store %arg17[%parallel_loop3A_837], %parallel_loop3A_834 {strides = array<i32>} : memref<7936xi32, #tpu.memory_space<vmem>>, vector<16xi32>,
      } {sc.loop_unroll_factor = 8 : i64, sc.parallel_access}
      %scan3A_122 = arith.constant 0 : i32
      %scan3A_123 = arith.constant 0 : i32
      %scan3A_124 = arith.constant 0 : i32
      %scan3A_125 = arith.constant 0 : i32
      %scan3A_126 = arith.constant 31 : i32
      %scan3A_127 = arith.addi %scan3A_125, %scan3A_126 : i32
      %scan3A_128 = arith.constant 1 : i32
      %scan3A_129:3 = scf.for %scan3A_827 = %scan3A_125 to %scan3A_127 step %scan3A_128 iter_args(%scan3A_828 = %scan3A_122, %scan3A_829 = %scan3A_123, %scan3A_830 = %scan3A_124) -> (i32, i32, i32)  : i32 {
        %sub3A_831 = arith.constant 30 : i32
        %sub3A_832 = arith.subi %sub3A_831, %scan3A_827 : i32
        %mul3A_833 = arith.constant 16 : i32
        %mul3A_834 = arith.muli %sub3A_832, %mul3A_833 : i32
        %add3A_835 = vector.broadcast %mul3A_834 : i32 to vector<16xi32>
        %add3A_836 = arith.addi %add3A_835, %iota3A : vector<16xi32>
        %mul3A_837 = arith.constant 16 : i32
        %mul3A_838 = vector.broadcast %mul3A_837 : i32 to vector<16xi32>
        %mul3A_839 = arith.muli %add3A_836, %mul3A_838 : vector<16xi32>
        %add3A_840 = arith.constant 15 : i32
        %add3A_841 = vector.broadcast %add3A_840 : i32 to vector<16xi32>
        %add3A_842 = arith.addi %mul3A_839, %add3A_841 : vector<16xi32>
        %gather3A_843 = tpu.vector_load_idx %arg17[%add3A_842] : memref<7936xi32, #tpu.memory_space<vmem>>[vector<16xi32>], vector<16xi32>,
        %rev3A_844 = arith.constant 15 : i32
        %rev3A_845 = vector.broadcast %rev3A_844 : i32 to vector<16xi32>
        %rev3A_846 = tpu.iota {dimensions = array<i32: 0>} : vector<16xi32>
        %rev3A_847 = arith.subi %rev3A_845, %rev3A_846 : vector<16xi32>
        %rev3A_848 = tpu.dynamic_gather %gather3A_843[%rev3A_847] in [0] : vector<16xi32>, vector<16xi32> -> vector<16xi32>
        %broadcast_in_dim3A_849 = arith.constant true
        %broadcast_in_dim3A_850 = vector.broadcast %broadcast_in_dim3A_849 : i1 to vector<16xi1>
        %masked_cumsum3A_851 = tpu.scan <sum>, %rev3A_848 masked %broadcast_in_dim3A_850 : vector<16xi32>, vector<16xi1> -> vector<16xi32>
        %add3A_852 = vector.broadcast %scan3A_830 : i32 to vector<16xi32>
        %add3A_853 = arith.addi %masked_cumsum3A_851, %add3A_852 : vector<16xi32>
        %ge3A_854 = vector.broadcast %add3A_118 : i32 to vector<16xi32>
        %ge3A_855 = arith.cmpi sge, %add3A_853, %ge3A_854 : vector<16xi32>
        %jit3A_856 = arith.constant 1 : i32
        %jit3A_857 = arith.constant 0 : i32
        %broadcast_in_dim3A_858 = vector.broadcast %jit3A_856 : i32 to vector<16xi32>
        %broadcast_in_dim3A_859 = vector.broadcast %jit3A_857 : i32 to vector<16xi32>
        %select_n3A_860 = arith.select %ge3A_855, %broadcast_in_dim3A_858, %broadcast_in_dim3A_859 : vector<16xi1>, vector<16xi32>
        %reduce_max3A_861 = arith.constant true
        %reduce_max3A_862 = vector.broadcast %reduce_max3A_861 : i1 to vector<16xi1>
        %reduce_max3A_863 = arith.constant -2147483648 : i32
        %reduce_max3A_864 = vector.broadcast %reduce_max3A_863 : i32 to vector<16xi32>
        %reduce_max3A_865 = arith.xori %select_n3A_860, %reduce_max3A_864 : vector<16xi32>
        %reduce_max3A_866 = tpu.scan <max>, %reduce_max3A_865 masked %reduce_max3A_862 : vector<16xi32>, vector<16xi1> -> vector<16xi32>
        %reduce_max3A_867 = arith.xori %reduce_max3A_866, %reduce_max3A_864 : vector<16xi32>
        %reduce_max3A_868 = vector.extract %reduce_max3A_867[15] : i32 from vector<16xi32>
        %all_reduce_ffs3A_869 = tpu.all_reduce %ge3A_855 {dim = 0 : i64, kind = #tpu.reduction_kind<find_first_set>} : vector<16xi1> -> vector<16xi32>
        %reduce_max3A_870 = arith.constant true
        %reduce_max3A_871 = vector.broadcast %reduce_max3A_870 : i1 to vector<16xi1>
        %reduce_max3A_872 = arith.constant -2147483648 : i32
        %reduce_max3A_873 = vector.broadcast %reduce_max3A_872 : i32 to vector<16xi32>
        %reduce_max3A_874 = arith.xori %all_reduce_ffs3A_869, %reduce_max3A_873 : vector<16xi32>
        %reduce_max3A_875 = tpu.scan <max>, %reduce_max3A_874 masked %reduce_max3A_871 : vector<16xi32>, vector<16xi1> -> vector<16xi32>
        %reduce_max3A_876 = arith.xori %reduce_max3A_875, %reduce_max3A_873 : vector<16xi32>
        %reduce_max3A_877 = vector.extract %reduce_max3A_876[15] : i32 from vector<16xi32>
        %eq3A_878 = arith.constant 0 : i32
        %eq3A_879 = arith.cmpi eq, %scan3A_828, %eq3A_878 : i32
        %eq3A_880 = arith.constant 1 : i32
        %eq3A_881 = arith.cmpi eq, %reduce_max3A_868, %eq3A_880 : i32
        %and3A_882 = arith.andi %eq3A_879, %eq3A_881 : i1
        %add3A_883 = arith.constant 15 : i32
        %add3A_884 = arith.addi %mul3A_834, %add3A_883 : i32
        %sub3A_885 = arith.subi %add3A_884, %reduce_max3A_877 : i32
        %select_n3A_886 = arith.select %and3A_882, %sub3A_885, %scan3A_829 : i32
        %lt3A_887 = vector.broadcast %reduce_max3A_877 : i32 to vector<16xi32>
        %lt3A_888 = arith.cmpi slt, %iota3A, %lt3A_887 : vector<16xi32>
        %jit3A_889 = arith.constant 0 : i32
        %broadcast_in_dim3A_890 = vector.broadcast %jit3A_889 : i32 to vector<16xi32>
        %select_n3A_891 = arith.select %lt3A_888, %rev3A_848, %broadcast_in_dim3A_890 : vector<16xi1>, vector<16xi32>
        %reduce_sum3A_892 = arith.constant true
        %reduce_sum3A_893 = vector.broadcast %reduce_sum3A_892 : i1 to vector<16xi1>
        %reduce_sum3A_894 = tpu.scan <sum>, %select_n3A_891 masked %reduce_sum3A_893 : vector<16xi32>, vector<16xi1> -> vector<16xi32>
        %reduce_sum3A_895 = vector.extract %reduce_sum3A_894[15] : i32 from vector<16xi32>
        %add3A_896 = arith.addi %scan3A_830, %reduce_sum3A_895 : i32
        %eq3A_897 = arith.constant 1 : i32
        %eq3A_898 = arith.cmpi eq, %scan3A_828, %eq3A_897 : i32
        %reduce_max3A_899 = arith.constant true
        %reduce_max3A_900 = vector.broadcast %reduce_max3A_899 : i1 to vector<16xi1>
        %reduce_max3A_901 = arith.constant -2147483648 : i32
        %reduce_max3A_902 = vector.broadcast %reduce_max3A_901 : i32 to vector<16xi32>
        %reduce_max3A_903 = arith.xori %add3A_853, %reduce_max3A_902 : vector<16xi32>
        %reduce_max3A_904 = tpu.scan <max>, %reduce_max3A_903 masked %reduce_max3A_900 : vector<16xi32>, vector<16xi1> -> vector<16xi32>
        %reduce_max3A_905 = arith.xori %reduce_max3A_904, %reduce_max3A_902 : vector<16xi32>
        %reduce_max3A_906 = vector.extract %reduce_max3A_905[15] : i32 from vector<16xi32>
        %select_n3A_907 = arith.select %eq3A_898, %scan3A_830, %reduce_max3A_906 : i32
        %select_n3A_908 = arith.select %and3A_882, %add3A_896, %select_n3A_907 : i32
        %jit3A_909 = arith.constant 1 : i32
        %select_n3A_910 = arith.select %and3A_882, %jit3A_909, %scan3A_828 : i32
        scf.yield %select_n3A_910, %select_n3A_886, %select_n3A_908 : i32, i32, i32
      }
      %scan3A_130 = arith.constant 31 : i32
      %mul3A_131 = arith.constant 16 : i32
      %mul3A_132 = arith.muli %scan3A_129#1, %mul3A_131 : i32
      %get3A_133 = arith.index_cast %mul3A_132 : i32 to index
      %get3A_134 = tpu.vector_load %arg9[%get3A_133] {strides = array<i32>} : memref<7936xi32, #tpu.memory_space<vmem>>, vector<16xi32>,
      %rev3A = arith.constant 15 : i32
      %rev3A_135 = vector.broadcast %rev3A : i32 to vector<16xi32>
      %rev3A_136 = tpu.iota {dimensions = array<i32: 0>} : vector<16xi32>
      %rev3A_137 = arith.subi %rev3A_135, %rev3A_136 : vector<16xi32>
      %rev3A_138 = tpu.dynamic_gather %get3A_134[%rev3A_137] in [0] : vector<16xi32>, vector<16xi32> -> vector<16xi32>
      %broadcast_in_dim3A_139 = arith.constant true
      %broadcast_in_dim3A_140 = vector.broadcast %broadcast_in_dim3A_139 : i1 to vector<16xi1>
      %masked_cumsum3A = tpu.scan <sum>, %rev3A_138 masked %broadcast_in_dim3A_140 : vector<16xi32>, vector<16xi1> -> vector<16xi32>
      %add3A_141 = vector.broadcast %scan3A_129#2 : i32 to vector<16xi32>
      %add3A_142 = arith.addi %masked_cumsum3A, %add3A_141 : vector<16xi32>
      %ge3A = vector.broadcast %add3A_118 : i32 to vector<16xi32>
      %ge3A_143 = arith.cmpi sge, %add3A_142, %ge3A : vector<16xi32>
      %all_reduce_ffs3A = tpu.all_reduce %ge3A_143 {dim = 0 : i64, kind = #tpu.reduction_kind<find_first_set>} : vector<16xi1> -> vector<16xi32>
      %reduce_max3A_144 = arith.constant true
      %reduce_max3A_145 = vector.broadcast %reduce_max3A_144 : i1 to vector<16xi1>
      %reduce_max3A_146 = arith.constant -2147483648 : i32
      %reduce_max3A_147 = vector.broadcast %reduce_max3A_146 : i32 to vector<16xi32>
      %reduce_max3A_148 = arith.xori %all_reduce_ffs3A, %reduce_max3A_147 : vector<16xi32>
      %reduce_max3A_149 = tpu.scan <max>, %reduce_max3A_148 masked %reduce_max3A_145 : vector<16xi32>, vector<16xi1> -> vector<16xi32>
      %reduce_max3A_150 = arith.xori %reduce_max3A_149, %reduce_max3A_147 : vector<16xi32>
      %reduce_max3A_151 = vector.extract %reduce_max3A_150[15] : i32 from vector<16xi32>
      %eq3A_152 = arith.constant 1 : i32
      %eq3A_153 = arith.cmpi eq, %scan3A_129#0, %eq3A_152 : i32
      %mul3A_154 = arith.constant 16 : i32
      %mul3A_155 = arith.muli %scan3A_129#1, %mul3A_154 : i32
      %add3A_156 = arith.constant 15 : i32
      %add3A_157 = arith.addi %mul3A_155, %add3A_156 : i32
      %min3A = arith.constant 15 : i32
      %min3A_158 = arith.minsi %reduce_max3A_151, %min3A : i32
      %sub3A = arith.subi %add3A_157, %min3A_158 : i32
      %jit3A = arith.constant 0 : i32
      %select_n3A_159 = arith.select %eq3A_153, %sub3A, %jit3A : i32
      %add3A_160 = arith.constant 24832 : i32
      %add3A_161 = arith.addi %select_n3A_159, %add3A_160 : i32
      %shift_left3A = arith.constant 15 : i32
      %shift_left3A_162 = arith.shli %add3A_161, %shift_left3A : i32
      %broadcast_in_dim3A_163 = vector.broadcast %shift_left3A_162 : i32 to vector<16xi32>
      %bitcast_convert_type3A = tpu.bitcast %broadcast_in_dim3A_163 : vector<16xi32> -> vector<16xf32>
      %bitcast_convert_type3A_164 = tpu.bitcast %bitcast_convert_type3A : vector<16xf32> -> vector<16xi32>
      %shift_right_arithmetic3A = arith.constant 23 : i32
      %shift_right_arithmetic3A_165 = vector.broadcast %shift_right_arithmetic3A : i32 to vector<16xi32>
      %shift_right_arithmetic3A_166 = arith.shrsi %bitcast_convert_type3A_164, %shift_right_arithmetic3A_165 : vector<16xi32>
      %and3A = arith.constant 255 : i32
      %and3A_167 = vector.broadcast %and3A : i32 to vector<16xi32>
      %and3A_168 = arith.andi %shift_right_arithmetic3A_166, %and3A_167 : vector<16xi32>
      %sub3A_169 = arith.constant 127 : i32
      %sub3A_170 = vector.broadcast %sub3A_169 : i32 to vector<16xi32>
      %sub3A_171 = arith.subi %and3A_168, %sub3A_170 : vector<16xi32>
      %and3A_172 = arith.constant 8388607 : i32
      %and3A_173 = vector.broadcast %and3A_172 : i32 to vector<16xi32>
      %and3A_174 = arith.andi %bitcast_convert_type3A_164, %and3A_173 : vector<16xi32>
      %or3A = arith.constant 1065353216 : i32
      %or3A_175 = vector.broadcast %or3A : i32 to vector<16xi32>
      %or3A_176 = arith.ori %and3A_174, %or3A_175 : vector<16xi32>
      %bitcast_convert_type3A_177 = tpu.bitcast %or3A_176 : vector<16xi32> -> vector<16xf32>
      %gt3A = arith.constant 1.41421354 : f32
      %gt3A_178 = vector.broadcast %gt3A : f32 to vector<16xf32>
      %gt3A_179 = arith.cmpf ogt, %bitcast_convert_type3A_177, %gt3A_178 : vector<16xf32>
      %mul3A_180 = arith.constant 5.000000e-01 : f32
      %mul3A_181 = vector.broadcast %mul3A_180 : f32 to vector<16xf32>
      %mul3A_182 = arith.mulf %bitcast_convert_type3A_177, %mul3A_181 : vector<16xf32>
      %select_n3A_183 = arith.select %gt3A_179, %mul3A_182, %bitcast_convert_type3A_177 : vector<16xi1>, vector<16xf32>
      %jit3A_184 = arith.constant 1 : i32
      %jit3A_185 = arith.constant 0 : i32
      %broadcast_in_dim3A_186 = vector.broadcast %jit3A_184 : i32 to vector<16xi32>
      %broadcast_in_dim3A_187 = vector.broadcast %jit3A_185 : i32 to vector<16xi32>
      %select_n3A_188 = arith.select %gt3A_179, %broadcast_in_dim3A_186, %broadcast_in_dim3A_187 : vector<16xi1>, vector<16xi32>
      %add3A_189 = arith.addi %sub3A_171, %select_n3A_188 : vector<16xi32>
      %convert_element_type3A_190 = arith.sitofp %add3A_189 : vector<16xi32> to vector<16xf32>
      %sub3A_191 = arith.constant 1.000000e+00 : f32
      %sub3A_192 = vector.broadcast %sub3A_191 : f32 to vector<16xf32>
      %sub3A_193 = arith.subf %select_n3A_183, %sub3A_192 : vector<16xf32>
      %add3A_194 = arith.constant 1.000000e+00 : f32
      %add3A_195 = vector.broadcast %add3A_194 : f32 to vector<16xf32>
      %add3A_196 = arith.addf %select_n3A_183, %add3A_195 : vector<16xf32>
      %div3A_197 = arith.divf %sub3A_193, %add3A_196 : vector<16xf32>
      %mul3A_198 = arith.mulf %div3A_197, %div3A_197 : vector<16xf32>
      %mul3A_199 = arith.constant 2.000000e+00 : f32
      %mul3A_200 = vector.broadcast %mul3A_199 : f32 to vector<16xf32>
      %mul3A_201 = arith.mulf %mul3A_200, %div3A_197 : vector<16xf32>
      %div3A_202 = arith.constant 9.000000e+00 : f32
      %div3A_203 = vector.broadcast %div3A_202 : f32 to vector<16xf32>
      %div3A_204 = arith.divf %mul3A_198, %div3A_203 : vector<16xf32>
      %add3A_205 = arith.constant 0.142857149 : f32
      %add3A_206 = vector.broadcast %add3A_205 : f32 to vector<16xf32>
      %add3A_207 = arith.addf %add3A_206, %div3A_204 : vector<16xf32>
      %mul3A_208 = arith.mulf %mul3A_198, %add3A_207 : vector<16xf32>
      %add3A_209 = arith.constant 2.000000e-01 : f32
      %add3A_210 = vector.broadcast %add3A_209 : f32 to vector<16xf32>
      %add3A_211 = arith.addf %add3A_210, %mul3A_208 : vector<16xf32>
      %mul3A_212 = arith.mulf %mul3A_198, %add3A_211 : vector<16xf32>
      %add3A_213 = arith.constant 0.333333343 : f32
      %add3A_214 = vector.broadcast %add3A_213 : f32 to vector<16xf32>
      %add3A_215 = arith.addf %add3A_214, %mul3A_212 : vector<16xf32>
      %mul3A_216 = arith.mulf %mul3A_198, %add3A_215 : vector<16xf32>
      %add3A_217 = arith.constant 1.000000e+00 : f32
      %add3A_218 = vector.broadcast %add3A_217 : f32 to vector<16xf32>
      %add3A_219 = arith.addf %add3A_218, %mul3A_216 : vector<16xf32>
      %mul3A_220 = arith.mulf %mul3A_201, %add3A_219 : vector<16xf32>
      %mul3A_221 = arith.constant 0.693147182 : f32
      %mul3A_222 = vector.broadcast %mul3A_221 : f32 to vector<16xf32>
      %mul3A_223 = arith.mulf %convert_element_type3A_190, %mul3A_222 : vector<16xf32>
      %add3A_224 = arith.addf %mul3A_223, %mul3A_220 : vector<16xf32>
      %sub3A_225 = arith.constant 9.99999974E-5 : f32
      %sub3A_226 = vector.broadcast %sub3A_225 : f32 to vector<16xf32>
      %sub3A_227 = arith.subf %add3A_224, %sub3A_226 : vector<16xf32>
      %add3A_228 = vector.broadcast %reduce_max3A_90 : f32 to vector<16xf32>
      %add3A_229 = arith.addf %sub3A_227, %add3A_228 : vector<16xf32>
      %mul3A_230 = vector.broadcast %reduce_sum3A_23 : f32 to vector<16xf32>
      %mul3A_231 = arith.mulf %add3A_229, %mul3A_230 : vector<16xf32>
      %iota3A_232 = tpu.iota {dimensions = array<i32: 0>} : vector<16xi32>
      %eq3A_233 = arith.constant 0 : i32
      %eq3A_234 = vector.broadcast %eq3A_233 : i32 to vector<16xi32>
      %eq3A_235 = arith.cmpi eq, %iota3A_232, %eq3A_234 : vector<16xi32>
      %broadcast_in_dim3A_236 = arith.constant 0.000000e+00 : f32
      %broadcast_in_dim3A_237 = vector.broadcast %broadcast_in_dim3A_236 : f32 to vector<16xf32>
      %select_n3A_238 = arith.select %eq3A_235, %mul3A_231, %broadcast_in_dim3A_237 : vector<16xi1>, vector<16xf32>
      %reduce_sum3A_239 = arith.constant true
      %reduce_sum3A_240 = vector.broadcast %reduce_sum3A_239 : i1 to vector<16xi1>
      %reduce_sum3A_241 = tpu.scan <sum>, %select_n3A_238 masked %reduce_sum3A_240 : vector<16xf32>, vector<16xi1> -> vector<16xf32>
      %reduce_sum3A_242 = vector.extract %reduce_sum3A_241[15] : f32 from vector<16xf32>
      "tpu.trace_start"() <{level = 10 : i32, message = "passC"}> : () -> ()
      %mul3A_243 = arith.constant 80000 : i32
      %mul3A_244 = arith.muli %arg1, %mul3A_243 : i32
      %add3A_245 = arith.constant 0 : i32
      %add3A_246 = arith.addi %mul3A_244, %add3A_245 : i32
      %dma_start3A_247 = tpu.memref_slice %arg20[%add3A_246] : memref<1280000xf32, #tpu.memory_space<vmem_shared>> -> memref<2000xf32, #tpu.memory_space<vmem_shared>>
      %dma_start3A_248 = tpu.memref_slice %arg20[%add3A_246] : memref<1280000xf32, #tpu.memory_space<vmem_shared>> -> memref<2000xf32, #tpu.memory_space<vmem_shared>>
      tpu.enqueue_dma source(%dma_start3A_248 : memref<2000xf32, #tpu.memory_space<vmem_shared>>) target(%arg6 : memref<2000xf32, #tpu.memory_space<vmem>>) target_semaphore(%arg21 : memref<!tpu.dma_semaphore, #tpu.memory_space<semaphore_mem>>)
      %mul3A_249 = arith.constant 80000 : i32
      %mul3A_250 = arith.muli %arg1, %mul3A_249 : i32
      %add3A_251 = arith.constant 2000 : i32
      %add3A_252 = arith.addi %mul3A_250, %add3A_251 : i32
      %dma_start3A_253 = tpu.memref_slice %arg20[%add3A_252] : memref<1280000xf32, #tpu.memory_space<vmem_shared>> -> memref<2000xf32, #tpu.memory_space<vmem_shared>>
      %dma_start3A_254 = tpu.memref_slice %arg20[%add3A_252] : memref<1280000xf32, #tpu.memory_space<vmem_shared>> -> memref<2000xf32, #tpu.memory_space<vmem_shared>>
      tpu.enqueue_dma source(%dma_start3A_254 : memref<2000xf32, #tpu.memory_space<vmem_shared>>) target(%arg7 : memref<2000xf32, #tpu.memory_space<vmem>>) target_semaphore(%arg22 : memref<!tpu.dma_semaphore, #tpu.memory_space<semaphore_mem>>)
      %scan3A_255 = arith.constant 0 : i32
      %scan3A_256 = arith.constant 25 : i32
      %scan3A_257 = arith.addi %scan3A_255, %scan3A_256 : i32
      %scan3A_258 = arith.constant 1 : i32
      %scan3A_259 = scf.for %scan3A_827 = %scan3A_255 to %scan3A_257 step %scan3A_258 iter_args(%scan3A_828 = %broadcast_in_dim3A_3) -> (vector<16xi32>)  : i32 {
        %mul3A_829 = arith.constant 2 : i32
        %mul3A_830 = arith.muli %mul3A_829, %scan3A_827 : i32
        %dma_wait3A = arith.constant 0 : i32
        %dma_wait3A_831 = tpu.memref_slice %arg2[%dma_wait3A] : memref<12800000xf32, #tpu.memory_space<hbm>> -> memref<2000xf32, #tpu.memory_space<hbm>>
        %dma_wait3A_832 = arith.constant 0 : i32
        %dma_wait3A_833 = tpu.memref_slice %arg2[%dma_wait3A_832] : memref<12800000xf32, #tpu.memory_space<hbm>> -> memref<2000xf32, #tpu.memory_space<hbm>>
        tpu.wait_dma2 semaphore(%arg21 : memref<!tpu.dma_semaphore, #tpu.memory_space<semaphore_mem>>) src(%dma_wait3A_833 : memref<2000xf32, #tpu.memory_space<hbm>>) dst(%arg6 : memref<2000xf32, #tpu.memory_space<vmem>>)
        %scan3A_834 = arith.constant 0 : i32
        %scan3A_835 = arith.constant 125 : i32
        %scan3A_836 = arith.addi %scan3A_834, %scan3A_835 : i32
        %scan3A_837 = arith.constant 1 : i32
        %scan3A_838 = scf.for %scan3A_866 = %scan3A_834 to %scan3A_836 step %scan3A_837 iter_args(%scan3A_867 = %scan3A_828) -> (vector<16xi32>)  : i32 {
          %mul3A_868 = arith.constant 16 : i32
          %mul3A_869 = arith.muli %scan3A_866, %mul3A_868 : i32
          %get3A_870 = arith.index_cast %mul3A_869 : i32 to index
          %get3A_871 = tpu.vector_load %arg6[%get3A_870] {strides = array<i32>} : memref<2000xf32, #tpu.memory_space<vmem>>, vector<16xf32>,
          %ge3A_872 = vector.broadcast %reduce_sum3A_242 : f32 to vector<16xf32>
          %ge3A_873 = arith.cmpf oge, %get3A_871, %ge3A_872 : vector<16xf32>
          %le3A_874 = arith.constant 4064 : i32
          %le3A_875 = vector.broadcast %le3A_874 : i32 to vector<16xi32>
          %le3A_876 = arith.cmpi sle, %scan3A_867, %le3A_875 : vector<16xi32>
          %and3A_877 = arith.andi %ge3A_873, %le3A_876 : vector<16xi1>
          %convert_element_type3A_878 = arith.extui %and3A_877 : vector<16xi1> to vector<16xi32>
          %broadcast_in_dim3A_879 = arith.constant true
          %broadcast_in_dim3A_880 = vector.broadcast %broadcast_in_dim3A_879 : i1 to vector<16xi1>
          %masked_cumsum3A_881 = tpu.scan <sum>, %convert_element_type3A_878 masked %broadcast_in_dim3A_880 : vector<16xi32>, vector<16xi1> -> vector<16xi32>
          %add3A_882 = arith.addi %scan3A_867, %masked_cumsum3A_881 : vector<16xi32>
          %sub3A_883 = arith.constant 1 : i32
          %sub3A_884 = vector.broadcast %sub3A_883 : i32 to vector<16xi32>
          %sub3A_885 = arith.subi %add3A_882, %sub3A_884 : vector<16xi32>
          %bitcast_convert_type3A_886 = tpu.bitcast %get3A_871 : vector<16xf32> -> vector<16xi32>
          tpu.vector_store_idx %arg12[%sub3A_885], %bitcast_convert_type3A_886 masked %and3A_877 : memref<4096xi32, #tpu.memory_space<vmem>>[vector<16xi32>], vector<16xi32>, vector<16xi1>
          %mul3A_887 = arith.constant 2000 : i32
          %mul3A_888 = arith.muli %mul3A_830, %mul3A_887 : i32
          %mul3A_889 = arith.constant 16 : i32
          %mul3A_890 = arith.muli %scan3A_866, %mul3A_889 : i32
          %add3A_891 = arith.addi %mul3A_888, %mul3A_890 : i32
          %add3A_892 = vector.broadcast %add3A_891 : i32 to vector<16xi32>
          %add3A_893 = arith.addi %add3A_892, %iota3A : vector<16xi32>
          tpu.vector_store_idx %arg13[%sub3A_885], %add3A_893 masked %and3A_877 : memref<4096xi32, #tpu.memory_space<vmem>>[vector<16xi32>], vector<16xi32>, vector<16xi1>
          %all_reduce_population_count3A = tpu.all_reduce %and3A_877 {dim = 0 : i64, kind = #tpu.reduction_kind<sum>} : vector<16xi1> -> vector<16xi32>
          %add3A_894 = arith.addi %scan3A_867, %all_reduce_population_count3A : vector<16xi32>
          scf.yield %add3A_894 : vector<16xi32>
        }
        %scan3A_839 = arith.constant 125 : i32
        %add3A_840 = arith.constant 2 : i32
        %add3A_841 = arith.addi %mul3A_830, %add3A_840 : i32
        %lt3A_842 = arith.constant 50 : i32
        %lt3A_843 = arith.cmpi slt, %add3A_841, %lt3A_842 : i32
        %convert_element_type3A_844 = arith.extui %lt3A_843 : i1 to i32
        %cond3A_845 = arith.constant 0 : i32
        %cond3A_846 = arith.cmpi ne, %convert_element_type3A_844, %cond3A_845 : i32
        scf.if %cond3A_846 {
          %add3A_866 = arith.constant 2 : i32
          %add3A_867 = arith.addi %mul3A_830, %add3A_866 : i32
          %lt3A_868 = arith.constant 40 : i32
          %lt3A_869 = arith.cmpi slt, %add3A_867, %lt3A_868 : i32
          %convert_element_type3A_870 = arith.extui %lt3A_869 : i1 to i32
          %cond3A_871 = arith.constant 0 : i32
          %cond3A_872 = arith.cmpi ne, %convert_element_type3A_870, %cond3A_871 : i32
          scf.if %cond3A_872 {
            %mul3A_878 = arith.constant 80000 : i32
            %mul3A_879 = arith.muli %arg1, %mul3A_878 : i32
            %mul3A_880 = arith.constant 2000 : i32
            %mul3A_881 = arith.muli %add3A_867, %mul3A_880 : i32
            %add3A_882 = arith.addi %mul3A_879, %mul3A_881 : i32
            %dma_start3A_883 = tpu.memref_slice %arg20[%add3A_882] : memref<1280000xf32, #tpu.memory_space<vmem_shared>> -> memref<2000xf32, #tpu.memory_space<vmem_shared>>
            %dma_start3A_884 = tpu.memref_slice %arg20[%add3A_882] : memref<1280000xf32, #tpu.memory_space<vmem_shared>> -> memref<2000xf32, #tpu.memory_space<vmem_shared>>
            tpu.enqueue_dma source(%dma_start3A_884 : memref<2000xf32, #tpu.memory_space<vmem_shared>>) target(%arg6 : memref<2000xf32, #tpu.memory_space<vmem>>) target_semaphore(%arg21 : memref<!tpu.dma_semaphore, #tpu.memory_space<semaphore_mem>>)
          } else {
          }
          %ge3A_873 = arith.constant 40 : i32
          %ge3A_874 = arith.cmpi sge, %add3A_867, %ge3A_873 : i32
          %convert_element_type3A_875 = arith.extui %ge3A_874 : i1 to i32
          %cond3A_876 = arith.constant 0 : i32
          %cond3A_877 = arith.cmpi ne, %convert_element_type3A_875, %cond3A_876 : i32
          scf.if %cond3A_877 {
            %mul3A_878 = arith.constant 100000 : i32
            %mul3A_879 = arith.muli %add3A_12, %mul3A_878 : i32
            %mul3A_880 = arith.constant 2000 : i32
            %mul3A_881 = arith.muli %add3A_867, %mul3A_880 : i32
            %add3A_882 = arith.addi %mul3A_879, %mul3A_881 : i32
            %dma_start3A_883 = tpu.memref_slice %arg2[%add3A_882] : memref<12800000xf32, #tpu.memory_space<hbm>> -> memref<2000xf32, #tpu.memory_space<hbm>>
            %dma_start3A_884 = tpu.memref_slice %arg2[%add3A_882] : memref<12800000xf32, #tpu.memory_space<hbm>> -> memref<2000xf32, #tpu.memory_space<hbm>>
            tpu.enqueue_dma source(%dma_start3A_884 : memref<2000xf32, #tpu.memory_space<hbm>>) target(%arg6 : memref<2000xf32, #tpu.memory_space<vmem>>) target_semaphore(%arg21 : memref<!tpu.dma_semaphore, #tpu.memory_space<semaphore_mem>>)
          } else {
          }
        } else {
        }
        %dma_wait3A_847 = arith.constant 0 : i32
        %dma_wait3A_848 = tpu.memref_slice %arg2[%dma_wait3A_847] : memref<12800000xf32, #tpu.memory_space<hbm>> -> memref<2000xf32, #tpu.memory_space<hbm>>
        %dma_wait3A_849 = arith.constant 0 : i32
        %dma_wait3A_850 = tpu.memref_slice %arg2[%dma_wait3A_849] : memref<12800000xf32, #tpu.memory_space<hbm>> -> memref<2000xf32, #tpu.memory_space<hbm>>
        tpu.wait_dma2 semaphore(%arg22 : memref<!tpu.dma_semaphore, #tpu.memory_space<semaphore_mem>>) src(%dma_wait3A_850 : memref<2000xf32, #tpu.memory_space<hbm>>) dst(%arg7 : memref<2000xf32, #tpu.memory_space<vmem>>)
        %add3A_851 = arith.constant 1 : i32
        %add3A_852 = arith.addi %mul3A_830, %add3A_851 : i32
        %scan3A_853 = arith.constant 0 : i32
        %scan3A_854 = arith.constant 125 : i32
        %scan3A_855 = arith.addi %scan3A_853, %scan3A_854 : i32
        %scan3A_856 = arith.constant 1 : i32
        %scan3A_857 = scf.for %scan3A_866 = %scan3A_853 to %scan3A_855 step %scan3A_856 iter_args(%scan3A_867 = %scan3A_838) -> (vector<16xi32>)  : i32 {
          %mul3A_868 = arith.constant 16 : i32
          %mul3A_869 = arith.muli %scan3A_866, %mul3A_868 : i32
          %get3A_870 = arith.index_cast %mul3A_869 : i32 to index
          %get3A_871 = tpu.vector_load %arg7[%get3A_870] {strides = array<i32>} : memref<2000xf32, #tpu.memory_space<vmem>>, vector<16xf32>,
          %ge3A_872 = vector.broadcast %reduce_sum3A_242 : f32 to vector<16xf32>
          %ge3A_873 = arith.cmpf oge, %get3A_871, %ge3A_872 : vector<16xf32>
          %le3A_874 = arith.constant 4064 : i32
          %le3A_875 = vector.broadcast %le3A_874 : i32 to vector<16xi32>
          %le3A_876 = arith.cmpi sle, %scan3A_867, %le3A_875 : vector<16xi32>
          %and3A_877 = arith.andi %ge3A_873, %le3A_876 : vector<16xi1>
          %convert_element_type3A_878 = arith.extui %and3A_877 : vector<16xi1> to vector<16xi32>
          %broadcast_in_dim3A_879 = arith.constant true
          %broadcast_in_dim3A_880 = vector.broadcast %broadcast_in_dim3A_879 : i1 to vector<16xi1>
          %masked_cumsum3A_881 = tpu.scan <sum>, %convert_element_type3A_878 masked %broadcast_in_dim3A_880 : vector<16xi32>, vector<16xi1> -> vector<16xi32>
          %add3A_882 = arith.addi %scan3A_867, %masked_cumsum3A_881 : vector<16xi32>
          %sub3A_883 = arith.constant 1 : i32
          %sub3A_884 = vector.broadcast %sub3A_883 : i32 to vector<16xi32>
          %sub3A_885 = arith.subi %add3A_882, %sub3A_884 : vector<16xi32>
          %bitcast_convert_type3A_886 = tpu.bitcast %get3A_871 : vector<16xf32> -> vector<16xi32>
          tpu.vector_store_idx %arg12[%sub3A_885], %bitcast_convert_type3A_886 masked %and3A_877 : memref<4096xi32, #tpu.memory_space<vmem>>[vector<16xi32>], vector<16xi32>, vector<16xi1>
          %mul3A_887 = arith.constant 2000 : i32
          %mul3A_888 = arith.muli %add3A_852, %mul3A_887 : i32
          %mul3A_889 = arith.constant 16 : i32
          %mul3A_890 = arith.muli %scan3A_866, %mul3A_889 : i32
          %add3A_891 = arith.addi %mul3A_888, %mul3A_890 : i32
          %add3A_892 = vector.broadcast %add3A_891 : i32 to vector<16xi32>
          %add3A_893 = arith.addi %add3A_892, %iota3A : vector<16xi32>
          tpu.vector_store_idx %arg13[%sub3A_885], %add3A_893 masked %and3A_877 : memref<4096xi32, #tpu.memory_space<vmem>>[vector<16xi32>], vector<16xi32>, vector<16xi1>
          %all_reduce_population_count3A = tpu.all_reduce %and3A_877 {dim = 0 : i64, kind = #tpu.reduction_kind<sum>} : vector<16xi1> -> vector<16xi32>
          %add3A_894 = arith.addi %scan3A_867, %all_reduce_population_count3A : vector<16xi32>
          scf.yield %add3A_894 : vector<16xi32>
        }
        %scan3A_858 = arith.constant 125 : i32
        %add3A_859 = arith.constant 3 : i32
        %add3A_860 = arith.addi %mul3A_830, %add3A_859 : i32
        %lt3A_861 = arith.constant 50 : i32
        %lt3A_862 = arith.cmpi slt, %add3A_860, %lt3A_861 : i32
        %convert_element_type3A_863 = arith.extui %lt3A_862 : i1 to i32
        %cond3A_864 = arith.constant 0 : i32
        %cond3A_865 = arith.cmpi ne, %convert_element_type3A_863, %cond3A_864 : i32
        scf.if %cond3A_865 {
          %add3A_866 = arith.constant 3 : i32
          %add3A_867 = arith.addi %mul3A_830, %add3A_866 : i32
          %lt3A_868 = arith.constant 40 : i32
          %lt3A_869 = arith.cmpi slt, %add3A_867, %lt3A_868 : i32
          %convert_element_type3A_870 = arith.extui %lt3A_869 : i1 to i32
          %cond3A_871 = arith.constant 0 : i32
          %cond3A_872 = arith.cmpi ne, %convert_element_type3A_870, %cond3A_871 : i32
          scf.if %cond3A_872 {
            %mul3A_878 = arith.constant 80000 : i32
            %mul3A_879 = arith.muli %arg1, %mul3A_878 : i32
            %mul3A_880 = arith.constant 2000 : i32
            %mul3A_881 = arith.muli %add3A_867, %mul3A_880 : i32
            %add3A_882 = arith.addi %mul3A_879, %mul3A_881 : i32
            %dma_start3A_883 = tpu.memref_slice %arg20[%add3A_882] : memref<1280000xf32, #tpu.memory_space<vmem_shared>> -> memref<2000xf32, #tpu.memory_space<vmem_shared>>
            %dma_start3A_884 = tpu.memref_slice %arg20[%add3A_882] : memref<1280000xf32, #tpu.memory_space<vmem_shared>> -> memref<2000xf32, #tpu.memory_space<vmem_shared>>
            tpu.enqueue_dma source(%dma_start3A_884 : memref<2000xf32, #tpu.memory_space<vmem_shared>>) target(%arg7 : memref<2000xf32, #tpu.memory_space<vmem>>) target_semaphore(%arg22 : memref<!tpu.dma_semaphore, #tpu.memory_space<semaphore_mem>>)
          } else {
          }
          %ge3A_873 = arith.constant 40 : i32
          %ge3A_874 = arith.cmpi sge, %add3A_867, %ge3A_873 : i32
          %convert_element_type3A_875 = arith.extui %ge3A_874 : i1 to i32
          %cond3A_876 = arith.constant 0 : i32
          %cond3A_877 = arith.cmpi ne, %convert_element_type3A_875, %cond3A_876 : i32
          scf.if %cond3A_877 {
            %mul3A_878 = arith.constant 100000 : i32
            %mul3A_879 = arith.muli %add3A_12, %mul3A_878 : i32
            %mul3A_880 = arith.constant 2000 : i32
            %mul3A_881 = arith.muli %add3A_867, %mul3A_880 : i32
            %add3A_882 = arith.addi %mul3A_879, %mul3A_881 : i32
            %dma_start3A_883 = tpu.memref_slice %arg2[%add3A_882] : memref<12800000xf32, #tpu.memory_space<hbm>> -> memref<2000xf32, #tpu.memory_space<hbm>>
            %dma_start3A_884 = tpu.memref_slice %arg2[%add3A_882] : memref<12800000xf32, #tpu.memory_space<hbm>> -> memref<2000xf32, #tpu.memory_space<hbm>>
            tpu.enqueue_dma source(%dma_start3A_884 : memref<2000xf32, #tpu.memory_space<hbm>>) target(%arg7 : memref<2000xf32, #tpu.memory_space<vmem>>) target_semaphore(%arg22 : memref<!tpu.dma_semaphore, #tpu.memory_space<semaphore_mem>>)
          } else {
          }
        } else {
        }
        scf.yield %scan3A_857 : vector<16xi32>
      }
      %scan3A_260 = arith.constant 25 : i32
      "tpu.trace_stop"() : () -> ()
      %reduce_max3A_261 = arith.constant true
      %reduce_max3A_262 = vector.broadcast %reduce_max3A_261 : i1 to vector<16xi1>
      %reduce_max3A_263 = arith.constant -2147483648 : i32
      %reduce_max3A_264 = vector.broadcast %reduce_max3A_263 : i32 to vector<16xi32>
      %reduce_max3A_265 = arith.xori %scan3A_259, %reduce_max3A_264 : vector<16xi32>
      %reduce_max3A_266 = tpu.scan <max>, %reduce_max3A_265 masked %reduce_max3A_262 : vector<16xi32>, vector<16xi1> -> vector<16xi32>
      %reduce_max3A_267 = arith.xori %reduce_max3A_266, %reduce_max3A_264 : vector<16xi32>
      %reduce_max3A_268 = vector.extract %reduce_max3A_267[15] : i32 from vector<16xi32>
      %add3A_269 = arith.constant 15 : i32
      %add3A_270 = arith.addi %reduce_max3A_268, %add3A_269 : i32
      %shift_right_arithmetic3A_271 = arith.constant 4 : i32
      %shift_right_arithmetic3A_272 = arith.shrsi %add3A_270, %shift_right_arithmetic3A_271 : i32
      %while3A = arith.constant 0 : i32
      %while3A_273 = arith.subi %shift_right_arithmetic3A_272, %while3A : i32
      %while3A_274 = arith.addi %while3A, %while3A_273 : i32
      %while3A_275 = arith.constant 1 : i32
      %while3A_276 = arith.divsi %while3A_273, %while3A_275 : i32
      %while3A_277 = arith.muli %while3A_276, %while3A_275 : i32
      %while3A_278 = arith.addi %while3A, %while3A_277 : i32
      %while3A_279 = arith.constant 1 : i32
      %while3A_280 = scf.for %while3A_827 = %while3A to %while3A_278 step %while3A_279 iter_args(%while3A_828 = %broadcast_in_dim3A_3) -> (vector<16xi32>)  : i32 {
        %mul3A_829 = arith.constant 16 : i32
        %mul3A_830 = arith.muli %while3A_827, %mul3A_829 : i32
        %get3A_831 = arith.index_cast %mul3A_830 : i32 to index
        %get3A_832 = tpu.vector_load %arg12[%get3A_831] {strides = array<i32>} : memref<4096xi32, #tpu.memory_space<vmem>>, vector<16xi32>,
        %bitcast_convert_type3A_833 = tpu.bitcast %get3A_832 : vector<16xi32> -> vector<16xf32>
        %div3A_834 = vector.broadcast %reduce_sum3A_23 : f32 to vector<16xf32>
        %div3A_835 = arith.divf %bitcast_convert_type3A_833, %div3A_834 : vector<16xf32>
        %sub3A_836 = vector.broadcast %reduce_max3A_90 : f32 to vector<16xf32>
        %sub3A_837 = arith.subf %div3A_835, %sub3A_836 : vector<16xf32>
        %exp3A = math.exp %sub3A_837 : vector<16xf32>
        %bitcast_convert_type3A_838 = tpu.bitcast %exp3A : vector<16xf32> -> vector<16xi32>
        %ge3A_839 = vector.broadcast %shift_left3A_162 : i32 to vector<16xi32>
        %ge3A_840 = arith.cmpi sge, %bitcast_convert_type3A_838, %ge3A_839 : vector<16xi32>
        %mul3A_841 = arith.constant 16 : i32
        %mul3A_842 = arith.muli %while3A_827, %mul3A_841 : i32
        %add3A_843 = vector.broadcast %mul3A_842 : i32 to vector<16xi32>
        %add3A_844 = arith.addi %add3A_843, %iota3A : vector<16xi32>
        %lt3A_845 = vector.broadcast %reduce_max3A_268 : i32 to vector<16xi32>
        %lt3A_846 = arith.cmpi slt, %add3A_844, %lt3A_845 : vector<16xi32>
        %and3A_847 = arith.andi %ge3A_840, %lt3A_846 : vector<16xi1>
        %convert_element_type3A_848 = arith.extui %and3A_847 : vector<16xi1> to vector<16xi32>
        %broadcast_in_dim3A_849 = arith.constant true
        %broadcast_in_dim3A_850 = vector.broadcast %broadcast_in_dim3A_849 : i1 to vector<16xi1>
        %masked_cumsum3A_851 = tpu.scan <sum>, %convert_element_type3A_848 masked %broadcast_in_dim3A_850 : vector<16xi32>, vector<16xi1> -> vector<16xi32>
        %add3A_852 = arith.addi %while3A_828, %masked_cumsum3A_851 : vector<16xi32>
        %sub3A_853 = arith.constant 1 : i32
        %sub3A_854 = vector.broadcast %sub3A_853 : i32 to vector<16xi32>
        %sub3A_855 = arith.subi %add3A_852, %sub3A_854 : vector<16xi32>
        tpu.vector_store_idx %arg10[%sub3A_855], %bitcast_convert_type3A_838 masked %and3A_847 : memref<4096xi32, #tpu.memory_space<vmem>>[vector<16xi32>], vector<16xi32>, vector<16xi1>
        %mul3A_856 = arith.constant 16 : i32
        %mul3A_857 = arith.muli %while3A_827, %mul3A_856 : i32
        %get3A_858 = arith.index_cast %mul3A_857 : i32 to index
        %get3A_859 = tpu.vector_load %arg13[%get3A_858] {strides = array<i32>} : memref<4096xi32, #tpu.memory_space<vmem>>, vector<16xi32>,
        tpu.vector_store_idx %arg11[%sub3A_855], %get3A_859 masked %and3A_847 : memref<4096xi32, #tpu.memory_space<vmem>>[vector<16xi32>], vector<16xi32>, vector<16xi1>
        %all_reduce_population_count3A = tpu.all_reduce %and3A_847 {dim = 0 : i64, kind = #tpu.reduction_kind<sum>} : vector<16xi1> -> vector<16xi32>
        %add3A_860 = arith.addi %while3A_828, %all_reduce_population_count3A : vector<16xi32>
        scf.yield %add3A_860 : vector<16xi32>
      }
      %while3A_281 = arith.constant 1 : i32
      %while3A_282 = scf.for %while3A_827 = %while3A_278 to %while3A_274 step %while3A_281 iter_args(%while3A_828 = %while3A_280) -> (vector<16xi32>)  : i32 {
        %mul3A_829 = arith.constant 16 : i32
        %mul3A_830 = arith.muli %while3A_827, %mul3A_829 : i32
        %get3A_831 = arith.index_cast %mul3A_830 : i32 to index
        %get3A_832 = tpu.vector_load %arg12[%get3A_831] {strides = array<i32>} : memref<4096xi32, #tpu.memory_space<vmem>>, vector<16xi32>,
        %bitcast_convert_type3A_833 = tpu.bitcast %get3A_832 : vector<16xi32> -> vector<16xf32>
        %div3A_834 = vector.broadcast %reduce_sum3A_23 : f32 to vector<16xf32>
        %div3A_835 = arith.divf %bitcast_convert_type3A_833, %div3A_834 : vector<16xf32>
        %sub3A_836 = vector.broadcast %reduce_max3A_90 : f32 to vector<16xf32>
        %sub3A_837 = arith.subf %div3A_835, %sub3A_836 : vector<16xf32>
        %exp3A = math.exp %sub3A_837 : vector<16xf32>
        %bitcast_convert_type3A_838 = tpu.bitcast %exp3A : vector<16xf32> -> vector<16xi32>
        %ge3A_839 = vector.broadcast %shift_left3A_162 : i32 to vector<16xi32>
        %ge3A_840 = arith.cmpi sge, %bitcast_convert_type3A_838, %ge3A_839 : vector<16xi32>
        %mul3A_841 = arith.constant 16 : i32
        %mul3A_842 = arith.muli %while3A_827, %mul3A_841 : i32
        %add3A_843 = vector.broadcast %mul3A_842 : i32 to vector<16xi32>
        %add3A_844 = arith.addi %add3A_843, %iota3A : vector<16xi32>
        %lt3A_845 = vector.broadcast %reduce_max3A_268 : i32 to vector<16xi32>
        %lt3A_846 = arith.cmpi slt, %add3A_844, %lt3A_845 : vector<16xi32>
        %and3A_847 = arith.andi %ge3A_840, %lt3A_846 : vector<16xi1>
        %convert_element_type3A_848 = arith.extui %and3A_847 : vector<16xi1> to vector<16xi32>
        %broadcast_in_dim3A_849 = arith.constant true
        %broadcast_in_dim3A_850 = vector.broadcast %broadcast_in_dim3A_849 : i1 to vector<16xi1>
        %masked_cumsum3A_851 = tpu.scan <sum>, %convert_element_type3A_848 masked %broadcast_in_dim3A_850 : vector<16xi32>, vector<16xi1> -> vector<16xi32>
        %add3A_852 = arith.addi %while3A_828, %masked_cumsum3A_851 : vector<16xi32>
        %sub3A_853 = arith.constant 1 : i32
        %sub3A_854 = vector.broadcast %sub3A_853 : i32 to vector<16xi32>
        %sub3A_855 = arith.subi %add3A_852, %sub3A_854 : vector<16xi32>
        tpu.vector_store_idx %arg10[%sub3A_855], %bitcast_convert_type3A_838 masked %and3A_847 : memref<4096xi32, #tpu.memory_space<vmem>>[vector<16xi32>], vector<16xi32>, vector<16xi1>
        %mul3A_856 = arith.constant 16 : i32
        %mul3A_857 = arith.muli %while3A_827, %mul3A_856 : i32
        %get3A_858 = arith.index_cast %mul3A_857 : i32 to index
        %get3A_859 = tpu.vector_load %arg13[%get3A_858] {strides = array<i32>} : memref<4096xi32, #tpu.memory_space<vmem>>, vector<16xi32>,
        tpu.vector_store_idx %arg11[%sub3A_855], %get3A_859 masked %and3A_847 : memref<4096xi32, #tpu.memory_space<vmem>>[vector<16xi32>], vector<16xi32>, vector<16xi1>
        %all_reduce_population_count3A = tpu.all_reduce %and3A_847 {dim = 0 : i64, kind = #tpu.reduction_kind<sum>} : vector<16xi1> -> vector<16xi32>
        %add3A_860 = arith.addi %while3A_828, %all_reduce_population_count3A : vector<16xi32>
        scf.yield %add3A_860 : vector<16xi32>
      }
      %reduce_max3A_283 = arith.constant true
      %reduce_max3A_284 = vector.broadcast %reduce_max3A_283 : i1 to vector<16xi1>
      %reduce_max3A_285 = arith.constant -2147483648 : i32
      %reduce_max3A_286 = vector.broadcast %reduce_max3A_285 : i32 to vector<16xi32>
      %reduce_max3A_287 = arith.xori %while3A_282, %reduce_max3A_286 : vector<16xi32>
      %reduce_max3A_288 = tpu.scan <max>, %reduce_max3A_287 masked %reduce_max3A_284 : vector<16xi32>, vector<16xi1> -> vector<16xi32>
      %reduce_max3A_289 = arith.xori %reduce_max3A_288, %reduce_max3A_286 : vector<16xi32>
      %reduce_max3A_290 = vector.extract %reduce_max3A_289[15] : i32 from vector<16xi32>
      %le3A = arith.constant 4064 : i32
      %le3A_291 = arith.cmpi sle, %reduce_max3A_290, %le3A : i32
      %convert_element_type3A_292 = arith.extui %le3A_291 : i1 to i32
      %cond3A = arith.constant 0 : i32
      %cond3A_293 = arith.cmpi ne, %convert_element_type3A_292, %cond3A : i32
      scf.if %cond3A_293 {
        %swap3A_827 = arith.index_cast %reduce_max3A_290 : i32 to index
        %swap3A_828 = tpu.vector_load %arg10[%swap3A_827] {strides = array<i32>} : memref<4096xi32, #tpu.memory_space<vmem>>, vector<16xi32>,
        tpu.vector_store %arg10[%swap3A_827], %broadcast_in_dim3A_3 {strides = array<i32>} : memref<4096xi32, #tpu.memory_space<vmem>>, vector<16xi32>,
        %swap3A_829 = arith.index_cast %reduce_max3A_290 : i32 to index
        %swap3A_830 = tpu.vector_load %arg11[%swap3A_829] {strides = array<i32>} : memref<4096xi32, #tpu.memory_space<vmem>>, vector<16xi32>,
        tpu.vector_store %arg11[%swap3A_829], %broadcast_in_dim3A_3 {strides = array<i32>} : memref<4096xi32, #tpu.memory_space<vmem>>, vector<16xi32>,
        %add3A_831 = arith.constant 16 : i32
        %add3A_832 = arith.addi %reduce_max3A_290, %add3A_831 : i32
        %swap3A_833 = arith.index_cast %add3A_832 : i32 to index
        %swap3A_834 = tpu.vector_load %arg10[%swap3A_833] {strides = array<i32>} : memref<4096xi32, #tpu.memory_space<vmem>>, vector<16xi32>,
        tpu.vector_store %arg10[%swap3A_833], %broadcast_in_dim3A_3 {strides = array<i32>} : memref<4096xi32, #tpu.memory_space<vmem>>, vector<16xi32>,
        %add3A_835 = arith.constant 16 : i32
        %add3A_836 = arith.addi %reduce_max3A_290, %add3A_835 : i32
        %swap3A_837 = arith.index_cast %add3A_836 : i32 to index
        %swap3A_838 = tpu.vector_load %arg11[%swap3A_837] {strides = array<i32>} : memref<4096xi32, #tpu.memory_space<vmem>>, vector<16xi32>,
        tpu.vector_store %arg11[%swap3A_837], %broadcast_in_dim3A_3 {strides = array<i32>} : memref<4096xi32, #tpu.memory_space<vmem>>, vector<16xi32>,
      } else {
      }
      %add3A_294 = arith.constant 15 : i32
      %add3A_295 = arith.addi %reduce_max3A_290, %add3A_294 : i32
      %shift_right_arithmetic3A_296 = arith.constant 4 : i32
      %shift_right_arithmetic3A_297 = arith.shrsi %add3A_295, %shift_right_arithmetic3A_296 : i32
      "tpu.trace_start"() <{level = 10 : i32, message = "sort"}> : () -> ()
      %swap3A = arith.constant 0 : index
      %swap3A_298 = tpu.vector_load %arg15[%swap3A] {strides = array<i32>} : memref<256xi32, #tpu.memory_space<vmem>>, vector<16xi32>,
      tpu.vector_store %arg15[%swap3A], %broadcast_in_dim3A_3 {strides = array<i32>} : memref<256xi32, #tpu.memory_space<vmem>>, vector<16xi32>,
      %swap3A_299 = arith.constant 16 : index
      %swap3A_300 = tpu.vector_load %arg15[%swap3A_299] {strides = array<i32>} : memref<256xi32, #tpu.memory_space<vmem>>, vector<16xi32>,
      tpu.vector_store %arg15[%swap3A_299], %broadcast_in_dim3A_3 {strides = array<i32>} : memref<256xi32, #tpu.memory_space<vmem>>, vector<16xi32>,
      %swap3A_301 = arith.constant 32 : index
      %swap3A_302 = tpu.vector_load %arg15[%swap3A_301] {strides = array<i32>} : memref<256xi32, #tpu.memory_space<vmem>>, vector<16xi32>,
      tpu.vector_store %arg15[%swap3A_301], %broadcast_in_dim3A_3 {strides = array<i32>} : memref<256xi32, #tpu.memory_space<vmem>>, vector<16xi32>,
      %swap3A_303 = arith.constant 48 : index
      %swap3A_304 = tpu.vector_load %arg15[%swap3A_303] {strides = array<i32>} : memref<256xi32, #tpu.memory_space<vmem>>, vector<16xi32>,
      tpu.vector_store %arg15[%swap3A_303], %broadcast_in_dim3A_3 {strides = array<i32>} : memref<256xi32, #tpu.memory_space<vmem>>, vector<16xi32>,
      %swap3A_305 = arith.constant 64 : index
      %swap3A_306 = tpu.vector_load %arg15[%swap3A_305] {strides = array<i32>} : memref<256xi32, #tpu.memory_space<vmem>>, vector<16xi32>,
      tpu.vector_store %arg15[%swap3A_305], %broadcast_in_dim3A_3 {strides = array<i32>} : memref<256xi32, #tpu.memory_space<vmem>>, vector<16xi32>,
      %swap3A_307 = arith.constant 80 : index
      %swap3A_308 = tpu.vector_load %arg15[%swap3A_307] {strides = array<i32>} : memref<256xi32, #tpu.memory_space<vmem>>, vector<16xi32>,
      tpu.vector_store %arg15[%swap3A_307], %broadcast_in_dim3A_3 {strides = array<i32>} : memref<256xi32, #tpu.memory_space<vmem>>, vector<16xi32>,
      %swap3A_309 = arith.constant 96 : index
      %swap3A_310 = tpu.vector_load %arg15[%swap3A_309] {strides = array<i32>} : memref<256xi32, #tpu.memory_space<vmem>>, vector<16xi32>,
      tpu.vector_store %arg15[%swap3A_309], %broadcast_in_dim3A_3 {strides = array<i32>} : memref<256xi32, #tpu.memory_space<vmem>>, vector<16xi32>,
      %swap3A_311 = arith.constant 112 : index
      %swap3A_312 = tpu.vector_load %arg15[%swap3A_311] {strides = array<i32>} : memref<256xi32, #tpu.memory_space<vmem>>, vector<16xi32>,
      tpu.vector_store %arg15[%swap3A_311], %broadcast_in_dim3A_3 {strides = array<i32>} : memref<256xi32, #tpu.memory_space<vmem>>, vector<16xi32>,
      %swap3A_313 = arith.constant 128 : index
      %swap3A_314 = tpu.vector_load %arg15[%swap3A_313] {strides = array<i32>} : memref<256xi32, #tpu.memory_space<vmem>>, vector<16xi32>,
      tpu.vector_store %arg15[%swap3A_313], %broadcast_in_dim3A_3 {strides = array<i32>} : memref<256xi32, #tpu.memory_space<vmem>>, vector<16xi32>,
      %swap3A_315 = arith.constant 144 : index
      %swap3A_316 = tpu.vector_load %arg15[%swap3A_315] {strides = array<i32>} : memref<256xi32, #tpu.memory_space<vmem>>, vector<16xi32>,
      tpu.vector_store %arg15[%swap3A_315], %broadcast_in_dim3A_3 {strides = array<i32>} : memref<256xi32, #tpu.memory_space<vmem>>, vector<16xi32>,
      %swap3A_317 = arith.constant 160 : index
      %swap3A_318 = tpu.vector_load %arg15[%swap3A_317] {strides = array<i32>} : memref<256xi32, #tpu.memory_space<vmem>>, vector<16xi32>,
      tpu.vector_store %arg15[%swap3A_317], %broadcast_in_dim3A_3 {strides = array<i32>} : memref<256xi32, #tpu.memory_space<vmem>>, vector<16xi32>,
      %swap3A_319 = arith.constant 176 : index
      %swap3A_320 = tpu.vector_load %arg15[%swap3A_319] {strides = array<i32>} : memref<256xi32, #tpu.memory_space<vmem>>, vector<16xi32>,
      tpu.vector_store %arg15[%swap3A_319], %broadcast_in_dim3A_3 {strides = array<i32>} : memref<256xi32, #tpu.memory_space<vmem>>, vector<16xi32>,
      %swap3A_321 = arith.constant 192 : index
      %swap3A_322 = tpu.vector_load %arg15[%swap3A_321] {strides = array<i32>} : memref<256xi32, #tpu.memory_space<vmem>>, vector<16xi32>,
      tpu.vector_store %arg15[%swap3A_321], %broadcast_in_dim3A_3 {strides = array<i32>} : memref<256xi32, #tpu.memory_space<vmem>>, vector<16xi32>,
      %swap3A_323 = arith.constant 208 : index
      %swap3A_324 = tpu.vector_load %arg15[%swap3A_323] {strides = array<i32>} : memref<256xi32, #tpu.memory_space<vmem>>, vector<16xi32>,
      tpu.vector_store %arg15[%swap3A_323], %broadcast_in_dim3A_3 {strides = array<i32>} : memref<256xi32, #tpu.memory_space<vmem>>, vector<16xi32>,
      %swap3A_325 = arith.constant 224 : index
      %swap3A_326 = tpu.vector_load %arg15[%swap3A_325] {strides = array<i32>} : memref<256xi32, #tpu.memory_space<vmem>>, vector<16xi32>,
      tpu.vector_store %arg15[%swap3A_325], %broadcast_in_dim3A_3 {strides = array<i32>} : memref<256xi32, #tpu.memory_space<vmem>>, vector<16xi32>,
      %swap3A_327 = arith.constant 240 : index
      %swap3A_328 = tpu.vector_load %arg15[%swap3A_327] {strides = array<i32>} : memref<256xi32, #tpu.memory_space<vmem>>, vector<16xi32>,
      tpu.vector_store %arg15[%swap3A_327], %broadcast_in_dim3A_3 {strides = array<i32>} : memref<256xi32, #tpu.memory_space<vmem>>, vector<16xi32>,
      %parallel_loop3A_329 = arith.constant 0 : i32
      %parallel_loop3A_330 = arith.constant 1 : i32
      scf.for %parallel_loop3A_827 = %parallel_loop3A_329 to %shift_right_arithmetic3A_297 step %parallel_loop3A_330  : i32 {
        %parallel_loop3A_828 = arith.constant 16 : i32
        %parallel_loop3A_829 = arith.muli %parallel_loop3A_827, %parallel_loop3A_828 : i32
        %parallel_loop3A_830 = arith.index_cast %parallel_loop3A_829 : i32 to index
        %parallel_loop3A_831 = tpu.vector_load %arg10[%parallel_loop3A_830] {strides = array<i32>} : memref<4096xi32, #tpu.memory_space<vmem>>, vector<16xi32>,
        %parallel_loop3A_832 = arith.constant 0 : i32
        %parallel_loop3A_833 = vector.broadcast %parallel_loop3A_832 : i32 to vector<16xi32>
        %parallel_loop3A_834 = arith.shrsi %parallel_loop3A_831, %parallel_loop3A_833 : vector<16xi32>
        %parallel_loop3A_835 = arith.constant 255 : i32
        %parallel_loop3A_836 = vector.broadcast %parallel_loop3A_835 : i32 to vector<16xi32>
        %parallel_loop3A_837 = arith.andi %parallel_loop3A_834, %parallel_loop3A_836 : vector<16xi32>
        %parallel_loop3A_838 = arith.constant 255 : i32
        %parallel_loop3A_839 = vector.broadcast %parallel_loop3A_838 : i32 to vector<16xi32>
        %parallel_loop3A_840 = arith.subi %parallel_loop3A_839, %parallel_loop3A_837 : vector<16xi32>
        tpu.vector_store_idx %arg15[%parallel_loop3A_840], %broadcast_in_dim3A_94 {add = true} : memref<256xi32, #tpu.memory_space<vmem>>[vector<16xi32>], vector<16xi32>,
      } {sc.loop_unroll_factor = 2 : i64, sc.parallel_access}
      %scan3A_331 = arith.constant 0 : i32
      %scan3A_332 = arith.constant 0 : i32
      %scan3A_333 = arith.constant 16 : i32
      %scan3A_334 = arith.addi %scan3A_332, %scan3A_333 : i32
      %scan3A_335 = arith.constant 1 : i32
      %scan3A_336 = scf.for %scan3A_827 = %scan3A_332 to %scan3A_334 step %scan3A_335 iter_args(%scan3A_828 = %scan3A_331) -> (i32)  : i32 {
        %mul3A_829 = arith.constant 16 : i32
        %mul3A_830 = arith.muli %scan3A_827, %mul3A_829 : i32
        %get3A_831 = arith.index_cast %mul3A_830 : i32 to index
        %get3A_832 = tpu.vector_load %arg15[%get3A_831] {strides = array<i32>} : memref<256xi32, #tpu.memory_space<vmem>>, vector<16xi32>,
        %broadcast_in_dim3A_833 = arith.constant true
        %broadcast_in_dim3A_834 = vector.broadcast %broadcast_in_dim3A_833 : i1 to vector<16xi1>
        %masked_cumsum3A_835 = tpu.scan <sum>, %get3A_832 masked %broadcast_in_dim3A_834 : vector<16xi32>, vector<16xi1> -> vector<16xi32>
        %sub3A_836 = arith.subi %masked_cumsum3A_835, %get3A_832 : vector<16xi32>
        %add3A_837 = vector.broadcast %scan3A_828 : i32 to vector<16xi32>
        %add3A_838 = arith.addi %sub3A_836, %add3A_837 : vector<16xi32>
        %mul3A_839 = arith.constant 16 : i32
        %mul3A_840 = arith.muli %scan3A_827, %mul3A_839 : i32
        %swap3A_841 = arith.index_cast %mul3A_840 : i32 to index
        %swap3A_842 = tpu.vector_load %arg16[%swap3A_841] {strides = array<i32>} : memref<256xi32, #tpu.memory_space<vmem>>, vector<16xi32>,
        tpu.vector_store %arg16[%swap3A_841], %add3A_838 {strides = array<i32>} : memref<256xi32, #tpu.memory_space<vmem>>, vector<16xi32>,
        %reduce_max3A_843 = arith.constant true
        %reduce_max3A_844 = vector.broadcast %reduce_max3A_843 : i1 to vector<16xi1>
        %reduce_max3A_845 = arith.constant -2147483648 : i32
        %reduce_max3A_846 = vector.broadcast %reduce_max3A_845 : i32 to vector<16xi32>
        %reduce_max3A_847 = arith.xori %masked_cumsum3A_835, %reduce_max3A_846 : vector<16xi32>
        %reduce_max3A_848 = tpu.scan <max>, %reduce_max3A_847 masked %reduce_max3A_844 : vector<16xi32>, vector<16xi1> -> vector<16xi32>
        %reduce_max3A_849 = arith.xori %reduce_max3A_848, %reduce_max3A_846 : vector<16xi32>
        %reduce_max3A_850 = vector.extract %reduce_max3A_849[15] : i32 from vector<16xi32>
        %add3A_851 = arith.addi %scan3A_828, %reduce_max3A_850 : i32
        scf.yield %add3A_851 : i32
      }
      %scan3A_337 = arith.constant 16 : i32
      %while3A_338 = arith.constant 0 : i32
      %while3A_339 = arith.constant 0 : i32
      %while3A_340 = arith.subi %shift_right_arithmetic3A_297, %while3A_339 : i32
      %while3A_341 = arith.addi %while3A_339, %while3A_340 : i32
      %while3A_342 = arith.constant 1 : i32
      %while3A_343 = arith.divsi %while3A_340, %while3A_342 : i32
      %while3A_344 = arith.muli %while3A_343, %while3A_342 : i32
      %while3A_345 = arith.addi %while3A_339, %while3A_344 : i32
      %while3A_346 = arith.constant 1 : i32
      scf.for %while3A_827 = %while3A_339 to %while3A_345 step %while3A_346  : i32 {
        %mul3A_828 = arith.constant 16 : i32
        %mul3A_829 = arith.muli %while3A_827, %mul3A_828 : i32
        %get3A_830 = arith.index_cast %mul3A_829 : i32 to index
        %get3A_831 = tpu.vector_load %arg10[%get3A_830] {strides = array<i32>} : memref<4096xi32, #tpu.memory_space<vmem>>, vector<16xi32>,
        %mul3A_832 = arith.constant 16 : i32
        %mul3A_833 = arith.muli %while3A_827, %mul3A_832 : i32
        %get3A_834 = arith.index_cast %mul3A_833 : i32 to index
        %get3A_835 = tpu.vector_load %arg11[%get3A_834] {strides = array<i32>} : memref<4096xi32, #tpu.memory_space<vmem>>, vector<16xi32>,
        %shift_right_arithmetic3A_836 = arith.constant 0 : i32
        %shift_right_arithmetic3A_837 = vector.broadcast %shift_right_arithmetic3A_836 : i32 to vector<16xi32>
        %shift_right_arithmetic3A_838 = arith.shrsi %get3A_831, %shift_right_arithmetic3A_837 : vector<16xi32>
        %and3A_839 = arith.constant 255 : i32
        %and3A_840 = vector.broadcast %and3A_839 : i32 to vector<16xi32>
        %and3A_841 = arith.andi %shift_right_arithmetic3A_838, %and3A_840 : vector<16xi32>
        %sub3A_842 = arith.constant 255 : i32
        %sub3A_843 = vector.broadcast %sub3A_842 : i32 to vector<16xi32>
        %sub3A_844 = arith.subi %sub3A_843, %and3A_841 : vector<16xi32>
        %broadcast_in_dim3A_845 = arith.constant true
        %broadcast_in_dim3A_846 = vector.broadcast %broadcast_in_dim3A_845 : i1 to vector<16xi1>
        %unique3A, %unique3A_847 = tpu.scan_count mask(%broadcast_in_dim3A_846 : vector<16xi1>) value(%sub3A_844 : vector<16xi32>) : vector<16xi1>, vector<16xi32>
        %gather3A_848 = tpu.vector_load_idx %arg16[%sub3A_844] : memref<256xi32, #tpu.memory_space<vmem>>[vector<16xi32>], vector<16xi32>,
        %add3A_849 = arith.addi %gather3A_848, %unique3A_847 : vector<16xi32>
        %sub3A_850 = arith.constant 1 : i32
        %sub3A_851 = vector.broadcast %sub3A_850 : i32 to vector<16xi32>
        %sub3A_852 = arith.subi %add3A_849, %sub3A_851 : vector<16xi32>
        tpu.vector_store_idx %arg12[%sub3A_852], %get3A_831 : memref<4096xi32, #tpu.memory_space<vmem>>[vector<16xi32>], vector<16xi32>,
        tpu.vector_store_idx %arg13[%sub3A_852], %get3A_835 : memref<4096xi32, #tpu.memory_space<vmem>>[vector<16xi32>], vector<16xi32>,
        tpu.vector_store_idx %arg16[%sub3A_844], %unique3A_847 masked %unique3A {add = true} : memref<256xi32, #tpu.memory_space<vmem>>[vector<16xi32>], vector<16xi32>, vector<16xi1>
      }
      %while3A_347 = arith.constant 1 : i32
      scf.for %while3A_827 = %while3A_345 to %while3A_341 step %while3A_347  : i32 {
        %mul3A_828 = arith.constant 16 : i32
        %mul3A_829 = arith.muli %while3A_827, %mul3A_828 : i32
        %get3A_830 = arith.index_cast %mul3A_829 : i32 to index
        %get3A_831 = tpu.vector_load %arg10[%get3A_830] {strides = array<i32>} : memref<4096xi32, #tpu.memory_space<vmem>>, vector<16xi32>,
        %mul3A_832 = arith.constant 16 : i32
        %mul3A_833 = arith.muli %while3A_827, %mul3A_832 : i32
        %get3A_834 = arith.index_cast %mul3A_833 : i32 to index
        %get3A_835 = tpu.vector_load %arg11[%get3A_834] {strides = array<i32>} : memref<4096xi32, #tpu.memory_space<vmem>>, vector<16xi32>,
        %shift_right_arithmetic3A_836 = arith.constant 0 : i32
        %shift_right_arithmetic3A_837 = vector.broadcast %shift_right_arithmetic3A_836 : i32 to vector<16xi32>
        %shift_right_arithmetic3A_838 = arith.shrsi %get3A_831, %shift_right_arithmetic3A_837 : vector<16xi32>
        %and3A_839 = arith.constant 255 : i32
        %and3A_840 = vector.broadcast %and3A_839 : i32 to vector<16xi32>
        %and3A_841 = arith.andi %shift_right_arithmetic3A_838, %and3A_840 : vector<16xi32>
        %sub3A_842 = arith.constant 255 : i32
        %sub3A_843 = vector.broadcast %sub3A_842 : i32 to vector<16xi32>
        %sub3A_844 = arith.subi %sub3A_843, %and3A_841 : vector<16xi32>
        %broadcast_in_dim3A_845 = arith.constant true
        %broadcast_in_dim3A_846 = vector.broadcast %broadcast_in_dim3A_845 : i1 to vector<16xi1>
        %unique3A, %unique3A_847 = tpu.scan_count mask(%broadcast_in_dim3A_846 : vector<16xi1>) value(%sub3A_844 : vector<16xi32>) : vector<16xi1>, vector<16xi32>
        %gather3A_848 = tpu.vector_load_idx %arg16[%sub3A_844] : memref<256xi32, #tpu.memory_space<vmem>>[vector<16xi32>], vector<16xi32>,
        %add3A_849 = arith.addi %gather3A_848, %unique3A_847 : vector<16xi32>
        %sub3A_850 = arith.constant 1 : i32
        %sub3A_851 = vector.broadcast %sub3A_850 : i32 to vector<16xi32>
        %sub3A_852 = arith.subi %add3A_849, %sub3A_851 : vector<16xi32>
        tpu.vector_store_idx %arg12[%sub3A_852], %get3A_831 : memref<4096xi32, #tpu.memory_space<vmem>>[vector<16xi32>], vector<16xi32>,
        tpu.vector_store_idx %arg13[%sub3A_852], %get3A_835 : memref<4096xi32, #tpu.memory_space<vmem>>[vector<16xi32>], vector<16xi32>,
        tpu.vector_store_idx %arg16[%sub3A_844], %unique3A_847 masked %unique3A {add = true} : memref<256xi32, #tpu.memory_space<vmem>>[vector<16xi32>], vector<16xi32>, vector<16xi1>
      }
      %swap3A_348 = arith.constant 0 : index
      %swap3A_349 = tpu.vector_load %arg15[%swap3A_348] {strides = array<i32>} : memref<256xi32, #tpu.memory_space<vmem>>, vector<16xi32>,
      tpu.vector_store %arg15[%swap3A_348], %broadcast_in_dim3A_3 {strides = array<i32>} : memref<256xi32, #tpu.memory_space<vmem>>, vector<16xi32>,
      %swap3A_350 = arith.constant 16 : index
      %swap3A_351 = tpu.vector_load %arg15[%swap3A_350] {strides = array<i32>} : memref<256xi32, #tpu.memory_space<vmem>>, vector<16xi32>,
      tpu.vector_store %arg15[%swap3A_350], %broadcast_in_dim3A_3 {strides = array<i32>} : memref<256xi32, #tpu.memory_space<vmem>>, vector<16xi32>,
      %swap3A_352 = arith.constant 32 : index
      %swap3A_353 = tpu.vector_load %arg15[%swap3A_352] {strides = array<i32>} : memref<256xi32, #tpu.memory_space<vmem>>, vector<16xi32>,
      tpu.vector_store %arg15[%swap3A_352], %broadcast_in_dim3A_3 {strides = array<i32>} : memref<256xi32, #tpu.memory_space<vmem>>, vector<16xi32>,
      %swap3A_354 = arith.constant 48 : index
      %swap3A_355 = tpu.vector_load %arg15[%swap3A_354] {strides = array<i32>} : memref<256xi32, #tpu.memory_space<vmem>>, vector<16xi32>,
      tpu.vector_store %arg15[%swap3A_354], %broadcast_in_dim3A_3 {strides = array<i32>} : memref<256xi32, #tpu.memory_space<vmem>>, vector<16xi32>,
      %swap3A_356 = arith.constant 64 : index
      %swap3A_357 = tpu.vector_load %arg15[%swap3A_356] {strides = array<i32>} : memref<256xi32, #tpu.memory_space<vmem>>, vector<16xi32>,
      tpu.vector_store %arg15[%swap3A_356], %broadcast_in_dim3A_3 {strides = array<i32>} : memref<256xi32, #tpu.memory_space<vmem>>, vector<16xi32>,
      %swap3A_358 = arith.constant 80 : index
      %swap3A_359 = tpu.vector_load %arg15[%swap3A_358] {strides = array<i32>} : memref<256xi32, #tpu.memory_space<vmem>>, vector<16xi32>,
      tpu.vector_store %arg15[%swap3A_358], %broadcast_in_dim3A_3 {strides = array<i32>} : memref<256xi32, #tpu.memory_space<vmem>>, vector<16xi32>,
      %swap3A_360 = arith.constant 96 : index
      %swap3A_361 = tpu.vector_load %arg15[%swap3A_360] {strides = array<i32>} : memref<256xi32, #tpu.memory_space<vmem>>, vector<16xi32>,
      tpu.vector_store %arg15[%swap3A_360], %broadcast_in_dim3A_3 {strides = array<i32>} : memref<256xi32, #tpu.memory_space<vmem>>, vector<16xi32>,
      %swap3A_362 = arith.constant 112 : index
      %swap3A_363 = tpu.vector_load %arg15[%swap3A_362] {strides = array<i32>} : memref<256xi32, #tpu.memory_space<vmem>>, vector<16xi32>,
      tpu.vector_store %arg15[%swap3A_362], %broadcast_in_dim3A_3 {strides = array<i32>} : memref<256xi32, #tpu.memory_space<vmem>>, vector<16xi32>,
      %swap3A_364 = arith.constant 128 : index
      %swap3A_365 = tpu.vector_load %arg15[%swap3A_364] {strides = array<i32>} : memref<256xi32, #tpu.memory_space<vmem>>, vector<16xi32>,
      tpu.vector_store %arg15[%swap3A_364], %broadcast_in_dim3A_3 {strides = array<i32>} : memref<256xi32, #tpu.memory_space<vmem>>, vector<16xi32>,
      %swap3A_366 = arith.constant 144 : index
      %swap3A_367 = tpu.vector_load %arg15[%swap3A_366] {strides = array<i32>} : memref<256xi32, #tpu.memory_space<vmem>>, vector<16xi32>,
      tpu.vector_store %arg15[%swap3A_366], %broadcast_in_dim3A_3 {strides = array<i32>} : memref<256xi32, #tpu.memory_space<vmem>>, vector<16xi32>,
      %swap3A_368 = arith.constant 160 : index
      %swap3A_369 = tpu.vector_load %arg15[%swap3A_368] {strides = array<i32>} : memref<256xi32, #tpu.memory_space<vmem>>, vector<16xi32>,
      tpu.vector_store %arg15[%swap3A_368], %broadcast_in_dim3A_3 {strides = array<i32>} : memref<256xi32, #tpu.memory_space<vmem>>, vector<16xi32>,
      %swap3A_370 = arith.constant 176 : index
      %swap3A_371 = tpu.vector_load %arg15[%swap3A_370] {strides = array<i32>} : memref<256xi32, #tpu.memory_space<vmem>>, vector<16xi32>,
      tpu.vector_store %arg15[%swap3A_370], %broadcast_in_dim3A_3 {strides = array<i32>} : memref<256xi32, #tpu.memory_space<vmem>>, vector<16xi32>,
      %swap3A_372 = arith.constant 192 : index
      %swap3A_373 = tpu.vector_load %arg15[%swap3A_372] {strides = array<i32>} : memref<256xi32, #tpu.memory_space<vmem>>, vector<16xi32>,
      tpu.vector_store %arg15[%swap3A_372], %broadcast_in_dim3A_3 {strides = array<i32>} : memref<256xi32, #tpu.memory_space<vmem>>, vector<16xi32>,
      %swap3A_374 = arith.constant 208 : index
      %swap3A_375 = tpu.vector_load %arg15[%swap3A_374] {strides = array<i32>} : memref<256xi32, #tpu.memory_space<vmem>>, vector<16xi32>,
      tpu.vector_store %arg15[%swap3A_374], %broadcast_in_dim3A_3 {strides = array<i32>} : memref<256xi32, #tpu.memory_space<vmem>>, vector<16xi32>,
      %swap3A_376 = arith.constant 224 : index
      %swap3A_377 = tpu.vector_load %arg15[%swap3A_376] {strides = array<i32>} : memref<256xi32, #tpu.memory_space<vmem>>, vector<16xi32>,
      tpu.vector_store %arg15[%swap3A_376], %broadcast_in_dim3A_3 {strides = array<i32>} : memref<256xi32, #tpu.memory_space<vmem>>, vector<16xi32>,
      %swap3A_378 = arith.constant 240 : index
      %swap3A_379 = tpu.vector_load %arg15[%swap3A_378] {strides = array<i32>} : memref<256xi32, #tpu.memory_space<vmem>>, vector<16xi32>,
      tpu.vector_store %arg15[%swap3A_378], %broadcast_in_dim3A_3 {strides = array<i32>} : memref<256xi32, #tpu.memory_space<vmem>>, vector<16xi32>,
      %parallel_loop3A_380 = arith.constant 0 : i32
      %parallel_loop3A_381 = arith.constant 1 : i32
      scf.for %parallel_loop3A_827 = %parallel_loop3A_380 to %shift_right_arithmetic3A_297 step %parallel_loop3A_381  : i32 {
        %parallel_loop3A_828 = arith.constant 16 : i32
        %parallel_loop3A_829 = arith.muli %parallel_loop3A_827, %parallel_loop3A_828 : i32
        %parallel_loop3A_830 = arith.index_cast %parallel_loop3A_829 : i32 to index
        %parallel_loop3A_831 = tpu.vector_load %arg12[%parallel_loop3A_830] {strides = array<i32>} : memref<4096xi32, #tpu.memory_space<vmem>>, vector<16xi32>,
        %parallel_loop3A_832 = arith.constant 8 : i32
        %parallel_loop3A_833 = vector.broadcast %parallel_loop3A_832 : i32 to vector<16xi32>
        %parallel_loop3A_834 = arith.shrsi %parallel_loop3A_831, %parallel_loop3A_833 : vector<16xi32>
        %parallel_loop3A_835 = arith.constant 255 : i32
        %parallel_loop3A_836 = vector.broadcast %parallel_loop3A_835 : i32 to vector<16xi32>
        %parallel_loop3A_837 = arith.andi %parallel_loop3A_834, %parallel_loop3A_836 : vector<16xi32>
        %parallel_loop3A_838 = arith.constant 255 : i32
        %parallel_loop3A_839 = vector.broadcast %parallel_loop3A_838 : i32 to vector<16xi32>
        %parallel_loop3A_840 = arith.subi %parallel_loop3A_839, %parallel_loop3A_837 : vector<16xi32>
        tpu.vector_store_idx %arg15[%parallel_loop3A_840], %broadcast_in_dim3A_94 {add = true} : memref<256xi32, #tpu.memory_space<vmem>>[vector<16xi32>], vector<16xi32>,
      } {sc.loop_unroll_factor = 2 : i64, sc.parallel_access}
      %scan3A_382 = arith.constant 0 : i32
      %scan3A_383 = arith.constant 0 : i32
      %scan3A_384 = arith.constant 16 : i32
      %scan3A_385 = arith.addi %scan3A_383, %scan3A_384 : i32
      %scan3A_386 = arith.constant 1 : i32
      %scan3A_387 = scf.for %scan3A_827 = %scan3A_383 to %scan3A_385 step %scan3A_386 iter_args(%scan3A_828 = %scan3A_382) -> (i32)  : i32 {
        %mul3A_829 = arith.constant 16 : i32
        %mul3A_830 = arith.muli %scan3A_827, %mul3A_829 : i32
        %get3A_831 = arith.index_cast %mul3A_830 : i32 to index
        %get3A_832 = tpu.vector_load %arg15[%get3A_831] {strides = array<i32>} : memref<256xi32, #tpu.memory_space<vmem>>, vector<16xi32>,
        %broadcast_in_dim3A_833 = arith.constant true
        %broadcast_in_dim3A_834 = vector.broadcast %broadcast_in_dim3A_833 : i1 to vector<16xi1>
        %masked_cumsum3A_835 = tpu.scan <sum>, %get3A_832 masked %broadcast_in_dim3A_834 : vector<16xi32>, vector<16xi1> -> vector<16xi32>
        %sub3A_836 = arith.subi %masked_cumsum3A_835, %get3A_832 : vector<16xi32>
        %add3A_837 = vector.broadcast %scan3A_828 : i32 to vector<16xi32>
        %add3A_838 = arith.addi %sub3A_836, %add3A_837 : vector<16xi32>
        %mul3A_839 = arith.constant 16 : i32
        %mul3A_840 = arith.muli %scan3A_827, %mul3A_839 : i32
        %swap3A_841 = arith.index_cast %mul3A_840 : i32 to index
        %swap3A_842 = tpu.vector_load %arg16[%swap3A_841] {strides = array<i32>} : memref<256xi32, #tpu.memory_space<vmem>>, vector<16xi32>,
        tpu.vector_store %arg16[%swap3A_841], %add3A_838 {strides = array<i32>} : memref<256xi32, #tpu.memory_space<vmem>>, vector<16xi32>,
        %reduce_max3A_843 = arith.constant true
        %reduce_max3A_844 = vector.broadcast %reduce_max3A_843 : i1 to vector<16xi1>
        %reduce_max3A_845 = arith.constant -2147483648 : i32
        %reduce_max3A_846 = vector.broadcast %reduce_max3A_845 : i32 to vector<16xi32>
        %reduce_max3A_847 = arith.xori %masked_cumsum3A_835, %reduce_max3A_846 : vector<16xi32>
        %reduce_max3A_848 = tpu.scan <max>, %reduce_max3A_847 masked %reduce_max3A_844 : vector<16xi32>, vector<16xi1> -> vector<16xi32>
        %reduce_max3A_849 = arith.xori %reduce_max3A_848, %reduce_max3A_846 : vector<16xi32>
        %reduce_max3A_850 = vector.extract %reduce_max3A_849[15] : i32 from vector<16xi32>
        %add3A_851 = arith.addi %scan3A_828, %reduce_max3A_850 : i32
        scf.yield %add3A_851 : i32
      }
      %scan3A_388 = arith.constant 16 : i32
      %while3A_389 = arith.constant 0 : i32
      %while3A_390 = arith.constant 0 : i32
      %while3A_391 = arith.subi %shift_right_arithmetic3A_297, %while3A_390 : i32
      %while3A_392 = arith.addi %while3A_390, %while3A_391 : i32
      %while3A_393 = arith.constant 1 : i32
      %while3A_394 = arith.divsi %while3A_391, %while3A_393 : i32
      %while3A_395 = arith.muli %while3A_394, %while3A_393 : i32
      %while3A_396 = arith.addi %while3A_390, %while3A_395 : i32
      %while3A_397 = arith.constant 1 : i32
      scf.for %while3A_827 = %while3A_390 to %while3A_396 step %while3A_397  : i32 {
        %mul3A_828 = arith.constant 16 : i32
        %mul3A_829 = arith.muli %while3A_827, %mul3A_828 : i32
        %get3A_830 = arith.index_cast %mul3A_829 : i32 to index
        %get3A_831 = tpu.vector_load %arg12[%get3A_830] {strides = array<i32>} : memref<4096xi32, #tpu.memory_space<vmem>>, vector<16xi32>,
        %mul3A_832 = arith.constant 16 : i32
        %mul3A_833 = arith.muli %while3A_827, %mul3A_832 : i32
        %get3A_834 = arith.index_cast %mul3A_833 : i32 to index
        %get3A_835 = tpu.vector_load %arg13[%get3A_834] {strides = array<i32>} : memref<4096xi32, #tpu.memory_space<vmem>>, vector<16xi32>,
        %shift_right_arithmetic3A_836 = arith.constant 8 : i32
        %shift_right_arithmetic3A_837 = vector.broadcast %shift_right_arithmetic3A_836 : i32 to vector<16xi32>
        %shift_right_arithmetic3A_838 = arith.shrsi %get3A_831, %shift_right_arithmetic3A_837 : vector<16xi32>
        %and3A_839 = arith.constant 255 : i32
        %and3A_840 = vector.broadcast %and3A_839 : i32 to vector<16xi32>
        %and3A_841 = arith.andi %shift_right_arithmetic3A_838, %and3A_840 : vector<16xi32>
        %sub3A_842 = arith.constant 255 : i32
        %sub3A_843 = vector.broadcast %sub3A_842 : i32 to vector<16xi32>
        %sub3A_844 = arith.subi %sub3A_843, %and3A_841 : vector<16xi32>
        %broadcast_in_dim3A_845 = arith.constant true
        %broadcast_in_dim3A_846 = vector.broadcast %broadcast_in_dim3A_845 : i1 to vector<16xi1>
        %unique3A, %unique3A_847 = tpu.scan_count mask(%broadcast_in_dim3A_846 : vector<16xi1>) value(%sub3A_844 : vector<16xi32>) : vector<16xi1>, vector<16xi32>
        %gather3A_848 = tpu.vector_load_idx %arg16[%sub3A_844] : memref<256xi32, #tpu.memory_space<vmem>>[vector<16xi32>], vector<16xi32>,
        %add3A_849 = arith.addi %gather3A_848, %unique3A_847 : vector<16xi32>
        %sub3A_850 = arith.constant 1 : i32
        %sub3A_851 = vector.broadcast %sub3A_850 : i32 to vector<16xi32>
        %sub3A_852 = arith.subi %add3A_849, %sub3A_851 : vector<16xi32>
        tpu.vector_store_idx %arg10[%sub3A_852], %get3A_831 : memref<4096xi32, #tpu.memory_space<vmem>>[vector<16xi32>], vector<16xi32>,
        tpu.vector_store_idx %arg11[%sub3A_852], %get3A_835 : memref<4096xi32, #tpu.memory_space<vmem>>[vector<16xi32>], vector<16xi32>,
        tpu.vector_store_idx %arg16[%sub3A_844], %unique3A_847 masked %unique3A {add = true} : memref<256xi32, #tpu.memory_space<vmem>>[vector<16xi32>], vector<16xi32>, vector<16xi1>
      }
      %while3A_398 = arith.constant 1 : i32
      scf.for %while3A_827 = %while3A_396 to %while3A_392 step %while3A_398  : i32 {
        %mul3A_828 = arith.constant 16 : i32
        %mul3A_829 = arith.muli %while3A_827, %mul3A_828 : i32
        %get3A_830 = arith.index_cast %mul3A_829 : i32 to index
        %get3A_831 = tpu.vector_load %arg12[%get3A_830] {strides = array<i32>} : memref<4096xi32, #tpu.memory_space<vmem>>, vector<16xi32>,
        %mul3A_832 = arith.constant 16 : i32
        %mul3A_833 = arith.muli %while3A_827, %mul3A_832 : i32
        %get3A_834 = arith.index_cast %mul3A_833 : i32 to index
        %get3A_835 = tpu.vector_load %arg13[%get3A_834] {strides = array<i32>} : memref<4096xi32, #tpu.memory_space<vmem>>, vector<16xi32>,
        %shift_right_arithmetic3A_836 = arith.constant 8 : i32
        %shift_right_arithmetic3A_837 = vector.broadcast %shift_right_arithmetic3A_836 : i32 to vector<16xi32>
        %shift_right_arithmetic3A_838 = arith.shrsi %get3A_831, %shift_right_arithmetic3A_837 : vector<16xi32>
        %and3A_839 = arith.constant 255 : i32
        %and3A_840 = vector.broadcast %and3A_839 : i32 to vector<16xi32>
        %and3A_841 = arith.andi %shift_right_arithmetic3A_838, %and3A_840 : vector<16xi32>
        %sub3A_842 = arith.constant 255 : i32
        %sub3A_843 = vector.broadcast %sub3A_842 : i32 to vector<16xi32>
        %sub3A_844 = arith.subi %sub3A_843, %and3A_841 : vector<16xi32>
        %broadcast_in_dim3A_845 = arith.constant true
        %broadcast_in_dim3A_846 = vector.broadcast %broadcast_in_dim3A_845 : i1 to vector<16xi1>
        %unique3A, %unique3A_847 = tpu.scan_count mask(%broadcast_in_dim3A_846 : vector<16xi1>) value(%sub3A_844 : vector<16xi32>) : vector<16xi1>, vector<16xi32>
        %gather3A_848 = tpu.vector_load_idx %arg16[%sub3A_844] : memref<256xi32, #tpu.memory_space<vmem>>[vector<16xi32>], vector<16xi32>,
        %add3A_849 = arith.addi %gather3A_848, %unique3A_847 : vector<16xi32>
        %sub3A_850 = arith.constant 1 : i32
        %sub3A_851 = vector.broadcast %sub3A_850 : i32 to vector<16xi32>
        %sub3A_852 = arith.subi %add3A_849, %sub3A_851 : vector<16xi32>
        tpu.vector_store_idx %arg10[%sub3A_852], %get3A_831 : memref<4096xi32, #tpu.memory_space<vmem>>[vector<16xi32>], vector<16xi32>,
        tpu.vector_store_idx %arg11[%sub3A_852], %get3A_835 : memref<4096xi32, #tpu.memory_space<vmem>>[vector<16xi32>], vector<16xi32>,
        tpu.vector_store_idx %arg16[%sub3A_844], %unique3A_847 masked %unique3A {add = true} : memref<256xi32, #tpu.memory_space<vmem>>[vector<16xi32>], vector<16xi32>, vector<16xi1>
      }
      %swap3A_399 = arith.constant 0 : index
      %swap3A_400 = tpu.vector_load %arg15[%swap3A_399] {strides = array<i32>} : memref<256xi32, #tpu.memory_space<vmem>>, vector<16xi32>,
      tpu.vector_store %arg15[%swap3A_399], %broadcast_in_dim3A_3 {strides = array<i32>} : memref<256xi32, #tpu.memory_space<vmem>>, vector<16xi32>,
      %swap3A_401 = arith.constant 16 : index
      %swap3A_402 = tpu.vector_load %arg15[%swap3A_401] {strides = array<i32>} : memref<256xi32, #tpu.memory_space<vmem>>, vector<16xi32>,
      tpu.vector_store %arg15[%swap3A_401], %broadcast_in_dim3A_3 {strides = array<i32>} : memref<256xi32, #tpu.memory_space<vmem>>, vector<16xi32>,
      %swap3A_403 = arith.constant 32 : index
      %swap3A_404 = tpu.vector_load %arg15[%swap3A_403] {strides = array<i32>} : memref<256xi32, #tpu.memory_space<vmem>>, vector<16xi32>,
      tpu.vector_store %arg15[%swap3A_403], %broadcast_in_dim3A_3 {strides = array<i32>} : memref<256xi32, #tpu.memory_space<vmem>>, vector<16xi32>,
      %swap3A_405 = arith.constant 48 : index
      %swap3A_406 = tpu.vector_load %arg15[%swap3A_405] {strides = array<i32>} : memref<256xi32, #tpu.memory_space<vmem>>, vector<16xi32>,
      tpu.vector_store %arg15[%swap3A_405], %broadcast_in_dim3A_3 {strides = array<i32>} : memref<256xi32, #tpu.memory_space<vmem>>, vector<16xi32>,
      %swap3A_407 = arith.constant 64 : index
      %swap3A_408 = tpu.vector_load %arg15[%swap3A_407] {strides = array<i32>} : memref<256xi32, #tpu.memory_space<vmem>>, vector<16xi32>,
      tpu.vector_store %arg15[%swap3A_407], %broadcast_in_dim3A_3 {strides = array<i32>} : memref<256xi32, #tpu.memory_space<vmem>>, vector<16xi32>,
      %swap3A_409 = arith.constant 80 : index
      %swap3A_410 = tpu.vector_load %arg15[%swap3A_409] {strides = array<i32>} : memref<256xi32, #tpu.memory_space<vmem>>, vector<16xi32>,
      tpu.vector_store %arg15[%swap3A_409], %broadcast_in_dim3A_3 {strides = array<i32>} : memref<256xi32, #tpu.memory_space<vmem>>, vector<16xi32>,
      %swap3A_411 = arith.constant 96 : index
      %swap3A_412 = tpu.vector_load %arg15[%swap3A_411] {strides = array<i32>} : memref<256xi32, #tpu.memory_space<vmem>>, vector<16xi32>,
      tpu.vector_store %arg15[%swap3A_411], %broadcast_in_dim3A_3 {strides = array<i32>} : memref<256xi32, #tpu.memory_space<vmem>>, vector<16xi32>,
      %swap3A_413 = arith.constant 112 : index
      %swap3A_414 = tpu.vector_load %arg15[%swap3A_413] {strides = array<i32>} : memref<256xi32, #tpu.memory_space<vmem>>, vector<16xi32>,
      tpu.vector_store %arg15[%swap3A_413], %broadcast_in_dim3A_3 {strides = array<i32>} : memref<256xi32, #tpu.memory_space<vmem>>, vector<16xi32>,
      %swap3A_415 = arith.constant 128 : index
      %swap3A_416 = tpu.vector_load %arg15[%swap3A_415] {strides = array<i32>} : memref<256xi32, #tpu.memory_space<vmem>>, vector<16xi32>,
      tpu.vector_store %arg15[%swap3A_415], %broadcast_in_dim3A_3 {strides = array<i32>} : memref<256xi32, #tpu.memory_space<vmem>>, vector<16xi32>,
      %swap3A_417 = arith.constant 144 : index
      %swap3A_418 = tpu.vector_load %arg15[%swap3A_417] {strides = array<i32>} : memref<256xi32, #tpu.memory_space<vmem>>, vector<16xi32>,
      tpu.vector_store %arg15[%swap3A_417], %broadcast_in_dim3A_3 {strides = array<i32>} : memref<256xi32, #tpu.memory_space<vmem>>, vector<16xi32>,
      %swap3A_419 = arith.constant 160 : index
      %swap3A_420 = tpu.vector_load %arg15[%swap3A_419] {strides = array<i32>} : memref<256xi32, #tpu.memory_space<vmem>>, vector<16xi32>,
      tpu.vector_store %arg15[%swap3A_419], %broadcast_in_dim3A_3 {strides = array<i32>} : memref<256xi32, #tpu.memory_space<vmem>>, vector<16xi32>,
      %swap3A_421 = arith.constant 176 : index
      %swap3A_422 = tpu.vector_load %arg15[%swap3A_421] {strides = array<i32>} : memref<256xi32, #tpu.memory_space<vmem>>, vector<16xi32>,
      tpu.vector_store %arg15[%swap3A_421], %broadcast_in_dim3A_3 {strides = array<i32>} : memref<256xi32, #tpu.memory_space<vmem>>, vector<16xi32>,
      %swap3A_423 = arith.constant 192 : index
      %swap3A_424 = tpu.vector_load %arg15[%swap3A_423] {strides = array<i32>} : memref<256xi32, #tpu.memory_space<vmem>>, vector<16xi32>,
      tpu.vector_store %arg15[%swap3A_423], %broadcast_in_dim3A_3 {strides = array<i32>} : memref<256xi32, #tpu.memory_space<vmem>>, vector<16xi32>,
      %swap3A_425 = arith.constant 208 : index
      %swap3A_426 = tpu.vector_load %arg15[%swap3A_425] {strides = array<i32>} : memref<256xi32, #tpu.memory_space<vmem>>, vector<16xi32>,
      tpu.vector_store %arg15[%swap3A_425], %broadcast_in_dim3A_3 {strides = array<i32>} : memref<256xi32, #tpu.memory_space<vmem>>, vector<16xi32>,
      %swap3A_427 = arith.constant 224 : index
      %swap3A_428 = tpu.vector_load %arg15[%swap3A_427] {strides = array<i32>} : memref<256xi32, #tpu.memory_space<vmem>>, vector<16xi32>,
      tpu.vector_store %arg15[%swap3A_427], %broadcast_in_dim3A_3 {strides = array<i32>} : memref<256xi32, #tpu.memory_space<vmem>>, vector<16xi32>,
      %swap3A_429 = arith.constant 240 : index
      %swap3A_430 = tpu.vector_load %arg15[%swap3A_429] {strides = array<i32>} : memref<256xi32, #tpu.memory_space<vmem>>, vector<16xi32>,
      tpu.vector_store %arg15[%swap3A_429], %broadcast_in_dim3A_3 {strides = array<i32>} : memref<256xi32, #tpu.memory_space<vmem>>, vector<16xi32>,
      %parallel_loop3A_431 = arith.constant 0 : i32
      %parallel_loop3A_432 = arith.constant 1 : i32
      scf.for %parallel_loop3A_827 = %parallel_loop3A_431 to %shift_right_arithmetic3A_297 step %parallel_loop3A_432  : i32 {
        %parallel_loop3A_828 = arith.constant 16 : i32
        %parallel_loop3A_829 = arith.muli %parallel_loop3A_827, %parallel_loop3A_828 : i32
        %parallel_loop3A_830 = arith.index_cast %parallel_loop3A_829 : i32 to index
        %parallel_loop3A_831 = tpu.vector_load %arg10[%parallel_loop3A_830] {strides = array<i32>} : memref<4096xi32, #tpu.memory_space<vmem>>, vector<16xi32>,
        %parallel_loop3A_832 = arith.constant 16 : i32
        %parallel_loop3A_833 = vector.broadcast %parallel_loop3A_832 : i32 to vector<16xi32>
        %parallel_loop3A_834 = arith.shrsi %parallel_loop3A_831, %parallel_loop3A_833 : vector<16xi32>
        %parallel_loop3A_835 = arith.constant 255 : i32
        %parallel_loop3A_836 = vector.broadcast %parallel_loop3A_835 : i32 to vector<16xi32>
        %parallel_loop3A_837 = arith.andi %parallel_loop3A_834, %parallel_loop3A_836 : vector<16xi32>
        %parallel_loop3A_838 = arith.constant 255 : i32
        %parallel_loop3A_839 = vector.broadcast %parallel_loop3A_838 : i32 to vector<16xi32>
        %parallel_loop3A_840 = arith.subi %parallel_loop3A_839, %parallel_loop3A_837 : vector<16xi32>
        tpu.vector_store_idx %arg15[%parallel_loop3A_840], %broadcast_in_dim3A_94 {add = true} : memref<256xi32, #tpu.memory_space<vmem>>[vector<16xi32>], vector<16xi32>,
      } {sc.loop_unroll_factor = 2 : i64, sc.parallel_access}
      %scan3A_433 = arith.constant 0 : i32
      %scan3A_434 = arith.constant 0 : i32
      %scan3A_435 = arith.constant 16 : i32
      %scan3A_436 = arith.addi %scan3A_434, %scan3A_435 : i32
      %scan3A_437 = arith.constant 1 : i32
      %scan3A_438 = scf.for %scan3A_827 = %scan3A_434 to %scan3A_436 step %scan3A_437 iter_args(%scan3A_828 = %scan3A_433) -> (i32)  : i32 {
        %mul3A_829 = arith.constant 16 : i32
        %mul3A_830 = arith.muli %scan3A_827, %mul3A_829 : i32
        %get3A_831 = arith.index_cast %mul3A_830 : i32 to index
        %get3A_832 = tpu.vector_load %arg15[%get3A_831] {strides = array<i32>} : memref<256xi32, #tpu.memory_space<vmem>>, vector<16xi32>,
        %broadcast_in_dim3A_833 = arith.constant true
        %broadcast_in_dim3A_834 = vector.broadcast %broadcast_in_dim3A_833 : i1 to vector<16xi1>
        %masked_cumsum3A_835 = tpu.scan <sum>, %get3A_832 masked %broadcast_in_dim3A_834 : vector<16xi32>, vector<16xi1> -> vector<16xi32>
        %sub3A_836 = arith.subi %masked_cumsum3A_835, %get3A_832 : vector<16xi32>
        %add3A_837 = vector.broadcast %scan3A_828 : i32 to vector<16xi32>
        %add3A_838 = arith.addi %sub3A_836, %add3A_837 : vector<16xi32>
        %mul3A_839 = arith.constant 16 : i32
        %mul3A_840 = arith.muli %scan3A_827, %mul3A_839 : i32
        %swap3A_841 = arith.index_cast %mul3A_840 : i32 to index
        %swap3A_842 = tpu.vector_load %arg16[%swap3A_841] {strides = array<i32>} : memref<256xi32, #tpu.memory_space<vmem>>, vector<16xi32>,
        tpu.vector_store %arg16[%swap3A_841], %add3A_838 {strides = array<i32>} : memref<256xi32, #tpu.memory_space<vmem>>, vector<16xi32>,
        %reduce_max3A_843 = arith.constant true
        %reduce_max3A_844 = vector.broadcast %reduce_max3A_843 : i1 to vector<16xi1>
        %reduce_max3A_845 = arith.constant -2147483648 : i32
        %reduce_max3A_846 = vector.broadcast %reduce_max3A_845 : i32 to vector<16xi32>
        %reduce_max3A_847 = arith.xori %masked_cumsum3A_835, %reduce_max3A_846 : vector<16xi32>
        %reduce_max3A_848 = tpu.scan <max>, %reduce_max3A_847 masked %reduce_max3A_844 : vector<16xi32>, vector<16xi1> -> vector<16xi32>
        %reduce_max3A_849 = arith.xori %reduce_max3A_848, %reduce_max3A_846 : vector<16xi32>
        %reduce_max3A_850 = vector.extract %reduce_max3A_849[15] : i32 from vector<16xi32>
        %add3A_851 = arith.addi %scan3A_828, %reduce_max3A_850 : i32
        scf.yield %add3A_851 : i32
      }
      %scan3A_439 = arith.constant 16 : i32
      %while3A_440 = arith.constant 0 : i32
      %while3A_441 = arith.constant 0 : i32
      %while3A_442 = arith.subi %shift_right_arithmetic3A_297, %while3A_441 : i32
      %while3A_443 = arith.addi %while3A_441, %while3A_442 : i32
      %while3A_444 = arith.constant 1 : i32
      %while3A_445 = arith.divsi %while3A_442, %while3A_444 : i32
      %while3A_446 = arith.muli %while3A_445, %while3A_444 : i32
      %while3A_447 = arith.addi %while3A_441, %while3A_446 : i32
      %while3A_448 = arith.constant 1 : i32
      scf.for %while3A_827 = %while3A_441 to %while3A_447 step %while3A_448  : i32 {
        %mul3A_828 = arith.constant 16 : i32
        %mul3A_829 = arith.muli %while3A_827, %mul3A_828 : i32
        %get3A_830 = arith.index_cast %mul3A_829 : i32 to index
        %get3A_831 = tpu.vector_load %arg10[%get3A_830] {strides = array<i32>} : memref<4096xi32, #tpu.memory_space<vmem>>, vector<16xi32>,
        %mul3A_832 = arith.constant 16 : i32
        %mul3A_833 = arith.muli %while3A_827, %mul3A_832 : i32
        %get3A_834 = arith.index_cast %mul3A_833 : i32 to index
        %get3A_835 = tpu.vector_load %arg11[%get3A_834] {strides = array<i32>} : memref<4096xi32, #tpu.memory_space<vmem>>, vector<16xi32>,
        %shift_right_arithmetic3A_836 = arith.constant 16 : i32
        %shift_right_arithmetic3A_837 = vector.broadcast %shift_right_arithmetic3A_836 : i32 to vector<16xi32>
        %shift_right_arithmetic3A_838 = arith.shrsi %get3A_831, %shift_right_arithmetic3A_837 : vector<16xi32>
        %and3A_839 = arith.constant 255 : i32
        %and3A_840 = vector.broadcast %and3A_839 : i32 to vector<16xi32>
        %and3A_841 = arith.andi %shift_right_arithmetic3A_838, %and3A_840 : vector<16xi32>
        %sub3A_842 = arith.constant 255 : i32
        %sub3A_843 = vector.broadcast %sub3A_842 : i32 to vector<16xi32>
        %sub3A_844 = arith.subi %sub3A_843, %and3A_841 : vector<16xi32>
        %broadcast_in_dim3A_845 = arith.constant true
        %broadcast_in_dim3A_846 = vector.broadcast %broadcast_in_dim3A_845 : i1 to vector<16xi1>
        %unique3A, %unique3A_847 = tpu.scan_count mask(%broadcast_in_dim3A_846 : vector<16xi1>) value(%sub3A_844 : vector<16xi32>) : vector<16xi1>, vector<16xi32>
        %gather3A_848 = tpu.vector_load_idx %arg16[%sub3A_844] : memref<256xi32, #tpu.memory_space<vmem>>[vector<16xi32>], vector<16xi32>,
        %add3A_849 = arith.addi %gather3A_848, %unique3A_847 : vector<16xi32>
        %sub3A_850 = arith.constant 1 : i32
        %sub3A_851 = vector.broadcast %sub3A_850 : i32 to vector<16xi32>
        %sub3A_852 = arith.subi %add3A_849, %sub3A_851 : vector<16xi32>
        tpu.vector_store_idx %arg12[%sub3A_852], %get3A_831 : memref<4096xi32, #tpu.memory_space<vmem>>[vector<16xi32>], vector<16xi32>,
        tpu.vector_store_idx %arg13[%sub3A_852], %get3A_835 : memref<4096xi32, #tpu.memory_space<vmem>>[vector<16xi32>], vector<16xi32>,
        tpu.vector_store_idx %arg16[%sub3A_844], %unique3A_847 masked %unique3A {add = true} : memref<256xi32, #tpu.memory_space<vmem>>[vector<16xi32>], vector<16xi32>, vector<16xi1>
      }
      %while3A_449 = arith.constant 1 : i32
      scf.for %while3A_827 = %while3A_447 to %while3A_443 step %while3A_449  : i32 {
        %mul3A_828 = arith.constant 16 : i32
        %mul3A_829 = arith.muli %while3A_827, %mul3A_828 : i32
        %get3A_830 = arith.index_cast %mul3A_829 : i32 to index
        %get3A_831 = tpu.vector_load %arg10[%get3A_830] {strides = array<i32>} : memref<4096xi32, #tpu.memory_space<vmem>>, vector<16xi32>,
        %mul3A_832 = arith.constant 16 : i32
        %mul3A_833 = arith.muli %while3A_827, %mul3A_832 : i32
        %get3A_834 = arith.index_cast %mul3A_833 : i32 to index
        %get3A_835 = tpu.vector_load %arg11[%get3A_834] {strides = array<i32>} : memref<4096xi32, #tpu.memory_space<vmem>>, vector<16xi32>,
        %shift_right_arithmetic3A_836 = arith.constant 16 : i32
        %shift_right_arithmetic3A_837 = vector.broadcast %shift_right_arithmetic3A_836 : i32 to vector<16xi32>
        %shift_right_arithmetic3A_838 = arith.shrsi %get3A_831, %shift_right_arithmetic3A_837 : vector<16xi32>
        %and3A_839 = arith.constant 255 : i32
        %and3A_840 = vector.broadcast %and3A_839 : i32 to vector<16xi32>
        %and3A_841 = arith.andi %shift_right_arithmetic3A_838, %and3A_840 : vector<16xi32>
        %sub3A_842 = arith.constant 255 : i32
        %sub3A_843 = vector.broadcast %sub3A_842 : i32 to vector<16xi32>
        %sub3A_844 = arith.subi %sub3A_843, %and3A_841 : vector<16xi32>
        %broadcast_in_dim3A_845 = arith.constant true
        %broadcast_in_dim3A_846 = vector.broadcast %broadcast_in_dim3A_845 : i1 to vector<16xi1>
        %unique3A, %unique3A_847 = tpu.scan_count mask(%broadcast_in_dim3A_846 : vector<16xi1>) value(%sub3A_844 : vector<16xi32>) : vector<16xi1>, vector<16xi32>
        %gather3A_848 = tpu.vector_load_idx %arg16[%sub3A_844] : memref<256xi32, #tpu.memory_space<vmem>>[vector<16xi32>], vector<16xi32>,
        %add3A_849 = arith.addi %gather3A_848, %unique3A_847 : vector<16xi32>
        %sub3A_850 = arith.constant 1 : i32
        %sub3A_851 = vector.broadcast %sub3A_850 : i32 to vector<16xi32>
        %sub3A_852 = arith.subi %add3A_849, %sub3A_851 : vector<16xi32>
        tpu.vector_store_idx %arg12[%sub3A_852], %get3A_831 : memref<4096xi32, #tpu.memory_space<vmem>>[vector<16xi32>], vector<16xi32>,
        tpu.vector_store_idx %arg13[%sub3A_852], %get3A_835 : memref<4096xi32, #tpu.memory_space<vmem>>[vector<16xi32>], vector<16xi32>,
        tpu.vector_store_idx %arg16[%sub3A_844], %unique3A_847 masked %unique3A {add = true} : memref<256xi32, #tpu.memory_space<vmem>>[vector<16xi32>], vector<16xi32>, vector<16xi1>
      }
      %swap3A_450 = arith.constant 0 : index
      %swap3A_451 = tpu.vector_load %arg15[%swap3A_450] {strides = array<i32>} : memref<256xi32, #tpu.memory_space<vmem>>, vector<16xi32>,
      tpu.vector_store %arg15[%swap3A_450], %broadcast_in_dim3A_3 {strides = array<i32>} : memref<256xi32, #tpu.memory_space<vmem>>, vector<16xi32>,
      %swap3A_452 = arith.constant 16 : index
      %swap3A_453 = tpu.vector_load %arg15[%swap3A_452] {strides = array<i32>} : memref<256xi32, #tpu.memory_space<vmem>>, vector<16xi32>,
      tpu.vector_store %arg15[%swap3A_452], %broadcast_in_dim3A_3 {strides = array<i32>} : memref<256xi32, #tpu.memory_space<vmem>>, vector<16xi32>,
      %swap3A_454 = arith.constant 32 : index
      %swap3A_455 = tpu.vector_load %arg15[%swap3A_454] {strides = array<i32>} : memref<256xi32, #tpu.memory_space<vmem>>, vector<16xi32>,
      tpu.vector_store %arg15[%swap3A_454], %broadcast_in_dim3A_3 {strides = array<i32>} : memref<256xi32, #tpu.memory_space<vmem>>, vector<16xi32>,
      %swap3A_456 = arith.constant 48 : index
      %swap3A_457 = tpu.vector_load %arg15[%swap3A_456] {strides = array<i32>} : memref<256xi32, #tpu.memory_space<vmem>>, vector<16xi32>,
      tpu.vector_store %arg15[%swap3A_456], %broadcast_in_dim3A_3 {strides = array<i32>} : memref<256xi32, #tpu.memory_space<vmem>>, vector<16xi32>,
      %swap3A_458 = arith.constant 64 : index
      %swap3A_459 = tpu.vector_load %arg15[%swap3A_458] {strides = array<i32>} : memref<256xi32, #tpu.memory_space<vmem>>, vector<16xi32>,
      tpu.vector_store %arg15[%swap3A_458], %broadcast_in_dim3A_3 {strides = array<i32>} : memref<256xi32, #tpu.memory_space<vmem>>, vector<16xi32>,
      %swap3A_460 = arith.constant 80 : index
      %swap3A_461 = tpu.vector_load %arg15[%swap3A_460] {strides = array<i32>} : memref<256xi32, #tpu.memory_space<vmem>>, vector<16xi32>,
      tpu.vector_store %arg15[%swap3A_460], %broadcast_in_dim3A_3 {strides = array<i32>} : memref<256xi32, #tpu.memory_space<vmem>>, vector<16xi32>,
      %swap3A_462 = arith.constant 96 : index
      %swap3A_463 = tpu.vector_load %arg15[%swap3A_462] {strides = array<i32>} : memref<256xi32, #tpu.memory_space<vmem>>, vector<16xi32>,
      tpu.vector_store %arg15[%swap3A_462], %broadcast_in_dim3A_3 {strides = array<i32>} : memref<256xi32, #tpu.memory_space<vmem>>, vector<16xi32>,
      %swap3A_464 = arith.constant 112 : index
      %swap3A_465 = tpu.vector_load %arg15[%swap3A_464] {strides = array<i32>} : memref<256xi32, #tpu.memory_space<vmem>>, vector<16xi32>,
      tpu.vector_store %arg15[%swap3A_464], %broadcast_in_dim3A_3 {strides = array<i32>} : memref<256xi32, #tpu.memory_space<vmem>>, vector<16xi32>,
      %swap3A_466 = arith.constant 128 : index
      %swap3A_467 = tpu.vector_load %arg15[%swap3A_466] {strides = array<i32>} : memref<256xi32, #tpu.memory_space<vmem>>, vector<16xi32>,
      tpu.vector_store %arg15[%swap3A_466], %broadcast_in_dim3A_3 {strides = array<i32>} : memref<256xi32, #tpu.memory_space<vmem>>, vector<16xi32>,
      %swap3A_468 = arith.constant 144 : index
      %swap3A_469 = tpu.vector_load %arg15[%swap3A_468] {strides = array<i32>} : memref<256xi32, #tpu.memory_space<vmem>>, vector<16xi32>,
      tpu.vector_store %arg15[%swap3A_468], %broadcast_in_dim3A_3 {strides = array<i32>} : memref<256xi32, #tpu.memory_space<vmem>>, vector<16xi32>,
      %swap3A_470 = arith.constant 160 : index
      %swap3A_471 = tpu.vector_load %arg15[%swap3A_470] {strides = array<i32>} : memref<256xi32, #tpu.memory_space<vmem>>, vector<16xi32>,
      tpu.vector_store %arg15[%swap3A_470], %broadcast_in_dim3A_3 {strides = array<i32>} : memref<256xi32, #tpu.memory_space<vmem>>, vector<16xi32>,
      %swap3A_472 = arith.constant 176 : index
      %swap3A_473 = tpu.vector_load %arg15[%swap3A_472] {strides = array<i32>} : memref<256xi32, #tpu.memory_space<vmem>>, vector<16xi32>,
      tpu.vector_store %arg15[%swap3A_472], %broadcast_in_dim3A_3 {strides = array<i32>} : memref<256xi32, #tpu.memory_space<vmem>>, vector<16xi32>,
      %swap3A_474 = arith.constant 192 : index
      %swap3A_475 = tpu.vector_load %arg15[%swap3A_474] {strides = array<i32>} : memref<256xi32, #tpu.memory_space<vmem>>, vector<16xi32>,
      tpu.vector_store %arg15[%swap3A_474], %broadcast_in_dim3A_3 {strides = array<i32>} : memref<256xi32, #tpu.memory_space<vmem>>, vector<16xi32>,
      %swap3A_476 = arith.constant 208 : index
      %swap3A_477 = tpu.vector_load %arg15[%swap3A_476] {strides = array<i32>} : memref<256xi32, #tpu.memory_space<vmem>>, vector<16xi32>,
      tpu.vector_store %arg15[%swap3A_476], %broadcast_in_dim3A_3 {strides = array<i32>} : memref<256xi32, #tpu.memory_space<vmem>>, vector<16xi32>,
      %swap3A_478 = arith.constant 224 : index
      %swap3A_479 = tpu.vector_load %arg15[%swap3A_478] {strides = array<i32>} : memref<256xi32, #tpu.memory_space<vmem>>, vector<16xi32>,
      tpu.vector_store %arg15[%swap3A_478], %broadcast_in_dim3A_3 {strides = array<i32>} : memref<256xi32, #tpu.memory_space<vmem>>, vector<16xi32>,
      %swap3A_480 = arith.constant 240 : index
      %swap3A_481 = tpu.vector_load %arg15[%swap3A_480] {strides = array<i32>} : memref<256xi32, #tpu.memory_space<vmem>>, vector<16xi32>,
      tpu.vector_store %arg15[%swap3A_480], %broadcast_in_dim3A_3 {strides = array<i32>} : memref<256xi32, #tpu.memory_space<vmem>>, vector<16xi32>,
      %parallel_loop3A_482 = arith.constant 0 : i32
      %parallel_loop3A_483 = arith.constant 1 : i32
      scf.for %parallel_loop3A_827 = %parallel_loop3A_482 to %shift_right_arithmetic3A_297 step %parallel_loop3A_483  : i32 {
        %parallel_loop3A_828 = arith.constant 16 : i32
        %parallel_loop3A_829 = arith.muli %parallel_loop3A_827, %parallel_loop3A_828 : i32
        %parallel_loop3A_830 = arith.index_cast %parallel_loop3A_829 : i32 to index
        %parallel_loop3A_831 = tpu.vector_load %arg12[%parallel_loop3A_830] {strides = array<i32>} : memref<4096xi32, #tpu.memory_space<vmem>>, vector<16xi32>,
        %parallel_loop3A_832 = arith.constant 24 : i32
        %parallel_loop3A_833 = vector.broadcast %parallel_loop3A_832 : i32 to vector<16xi32>
        %parallel_loop3A_834 = arith.shrsi %parallel_loop3A_831, %parallel_loop3A_833 : vector<16xi32>
        %parallel_loop3A_835 = arith.constant 255 : i32
        %parallel_loop3A_836 = vector.broadcast %parallel_loop3A_835 : i32 to vector<16xi32>
        %parallel_loop3A_837 = arith.andi %parallel_loop3A_834, %parallel_loop3A_836 : vector<16xi32>
        %parallel_loop3A_838 = arith.constant 255 : i32
        %parallel_loop3A_839 = vector.broadcast %parallel_loop3A_838 : i32 to vector<16xi32>
        %parallel_loop3A_840 = arith.subi %parallel_loop3A_839, %parallel_loop3A_837 : vector<16xi32>
        tpu.vector_store_idx %arg15[%parallel_loop3A_840], %broadcast_in_dim3A_94 {add = true} : memref<256xi32, #tpu.memory_space<vmem>>[vector<16xi32>], vector<16xi32>,
      } {sc.loop_unroll_factor = 2 : i64, sc.parallel_access}
      %scan3A_484 = arith.constant 0 : i32
      %scan3A_485 = arith.constant 0 : i32
      %scan3A_486 = arith.constant 16 : i32
      %scan3A_487 = arith.addi %scan3A_485, %scan3A_486 : i32
      %scan3A_488 = arith.constant 1 : i32
      %scan3A_489 = scf.for %scan3A_827 = %scan3A_485 to %scan3A_487 step %scan3A_488 iter_args(%scan3A_828 = %scan3A_484) -> (i32)  : i32 {
        %mul3A_829 = arith.constant 16 : i32
        %mul3A_830 = arith.muli %scan3A_827, %mul3A_829 : i32
        %get3A_831 = arith.index_cast %mul3A_830 : i32 to index
        %get3A_832 = tpu.vector_load %arg15[%get3A_831] {strides = array<i32>} : memref<256xi32, #tpu.memory_space<vmem>>, vector<16xi32>,
        %broadcast_in_dim3A_833 = arith.constant true
        %broadcast_in_dim3A_834 = vector.broadcast %broadcast_in_dim3A_833 : i1 to vector<16xi1>
        %masked_cumsum3A_835 = tpu.scan <sum>, %get3A_832 masked %broadcast_in_dim3A_834 : vector<16xi32>, vector<16xi1> -> vector<16xi32>
        %sub3A_836 = arith.subi %masked_cumsum3A_835, %get3A_832 : vector<16xi32>
        %add3A_837 = vector.broadcast %scan3A_828 : i32 to vector<16xi32>
        %add3A_838 = arith.addi %sub3A_836, %add3A_837 : vector<16xi32>
        %mul3A_839 = arith.constant 16 : i32
        %mul3A_840 = arith.muli %scan3A_827, %mul3A_839 : i32
        %swap3A_841 = arith.index_cast %mul3A_840 : i32 to index
        %swap3A_842 = tpu.vector_load %arg16[%swap3A_841] {strides = array<i32>} : memref<256xi32, #tpu.memory_space<vmem>>, vector<16xi32>,
        tpu.vector_store %arg16[%swap3A_841], %add3A_838 {strides = array<i32>} : memref<256xi32, #tpu.memory_space<vmem>>, vector<16xi32>,
        %reduce_max3A_843 = arith.constant true
        %reduce_max3A_844 = vector.broadcast %reduce_max3A_843 : i1 to vector<16xi1>
        %reduce_max3A_845 = arith.constant -2147483648 : i32
        %reduce_max3A_846 = vector.broadcast %reduce_max3A_845 : i32 to vector<16xi32>
        %reduce_max3A_847 = arith.xori %masked_cumsum3A_835, %reduce_max3A_846 : vector<16xi32>
        %reduce_max3A_848 = tpu.scan <max>, %reduce_max3A_847 masked %reduce_max3A_844 : vector<16xi32>, vector<16xi1> -> vector<16xi32>
        %reduce_max3A_849 = arith.xori %reduce_max3A_848, %reduce_max3A_846 : vector<16xi32>
        %reduce_max3A_850 = vector.extract %reduce_max3A_849[15] : i32 from vector<16xi32>
        %add3A_851 = arith.addi %scan3A_828, %reduce_max3A_850 : i32
        scf.yield %add3A_851 : i32
      }
      %scan3A_490 = arith.constant 16 : i32
      %while3A_491 = arith.constant 0 : i32
      %while3A_492 = arith.constant 0 : i32
      %while3A_493 = arith.subi %shift_right_arithmetic3A_297, %while3A_492 : i32
      %while3A_494 = arith.addi %while3A_492, %while3A_493 : i32
      %while3A_495 = arith.constant 1 : i32
      %while3A_496 = arith.divsi %while3A_493, %while3A_495 : i32
      %while3A_497 = arith.muli %while3A_496, %while3A_495 : i32
      %while3A_498 = arith.addi %while3A_492, %while3A_497 : i32
      %while3A_499 = arith.constant 1 : i32
      scf.for %while3A_827 = %while3A_492 to %while3A_498 step %while3A_499  : i32 {
        %mul3A_828 = arith.constant 16 : i32
        %mul3A_829 = arith.muli %while3A_827, %mul3A_828 : i32
        %get3A_830 = arith.index_cast %mul3A_829 : i32 to index
        %get3A_831 = tpu.vector_load %arg12[%get3A_830] {strides = array<i32>} : memref<4096xi32, #tpu.memory_space<vmem>>, vector<16xi32>,
        %mul3A_832 = arith.constant 16 : i32
        %mul3A_833 = arith.muli %while3A_827, %mul3A_832 : i32
        %get3A_834 = arith.index_cast %mul3A_833 : i32 to index
        %get3A_835 = tpu.vector_load %arg13[%get3A_834] {strides = array<i32>} : memref<4096xi32, #tpu.memory_space<vmem>>, vector<16xi32>,
        %shift_right_arithmetic3A_836 = arith.constant 24 : i32
        %shift_right_arithmetic3A_837 = vector.broadcast %shift_right_arithmetic3A_836 : i32 to vector<16xi32>
        %shift_right_arithmetic3A_838 = arith.shrsi %get3A_831, %shift_right_arithmetic3A_837 : vector<16xi32>
        %and3A_839 = arith.constant 255 : i32
        %and3A_840 = vector.broadcast %and3A_839 : i32 to vector<16xi32>
        %and3A_841 = arith.andi %shift_right_arithmetic3A_838, %and3A_840 : vector<16xi32>
        %sub3A_842 = arith.constant 255 : i32
        %sub3A_843 = vector.broadcast %sub3A_842 : i32 to vector<16xi32>
        %sub3A_844 = arith.subi %sub3A_843, %and3A_841 : vector<16xi32>
        %broadcast_in_dim3A_845 = arith.constant true
        %broadcast_in_dim3A_846 = vector.broadcast %broadcast_in_dim3A_845 : i1 to vector<16xi1>
        %unique3A, %unique3A_847 = tpu.scan_count mask(%broadcast_in_dim3A_846 : vector<16xi1>) value(%sub3A_844 : vector<16xi32>) : vector<16xi1>, vector<16xi32>
        %gather3A_848 = tpu.vector_load_idx %arg16[%sub3A_844] : memref<256xi32, #tpu.memory_space<vmem>>[vector<16xi32>], vector<16xi32>,
        %add3A_849 = arith.addi %gather3A_848, %unique3A_847 : vector<16xi32>
        %sub3A_850 = arith.constant 1 : i32
        %sub3A_851 = vector.broadcast %sub3A_850 : i32 to vector<16xi32>
        %sub3A_852 = arith.subi %add3A_849, %sub3A_851 : vector<16xi32>
        tpu.vector_store_idx %arg10[%sub3A_852], %get3A_831 : memref<4096xi32, #tpu.memory_space<vmem>>[vector<16xi32>], vector<16xi32>,
        tpu.vector_store_idx %arg11[%sub3A_852], %get3A_835 : memref<4096xi32, #tpu.memory_space<vmem>>[vector<16xi32>], vector<16xi32>,
        tpu.vector_store_idx %arg16[%sub3A_844], %unique3A_847 masked %unique3A {add = true} : memref<256xi32, #tpu.memory_space<vmem>>[vector<16xi32>], vector<16xi32>, vector<16xi1>
      }
      %while3A_500 = arith.constant 1 : i32
      scf.for %while3A_827 = %while3A_498 to %while3A_494 step %while3A_500  : i32 {
        %mul3A_828 = arith.constant 16 : i32
        %mul3A_829 = arith.muli %while3A_827, %mul3A_828 : i32
        %get3A_830 = arith.index_cast %mul3A_829 : i32 to index
        %get3A_831 = tpu.vector_load %arg12[%get3A_830] {strides = array<i32>} : memref<4096xi32, #tpu.memory_space<vmem>>, vector<16xi32>,
        %mul3A_832 = arith.constant 16 : i32
        %mul3A_833 = arith.muli %while3A_827, %mul3A_832 : i32
        %get3A_834 = arith.index_cast %mul3A_833 : i32 to index
        %get3A_835 = tpu.vector_load %arg13[%get3A_834] {strides = array<i32>} : memref<4096xi32, #tpu.memory_space<vmem>>, vector<16xi32>,
        %shift_right_arithmetic3A_836 = arith.constant 24 : i32
        %shift_right_arithmetic3A_837 = vector.broadcast %shift_right_arithmetic3A_836 : i32 to vector<16xi32>
        %shift_right_arithmetic3A_838 = arith.shrsi %get3A_831, %shift_right_arithmetic3A_837 : vector<16xi32>
        %and3A_839 = arith.constant 255 : i32
        %and3A_840 = vector.broadcast %and3A_839 : i32 to vector<16xi32>
        %and3A_841 = arith.andi %shift_right_arithmetic3A_838, %and3A_840 : vector<16xi32>
        %sub3A_842 = arith.constant 255 : i32
        %sub3A_843 = vector.broadcast %sub3A_842 : i32 to vector<16xi32>
        %sub3A_844 = arith.subi %sub3A_843, %and3A_841 : vector<16xi32>
        %broadcast_in_dim3A_845 = arith.constant true
        %broadcast_in_dim3A_846 = vector.broadcast %broadcast_in_dim3A_845 : i1 to vector<16xi1>
        %unique3A, %unique3A_847 = tpu.scan_count mask(%broadcast_in_dim3A_846 : vector<16xi1>) value(%sub3A_844 : vector<16xi32>) : vector<16xi1>, vector<16xi32>
        %gather3A_848 = tpu.vector_load_idx %arg16[%sub3A_844] : memref<256xi32, #tpu.memory_space<vmem>>[vector<16xi32>], vector<16xi32>,
        %add3A_849 = arith.addi %gather3A_848, %unique3A_847 : vector<16xi32>
        %sub3A_850 = arith.constant 1 : i32
        %sub3A_851 = vector.broadcast %sub3A_850 : i32 to vector<16xi32>
        %sub3A_852 = arith.subi %add3A_849, %sub3A_851 : vector<16xi32>
        tpu.vector_store_idx %arg10[%sub3A_852], %get3A_831 : memref<4096xi32, #tpu.memory_space<vmem>>[vector<16xi32>], vector<16xi32>,
        tpu.vector_store_idx %arg11[%sub3A_852], %get3A_835 : memref<4096xi32, #tpu.memory_space<vmem>>[vector<16xi32>], vector<16xi32>,
        tpu.vector_store_idx %arg16[%sub3A_844], %unique3A_847 masked %unique3A {add = true} : memref<256xi32, #tpu.memory_space<vmem>>[vector<16xi32>], vector<16xi32>, vector<16xi1>
      }
      "tpu.trace_stop"() : () -> ()
      %get3A_501 = arith.constant 0 : index
      %get3A_502 = tpu.vector_load %arg10[%get3A_501] {strides = array<i32>} : memref<4096xi32, #tpu.memory_space<vmem>>, vector<16xi32>,
      %bitcast_convert_type3A_503 = tpu.bitcast %get3A_502 : vector<16xi32> -> vector<16xf32>
      %div3A_504 = vector.broadcast %reduce_sum3A_116 : f32 to vector<16xf32>
      %div3A_505 = arith.divf %bitcast_convert_type3A_503, %div3A_504 : vector<16xf32>
      %mul3A_506 = vector.broadcast %reduce_sum3A_45 : f32 to vector<16xf32>
      %mul3A_507 = arith.mulf %div3A_505, %mul3A_506 : vector<16xf32>
      %iota3A_508 = tpu.iota {dimensions = array<i32: 0>} : vector<16xi32>
      %eq3A_509 = arith.constant 0 : i32
      %eq3A_510 = vector.broadcast %eq3A_509 : i32 to vector<16xi32>
      %eq3A_511 = arith.cmpi eq, %iota3A_508, %eq3A_510 : vector<16xi32>
      %broadcast_in_dim3A_512 = arith.constant 0.000000e+00 : f32
      %broadcast_in_dim3A_513 = vector.broadcast %broadcast_in_dim3A_512 : f32 to vector<16xf32>
      %select_n3A_514 = arith.select %eq3A_511, %mul3A_507, %broadcast_in_dim3A_513 : vector<16xi1>, vector<16xf32>
      %reduce_sum3A_515 = arith.constant true
      %reduce_sum3A_516 = vector.broadcast %reduce_sum3A_515 : i1 to vector<16xi1>
      %reduce_sum3A_517 = tpu.scan <sum>, %select_n3A_514 masked %reduce_sum3A_516 : vector<16xf32>, vector<16xi1> -> vector<16xf32>
      %reduce_sum3A_518 = vector.extract %reduce_sum3A_517[15] : f32 from vector<16xf32>
      %while3A_519 = arith.constant 0 : i32
      %while3A_520 = arith.constant 0.000000e+00 : f32
      %while3A_521 = arith.constant 0 : i32
      %while3A_522 = arith.constant 0 : i32
      %while3A_523 = arith.subi %shift_right_arithmetic3A_297, %while3A_519 : i32
      %while3A_524 = arith.addi %while3A_519, %while3A_523 : i32
      %while3A_525 = arith.constant 1 : i32
      %while3A_526 = arith.divsi %while3A_523, %while3A_525 : i32
      %while3A_527 = arith.muli %while3A_526, %while3A_525 : i32
      %while3A_528 = arith.addi %while3A_519, %while3A_527 : i32
      %while3A_529 = arith.constant 1 : i32
      %while3A_530:3 = scf.for %while3A_827 = %while3A_519 to %while3A_528 step %while3A_529 iter_args(%while3A_828 = %while3A_520, %while3A_829 = %while3A_521, %while3A_830 = %while3A_522) -> (f32, i32, i32)  : i32 {
        %mul3A_831 = arith.constant 16 : i32
        %mul3A_832 = arith.muli %while3A_827, %mul3A_831 : i32
        %get3A_833 = arith.index_cast %mul3A_832 : i32 to index
        %get3A_834 = tpu.vector_load %arg10[%get3A_833] {strides = array<i32>} : memref<4096xi32, #tpu.memory_space<vmem>>, vector<16xi32>,
        %bitcast_convert_type3A_835 = tpu.bitcast %get3A_834 : vector<16xi32> -> vector<16xf32>
        %div3A_836 = vector.broadcast %reduce_sum3A_116 : f32 to vector<16xf32>
        %div3A_837 = arith.divf %bitcast_convert_type3A_835, %div3A_836 : vector<16xf32>
        %broadcast_in_dim3A_838 = arith.constant true
        %broadcast_in_dim3A_839 = vector.broadcast %broadcast_in_dim3A_838 : i1 to vector<16xi1>
        %masked_cumsum3A_840 = tpu.scan <sum>, %div3A_837 masked %broadcast_in_dim3A_839 : vector<16xf32>, vector<16xi1> -> vector<16xf32>
        %add3A_841 = vector.broadcast %while3A_828 : f32 to vector<16xf32>
        %add3A_842 = arith.addf %masked_cumsum3A_840, %add3A_841 : vector<16xf32>
        %mul3A_843 = arith.constant 16 : i32
        %mul3A_844 = arith.muli %while3A_827, %mul3A_843 : i32
        %swap3A_845 = arith.index_cast %mul3A_844 : i32 to index
        %swap3A_846 = tpu.vector_load %arg14[%swap3A_845] {strides = array<i32>} : memref<4096xf32, #tpu.memory_space<vmem>>, vector<16xf32>,
        tpu.vector_store %arg14[%swap3A_845], %add3A_842 {strides = array<i32>} : memref<4096xf32, #tpu.memory_space<vmem>>, vector<16xf32>,
        %mul3A_847 = arith.constant 16 : i32
        %mul3A_848 = arith.muli %while3A_827, %mul3A_847 : i32
        %add3A_849 = vector.broadcast %mul3A_848 : i32 to vector<16xi32>
        %add3A_850 = arith.addi %add3A_849, %iota3A : vector<16xi32>
        %lt3A_851 = vector.broadcast %reduce_max3A_290 : i32 to vector<16xi32>
        %lt3A_852 = arith.cmpi slt, %add3A_850, %lt3A_851 : vector<16xi32>
        %sub3A_853 = arith.subf %add3A_842, %div3A_837 : vector<16xf32>
        %le3A_854 = vector.broadcast %reduce_sum3A_34 : f32 to vector<16xf32>
        %le3A_855 = arith.cmpf ole, %sub3A_853, %le3A_854 : vector<16xf32>
        %and3A_856 = arith.andi %le3A_855, %lt3A_852 : vector<16xi1>
        %convert_element_type3A_857 = arith.extui %and3A_856 : vector<16xi1> to vector<16xi32>
        %reduce_sum3A_858 = arith.constant true
        %reduce_sum3A_859 = vector.broadcast %reduce_sum3A_858 : i1 to vector<16xi1>
        %reduce_sum3A_860 = tpu.scan <sum>, %convert_element_type3A_857 masked %reduce_sum3A_859 : vector<16xi32>, vector<16xi1> -> vector<16xi32>
        %reduce_sum3A_861 = vector.extract %reduce_sum3A_860[15] : i32 from vector<16xi32>
        %add3A_862 = arith.addi %while3A_829, %reduce_sum3A_861 : i32
        %ge3A_863 = vector.broadcast %reduce_sum3A_518 : f32 to vector<16xf32>
        %ge3A_864 = arith.cmpf oge, %div3A_837, %ge3A_863 : vector<16xf32>
        %and3A_865 = arith.andi %ge3A_864, %lt3A_852 : vector<16xi1>
        %convert_element_type3A_866 = arith.extui %and3A_865 : vector<16xi1> to vector<16xi32>
        %reduce_sum3A_867 = arith.constant true
        %reduce_sum3A_868 = vector.broadcast %reduce_sum3A_867 : i1 to vector<16xi1>
        %reduce_sum3A_869 = tpu.scan <sum>, %convert_element_type3A_866 masked %reduce_sum3A_868 : vector<16xi32>, vector<16xi1> -> vector<16xi32>
        %reduce_sum3A_870 = vector.extract %reduce_sum3A_869[15] : i32 from vector<16xi32>
        %add3A_871 = arith.addi %while3A_830, %reduce_sum3A_870 : i32
        %reduce_max3A_872 = arith.constant true
        %reduce_max3A_873 = vector.broadcast %reduce_max3A_872 : i1 to vector<16xi1>
        %reduce_max3A_874 = tpu.scan <max>, %add3A_842 masked %reduce_max3A_873 : vector<16xf32>, vector<16xi1> -> vector<16xf32>
        %reduce_max3A_875 = vector.extract %reduce_max3A_874[15] : f32 from vector<16xf32>
        scf.yield %reduce_max3A_875, %add3A_862, %add3A_871 : f32, i32, i32
      }
      %while3A_531 = arith.constant 1 : i32
      %while3A_532:3 = scf.for %while3A_827 = %while3A_528 to %while3A_524 step %while3A_531 iter_args(%while3A_828 = %while3A_530#0, %while3A_829 = %while3A_530#1, %while3A_830 = %while3A_530#2) -> (f32, i32, i32)  : i32 {
        %mul3A_831 = arith.constant 16 : i32
        %mul3A_832 = arith.muli %while3A_827, %mul3A_831 : i32
        %get3A_833 = arith.index_cast %mul3A_832 : i32 to index
        %get3A_834 = tpu.vector_load %arg10[%get3A_833] {strides = array<i32>} : memref<4096xi32, #tpu.memory_space<vmem>>, vector<16xi32>,
        %bitcast_convert_type3A_835 = tpu.bitcast %get3A_834 : vector<16xi32> -> vector<16xf32>
        %div3A_836 = vector.broadcast %reduce_sum3A_116 : f32 to vector<16xf32>
        %div3A_837 = arith.divf %bitcast_convert_type3A_835, %div3A_836 : vector<16xf32>
        %broadcast_in_dim3A_838 = arith.constant true
        %broadcast_in_dim3A_839 = vector.broadcast %broadcast_in_dim3A_838 : i1 to vector<16xi1>
        %masked_cumsum3A_840 = tpu.scan <sum>, %div3A_837 masked %broadcast_in_dim3A_839 : vector<16xf32>, vector<16xi1> -> vector<16xf32>
        %add3A_841 = vector.broadcast %while3A_828 : f32 to vector<16xf32>
        %add3A_842 = arith.addf %masked_cumsum3A_840, %add3A_841 : vector<16xf32>
        %mul3A_843 = arith.constant 16 : i32
        %mul3A_844 = arith.muli %while3A_827, %mul3A_843 : i32
        %swap3A_845 = arith.index_cast %mul3A_844 : i32 to index
        %swap3A_846 = tpu.vector_load %arg14[%swap3A_845] {strides = array<i32>} : memref<4096xf32, #tpu.memory_space<vmem>>, vector<16xf32>,
        tpu.vector_store %arg14[%swap3A_845], %add3A_842 {strides = array<i32>} : memref<4096xf32, #tpu.memory_space<vmem>>, vector<16xf32>,
        %mul3A_847 = arith.constant 16 : i32
        %mul3A_848 = arith.muli %while3A_827, %mul3A_847 : i32
        %add3A_849 = vector.broadcast %mul3A_848 : i32 to vector<16xi32>
        %add3A_850 = arith.addi %add3A_849, %iota3A : vector<16xi32>
        %lt3A_851 = vector.broadcast %reduce_max3A_290 : i32 to vector<16xi32>
        %lt3A_852 = arith.cmpi slt, %add3A_850, %lt3A_851 : vector<16xi32>
        %sub3A_853 = arith.subf %add3A_842, %div3A_837 : vector<16xf32>
        %le3A_854 = vector.broadcast %reduce_sum3A_34 : f32 to vector<16xf32>
        %le3A_855 = arith.cmpf ole, %sub3A_853, %le3A_854 : vector<16xf32>
        %and3A_856 = arith.andi %le3A_855, %lt3A_852 : vector<16xi1>
        %convert_element_type3A_857 = arith.extui %and3A_856 : vector<16xi1> to vector<16xi32>
        %reduce_sum3A_858 = arith.constant true
        %reduce_sum3A_859 = vector.broadcast %reduce_sum3A_858 : i1 to vector<16xi1>
        %reduce_sum3A_860 = tpu.scan <sum>, %convert_element_type3A_857 masked %reduce_sum3A_859 : vector<16xi32>, vector<16xi1> -> vector<16xi32>
        %reduce_sum3A_861 = vector.extract %reduce_sum3A_860[15] : i32 from vector<16xi32>
        %add3A_862 = arith.addi %while3A_829, %reduce_sum3A_861 : i32
        %ge3A_863 = vector.broadcast %reduce_sum3A_518 : f32 to vector<16xf32>
        %ge3A_864 = arith.cmpf oge, %div3A_837, %ge3A_863 : vector<16xf32>
        %and3A_865 = arith.andi %ge3A_864, %lt3A_852 : vector<16xi1>
        %convert_element_type3A_866 = arith.extui %and3A_865 : vector<16xi1> to vector<16xi32>
        %reduce_sum3A_867 = arith.constant true
        %reduce_sum3A_868 = vector.broadcast %reduce_sum3A_867 : i1 to vector<16xi1>
        %reduce_sum3A_869 = tpu.scan <sum>, %convert_element_type3A_866 masked %reduce_sum3A_868 : vector<16xi32>, vector<16xi1> -> vector<16xi32>
        %reduce_sum3A_870 = vector.extract %reduce_sum3A_869[15] : i32 from vector<16xi32>
        %add3A_871 = arith.addi %while3A_830, %reduce_sum3A_870 : i32
        %reduce_max3A_872 = arith.constant true
        %reduce_max3A_873 = vector.broadcast %reduce_max3A_872 : i1 to vector<16xi1>
        %reduce_max3A_874 = tpu.scan <max>, %add3A_842 masked %reduce_max3A_873 : vector<16xf32>, vector<16xi1> -> vector<16xf32>
        %reduce_max3A_875 = vector.extract %reduce_max3A_874[15] : f32 from vector<16xf32>
        scf.yield %reduce_max3A_875, %add3A_862, %add3A_871 : f32, i32, i32
      }
      %lt3A = arith.cmpi slt, %while3A_532#1, %reduce_max3A_290 : i32
      %jit3A_533 = arith.constant 1073741824 : i32
      %select_n3A_534 = arith.select %lt3A, %while3A_532#1, %jit3A_533 : i32
      %lt3A_535 = arith.cmpi slt, %while3A_532#2, %reduce_max3A_290 : i32
      %jit3A_536 = arith.constant 1073741824 : i32
      %select_n3A_537 = arith.select %lt3A_535, %while3A_532#2, %jit3A_536 : i32
      %min3A_538 = arith.minsi %convert_element_type3A, %select_n3A_534 : i32
      %min3A_539 = arith.minsi %min3A_538, %select_n3A_537 : i32
      %min3A_540 = arith.minsi %min3A_539, %reduce_max3A_290 : i32
      %sub3A_541 = arith.constant 1 : i32
      %sub3A_542 = arith.subi %min3A_540, %sub3A_541 : i32
      %broadcast_in_dim3A_543 = vector.broadcast %sub3A_542 : i32 to vector<16xi32>
      %gather3A = tpu.vector_load_idx %arg14[%broadcast_in_dim3A_543] : memref<4096xf32, #tpu.memory_space<vmem>>[vector<16xi32>], vector<16xf32>,
      %reduce_max3A_544 = arith.constant true
      %reduce_max3A_545 = vector.broadcast %reduce_max3A_544 : i1 to vector<16xi1>
      %reduce_max3A_546 = tpu.scan <max>, %gather3A masked %reduce_max3A_545 : vector<16xf32>, vector<16xi1> -> vector<16xf32>
      %reduce_max3A_547 = vector.extract %reduce_max3A_546[15] : f32 from vector<16xf32>
      %mul3A_548 = arith.mulf %reduce_sum3A_56, %reduce_max3A_547 : f32
      %while3A_549 = arith.constant 0 : i32
      %while3A_550 = arith.constant 0 : i32
      %while3A_551 = arith.subi %shift_right_arithmetic3A_297, %while3A_549 : i32
      %while3A_552 = arith.addi %while3A_549, %while3A_551 : i32
      %while3A_553 = arith.constant 1 : i32
      %while3A_554 = arith.divsi %while3A_551, %while3A_553 : i32
      %while3A_555 = arith.muli %while3A_554, %while3A_553 : i32
      %while3A_556 = arith.addi %while3A_549, %while3A_555 : i32
      %while3A_557 = arith.constant 1 : i32
      %while3A_558 = scf.for %while3A_827 = %while3A_549 to %while3A_556 step %while3A_557 iter_args(%while3A_828 = %while3A_550) -> (i32)  : i32 {
        %mul3A_829 = arith.constant 16 : i32
        %mul3A_830 = arith.muli %while3A_827, %mul3A_829 : i32
        %get3A_831 = arith.index_cast %mul3A_830 : i32 to index
        %get3A_832 = tpu.vector_load %arg14[%get3A_831] {strides = array<i32>} : memref<4096xf32, #tpu.memory_space<vmem>>, vector<16xf32>,
        %mul3A_833 = arith.constant 16 : i32
        %mul3A_834 = arith.muli %while3A_827, %mul3A_833 : i32
        %add3A_835 = vector.broadcast %mul3A_834 : i32 to vector<16xi32>
        %add3A_836 = arith.addi %add3A_835, %iota3A : vector<16xi32>
        %lt3A_837 = vector.broadcast %mul3A_548 : f32 to vector<16xf32>
        %lt3A_838 = arith.cmpf olt, %get3A_832, %lt3A_837 : vector<16xf32>
        %lt3A_839 = vector.broadcast %min3A_540 : i32 to vector<16xi32>
        %lt3A_840 = arith.cmpi slt, %add3A_836, %lt3A_839 : vector<16xi32>
        %and3A_841 = arith.andi %lt3A_838, %lt3A_840 : vector<16xi1>
        %convert_element_type3A_842 = arith.extui %and3A_841 : vector<16xi1> to vector<16xi32>
        %reduce_sum3A_843 = arith.constant true
        %reduce_sum3A_844 = vector.broadcast %reduce_sum3A_843 : i1 to vector<16xi1>
        %reduce_sum3A_845 = tpu.scan <sum>, %convert_element_type3A_842 masked %reduce_sum3A_844 : vector<16xi32>, vector<16xi1> -> vector<16xi32>
        %reduce_sum3A_846 = vector.extract %reduce_sum3A_845[15] : i32 from vector<16xi32>
        %add3A_847 = arith.addi %while3A_828, %reduce_sum3A_846 : i32
        scf.yield %add3A_847 : i32
      }
      %while3A_559 = arith.constant 1 : i32
      %while3A_560 = scf.for %while3A_827 = %while3A_556 to %while3A_552 step %while3A_559 iter_args(%while3A_828 = %while3A_558) -> (i32)  : i32 {
        %mul3A_829 = arith.constant 16 : i32
        %mul3A_830 = arith.muli %while3A_827, %mul3A_829 : i32
        %get3A_831 = arith.index_cast %mul3A_830 : i32 to index
        %get3A_832 = tpu.vector_load %arg14[%get3A_831] {strides = array<i32>} : memref<4096xf32, #tpu.memory_space<vmem>>, vector<16xf32>,
        %mul3A_833 = arith.constant 16 : i32
        %mul3A_834 = arith.muli %while3A_827, %mul3A_833 : i32
        %add3A_835 = vector.broadcast %mul3A_834 : i32 to vector<16xi32>
        %add3A_836 = arith.addi %add3A_835, %iota3A : vector<16xi32>
        %lt3A_837 = vector.broadcast %mul3A_548 : f32 to vector<16xf32>
        %lt3A_838 = arith.cmpf olt, %get3A_832, %lt3A_837 : vector<16xf32>
        %lt3A_839 = vector.broadcast %min3A_540 : i32 to vector<16xi32>
        %lt3A_840 = arith.cmpi slt, %add3A_836, %lt3A_839 : vector<16xi32>
        %and3A_841 = arith.andi %lt3A_838, %lt3A_840 : vector<16xi1>
        %convert_element_type3A_842 = arith.extui %and3A_841 : vector<16xi1> to vector<16xi32>
        %reduce_sum3A_843 = arith.constant true
        %reduce_sum3A_844 = vector.broadcast %reduce_sum3A_843 : i1 to vector<16xi1>
        %reduce_sum3A_845 = tpu.scan <sum>, %convert_element_type3A_842 masked %reduce_sum3A_844 : vector<16xi32>, vector<16xi1> -> vector<16xi32>
        %reduce_sum3A_846 = vector.extract %reduce_sum3A_845[15] : i32 from vector<16xi32>
        %add3A_847 = arith.addi %while3A_828, %reduce_sum3A_846 : i32
        scf.yield %add3A_847 : i32
      }
      %sub3A_561 = arith.constant 1 : i32
      %sub3A_562 = arith.subi %min3A_540, %sub3A_561 : i32
      %min3A_563 = arith.minsi %while3A_560, %sub3A_562 : i32
      %broadcast_in_dim3A_564 = vector.broadcast %min3A_563 : i32 to vector<16xi32>
      %gather3A_565 = tpu.vector_load_idx %arg11[%broadcast_in_dim3A_564] : memref<4096xi32, #tpu.memory_space<vmem>>[vector<16xi32>], vector<16xi32>,
      %broadcast_in_dim3A_566 = vector.broadcast %min3A_563 : i32 to vector<16xi32>
      %gather3A_567 = tpu.vector_load_idx %arg10[%broadcast_in_dim3A_566] : memref<4096xi32, #tpu.memory_space<vmem>>[vector<16xi32>], vector<16xi32>,
      %bitcast_convert_type3A_568 = tpu.bitcast %gather3A_567 : vector<16xi32> -> vector<16xf32>
      %div3A_569 = vector.broadcast %reduce_sum3A_116 : f32 to vector<16xf32>
      %div3A_570 = arith.divf %bitcast_convert_type3A_568, %div3A_569 : vector<16xf32>
      %lt3A_571 = arith.cmpi slt, %while3A_532#1, %reduce_max3A_290 : i32
      %sub3A_572 = arith.constant 1 : i32
      %sub3A_573 = arith.subi %while3A_532#1, %sub3A_572 : i32
      %broadcast_in_dim3A_574 = vector.broadcast %sub3A_573 : i32 to vector<16xi32>
      %gather3A_575 = tpu.vector_load_idx %arg14[%broadcast_in_dim3A_574] : memref<4096xf32, #tpu.memory_space<vmem>>[vector<16xi32>], vector<16xf32>,
      %reduce_max3A_576 = arith.constant true
      %reduce_max3A_577 = vector.broadcast %reduce_max3A_576 : i1 to vector<16xi1>
      %reduce_max3A_578 = tpu.scan <max>, %gather3A_575 masked %reduce_max3A_577 : vector<16xf32>, vector<16xi1> -> vector<16xf32>
      %reduce_max3A_579 = vector.extract %reduce_max3A_578[15] : f32 from vector<16xf32>
      %mul3A_580 = arith.mulf %reduce_sum3A_34, %reduce_sum3A_116 : f32
      %sub3A_581 = arith.constant 1 : i32
      %sub3A_582 = arith.subi %reduce_max3A_290, %sub3A_581 : i32
      %broadcast_in_dim3A_583 = vector.broadcast %sub3A_582 : i32 to vector<16xi32>
      %gather3A_584 = tpu.vector_load_idx %arg14[%broadcast_in_dim3A_583] : memref<4096xf32, #tpu.memory_space<vmem>>[vector<16xi32>], vector<16xf32>,
      %reduce_max3A_585 = arith.constant true
      %reduce_max3A_586 = vector.broadcast %reduce_max3A_585 : i1 to vector<16xi1>
      %reduce_max3A_587 = tpu.scan <max>, %gather3A_584 masked %reduce_max3A_586 : vector<16xf32>, vector<16xi1> -> vector<16xf32>
      %reduce_max3A_588 = vector.extract %reduce_max3A_587[15] : f32 from vector<16xf32>
      %mul3A_589 = arith.mulf %reduce_max3A_588, %reduce_sum3A_116 : f32
      %jit3A_590 = arith.constant 1 : i32
      %jit3A_591 = arith.constant 0 : i32
      %select_n3A_592 = arith.select %lt3A_571, %jit3A_590, %jit3A_591 : i32
      %while3A_593 = arith.constant 0 : i32
      %while3A_594 = arith.constant 1.000000e+00 : f32
      %while3A_595:4 = scf.while (%while3A_827 = %while3A_593, %while3A_828 = %mul3A_589, %while3A_829 = %while3A_594, %while3A_830 = %select_n3A_592) : (i32, f32, f32, i32) -> (i32, f32, f32, i32) {
        %eq3A_831 = arith.constant 0 : i32
        %eq3A_832 = arith.cmpi eq, %while3A_830, %eq3A_831 : i32
        %lt3A_833 = arith.constant 496 : i32
        %lt3A_834 = arith.cmpi slt, %while3A_827, %lt3A_833 : i32
        %and3A_835 = arith.andi %eq3A_832, %lt3A_834 : i1
        scf.condition(%and3A_835) %while3A_827, %while3A_828, %while3A_829, %while3A_830 : i32, f32, f32, i32
      } do {
      ^bb0(%while3A_827: i32, %while3A_828: f32, %while3A_829: f32, %while3A_830: i32):
        %sub3A_831 = arith.constant 1 : i32
        %sub3A_832 = arith.subi %select_n3A_159, %sub3A_831 : i32
        %mul3A_833 = arith.constant 16 : i32
        %mul3A_834 = arith.muli %while3A_827, %mul3A_833 : i32
        %add3A_835 = vector.broadcast %mul3A_834 : i32 to vector<16xi32>
        %add3A_836 = arith.addi %add3A_835, %iota3A : vector<16xi32>
        %sub3A_837 = vector.broadcast %sub3A_832 : i32 to vector<16xi32>
        %sub3A_838 = arith.subi %sub3A_837, %add3A_836 : vector<16xi32>
        %ge3A_839 = arith.constant 0 : i32
        %ge3A_840 = vector.broadcast %ge3A_839 : i32 to vector<16xi32>
        %ge3A_841 = arith.cmpi sge, %sub3A_838, %ge3A_840 : vector<16xi32>
        %max3A = arith.constant 0 : i32
        %max3A_842 = vector.broadcast %max3A : i32 to vector<16xi32>
        %max3A_843 = arith.maxsi %sub3A_838, %max3A_842 : vector<16xi32>
        %gather3A_844 = tpu.vector_load_idx %arg9[%max3A_843] : memref<7936xi32, #tpu.memory_space<vmem>>[vector<16xi32>], vector<16xi32>,
        %add3A_845 = arith.constant 24832 : i32
        %add3A_846 = vector.broadcast %add3A_845 : i32 to vector<16xi32>
        %add3A_847 = arith.addi %sub3A_838, %add3A_846 : vector<16xi32>
        %shift_left3A_848 = arith.constant 15 : i32
        %shift_left3A_849 = vector.broadcast %shift_left3A_848 : i32 to vector<16xi32>
        %shift_left3A_850 = arith.shli %add3A_847, %shift_left3A_849 : vector<16xi32>
        %or3A_851 = arith.constant 16384 : i32
        %or3A_852 = vector.broadcast %or3A_851 : i32 to vector<16xi32>
        %or3A_853 = arith.ori %shift_left3A_850, %or3A_852 : vector<16xi32>
        %bitcast_convert_type3A_854 = tpu.bitcast %or3A_853 : vector<16xi32> -> vector<16xf32>
        %convert_element_type3A_855 = arith.sitofp %gather3A_844 : vector<16xi32> to vector<16xf32>
        %mul3A_856 = arith.mulf %convert_element_type3A_855, %bitcast_convert_type3A_854 : vector<16xf32>
        %jit3A_857 = arith.constant 0.000000e+00 : f32
        %broadcast_in_dim3A_858 = vector.broadcast %jit3A_857 : f32 to vector<16xf32>
        %select_n3A_859 = arith.select %ge3A_841, %mul3A_856, %broadcast_in_dim3A_858 : vector<16xi1>, vector<16xf32>
        %broadcast_in_dim3A_860 = arith.constant true
        %broadcast_in_dim3A_861 = vector.broadcast %broadcast_in_dim3A_860 : i1 to vector<16xi1>
        %masked_cumsum3A_862 = tpu.scan <sum>, %select_n3A_859 masked %broadcast_in_dim3A_861 : vector<16xf32>, vector<16xi1> -> vector<16xf32>
        %add3A_863 = vector.broadcast %while3A_828 : f32 to vector<16xf32>
        %add3A_864 = arith.addf %masked_cumsum3A_862, %add3A_863 : vector<16xf32>
        %gt3A_865 = vector.broadcast %mul3A_580 : f32 to vector<16xf32>
        %gt3A_866 = arith.cmpf ogt, %add3A_864, %gt3A_865 : vector<16xf32>
        %and3A_867 = arith.andi %gt3A_866, %ge3A_841 : vector<16xi1>
        %jit3A_868 = arith.constant 1 : i32
        %jit3A_869 = arith.constant 0 : i32
        %broadcast_in_dim3A_870 = vector.broadcast %jit3A_868 : i32 to vector<16xi32>
        %broadcast_in_dim3A_871 = vector.broadcast %jit3A_869 : i32 to vector<16xi32>
        %select_n3A_872 = arith.select %and3A_867, %broadcast_in_dim3A_870, %broadcast_in_dim3A_871 : vector<16xi1>, vector<16xi32>
        %reduce_max3A_873 = arith.constant true
        %reduce_max3A_874 = vector.broadcast %reduce_max3A_873 : i1 to vector<16xi1>
        %reduce_max3A_875 = arith.constant -2147483648 : i32
        %reduce_max3A_876 = vector.broadcast %reduce_max3A_875 : i32 to vector<16xi32>
        %reduce_max3A_877 = arith.xori %select_n3A_872, %reduce_max3A_876 : vector<16xi32>
        %reduce_max3A_878 = tpu.scan <max>, %reduce_max3A_877 masked %reduce_max3A_874 : vector<16xi32>, vector<16xi1> -> vector<16xi32>
        %reduce_max3A_879 = arith.xori %reduce_max3A_878, %reduce_max3A_876 : vector<16xi32>
        %reduce_max3A_880 = vector.extract %reduce_max3A_879[15] : i32 from vector<16xi32>
        %all_reduce_ffs3A_881 = tpu.all_reduce %and3A_867 {dim = 0 : i64, kind = #tpu.reduction_kind<find_first_set>} : vector<16xi1> -> vector<16xi32>
        %reduce_max3A_882 = arith.constant true
        %reduce_max3A_883 = vector.broadcast %reduce_max3A_882 : i1 to vector<16xi1>
        %reduce_max3A_884 = arith.constant -2147483648 : i32
        %reduce_max3A_885 = vector.broadcast %reduce_max3A_884 : i32 to vector<16xi32>
        %reduce_max3A_886 = arith.xori %all_reduce_ffs3A_881, %reduce_max3A_885 : vector<16xi32>
        %reduce_max3A_887 = tpu.scan <max>, %reduce_max3A_886 masked %reduce_max3A_883 : vector<16xi32>, vector<16xi1> -> vector<16xi32>
        %reduce_max3A_888 = arith.xori %reduce_max3A_887, %reduce_max3A_885 : vector<16xi32>
        %reduce_max3A_889 = vector.extract %reduce_max3A_888[15] : i32 from vector<16xi32>
        %sub3A_890 = arith.subf %add3A_864, %select_n3A_859 : vector<16xf32>
        %sub3A_891 = vector.broadcast %mul3A_580 : f32 to vector<16xf32>
        %sub3A_892 = arith.subf %sub3A_891, %sub3A_890 : vector<16xf32>
        %div3A_893 = arith.divf %sub3A_892, %bitcast_convert_type3A_854 : vector<16xf32>
        %convert_element_type3A_894 = arith.fptosi %div3A_893 : vector<16xf32> to vector<16xi32>
        %convert_element_type3A_895 = arith.sitofp %convert_element_type3A_894 : vector<16xi32> to vector<16xf32>
        %lt3A_896 = arith.cmpf olt, %convert_element_type3A_895, %div3A_893 : vector<16xf32>
        %jit3A_897 = arith.constant 1.000000e+00 : f32
        %jit3A_898 = arith.constant 0.000000e+00 : f32
        %broadcast_in_dim3A_899 = vector.broadcast %jit3A_897 : f32 to vector<16xf32>
        %broadcast_in_dim3A_900 = vector.broadcast %jit3A_898 : f32 to vector<16xf32>
        %select_n3A_901 = arith.select %lt3A_896, %broadcast_in_dim3A_899, %broadcast_in_dim3A_900 : vector<16xi1>, vector<16xf32>
        %add3A_902 = arith.addf %convert_element_type3A_895, %select_n3A_901 : vector<16xf32>
        %add3A_903 = arith.constant 1.000000e+00 : f32
        %add3A_904 = vector.broadcast %add3A_903 : f32 to vector<16xf32>
        %add3A_905 = arith.addf %add3A_902, %add3A_904 : vector<16xf32>
        %mul3A_906 = arith.mulf %add3A_905, %bitcast_convert_type3A_854 : vector<16xf32>
        %add3A_907 = arith.addf %sub3A_890, %mul3A_906 : vector<16xf32>
        %div3A_908 = vector.broadcast %reduce_sum3A_116 : f32 to vector<16xf32>
        %div3A_909 = arith.divf %add3A_907, %div3A_908 : vector<16xf32>
        %iota3A_910 = tpu.iota {dimensions = array<i32: 0>} : vector<16xi32>
        %eq3A_911 = vector.broadcast %reduce_max3A_889 : i32 to vector<16xi32>
        %eq3A_912 = arith.cmpi eq, %iota3A_910, %eq3A_911 : vector<16xi32>
        %broadcast_in_dim3A_913 = arith.constant 0.000000e+00 : f32
        %broadcast_in_dim3A_914 = vector.broadcast %broadcast_in_dim3A_913 : f32 to vector<16xf32>
        %select_n3A_915 = arith.select %eq3A_912, %div3A_909, %broadcast_in_dim3A_914 : vector<16xi1>, vector<16xf32>
        %reduce_sum3A_916 = arith.constant true
        %reduce_sum3A_917 = vector.broadcast %reduce_sum3A_916 : i1 to vector<16xi1>
        %reduce_sum3A_918 = tpu.scan <sum>, %select_n3A_915 masked %reduce_sum3A_917 : vector<16xf32>, vector<16xi1> -> vector<16xf32>
        %reduce_sum3A_919 = vector.extract %reduce_sum3A_918[15] : f32 from vector<16xf32>
        %eq3A_920 = arith.constant 1 : i32
        %eq3A_921 = arith.cmpi eq, %reduce_max3A_880, %eq3A_920 : i32
        %select_n3A_922 = arith.select %eq3A_921, %reduce_sum3A_919, %while3A_829 : f32
        %jit3A_923 = arith.constant 1 : i32
        %jit3A_924 = arith.constant 0 : i32
        %broadcast_in_dim3A_925 = vector.broadcast %jit3A_923 : i32 to vector<16xi32>
        %broadcast_in_dim3A_926 = vector.broadcast %jit3A_924 : i32 to vector<16xi32>
        %select_n3A_927 = arith.select %ge3A_841, %broadcast_in_dim3A_925, %broadcast_in_dim3A_926 : vector<16xi1>, vector<16xi32>
        %reduce_max3A_928 = arith.constant true
        %reduce_max3A_929 = vector.broadcast %reduce_max3A_928 : i1 to vector<16xi1>
        %reduce_max3A_930 = arith.constant -2147483648 : i32
        %reduce_max3A_931 = vector.broadcast %reduce_max3A_930 : i32 to vector<16xi32>
        %reduce_max3A_932 = arith.xori %select_n3A_927, %reduce_max3A_931 : vector<16xi32>
        %reduce_max3A_933 = tpu.scan <max>, %reduce_max3A_932 masked %reduce_max3A_929 : vector<16xi32>, vector<16xi1> -> vector<16xi32>
        %reduce_max3A_934 = arith.xori %reduce_max3A_933, %reduce_max3A_931 : vector<16xi32>
        %reduce_max3A_935 = vector.extract %reduce_max3A_934[15] : i32 from vector<16xi32>
        %eq3A_936 = arith.constant 0 : i32
        %eq3A_937 = arith.cmpi eq, %reduce_max3A_935, %eq3A_936 : i32
        %or3A_938 = arith.ori %eq3A_921, %eq3A_937 : i1
        %jit3A_939 = arith.constant 1 : i32
        %select_n3A_940 = arith.select %or3A_938, %jit3A_939, %while3A_830 : i32
        %add3A_941 = arith.constant 1 : i32
        %add3A_942 = arith.addi %while3A_827, %add3A_941 : i32
        %reduce_max3A_943 = arith.constant true
        %reduce_max3A_944 = vector.broadcast %reduce_max3A_943 : i1 to vector<16xi1>
        %reduce_max3A_945 = tpu.scan <max>, %add3A_864 masked %reduce_max3A_944 : vector<16xf32>, vector<16xi1> -> vector<16xf32>
        %reduce_max3A_946 = vector.extract %reduce_max3A_945[15] : f32 from vector<16xf32>
        scf.yield %add3A_942, %reduce_max3A_946, %select_n3A_922, %select_n3A_940 : i32, f32, f32, i32
      }
      %min3A_596 = arith.constant 1.000000e+00 : f32
      %min3A_597 = arith.minimumf %while3A_595#2, %min3A_596 : f32
      %select_n3A_598 = arith.select %lt3A_571, %reduce_max3A_579, %min3A_597 : f32
      %bitcast_convert_type3A_599 = tpu.bitcast %div3A_570 : vector<16xf32> -> vector<16xi32>
      %shift_right_arithmetic3A_600 = arith.constant 23 : i32
      %shift_right_arithmetic3A_601 = vector.broadcast %shift_right_arithmetic3A_600 : i32 to vector<16xi32>
      %shift_right_arithmetic3A_602 = arith.shrsi %bitcast_convert_type3A_599, %shift_right_arithmetic3A_601 : vector<16xi32>
      %and3A_603 = arith.constant 255 : i32
      %and3A_604 = vector.broadcast %and3A_603 : i32 to vector<16xi32>
      %and3A_605 = arith.andi %shift_right_arithmetic3A_602, %and3A_604 : vector<16xi32>
      %sub3A_606 = arith.constant 127 : i32
      %sub3A_607 = vector.broadcast %sub3A_606 : i32 to vector<16xi32>
      %sub3A_608 = arith.subi %and3A_605, %sub3A_607 : vector<16xi32>
      %and3A_609 = arith.constant 8388607 : i32
      %and3A_610 = vector.broadcast %and3A_609 : i32 to vector<16xi32>
      %and3A_611 = arith.andi %bitcast_convert_type3A_599, %and3A_610 : vector<16xi32>
      %or3A_612 = arith.constant 1065353216 : i32
      %or3A_613 = vector.broadcast %or3A_612 : i32 to vector<16xi32>
      %or3A_614 = arith.ori %and3A_611, %or3A_613 : vector<16xi32>
      %bitcast_convert_type3A_615 = tpu.bitcast %or3A_614 : vector<16xi32> -> vector<16xf32>
      %gt3A_616 = arith.constant 1.41421354 : f32
      %gt3A_617 = vector.broadcast %gt3A_616 : f32 to vector<16xf32>
      %gt3A_618 = arith.cmpf ogt, %bitcast_convert_type3A_615, %gt3A_617 : vector<16xf32>
      %mul3A_619 = arith.constant 5.000000e-01 : f32
      %mul3A_620 = vector.broadcast %mul3A_619 : f32 to vector<16xf32>
      %mul3A_621 = arith.mulf %bitcast_convert_type3A_615, %mul3A_620 : vector<16xf32>
      %select_n3A_622 = arith.select %gt3A_618, %mul3A_621, %bitcast_convert_type3A_615 : vector<16xi1>, vector<16xf32>
      %jit3A_623 = arith.constant 1 : i32
      %jit3A_624 = arith.constant 0 : i32
      %broadcast_in_dim3A_625 = vector.broadcast %jit3A_623 : i32 to vector<16xi32>
      %broadcast_in_dim3A_626 = vector.broadcast %jit3A_624 : i32 to vector<16xi32>
      %select_n3A_627 = arith.select %gt3A_618, %broadcast_in_dim3A_625, %broadcast_in_dim3A_626 : vector<16xi1>, vector<16xi32>
      %add3A_628 = arith.addi %sub3A_608, %select_n3A_627 : vector<16xi32>
      %convert_element_type3A_629 = arith.sitofp %add3A_628 : vector<16xi32> to vector<16xf32>
      %sub3A_630 = arith.constant 1.000000e+00 : f32
      %sub3A_631 = vector.broadcast %sub3A_630 : f32 to vector<16xf32>
      %sub3A_632 = arith.subf %select_n3A_622, %sub3A_631 : vector<16xf32>
      %add3A_633 = arith.constant 1.000000e+00 : f32
      %add3A_634 = vector.broadcast %add3A_633 : f32 to vector<16xf32>
      %add3A_635 = arith.addf %select_n3A_622, %add3A_634 : vector<16xf32>
      %div3A_636 = arith.divf %sub3A_632, %add3A_635 : vector<16xf32>
      %mul3A_637 = arith.mulf %div3A_636, %div3A_636 : vector<16xf32>
      %mul3A_638 = arith.constant 2.000000e+00 : f32
      %mul3A_639 = vector.broadcast %mul3A_638 : f32 to vector<16xf32>
      %mul3A_640 = arith.mulf %mul3A_639, %div3A_636 : vector<16xf32>
      %div3A_641 = arith.constant 9.000000e+00 : f32
      %div3A_642 = vector.broadcast %div3A_641 : f32 to vector<16xf32>
      %div3A_643 = arith.divf %mul3A_637, %div3A_642 : vector<16xf32>
      %add3A_644 = arith.constant 0.142857149 : f32
      %add3A_645 = vector.broadcast %add3A_644 : f32 to vector<16xf32>
      %add3A_646 = arith.addf %add3A_645, %div3A_643 : vector<16xf32>
      %mul3A_647 = arith.mulf %mul3A_637, %add3A_646 : vector<16xf32>
      %add3A_648 = arith.constant 2.000000e-01 : f32
      %add3A_649 = vector.broadcast %add3A_648 : f32 to vector<16xf32>
      %add3A_650 = arith.addf %add3A_649, %mul3A_647 : vector<16xf32>
      %mul3A_651 = arith.mulf %mul3A_637, %add3A_650 : vector<16xf32>
      %add3A_652 = arith.constant 0.333333343 : f32
      %add3A_653 = vector.broadcast %add3A_652 : f32 to vector<16xf32>
      %add3A_654 = arith.addf %add3A_653, %mul3A_651 : vector<16xf32>
      %mul3A_655 = arith.mulf %mul3A_637, %add3A_654 : vector<16xf32>
      %add3A_656 = arith.constant 1.000000e+00 : f32
      %add3A_657 = vector.broadcast %add3A_656 : f32 to vector<16xf32>
      %add3A_658 = arith.addf %add3A_657, %mul3A_655 : vector<16xf32>
      %mul3A_659 = arith.mulf %mul3A_640, %add3A_658 : vector<16xf32>
      %mul3A_660 = arith.constant 0.693147182 : f32
      %mul3A_661 = vector.broadcast %mul3A_660 : f32 to vector<16xf32>
      %mul3A_662 = arith.mulf %convert_element_type3A_629, %mul3A_661 : vector<16xf32>
      %add3A_663 = arith.addf %mul3A_662, %mul3A_659 : vector<16xf32>
      %broadcast_in_dim3A_664 = vector.broadcast %select_n3A_598 : f32 to vector<16xf32>
      %bitcast_convert_type3A_665 = tpu.bitcast %broadcast_in_dim3A_664 : vector<16xf32> -> vector<16xi32>
      %shift_right_arithmetic3A_666 = arith.constant 23 : i32
      %shift_right_arithmetic3A_667 = vector.broadcast %shift_right_arithmetic3A_666 : i32 to vector<16xi32>
      %shift_right_arithmetic3A_668 = arith.shrsi %bitcast_convert_type3A_665, %shift_right_arithmetic3A_667 : vector<16xi32>
      %and3A_669 = arith.constant 255 : i32
      %and3A_670 = vector.broadcast %and3A_669 : i32 to vector<16xi32>
      %and3A_671 = arith.andi %shift_right_arithmetic3A_668, %and3A_670 : vector<16xi32>
      %sub3A_672 = arith.constant 127 : i32
      %sub3A_673 = vector.broadcast %sub3A_672 : i32 to vector<16xi32>
      %sub3A_674 = arith.subi %and3A_671, %sub3A_673 : vector<16xi32>
      %and3A_675 = arith.constant 8388607 : i32
      %and3A_676 = vector.broadcast %and3A_675 : i32 to vector<16xi32>
      %and3A_677 = arith.andi %bitcast_convert_type3A_665, %and3A_676 : vector<16xi32>
      %or3A_678 = arith.constant 1065353216 : i32
      %or3A_679 = vector.broadcast %or3A_678 : i32 to vector<16xi32>
      %or3A_680 = arith.ori %and3A_677, %or3A_679 : vector<16xi32>
      %bitcast_convert_type3A_681 = tpu.bitcast %or3A_680 : vector<16xi32> -> vector<16xf32>
      %gt3A_682 = arith.constant 1.41421354 : f32
      %gt3A_683 = vector.broadcast %gt3A_682 : f32 to vector<16xf32>
      %gt3A_684 = arith.cmpf ogt, %bitcast_convert_type3A_681, %gt3A_683 : vector<16xf32>
      %mul3A_685 = arith.constant 5.000000e-01 : f32
      %mul3A_686 = vector.broadcast %mul3A_685 : f32 to vector<16xf32>
      %mul3A_687 = arith.mulf %bitcast_convert_type3A_681, %mul3A_686 : vector<16xf32>
      %select_n3A_688 = arith.select %gt3A_684, %mul3A_687, %bitcast_convert_type3A_681 : vector<16xi1>, vector<16xf32>
      %jit3A_689 = arith.constant 1 : i32
      %jit3A_690 = arith.constant 0 : i32
      %broadcast_in_dim3A_691 = vector.broadcast %jit3A_689 : i32 to vector<16xi32>
      %broadcast_in_dim3A_692 = vector.broadcast %jit3A_690 : i32 to vector<16xi32>
      %select_n3A_693 = arith.select %gt3A_684, %broadcast_in_dim3A_691, %broadcast_in_dim3A_692 : vector<16xi1>, vector<16xi32>
      %add3A_694 = arith.addi %sub3A_674, %select_n3A_693 : vector<16xi32>
      %convert_element_type3A_695 = arith.sitofp %add3A_694 : vector<16xi32> to vector<16xf32>
      %sub3A_696 = arith.constant 1.000000e+00 : f32
      %sub3A_697 = vector.broadcast %sub3A_696 : f32 to vector<16xf32>
      %sub3A_698 = arith.subf %select_n3A_688, %sub3A_697 : vector<16xf32>
      %add3A_699 = arith.constant 1.000000e+00 : f32
      %add3A_700 = vector.broadcast %add3A_699 : f32 to vector<16xf32>
      %add3A_701 = arith.addf %select_n3A_688, %add3A_700 : vector<16xf32>
      %div3A_702 = arith.divf %sub3A_698, %add3A_701 : vector<16xf32>
      %mul3A_703 = arith.mulf %div3A_702, %div3A_702 : vector<16xf32>
      %mul3A_704 = arith.constant 2.000000e+00 : f32
      %mul3A_705 = vector.broadcast %mul3A_704 : f32 to vector<16xf32>
      %mul3A_706 = arith.mulf %mul3A_705, %div3A_702 : vector<16xf32>
      %div3A_707 = arith.constant 9.000000e+00 : f32
      %div3A_708 = vector.broadcast %div3A_707 : f32 to vector<16xf32>
      %div3A_709 = arith.divf %mul3A_703, %div3A_708 : vector<16xf32>
      %add3A_710 = arith.constant 0.142857149 : f32
      %add3A_711 = vector.broadcast %add3A_710 : f32 to vector<16xf32>
      %add3A_712 = arith.addf %add3A_711, %div3A_709 : vector<16xf32>
      %mul3A_713 = arith.mulf %mul3A_703, %add3A_712 : vector<16xf32>
      %add3A_714 = arith.constant 2.000000e-01 : f32
      %add3A_715 = vector.broadcast %add3A_714 : f32 to vector<16xf32>
      %add3A_716 = arith.addf %add3A_715, %mul3A_713 : vector<16xf32>
      %mul3A_717 = arith.mulf %mul3A_703, %add3A_716 : vector<16xf32>
      %add3A_718 = arith.constant 0.333333343 : f32
      %add3A_719 = vector.broadcast %add3A_718 : f32 to vector<16xf32>
      %add3A_720 = arith.addf %add3A_719, %mul3A_717 : vector<16xf32>
      %mul3A_721 = arith.mulf %mul3A_703, %add3A_720 : vector<16xf32>
      %add3A_722 = arith.constant 1.000000e+00 : f32
      %add3A_723 = vector.broadcast %add3A_722 : f32 to vector<16xf32>
      %add3A_724 = arith.addf %add3A_723, %mul3A_721 : vector<16xf32>
      %mul3A_725 = arith.mulf %mul3A_706, %add3A_724 : vector<16xf32>
      %mul3A_726 = arith.constant 0.693147182 : f32
      %mul3A_727 = vector.broadcast %mul3A_726 : f32 to vector<16xf32>
      %mul3A_728 = arith.mulf %convert_element_type3A_695, %mul3A_727 : vector<16xf32>
      %add3A_729 = arith.addf %mul3A_728, %mul3A_725 : vector<16xf32>
      %sub3A_730 = arith.subf %add3A_663, %add3A_729 : vector<16xf32>
      %eq3A_731 = arith.constant 1 : i32
      %eq3A_732 = vector.broadcast %eq3A_731 : i32 to vector<16xi32>
      %eq3A_733 = arith.cmpi eq, %iota3A, %eq3A_732 : vector<16xi32>
      %broadcast_in_dim3A_734 = vector.broadcast %reduce_max3A_290 : i32 to vector<16xi32>
      %select_n3A_735 = arith.select %eq3A_733, %broadcast_in_dim3A_734, %gather3A_565 : vector<16xi1>, vector<16xi32>
      %eq3A_736 = arith.constant 2 : i32
      %eq3A_737 = vector.broadcast %eq3A_736 : i32 to vector<16xi32>
      %eq3A_738 = arith.cmpi eq, %iota3A, %eq3A_737 : vector<16xi32>
      %broadcast_in_dim3A_739 = vector.broadcast %while3A_532#1 : i32 to vector<16xi32>
      %select_n3A_740 = arith.select %eq3A_738, %broadcast_in_dim3A_739, %select_n3A_735 : vector<16xi1>, vector<16xi32>
      %eq3A_741 = arith.constant 3 : i32
      %eq3A_742 = vector.broadcast %eq3A_741 : i32 to vector<16xi32>
      %eq3A_743 = arith.cmpi eq, %iota3A, %eq3A_742 : vector<16xi32>
      %broadcast_in_dim3A_744 = vector.broadcast %while3A_532#2 : i32 to vector<16xi32>
      %select_n3A_745 = arith.select %eq3A_743, %broadcast_in_dim3A_744, %select_n3A_740 : vector<16xi1>, vector<16xi32>
      %eq3A_746 = arith.constant 4 : i32
      %eq3A_747 = vector.broadcast %eq3A_746 : i32 to vector<16xi32>
      %eq3A_748 = arith.cmpi eq, %iota3A, %eq3A_747 : vector<16xi32>
      %broadcast_in_dim3A_749 = vector.broadcast %select_n3A_159 : i32 to vector<16xi32>
      %select_n3A_750 = arith.select %eq3A_748, %broadcast_in_dim3A_749, %select_n3A_745 : vector<16xi1>, vector<16xi32>
      %eq3A_751 = arith.constant 5 : i32
      %eq3A_752 = vector.broadcast %eq3A_751 : i32 to vector<16xi32>
      %eq3A_753 = arith.cmpi eq, %iota3A, %eq3A_752 : vector<16xi32>
      %broadcast_in_dim3A_754 = vector.broadcast %min3A_540 : i32 to vector<16xi32>
      %select_n3A_755 = arith.select %eq3A_753, %broadcast_in_dim3A_754, %select_n3A_750 : vector<16xi1>, vector<16xi32>
      %eq3A_756 = arith.constant 6 : i32
      %eq3A_757 = vector.broadcast %eq3A_756 : i32 to vector<16xi32>
      %eq3A_758 = arith.cmpi eq, %iota3A, %eq3A_757 : vector<16xi32>
      %broadcast_in_dim3A_759 = vector.broadcast %min3A_563 : i32 to vector<16xi32>
      %select_n3A_760 = arith.select %eq3A_758, %broadcast_in_dim3A_759, %select_n3A_755 : vector<16xi1>, vector<16xi32>
      %eq3A_761 = arith.constant 7 : i32
      %eq3A_762 = vector.broadcast %eq3A_761 : i32 to vector<16xi32>
      %eq3A_763 = arith.cmpi eq, %iota3A, %eq3A_762 : vector<16xi32>
      %broadcast_in_dim3A_764 = vector.broadcast %scan3A_129#0 : i32 to vector<16xi32>
      %select_n3A_765 = arith.select %eq3A_763, %broadcast_in_dim3A_764, %select_n3A_760 : vector<16xi1>, vector<16xi32>
      %eq3A_766 = arith.constant 8 : i32
      %eq3A_767 = vector.broadcast %eq3A_766 : i32 to vector<16xi32>
      %eq3A_768 = arith.cmpi eq, %iota3A, %eq3A_767 : vector<16xi32>
      %broadcast_in_dim3A_769 = vector.broadcast %convert_element_type3A : i32 to vector<16xi32>
      %select_n3A_770 = arith.select %eq3A_768, %broadcast_in_dim3A_769, %select_n3A_765 : vector<16xi1>, vector<16xi32>
      %jit3A_771 = arith.constant 1.000000e+00 : f32
      %jit3A_772 = arith.constant 0.000000e+00 : f32
      %select_n3A_773 = arith.select %lt3A_571, %jit3A_771, %jit3A_772 : f32
      %eq3A_774 = arith.constant 1 : i32
      %eq3A_775 = vector.broadcast %eq3A_774 : i32 to vector<16xi32>
      %eq3A_776 = arith.cmpi eq, %iota3A, %eq3A_775 : vector<16xi32>
      %broadcast_in_dim3A_777 = vector.broadcast %select_n3A_598 : f32 to vector<16xf32>
      %select_n3A_778 = arith.select %eq3A_776, %broadcast_in_dim3A_777, %sub3A_730 : vector<16xi1>, vector<16xf32>
      %eq3A_779 = arith.constant 2 : i32
      %eq3A_780 = vector.broadcast %eq3A_779 : i32 to vector<16xi32>
      %eq3A_781 = arith.cmpi eq, %iota3A, %eq3A_780 : vector<16xi32>
      %broadcast_in_dim3A_782 = vector.broadcast %reduce_max3A_579 : f32 to vector<16xf32>
      %select_n3A_783 = arith.select %eq3A_781, %broadcast_in_dim3A_782, %select_n3A_778 : vector<16xi1>, vector<16xf32>
      %eq3A_784 = arith.constant 3 : i32
      %eq3A_785 = vector.broadcast %eq3A_784 : i32 to vector<16xi32>
      %eq3A_786 = arith.cmpi eq, %iota3A, %eq3A_785 : vector<16xi32>
      %broadcast_in_dim3A_787 = vector.broadcast %while3A_595#2 : f32 to vector<16xf32>
      %select_n3A_788 = arith.select %eq3A_786, %broadcast_in_dim3A_787, %select_n3A_783 : vector<16xi1>, vector<16xf32>
      %eq3A_789 = arith.constant 4 : i32
      %eq3A_790 = vector.broadcast %eq3A_789 : i32 to vector<16xi32>
      %eq3A_791 = arith.cmpi eq, %iota3A, %eq3A_790 : vector<16xi32>
      %broadcast_in_dim3A_792 = vector.broadcast %reduce_sum3A_116 : f32 to vector<16xf32>
      %select_n3A_793 = arith.select %eq3A_791, %broadcast_in_dim3A_792, %select_n3A_788 : vector<16xi1>, vector<16xf32>
      %eq3A_794 = arith.constant 5 : i32
      %eq3A_795 = vector.broadcast %eq3A_794 : i32 to vector<16xi32>
      %eq3A_796 = arith.cmpi eq, %iota3A, %eq3A_795 : vector<16xi32>
      %broadcast_in_dim3A_797 = vector.broadcast %reduce_max3A_547 : f32 to vector<16xf32>
      %select_n3A_798 = arith.select %eq3A_796, %broadcast_in_dim3A_797, %select_n3A_793 : vector<16xi1>, vector<16xf32>
      %eq3A_799 = arith.constant 6 : i32
      %eq3A_800 = vector.broadcast %eq3A_799 : i32 to vector<16xi32>
      %eq3A_801 = arith.cmpi eq, %iota3A, %eq3A_800 : vector<16xi32>
      %broadcast_in_dim3A_802 = vector.broadcast %mul3A_548 : f32 to vector<16xf32>
      %select_n3A_803 = arith.select %eq3A_801, %broadcast_in_dim3A_802, %select_n3A_798 : vector<16xi1>, vector<16xf32>
      %eq3A_804 = arith.constant 7 : i32
      %eq3A_805 = vector.broadcast %eq3A_804 : i32 to vector<16xi32>
      %eq3A_806 = arith.cmpi eq, %iota3A, %eq3A_805 : vector<16xi32>
      %broadcast_in_dim3A_807 = vector.broadcast %reduce_sum3A_518 : f32 to vector<16xf32>
      %select_n3A_808 = arith.select %eq3A_806, %broadcast_in_dim3A_807, %select_n3A_803 : vector<16xi1>, vector<16xf32>
      %eq3A_809 = arith.constant 8 : i32
      %eq3A_810 = vector.broadcast %eq3A_809 : i32 to vector<16xi32>
      %eq3A_811 = arith.cmpi eq, %iota3A, %eq3A_810 : vector<16xi32>
      %broadcast_in_dim3A_812 = vector.broadcast %reduce_max3A_90 : f32 to vector<16xf32>
      %select_n3A_813 = arith.select %eq3A_811, %broadcast_in_dim3A_812, %select_n3A_808 : vector<16xi1>, vector<16xf32>
      %eq3A_814 = arith.constant 9 : i32
      %eq3A_815 = vector.broadcast %eq3A_814 : i32 to vector<16xi32>
      %eq3A_816 = arith.cmpi eq, %iota3A, %eq3A_815 : vector<16xi32>
      %broadcast_in_dim3A_817 = vector.broadcast %select_n3A_773 : f32 to vector<16xf32>
      %select_n3A_818 = arith.select %eq3A_816, %broadcast_in_dim3A_817, %select_n3A_813 : vector<16xi1>, vector<16xf32>
      %swap3A_819 = arith.constant 0 : index
      %swap3A_820 = tpu.vector_load %arg18[%swap3A_819] {strides = array<i32>} : memref<16xi32, #tpu.memory_space<vmem>>, vector<16xi32>,
      tpu.vector_store %arg18[%swap3A_819], %select_n3A_770 {strides = array<i32>} : memref<16xi32, #tpu.memory_space<vmem>>, vector<16xi32>,
      %swap3A_821 = arith.constant 0 : index
      %swap3A_822 = tpu.vector_load %arg19[%swap3A_821] {strides = array<i32>} : memref<16xf32, #tpu.memory_space<vmem>>, vector<16xf32>,
      tpu.vector_store %arg19[%swap3A_821], %select_n3A_818 {strides = array<i32>} : memref<16xf32, #tpu.memory_space<vmem>>, vector<16xf32>,
      %mul3A_823 = arith.constant 16 : i32
      %mul3A_824 = arith.muli %add3A_12, %mul3A_823 : i32
      "tpu.region"() ({
        %run_scoped3A = tpu.sem_alloc : memref<!tpu.dma_semaphore, #tpu.memory_space<semaphore_mem>>
        %dma_start3A_827 = tpu.memref_slice %arg4[%mul3A_824] : memref<2048xi32, #tpu.memory_space<hbm>> -> memref<16xi32, #tpu.memory_space<hbm>>
        %dma_start3A_828 = tpu.memref_slice %arg4[%mul3A_824] : memref<2048xi32, #tpu.memory_space<hbm>> -> memref<16xi32, #tpu.memory_space<hbm>>
        tpu.enqueue_dma source(%arg18 : memref<16xi32, #tpu.memory_space<vmem>>) target(%dma_start3A_828 : memref<16xi32, #tpu.memory_space<hbm>>) target_semaphore(%run_scoped3A : memref<!tpu.dma_semaphore, #tpu.memory_space<semaphore_mem>>)
        %dma_wait3A = tpu.memref_slice %arg4[%mul3A_824] : memref<2048xi32, #tpu.memory_space<hbm>> -> memref<16xi32, #tpu.memory_space<hbm>>
        %dma_wait3A_829 = tpu.memref_slice %arg4[%mul3A_824] : memref<2048xi32, #tpu.memory_space<hbm>> -> memref<16xi32, #tpu.memory_space<hbm>>
        tpu.wait_dma2 semaphore(%run_scoped3A : memref<!tpu.dma_semaphore, #tpu.memory_space<semaphore_mem>>) src(%arg18 : memref<16xi32, #tpu.memory_space<vmem>>) dst(%dma_wait3A_829 : memref<16xi32, #tpu.memory_space<hbm>>)
        tpu.yield
      }) : () -> ()
      %mul3A_825 = arith.constant 16 : i32
      %mul3A_826 = arith.muli %add3A_12, %mul3A_825 : i32
      "tpu.region"() ({
        %run_scoped3A = tpu.sem_alloc : memref<!tpu.dma_semaphore, #tpu.memory_space<semaphore_mem>>
        %dma_start3A_827 = tpu.memref_slice %arg5[%mul3A_826] : memref<2048xf32, #tpu.memory_space<hbm>> -> memref<16xf32, #tpu.memory_space<hbm>>
        %dma_start3A_828 = tpu.memref_slice %arg5[%mul3A_826] : memref<2048xf32, #tpu.memory_space<hbm>> -> memref<16xf32, #tpu.memory_space<hbm>>
        tpu.enqueue_dma source(%arg19 : memref<16xf32, #tpu.memory_space<vmem>>) target(%dma_start3A_828 : memref<16xf32, #tpu.memory_space<hbm>>) target_semaphore(%run_scoped3A : memref<!tpu.dma_semaphore, #tpu.memory_space<semaphore_mem>>)
        %dma_wait3A = tpu.memref_slice %arg5[%mul3A_826] : memref<2048xf32, #tpu.memory_space<hbm>> -> memref<16xf32, #tpu.memory_space<hbm>>
        %dma_wait3A_829 = tpu.memref_slice %arg5[%mul3A_826] : memref<2048xf32, #tpu.memory_space<hbm>> -> memref<16xf32, #tpu.memory_space<hbm>>
        tpu.wait_dma2 semaphore(%run_scoped3A : memref<!tpu.dma_semaphore, #tpu.memory_space<semaphore_mem>>) src(%arg19 : memref<16xf32, #tpu.memory_space<vmem>>) dst(%dma_wait3A_829 : memref<16xf32, #tpu.memory_space<hbm>>)
        tpu.yield
      }) : () -> ()
    }
    %scan3A_8 = arith.constant 4 : i32
    return
  }
}

</mosaic_0001>

<sc_bundles>
// kernel: kernel.3.cloned.1.call-start
scs
__scs_entry_jumppad:
0x0: {  	(pc) =	sbr.rel $0x88, $3  }
0x1: {  	(tag) =	ssettag $0x0;
	lr =	simm.s32 $0x1  }
0x2: {  	[smem:$0x3F9B] =	sst lr;
	_ =	strace $0xD0000000  }
0x3: {  	_ = 	snop  }
0x4: {  	_ = 	snop  }
0x5: {  	_ = 	snop  }
0x6: {  	_ = 	snop  }
0x7: {  	_ = 	snop  }
__scs_overlays_trampoline_lowered:
0x8: {  	[smem:$0x3FAA] =	sst s0  }
0x9: {  	[smem:$0x3FAB] =	sst s1  }
0xa: {  	[smem:$0x3FAC] =	sst s2  }
0xb: {  	[smem:$0x3FAD] =	sst s3  }
0xc: {  	[smem:$0x3FAE] =	sst s4  }
0xd: {  	[smem:$0x3FAF] =	sst s5  }
0xe: {  	[smem:$0x3FB0] =	sst s6  }
0xf: {  	[smem:$0x3FB1] =	sst s7  }
0x10: {  	[smem:$0x3FB2] =	sst s8  }
0x11: {  	[smem:$0x3FB3] =	sst s9;
	s0 =	simm.s32 @!p0 $0x0  }
0x12: {  	s1 =	sld [smem:$0x3F99];
	s0 =	simm.s32 @p0 $0x1  }
0x13: {  	[smem:$0x3FB4] =	sst s0;
	s0 =	simm.s32 @!p1 $0x0  }
0x14: {  	s2 =	sld [smem:$0x3F98];
	s0 =	simm.s32 @p1 $0x1  }
0x15: {  	[smem:$0x3FB5] =	sst s0;
	s0 =	simm.s32 @!p2 $0x0  }
0x16: {  	s3 =	sld [smem:$0x3FDB];
	s0 =	simm.s32 @p2 $0x1  }
0x17: {  	s4 =	simm.s32 $0x1BF5;
	[smem:$0x3FB7] =	sst s0  }
0x18: {  	s0 =	sld [smem:$0x3F9A];
	_ =	swait.ge [sflag:s4], $0x0  }
0x19: {  	s7 =	sld [smem:$0x3F9B]  }
0x1a: {  	s8 =	sadd.s32 $0xFFFFE003, lr  }
0x1b: {  	s9 =	sadd.s32 $0xFFFFFEF7, lr;
	s5 =	simm.s32 $0xFFFFFFFF;
	p2 =	slt.u32 s8, $0xFFFFF086  }
0x1c: {  	p1 =	slt.u32 s9, $0xF7A;
	s5 =	simm.s32 @!p2 $0x0  }
0x1d: {  	s5 =	simm.s32 @p1 $0x1;
	p0 =	seq.s32 s7, s2  }
0x1e: {  	s7 =	smul.u32 @!p0 $0xF7A, s2;
	p2 =	seq.s32 @!p0 s5, $0x0  }
0x1f: {  	s9 =	smul.u32 $0xF7A, s1;
	s8 =	simm.s32 @!p0 $0x1BF5;
	p2 =	por !p2, p0  }
0x20: {  	[sflag:s8] =	ssyncset.s32 @!p0 $0xFFFFF086;
	s6 =	sadd.s32 @!p0 s3, s7;
	s7 =	simm.s32 @!p0 $0x108  }
0x21: {  	s3 =	sadd.s32 s3, s9;
	s6 =	sadd.s32 @!p0 $0x88, s6;
	s7 =	simm.s32 @p2 $0x1082  }
0x22: {  	[simem:s7], [sflag:s8] =	dma.local @!p0 [hbm:s6], $0xF7A  }
0x23: {  	s9 =	sor.u32 $0xD0000000, s2;
	s6 =	simm.s32 $0x108;
	_ =	swait.ge @!p0 [sflag:s8], $0x0  }
0x24: {  	s3 =	sadd.s32 $0x88, s3;
	s6 =	simm.s32 @!p1 $0x1082;
	[sflag:s4] =	ssyncset.s32 $0xFFFFF086  }
0x25: {  	[simem:s6], [sflag:s4] =	dma.local [hbm:s3], $0xF7A  }
0x26: {  	[smem:$0x3F9B] =	sst s1;
	(tag) =	ssettag s2;
	_ =	strace s9  }
0x27: {  	s1 =	sld [smem:$0x3FAB]  }
0x28: {  	s2 =	sld [smem:$0x3FAC]  }
0x29: {  	s4 =	sld [smem:$0x3FAE]  }
0x2a: {  	p0 =	seq.s32 s5, $0x0;
	s5 =	sld [smem:$0x3FAF]  }
0x2b: {  	s6 =	sld [smem:$0x3FB0]  }
0x2c: {  	s7 =	sld [smem:$0x3FB1]  }
0x2d: {  	s3 =	simm.s32 $0x108;
	s8 =	sld [smem:$0x3FB2]  }
0x2e: {  	s3 =	simm.s32 @!p0 $0x1082;
	s9 =	sld [smem:$0x3FB3]  }
0x2f: {  	lr =	sadd.s32 s0, s3;
	s0 =	sld [smem:$0x3FAA]  }
0x30: {  	s3 =	sld [smem:$0x3FAD]  }
0x31: {  	[smem:$0x3FB6] =	sst s10  }
0x32: {  	s10 =	sld [smem:$0x3FB4];
	_ =	sdelay $0x3  }
0x33: {  	p0 =	seq.s32 s10, $0x1;
	s10 =	sld [smem:$0x3FB6];
	_ =	sdelay $0x3  }
0x34: {  	[smem:$0x3FB6] =	sst s10  }
0x35: {  	s10 =	sld [smem:$0x3FB5];
	_ =	sdelay $0x3  }
0x36: {  	p1 =	seq.s32 s10, $0x1;
	s10 =	sld [smem:$0x3FB6];
	_ =	sdelay $0x3  }
0x37: {  	[smem:$0x3FB6] =	sst s10  }
0x38: {  	s10 =	sld [smem:$0x3FB7]  }
0x39: {  	_ = 	snop;
	(pc) =	sbr.ind lr, $3  }
0x3a: {  	_ = 	snop  }
0x3b: {  	_ = 	snop  }
0x3c: {  	p2 =	seq.s32 s10, $0x1;
	s10 =	sld [smem:$0x3FB6]  }
0x3d: {  	_ =	shalt  }
0x3e: {  	_ =	shalt  }
0x3f: {  	_ =	shalt  }
0x40: {  	_ =	shalt  }
0x41: {  	_ =	shalt  }
0x42: {  	_ =	shalt  }
0x43: {  	_ =	shalt  }
0x44: {  	_ =	shalt  }
0x45: {  	_ =	shalt  }
0x46: {  	_ =	shalt  }
0x47: {  	_ =	shalt  }
0x48: {  	_ =	shalt  }
0x49: {  	_ =	shalt  }
0x4a: {  	_ =	shalt  }
0x4b: {  	_ =	shalt  }
0x4c: {  	_ =	shalt  }
0x4d: {  	_ =	shalt  }
0x4e: {  	_ =	shalt  }
0x4f: {  	_ =	shalt  }
0x50: {  	_ =	shalt  }
0x51: {  	_ =	shalt  }
0x52: {  	_ =	shalt  }
0x53: {  	_ =	shalt  }
0x54: {  	_ =	shalt  }
0x55: {  	_ =	shalt  }
0x56: {  	_ =	shalt  }
0x57: {  	_ =	shalt  }
0x58: {  	_ =	shalt  }
0x59: {  	_ =	shalt  }
0x5a: {  	_ =	shalt  }
0x5b: {  	_ =	shalt  }
0x5c: {  	_ =	shalt  }
0x5d: {  	_ =	shalt  }
0x5e: {  	_ =	shalt  }
0x5f: {  	_ =	shalt  }
0x60: {  	_ =	shalt  }
0x61: {  	_ =	shalt  }
0x62: {  	_ =	shalt  }
0x63: {  	_ =	shalt  }
0x64: {  	_ =	shalt  }
0x65: {  	_ =	shalt  }
0x66: {  	_ =	shalt  }
0x67: {  	_ =	shalt  }
0x68: {  	_ =	shalt  }
0x69: {  	_ =	shalt  }
0x6a: {  	_ =	shalt  }
0x6b: {  	_ =	shalt  }
0x6c: {  	_ =	shalt  }
0x6d: {  	_ =	shalt  }
0x6e: {  	_ =	shalt  }
0x6f: {  	_ =	shalt  }
0x70: {  	_ =	shalt  }
0x71: {  	_ =	shalt  }
0x72: {  	_ =	shalt  }
0x73: {  	_ =	shalt  }
0x74: {  	_ =	shalt  }
0x75: {  	_ =	shalt  }
0x76: {  	_ =	shalt  }
0x77: {  	_ =	shalt  }
0x78: {  	_ =	shalt  }
0x79: {  	_ =	shalt  }
0x7a: {  	_ =	shalt  }
0x7b: {  	_ =	shalt  }
0x7c: {  	_ =	shalt  }
0x7d: {  	_ =	shalt  }
0x7e: {  	_ =	shalt  }
0x7f: {  	_ =	shalt  }
0x80: {  	_ =	shalt  }
0x81: {  	_ =	shalt  }
0x82: {  	_ =	shalt  }
0x83: {  	_ =	shalt  }
0x84: {  	_ =	shalt  }
0x85: {  	_ =	shalt  }
0x86: {  	_ =	shalt  }
0x87: {  	_ =	shalt  }
.Lfunc_end0:
.L_simem_size_0:
called_computation_lowered:
.L_overlay_start_0:
0x88: {  	s2 =	sld [smem:$0x3FD9]  }
0x89: {  	s3 =	sld [smem:$0x3FFE];
	_ =	sdelay $0x1  }
0x8a: {  	s1 =	srdreg.scid  }
0x8b: {  	s0 =	sand.u32 $0x1, s1  }
0x8c: {  	s16 =	sshll.u32 s0, $0xA;
	s2 =	sadd.s32 s3, s2  }
0x8d: {  	s2 =	sadd.s32 s2, s16  }
0x8e: {  	[smem:$0x3FC2] =	sst s2  }
0x8f: {  	_ = 	snop  }
0x90: {  	(tm) =	ssettm $0x1  }
0x91: {  	s17 =	sld [smem:$0x3FFB];
	_ =	sdelay $0x3  }
0x92: {  	_ =	strace s17  }
0x93: {  	s2 =	sld [smem:$0x3FFC];
	_ =	sdelay $0x3  }
0x94: {  	_ =	strace s2  }
0x95: {  	s2 =	sld [smem:$0x3FFD];
	_ =	sdelay $0x3  }
0x96: {  	_ =	strace s2  }
0x97: {  	_ =	strace $0x8FFFFFFF  }
0x98: {  	s18 =	sld [smem:$0x3FDB];
	_ =	sdelay $0x1  }
0x99: {  	s19 =	simm.s32 $_scs_section_size  }
0x9a: {  	s4 =	simm.s32 $_size__tile_overlayer_lowered;
	s5 =	simm.s32 $_tile_overlayer_lowered  }
0x9b: {  	s22 =	simm.s32 $0x1BFF;
	s21 =	sshll.u32 s5, $0x1;
	s2 =	sadd.s32 s19, s18  }
0x9c: {  	s6 =	simm.s32 $0x0;
	s20 =	sshll.u32 s4, $0x1;
	s4 =	sadd.s32 s21, s2  }
0x9d: {  	[timem:s6], [sflag:s22] =	dma.local [hbm:s4], s20  }
0x9e: {  	_ =	swait.ge [sflag:s22], s20  }
0x9f: {  	s3 =	ssub.s32 $0x0, s20;
	[sflag:s22] =	ssyncset.done $0x0  }
0xa0: {  	[sflag:s22] =	ssyncadd.s32 s3;
	_ =	sdelay $0x1  }
0xa1: {  	s23 =	simm.s32 $0x1B8B  }
0xa2: {  	_ =	swait.ge [sflag:s23], $0x1  }
0xa3: {  	[sflag:s23] =	ssyncset.done $0x0  }
0xa4: {  	s25 =	simm.s32 $0x1B8E;
	s24 =	sld [smem:$0x3FFE];
	[sflag:s23] =	ssyncadd.s32 $0xFFFFFFFF  }
0xa5: {  	s26 =	simm.s32 $execute0_lowered;
	[smem:$0x3FD2] =	sst s25  }
0xa6: {  	s4 =	sshll.u32 s26, $0x1;
	_ =	strace $0x80000046;
	[dreg:$0x1] =	wrdreg $0xFFFFFFFF  }
0xa7: {  	s28 =	simm.s32 $_size_execute0_lowered;
	s2 =	sadd.s32 s2, s4;
	[dreg:$0x0] =	wrdreg $0x0  }
0xa8: {  	s4 =	sshll.u32 s28, $0x1;
	[dreg:$0x2] =	wrdreg s2  }
0xa9: {  	[dreg:$0x3] =	wrdreg s4  }
0xaa: {  	[dreg:$0x4] =	wrdreg $0xC0  }
0xab: {  	_ =	task [dreg:s6], $0x5FFFF  }
0xac: {  	[dreg:$0x1] =	wrdreg $0xFFFFFFFF  }
0xad: {  	[dreg:$0x0] =	wrdreg $0x60  }
0xae: {  	[dreg:$0x2] =	wrdreg s24  }
0xaf: {  	[dreg:$0x3] =	wrdreg $0xA1800  }
0xb0: {  	[dreg:$0x4] =	wrdreg $0x9  }
0xb1: {  	_ =	task.clear_ibuf [dreg:s6], $0x5FFFF;
	_ =	strace $0x90000046  }
0xb2: {  	s29 =	simm.s32 $0x9;
	_ =	strace $0x8000004C  }
0xb3: {  	_ =	swait.ge [sflag:s29], $0x1  }
0xb4: {  	[sflag:s29] =	ssyncadd.s32 $0xFFFFFFFF  }
0xb5: {  	_ =	strace $0x9000004C  }
0xb6: {  	_ =	sfence  }
0xb7: {  	s30 =	sld [smem:$0x0];
	_ =	sdelay $0x2  }
0xb8: {  	s31 =	sshll.u32 s1, $0xD;
	s1 =	sshrl.u32 s1, $0x2  }
0xb9: {  	s3 =	sand.u32 $0x4000, s31;
	s1 =	sadd.s32 s1, s30  }
0xba: {  	s0 =	sor.u32 s3, s0;
	s1 =	sshll.u32 s1, $0x11  }
0xbb: {  	s0 =	sor.u32 s1, s0  }
0xbc: {  	s0 =	sadd.s32 $0x8F2B, s0  }
0xbd: {  	[sflag:s0] =	ssyncadd.remote.s32 $0x1  }
0xbe: {  	_ =	sfence.sel $0xFFFF  }
0xbf: {  	[dreg:$0x0] =	wrdreg $0xFFFFFFFF;
	(pc) =	sbr.abs _section_cstart, $3  }
0xc0: {  	[dreg:$0x1] =	wrdreg $0xFFFFFFFF  }
0xc1: {  	_ =	task.clear_ibuf [dreg:s6], $0x2FFFF;
	_ =	strace $0x9FFFFFFF  }
0xc2: {  	(tm) =	ssettm $0x7FFFFFFF  }
0xc3: {  	_ =	shalt  }
tec
execute0_lowered:
.L_overlay_start_1:
0x0: {  	(tag) =	ssettag $0x1  }
0x1: {  	s0 =	rddreg [dreg:$0x0]  }
0x2: {  	s1 =	rddreg [dreg:$0x1]  }
0x3: {  	s2 =	simm.s32 $0x0;
	s3 =	srdreg.scid;
	s8 =	stileid.u32  }
0x4: {  	s13 =	simm.s32 $0x800;
	s14 =	simm.s32 $0x1;
	s15 =	simm.s32 $0x2  }
0x5: {  	s12 =	simm.s32 $0x3;
	s17 =	simm.s32 $0x1080;
	[smem:$0x7FF] =	sst s2  }
0x6: {  	v0 =	vimm.f32 $9.000000000e+00;
	s18 =	simm.s32 $0x8180;
	s19 =	simm.s32 $0x4F80;
	_ =	strace $0x80000047  }
0x7: {  	s20 =	simm.s32 $0x5F80;
	s21 =	simm.s32 $0x2F80;
	s22 =	simm.s32 $0x3F80;
	(erf) = vrcp.f32 v0  }
0x8: {  	s23 =	simm.s32 $0x7F80;
	s4 =	sand.u32 $0x1, s3;
	s7 =	sadd.s32 $0x800, s0  }
0x9: {  	s3 =	sadd.s32 $0x187800, s0;
	s24 =	sadd.s32 $0xC00, s0;
	[dreg:$0x3] =	wrdreg s7  }
0xa: {  	s6 =	smul.u32 $0x4E200, s8;
	s0 =	sadd.s32 $0xA00, s0;
	[dreg:$0x4] =	wrdreg s24  }
0xb: {  	v1 =	vimm.s32 $0x0;
	s30 =	sshll.u32 s8, $0x3;
	s5 =	ssub.s32 $0x2, s4;
	[dreg:$0x5] =	wrdreg s0  }
.Ltmp0:
0xc: {  	vm0 =	vmmov $0x1;
	v2 =	vimm.s32 $0x1;
	v5 =	vimm.s32 $0x80;
	s4 =	sshll.u32 s4, $0x2;
	s25 =	sshrl.u32 s5, $0x1;
	(pc) =	sbr.rel .LBB2_1-.Ltmp0, $4  }
0xd: {  	vm5 =	vcmask $0x1724;
	vm6 =	vcmask $0x704;
	s29 =	sshrl.u32 s6, $0x2;
	v0 =	vlaneseq.u32;
	s31 =	sor.u32 s4, s30;
	s26 =	ssub.s32 s5, s25  }
0xe: {  	vm7 =	vcmask $0x728;
	vm8 =	vcmask $0xF28;
	s7 =	sadd.s32 s29, s1;
	[dreg:$0x6] =	wrdreg s31;
	v4 =	vmul.u32 $0xFFFFFFFF, v0;
	s0 =	smax.u32 s26, $0x1  }
0xf: {  	vm9 =	vcmask $0x1328;
	vm10 =	vcmask $0x1F1C;
	vm11 =	vcmask $0x1F28;
	s24 =	simm.s32 $0x8080;
	s28 =	sadd.s32 $0x7D0, s7;
	[dreg:$0x8] =	wrdreg s0  }
0x10: {  	v7 =	vimm.f32 $0.0e+00;
	s6 =	simm.s32 $0x5;
	v3 =	vmul.u32 $0x10, v0;
	s1 =	simm.s32 $0x0;
	v4 =	vadd.s32 $0xF, v4;
	[dreg:$0x7] =	wrdreg s28;
	v6 =	vpop (erf)  }
.LBB2_124:
0x11: {  	s1 =	rddreg [dreg:$0x9]  }
0x12: {  	s0 =	rddreg [dreg:$0x8];
	s1 =	sadd.s32 $0x1, s1  }
0x13: {  	p0 =	sne.s32 s1, s0  }
.Ltmp1:
0x14: {  	_ = 	snop;
	(pc) =	sbr.rel @!p0 .LBB2_125-.Ltmp1, $1  }
0x15: {  	_ =	sdelay $0x3  }
.LBB2_1:
.Ltmp2:
0x16: {  	(pc) =	sbr.rel .LBB2_2-.Ltmp2, $2  }
0x17: {  	_ =	sdelay $0x2  }
0x18: {  	[dreg:$0x9] =	wrdreg s1;
	s1 =	simm.s32 $0x0  }
.LBB2_122:
0x19: {  	s9 =	simm.f32 $0.0e+00;
	s10 =	smov.u32 s5  }
0x1a: {  	s9 =	simm.f32 @p0 $0.0e+00;
	s10 =	smov.u32 @p0 s5  }
0x1b: {  	s9 =	simm.f32 @!p2 $0.0e+00;
	s5 =	smov.u32 @p2 s10  }
.LBB2_123:
0x1c: {  	v12 =	vmul.f32 v16, v12;
	s10 =	smin.f32 s5, $1.000000000e+00  }
0x1d: {  	s10 =	smov.u32 @p1 s0  }
0x1e: {  	v16 =	vand.u32 $0x7FFFFF, v12;
	v17 =	vmov s10  }
0x1f: {  	v16 =	vor.u32 $0x3F800000, v16;
	v19 =	vand.u32 $0x7FFFFF, v17  }
0x20: {  	v18 =	vmul.f32 $5.000000000e-01, v16;
	v19 =	vor.u32 $0x3F800000, v19  }
0x21: {  	vm1 =	vgt.f32 v16, $1.414213540e+00;
	v52 =	vmul.f32 $5.000000000e-01, v19  }
0x22: {  	vm12 =	vgt.f32 v19, $1.414213540e+00;
	v16 =	vsel vm1, v18, v16  }
0x23: {  	v20 =	vadd.f32 $1.000000000e+00, v16;
	v18 =	vsel vm12, v52, v19  }
0x24: {  	v19 =	vadd.f32 $1.000000000e+00, v18  }
0x25: {  	(erf) = vrcp.f32 v20  }
0x26: {  	(erf) = vrcp.f32 v19;
	_ =	sdelay $0x7  }
0x27: {  	v16 =	vadd.f32 $-1.000000000e+00, v16;
	v18 =	vadd.f32 $-1.000000000e+00, v18;
	v53 =	vpop (erf)  }
0x28: {  	v54 =	vpop (erf)  }
0x29: {  	v16 =	vmul.f32 v53, v16;
	v18 =	vmul.f32 v54, v18;
	_ =	sdelay $0x1  }
0x2a: {  	v55 =	vmul.f32 v16, v16;
	v21 =	vmul.f32 v18, v18;
	_ =	sdelay $0x1  }
0x2b: {  	v56 =	vmul.f32 v55, v6;
	v22 =	vmul.f32 v21, v6;
	_ =	sdelay $0x1  }
0x2c: {  	v19 =	vadd.f32 $1.428571490e-01, v56;
	v22 =	vadd.f32 $1.428571490e-01, v22;
	_ =	sdelay $0x1  }
0x2d: {  	v19 =	vmul.f32 v19, v55;
	v22 =	vmul.f32 v22, v21;
	_ =	sdelay $0x1  }
0x2e: {  	v12 =	vshrl.u32 v12, $0x17;
	v19 =	vadd.f32 $2.000000030e-01, v19;
	v22 =	vadd.f32 $2.000000030e-01, v22  }
0x2f: {  	v12 =	vand.u32 $0xFF, v12;
	v17 =	vshrl.u32 v17, $0x17  }
0x30: {  	v23 =	vsel vm1, $0x1, v1;
	v19 =	vmul.f32 v19, v55;
	v22 =	vmul.f32 v22, v21  }
0x31: {  	v17 =	vand.u32 $0xFF, v17;
	v12 =	vadd.s32 v23, v12;
	v58 =	vsel vm12, $0x1, v1  }
0x32: {  	v12 =	vadd.s32 $0xFFFFFF81, v12;
	v19 =	vadd.f32 $3.333333430e-01, v19;
	v57 =	vadd.f32 $3.333333430e-01, v22  }
0x33: {  	v17 =	vadd.s32 v58, v17;
	v12 =	vcvt.s32.f32 v12  }
0x34: {  	v17 =	vadd.s32 $0xFFFFFF81, v17;
	v19 =	vmul.f32 v19, v55;
	v20 =	vmul.f32 v57, v21  }
0x35: {  	v17 =	vcvt.s32.f32 v17;
	v16 =	vadd.f32 v16, v16;
	v18 =	vadd.f32 v18, v18  }
0x36: {  	v19 =	vadd.f32 $1.000000000e+00, v19;
	v20 =	vadd.f32 $1.000000000e+00, v20  }
0x37: {  	v12 =	vmul.f32 $6.931471820e-01, v12;
	v17 =	vmul.f32 $6.931471820e-01, v17  }
0x38: {  	v16 =	vmul.f32 v19, v16;
	v18 =	vmul.f32 v20, v18;
	_ =	sdelay $0x1  }
0x39: {  	v12 =	vadd.f32 v16, v12;
	v59 =	vadd.f32 v18, v17;
	_ =	sdelay $0x1  }
0x3a: {  	v12 =	vsub.f32 v12, v59  }
0x3b: {  	v14 =	vbroadcast v14, $0xF;
	vm2 =	veq.s32 v0, $0x4;
	vm1 =	veq.s32 v0, $0x1  }
0x3c: {  	v15 =	vsel vm1, s25, v15;
	vm1 =	veq.s32 v0, $0x2;
	v12 =	vsel vm6, s10, v12  }
0x3d: {  	v15 =	vsel vm1, s8, v15;
	vm1 =	veq.s32 v0, $0x3;
	v12 =	vsel vm7, v12, v14  }
0x3e: {  	v9 =	vbroadcast v9, $0xF;
	s11 =	rddreg [dreg:$0xd];
	v60 =	vsel vm1, s6, v15;
	v12 =	vsel vm1, s5, v12  }
0x3f: {  	v14 =	vsel vm2, s11, v60;
	vm1 =	veq.s32 v0, $0x5;
	v11 =	vsel vm8, v12, v11  }
0x40: {  	v61 =	vsel vm1, s29, v14;
	vm1 =	veq.s32 v0, $0x6;
	v9 =	vsel vm9, v11, v9  }
0x41: {  	vm2 =	veq.s32 v0, $0x7;
	v62 =	vsel vm5, v61, v13;
	v9 =	vsel vm1, s4, v9  }
0x42: {  	s12 =	rddreg [dreg:$0xc];
	v11 =	vsel vm2, s1, v62;
	vm1 =	veq.s32 v0, $0x8;
	v9 =	vsel vm10, v10, v9  }
0x43: {  	s16 =	rddreg [dreg:$0x4];
	v63 =	vsel vm1, s12, v11;
	vm1 =	veq.s32 v0, $0x9;
	v8 =	vsel vm11, v9, v8  }
0x44: {  	s25 =	rddreg [dreg:$0xb];
	[tilespmem:$0xA080] =	vst v63;
	v8 =	vsel vm1, s9, v8  }
0x45: {  	s26 =	simm.s32 $0xA080;
	s0 =	sadd.s32 s16, s25;
	s6 =	simm.s32 $0x5;
	[tilespmem:$0xA100] =	vst v8  }
0x46: {  	[hbm4b:s0+s2] =	stream.linear.scatter [tilespmem:s26], [sflag:$0x5], $0x10, $0x38;
	[tilespmem:$0x1DA00] =	vst v63  }
0x47: {  	_ =	swait.ge [sflag:s6], $0x10  }
0x48: {  	[sflag:s6] =	ssyncset.done $0x0;
	s29 =	rddreg [dreg:$0x5]  }
0x49: {  	s30 =	simm.s32 $0xA100;
	[sflag:s6] =	ssyncadd.s32 $0xFFFFFFF0;
	s0 =	sadd.s32 s29, s25  }
0x4a: {  	[hbm4b:s0+s2] =	stream.linear.scatter [tilespmem:s30], [sflag:$0x5], $0x10, $0x38;
	[tilespmem:$0x1DA00] =	vst v63  }
0x4b: {  	_ =	swait.ge [sflag:s6], $0x10  }
0x4c: {  	s31 =	rddreg [dreg:$0xa]  }
0x4d: {  	s1 =	sadd.s32 $0x1, s31  }
0x4e: {  	p0 =	sne.s32 s1, $0x4  }
.Ltmp3:
0x4f: {  	_ = 	snop;
	(pc) =	sbr.rel @!p0 .LBB2_124-.Ltmp3, $3  }
0x50: {  	_ =	sdelay $0x1  }
0x51: {  	[sflag:s6] =	ssyncset.done $0x0  }
0x52: {  	s12 =	simm.s32 $0x3;
	[sflag:s6] =	ssyncadd.s32 $0xFFFFFFF0  }
.LBB2_2:
0x53: {  	s0 =	rddreg [dreg:$0x6]  }
0x54: {  	[dreg:$0xa] =	wrdreg s1;
	s30 =	sadd.s32 s0, s1  }
0x55: {  	s31 =	rddreg [dreg:$0x3];
	s5 =	simm.s32 $0x1000;
	s4 =	sshll.u32 s30, $0x1  }
0x56: {  	s0 =	simm.s32 $0x0;
	[dreg:$0xb] =	wrdreg s4;
	s4 =	sadd.s32 s31, s4  }
0x57: {  	[tilespmem:s5], [sflag:$0x5] =	stream.linear.gather [hbm4b:s4+s0], $0x10, $0x38;
	[tilespmem:$0x1DA00] =	vst v63  }
0x58: {  	s4 =	smul.u32 $0x186A0, s30;
	_ =	swait.ge [sflag:s6], $0x10  }
0x59: {  	[sflag:s6] =	ssyncset.done $0x0  }
0x5a: {  	s1 =	sshrl.u32 s4, $0x3;
	[sflag:s6] =	ssyncadd.s32 $0xFFFFFFF0  }
.Ltmp4:
0x5b: {  	s1 =	sadd.s32 s3, s1;
	v9 =	vld [tilespmem:$0x1000];
	_ =	strace $0x80000048;
	(pc) =	sbr.rel .LBB2_3-.Ltmp4, $4  }
0x5c: {  	[tilespmem:s0], [sflag:$0x1] =	stream.linear.gather [hbm4b:s1+s0], $0x7D0, $0x200038;
	[tilespmem:$0x1DA00] =	vst v63  }
0x5d: {  	s1 =	sadd.s32 $0xFA, s1  }
0x5e: {  	[tilespmem:s13], [sflag:$0x2] =	stream.linear.gather [hbm4b:s1+s0], $0x7D0, $0x200038;
	[tilespmem:$0x1DA00] =	vst v63  }
0x5f: {  	v8 =	vimm.f32 $-Inf;
	s5 =	sadd.s32 $0x1770, s4;
	s1 =	sadd.s32 $0xFA0, s4  }
.LBB2_9:
0x60: {  	s6 =	smul.u32 $0x3E80, s0;
	_ =	sdelay $0x1  }
0x61: {  	s6 =	sshra.s32 s6, $0x2  }
0x62: {  	s6 =	sadd.s32 s6, s7  }
0x63: {  	s6 =	sadd.s32 $0x7D0, s6  }
0x64: {  	[spmem:s6] =	stream.linear.scatter [tilespmem:s13], [sflag:$0x4], $0x7D0, $0x200038;
	[tilespmem:$0x1DA00] =	vst v63  }
0x65: {  	_ =	swait.ge [sflag:s12], $0x7D0  }
0x66: {  	[sflag:s12] =	ssyncset.done $0x0  }
0x67: {  	[sflag:s12] =	ssyncadd.s32 $0xFFFFF830  }
.LBB2_10:
0x68: {  	s6 =	smul.u32 $0xFA0, s0;
	_ =	sdelay $0x1  }
0x69: {  	s8 =	sadd.s32 s6, s1  }
0x6a: {  	s8 =	sshrl.u32 s8, $0x3  }
0x6b: {  	s8 =	sadd.s32 s3, s8  }
0x6c: {  	[tilespmem:s2], [sflag:$0x1] =	stream.linear.gather [hbm4b:s8+s2], $0x7D0, $0x200038;
	[tilespmem:$0x1DA00] =	vst v63  }
0x6d: {  	s8 =	simm.s32 @!p0 $0x4  }
0x6e: {  	_ =	swait.ge @!p0 [sflag:s8], $0x7D0  }
0x6f: {  	s0 =	sadd.s32 $0x1, s0;
	[sflag:s8] =	ssyncset.done @!p0 $0x0  }
0x70: {  	[sflag:s8] =	ssyncadd.s32 @!p0 $0xFFFFF830;
	p0 =	sne.s32 s0, $0x19  }
.Ltmp5:
0x71: {  	_ = 	snop;
	(pc) =	sbr.rel @!p0 .LBB2_11-.Ltmp5, $4  }
0x72: {  	s6 =	sadd.s32 s6, s5  }
0x73: {  	s6 =	sshrl.u32 s6, $0x3  }
0x74: {  	s6 =	sadd.s32 s3, s6  }
0x75: {  	[tilespmem:s13], [sflag:$0x2] =	stream.linear.gather [hbm4b:s6+s2], $0x7D0, $0x200038;
	[tilespmem:$0x1DA00] =	vst v63  }
.LBB2_3:
0x76: {  	_ =	swait.ge [sflag:s14], $0x7D0  }
0x77: {  	[sflag:s14] =	ssyncset.done $0x0  }
0x78: {  	s8 =	simm.s32 $0xC0;
	[sflag:s14] =	ssyncadd.s32 $0xFFFFF830  }
0x79: {  	v10 =	vld [tilespmem:s8+$0xFFFFFF40]  }
0x7a: {  	v11 =	vld [tilespmem:s8+$0xFFFFFF50]  }
0x7b: {  	v12 =	vld [tilespmem:s8+$0xFFFFFF60]  }
0x7c: {  	v13 =	vld [tilespmem:s8+$0xFFFFFF70]  }
0x7d: {  	s6 =	simm.s32 $0x0;
	v14 =	vld [tilespmem:s8+$0xFFFFFF80]  }
0x7e: {  	s6 =	sand.u32 $0xFFFFFE00, s6;
	v8 =	vmax.f32 v8, v10;
	v10 =	vld [tilespmem:s8+$0xFFFFFF90]  }
0x7f: {  	s6 =	sadd.s32 $0x0, s6;
	v8 =	vmax.f32 v8, v11;
	v11 =	vld [tilespmem:s8+$0xFFFFFFA0]  }
0x80: {  	s9 =	sshra.s32 s6, $0x2;
	v8 =	vmax.f32 v8, v12;
	v12 =	vld [tilespmem:s8+$0xFFFFFFB0]  }
0x81: {  	v8 =	vmax.f32 v8, v13;
	v13 =	vld [tilespmem:s9+$0x80]  }
0x82: {  	v8 =	vmax.f32 v8, v14;
	v14 =	vld [tilespmem:s8+$0xFFFFFFD0]  }
0x83: {  	v8 =	vmax.f32 v8, v10;
	v10 =	vld [tilespmem:s8+$0xFFFFFFE0]  }
0x84: {  	v8 =	vmax.f32 v8, v11;
	v11 =	vld [tilespmem:s8+$0xFFFFFFF0]  }
0x85: {  	v8 =	vmax.f32 v8, v12;
	v12 =	vld [tilespmem:s8+$0x0]  }
0x86: {  	v8 =	vmax.f32 v8, v13;
	v13 =	vld [tilespmem:s8+$0x10]  }
0x87: {  	v8 =	vmax.f32 v8, v14;
	v14 =	vld [tilespmem:s8+$0x20]  }
0x88: {  	v8 =	vmax.f32 v8, v10;
	v10 =	vld [tilespmem:s8+$0x30]  }
0x89: {  	v8 =	vmax.f32 v8, v11;
	v11 =	vld [tilespmem:s9+$0x100]  }
0x8a: {  	v15 =	vld [tilespmem:s8+$0x50];
	v8 =	vmax.f32 v8, v12  }
0x8b: {  	v8 =	vmax.f32 v8, v13;
	v13 =	vld [tilespmem:s8+$0x60]  }
0x8c: {  	v8 =	vmax.f32 v8, v14;
	v14 =	vld [tilespmem:s8+$0x70]  }
0x8d: {  	v12 =	vld [tilespmem:s8+$0x80];
	v8 =	vmax.f32 v8, v10  }
0x8e: {  	v10 =	vld [tilespmem:s8+$0x90];
	v8 =	vmax.f32 v8, v11  }
0x8f: {  	v11 =	vld [tilespmem:s8+$0xA0];
	v8 =	vmax.f32 v8, v15  }
0x90: {  	s10 =	simm.s32 $0x0;
	v8 =	vmax.f32 v8, v13;
	v13 =	vld [tilespmem:s8+$0xB0]  }
0x91: {  	s6 =	simm.s32 $0x0;
	s8 =	simm.s32 $0x250;
	v14 =	vmax.f32 v8, v14;
	v8 =	vld [tilespmem:s9+$0x180];
	s9 =	simm.s32 $0x0  }
.LBB2_4:
0x92: {  	v15 =	vld [tilespmem:s8+$0xFFFFFF40];
	s6 =	sadd.s32 $0x19, s6;
	v12 =	vmax.f32 v14, v12  }
0x93: {  	v14 =	vld [tilespmem:s8+$0xFFFFFF50];
	p0 =	slt.u32 s6, $0x64;
	v10 =	vmax.f32 v12, v10  }
0x94: {  	v12 =	vld [tilespmem:s8+$0xFFFFFF60];
	v10 =	vmax.f32 v10, v11  }
0x95: {  	s9 =	sadd.s32 $0x190, s9;
	v11 =	vld [tilespmem:s8+$0xFFFFFF70];
	v10 =	vmax.f32 v10, v13  }
0x96: {  	s11 =	sshll.u32 s9, $0x2;
	v13 =	vld [tilespmem:s8+$0xFFFFFF80];
	v8 =	vmax.f32 v10, v8  }
0x97: {  	s10 =	sadd.s32 $0x40, s10;
	s11 =	sand.u32 $0xFFFFFE00, s11;
	v8 =	vmax.f32 v8, v15;
	v10 =	vld [tilespmem:s8+$0xFFFFFF90]  }
0x98: {  	s11 =	sadd.s32 s11, s10;
	v8 =	vmax.f32 v8, v14;
	v14 =	vld [tilespmem:s8+$0xFFFFFFA0]  }
0x99: {  	s11 =	sshra.s32 s11, $0x2;
	v8 =	vmax.f32 v8, v12;
	v12 =	vld [tilespmem:s8+$0xFFFFFFB0]  }
0x9a: {  	v8 =	vmax.f32 v8, v11;
	v11 =	vld [tilespmem:s11+$0x80]  }
0x9b: {  	v8 =	vmax.f32 v8, v13;
	v13 =	vld [tilespmem:s8+$0xFFFFFFD0]  }
0x9c: {  	v8 =	vmax.f32 v8, v10;
	v10 =	vld [tilespmem:s8+$0xFFFFFFE0]  }
0x9d: {  	v8 =	vmax.f32 v8, v14;
	v14 =	vld [tilespmem:s8+$0xFFFFFFF0]  }
0x9e: {  	v8 =	vmax.f32 v8, v12;
	v12 =	vld [tilespmem:s8+$0x0]  }
0x9f: {  	v8 =	vmax.f32 v8, v11;
	v11 =	vld [tilespmem:s8+$0x10]  }
0xa0: {  	v8 =	vmax.f32 v8, v13;
	v13 =	vld [tilespmem:s8+$0x20]  }
0xa1: {  	v8 =	vmax.f32 v8, v10;
	v10 =	vld [tilespmem:s8+$0x30]  }
0xa2: {  	v8 =	vmax.f32 v8, v14;
	v14 =	vld [tilespmem:s11+$0x100]  }
0xa3: {  	v8 =	vmax.f32 v8, v12;
	v15 =	vld [tilespmem:s8+$0x50]  }
0xa4: {  	v8 =	vmax.f32 v8, v11;
	v16 =	vld [tilespmem:s8+$0x60]  }
0xa5: {  	v8 =	vmax.f32 v8, v13;
	v17 =	vld [tilespmem:s8+$0x70]  }
.Ltmp6:
0xa6: {  	v8 =	vmax.f32 v8, v10;
	v12 =	vld [tilespmem:s8+$0x80];
	(pc) =	sbr.rel @p0 .LBB2_4-.Ltmp6, $4  }
0xa7: {  	v8 =	vmax.f32 v8, v14;
	v10 =	vld [tilespmem:s8+$0x90]  }
0xa8: {  	v8 =	vmax.f32 v8, v15;
	v11 =	vld [tilespmem:s8+$0xA0]  }
0xa9: {  	v8 =	vmax.f32 v8, v16;
	v13 =	vld [tilespmem:s8+$0xB0]  }
0xaa: {  	s8 =	sadd.s32 $0x190, s8;
	v14 =	vmax.f32 v8, v17;
	v8 =	vld [tilespmem:s11+$0x180]  }
0xab: {  	p0 =	sgt.u32 s0, $0x13  }
0xac: {  	s6 =	smul.u32 @!p0 $0x3E80, s0;
	_ =	sdelay $0x1  }
0xad: {  	s6 =	sshra.s32 @!p0 s6, $0x2  }
0xae: {  	s8 =	simm.s32 @!p0 $0x0;
	s6 =	sadd.s32 @!p0 s6, s7  }
0xaf: {  	[spmem:s6] =	stream.linear.scatter @!p0 [tilespmem:s8], [sflag:$0x3], $0x7D0, $0x200038;
	[tilespmem:$0x1DA00] =	vst v63  }
0xb0: {  	_ =	swait.ge [sflag:s15], $0x7D0  }
0xb1: {  	[sflag:s15] =	ssyncset.done $0x0  }
0xb2: {  	s30 =	simm.s32 $0x8C0;
	[sflag:s15] =	ssyncadd.s32 $0xFFFFF830  }
0xb3: {  	v12 =	vmax.f32 v14, v12;
	v14 =	vld [tilespmem:s30+$0xFFFFFF40]  }
0xb4: {  	v10 =	vmax.f32 v12, v10;
	v12 =	vld [tilespmem:s30+$0xFFFFFF50]  }
0xb5: {  	v10 =	vmax.f32 v10, v11;
	v11 =	vld [tilespmem:s30+$0xFFFFFF60]  }
0xb6: {  	v10 =	vmax.f32 v10, v13;
	v13 =	vld [tilespmem:s30+$0xFFFFFF70]  }
0xb7: {  	s31 =	simm.s32 $0x0;
	v8 =	vmax.f32 v10, v8;
	v10 =	vld [tilespmem:s30+$0xFFFFFF80]  }
0xb8: {  	s6 =	sand.u32 $0xFFFFFE00, s31;
	v8 =	vmax.f32 v8, v14;
	v14 =	vld [tilespmem:s30+$0xFFFFFF90]  }
0xb9: {  	s6 =	sadd.s32 $0x0, s6;
	v8 =	vmax.f32 v8, v12;
	v12 =	vld [tilespmem:s30+$0xFFFFFFA0]  }
0xba: {  	s9 =	sshra.s32 s6, $0x2;
	v8 =	vmax.f32 v8, v11;
	v11 =	vld [tilespmem:s30+$0xFFFFFFB0]  }
0xbb: {  	v8 =	vmax.f32 v8, v13;
	v13 =	vld [tilespmem:s9+$0x880]  }
0xbc: {  	v8 =	vmax.f32 v8, v10;
	v10 =	vld [tilespmem:s30+$0xFFFFFFD0]  }
0xbd: {  	v8 =	vmax.f32 v8, v14;
	v14 =	vld [tilespmem:s30+$0xFFFFFFE0]  }
0xbe: {  	v8 =	vmax.f32 v8, v12;
	v12 =	vld [tilespmem:s30+$0xFFFFFFF0]  }
0xbf: {  	v8 =	vmax.f32 v8, v11;
	v11 =	vld [tilespmem:s30+$0x0]  }
0xc0: {  	v8 =	vmax.f32 v8, v13;
	v13 =	vld [tilespmem:s30+$0x10]  }
0xc1: {  	v8 =	vmax.f32 v8, v10;
	v10 =	vld [tilespmem:s30+$0x20]  }
0xc2: {  	v8 =	vmax.f32 v8, v14;
	v14 =	vld [tilespmem:s30+$0x30]  }
0xc3: {  	v8 =	vmax.f32 v8, v12;
	v12 =	vld [tilespmem:s9+$0x900]  }
0xc4: {  	v8 =	vmax.f32 v8, v11;
	v11 =	vld [tilespmem:s30+$0x50]  }
0xc5: {  	v8 =	vmax.f32 v8, v13;
	v13 =	vld [tilespmem:s30+$0x60]  }
0xc6: {  	v15 =	vld [tilespmem:s30+$0x70];
	v8 =	vmax.f32 v8, v10  }
0xc7: {  	v10 =	vmax.f32 v8, v14;
	v8 =	vld [tilespmem:s30+$0x80]  }
0xc8: {  	v12 =	vmax.f32 v10, v12;
	v10 =	vld [tilespmem:s30+$0x90]  }
0xc9: {  	v12 =	vmax.f32 v12, v11;
	v11 =	vld [tilespmem:s30+$0xA0]  }
0xca: {  	s10 =	simm.s32 $0x0;
	v12 =	vmax.f32 v12, v13;
	v13 =	vld [tilespmem:s30+$0xB0]  }
0xcb: {  	s8 =	simm.s32 $0x0;
	s6 =	simm.s32 $0x0;
	v14 =	vmax.f32 v12, v15;
	v12 =	vld [tilespmem:s9+$0x980];
	s9 =	simm.s32 $0xA50  }
.LBB2_6:
0xcc: {  	v15 =	vld [tilespmem:s9+$0xFFFFFF40];
	s8 =	sadd.s32 $0x19, s8;
	v8 =	vmax.f32 v14, v8  }
0xcd: {  	v14 =	vld [tilespmem:s9+$0xFFFFFF50];
	p1 =	slt.u32 s8, $0x64;
	v8 =	vmax.f32 v8, v10  }
0xce: {  	v10 =	vld [tilespmem:s9+$0xFFFFFF60];
	v8 =	vmax.f32 v8, v11  }
0xcf: {  	s6 =	sadd.s32 $0x190, s6;
	v11 =	vld [tilespmem:s9+$0xFFFFFF70];
	v8 =	vmax.f32 v8, v13  }
0xd0: {  	s11 =	sshll.u32 s6, $0x2;
	v13 =	vld [tilespmem:s9+$0xFFFFFF80];
	v8 =	vmax.f32 v8, v12  }
0xd1: {  	s10 =	sadd.s32 $0x40, s10;
	s11 =	sand.u32 $0xFFFFFE00, s11;
	v8 =	vmax.f32 v8, v15;
	v12 =	vld [tilespmem:s9+$0xFFFFFF90]  }
0xd2: {  	s11 =	sadd.s32 s11, s10;
	v8 =	vmax.f32 v8, v14;
	v14 =	vld [tilespmem:s9+$0xFFFFFFA0]  }
0xd3: {  	s11 =	sshra.s32 s11, $0x2;
	v8 =	vmax.f32 v8, v10;
	v10 =	vld [tilespmem:s9+$0xFFFFFFB0]  }
0xd4: {  	v8 =	vmax.f32 v8, v11;
	v11 =	vld [tilespmem:s11+$0x880]  }
0xd5: {  	v8 =	vmax.f32 v8, v13;
	v13 =	vld [tilespmem:s9+$0xFFFFFFD0]  }
0xd6: {  	v8 =	vmax.f32 v8, v12;
	v12 =	vld [tilespmem:s9+$0xFFFFFFE0]  }
0xd7: {  	v8 =	vmax.f32 v8, v14;
	v14 =	vld [tilespmem:s9+$0xFFFFFFF0]  }
0xd8: {  	v8 =	vmax.f32 v8, v10;
	v10 =	vld [tilespmem:s9+$0x0]  }
0xd9: {  	v8 =	vmax.f32 v8, v11;
	v11 =	vld [tilespmem:s9+$0x10]  }
0xda: {  	v8 =	vmax.f32 v8, v13;
	v13 =	vld [tilespmem:s9+$0x20]  }
0xdb: {  	v8 =	vmax.f32 v8, v12;
	v12 =	vld [tilespmem:s9+$0x30]  }
0xdc: {  	v8 =	vmax.f32 v8, v14;
	v14 =	vld [tilespmem:s11+$0x900]  }
0xdd: {  	v8 =	vmax.f32 v8, v10;
	v15 =	vld [tilespmem:s9+$0x50]  }
0xde: {  	v8 =	vmax.f32 v8, v11;
	v16 =	vld [tilespmem:s9+$0x60]  }
0xdf: {  	v8 =	vmax.f32 v8, v13;
	v17 =	vld [tilespmem:s9+$0x70]  }
.Ltmp7:
0xe0: {  	v10 =	vmax.f32 v8, v12;
	v8 =	vld [tilespmem:s9+$0x80];
	(pc) =	sbr.rel @p1 .LBB2_6-.Ltmp7, $4  }
0xe1: {  	v11 =	vmax.f32 v10, v14;
	v10 =	vld [tilespmem:s9+$0x90]  }
0xe2: {  	v12 =	vmax.f32 v11, v15;
	v11 =	vld [tilespmem:s9+$0xA0]  }
0xe3: {  	v12 =	vmax.f32 v12, v16;
	v13 =	vld [tilespmem:s9+$0xB0]  }
0xe4: {  	s9 =	sadd.s32 $0x190, s9;
	v14 =	vmax.f32 v12, v17;
	v12 =	vld [tilespmem:s11+$0x980]  }
0xe5: {  	p1 =	slt.u32 s0, $0x14  }
.Ltmp8:
0xe6: {  	v8 =	vmax.f32 v14, v8;
	(pc) =	sbr.rel @p1 .LBB2_9-.Ltmp8, $4  }
0xe7: {  	v8 =	vmax.f32 v8, v10  }
0xe8: {  	v8 =	vmax.f32 v8, v11  }
0xe9: {  	v8 =	vmax.f32 v8, v13  }
0xea: {  	v8 =	vmax.f32 v8, v12  }
0xeb: {  	p1 =	seq.s32 s0, $0x18  }
.Ltmp9:
0xec: {  	_ = 	snop;
	(pc) =	sbr.rel @!p1 .LBB2_10-.Ltmp9, $1  }
0xed: {  	_ =	sdelay $0x3  }
.LBB2_11:
0xee: {  	s0 =	simm.s32 $0x10C0  }
0xef: {  	_ =	strace $0x90000048;
	[tilespmem:s0+$0xFFFFFFC0] =	vst v1  }
0xf0: {  	[tilespmem:s0+$0x30] =	vst v1  }
0xf1: {  	[tilespmem:s0+$0x20] =	vst v1  }
0xf2: {  	[tilespmem:s0+$0x10] =	vst v1  }
0xf3: {  	[tilespmem:s0+$0x0] =	vst v1  }
0xf4: {  	[tilespmem:s0+$0xFFFFFFF0] =	vst v1  }
0xf5: {  	s1 =	simm.s32 $0x0;
	[tilespmem:s0+$0xFFFFFFE0] =	vst v1  }
.LBB2_12:
0xf6: {  	s1 =	sadd.s32 $0x8, s1;
	[tilespmem:s0+$0xFFFFFFD0] =	vst v1;
	s0 =	sadd.s32 $0x80, s0  }
0xf7: {  	[tilespmem:s0+$0xFFFFFFC0] =	vst v1;
	p0 =	slt.u32 s1, $0x1E8  }
0xf8: {  	[tilespmem:s0+$0x30] =	vst v1  }
.Ltmp10:
0xf9: {  	[tilespmem:s0+$0x20] =	vst v1;
	(pc) =	sbr.rel @p0 .LBB2_12-.Ltmp10, $4  }
0xfa: {  	[tilespmem:s0+$0x10] =	vst v1  }
0xfb: {  	[tilespmem:s0+$0x0] =	vst v1  }
0xfc: {  	[tilespmem:s0+$0xFFFFFFF0] =	vst v1  }
0xfd: {  	[tilespmem:s0+$0xFFFFFFE0] =	vst v1  }
0xfe: {  	v10 =	vnsel vm0, $0x0, v9  }
0xff: {  	(xrf2) =	vadd.scan.msk.f32 $0xffff, v10;
	_ =	sdelay $0x9  }
0x100: {  	v10, _, _ =	vpop (xrf2)  }
0x101: {  	v10 =	vbroadcast v10, $0xF;
	_ =	sdelay $0x1  }
0x102: {  	(erf) = vrcp.f32 v10;
	_ =	sdelay $0x8  }
0x103: {  	v12 =	vpop (erf)  }
0x104: {  	v8 =	vmul.f32 v8, v12;
	_ =	sdelay $0x1  }
0x105: {  	(xrf0) =	vmax.scan.msk.f32 $0xffff, v8;
	_ =	sdelay $0x5  }
0x106: {  	[tilespmem:s0+$0xFFFFFFD0] =	vst v1;
	v8, _, _ =	vpop (xrf0)  }
0x107: {  	s0 =	simm.s32 $0x0;
	_ =	strace $0x80000049  }
0x108: {  	[tilespmem:s0], [sflag:$0x1] =	stream.linear.gather [spmem:s7], $0x7D0, $0x200038;
	[tilespmem:$0x1DA00] =	vst v63  }
0x109: {  	_ = 	snop  }
0x10a: {  	v11 =	vimm.f32 $0.0e+00;
	v8 =	vbroadcast v8, $0xF;
	[tilespmem:s13], [sflag:$0x2] =	stream.linear.gather [spmem:s28], $0x7D0, $0x200038;
	[tilespmem:$0x1DA00] =	vst v63  }
.LBB2_14:
0x10b: {  	_ =	swait.ge [sflag:s14], $0x7D0  }
0x10c: {  	[sflag:s14] =	ssyncset.done $0x0  }
0x10d: {  	s1 =	simm.s32 $0x20;
	[sflag:s14] =	ssyncadd.s32 $0xFFFFF830  }
0x10e: {  	v13 =	vld [tilespmem:s1+$0xFFFFFFE0]  }
0x10f: {  	v14 =	vld [tilespmem:s1+$0xFFFFFFF0]  }
0x110: {  	v15 =	vld [tilespmem:s1+$0x0];
	_ =	sdelay $0x1  }
0x111: {  	v16 =	vld [tilespmem:s1+$0x10]  }
0x112: {  	v13 =	vmul.f32 v13, v12  }
0x113: {  	v14 =	vmul.f32 v14, v12  }
0x114: {  	v17 =	vld [tilespmem:s1+$0x20];
	v15 =	vmul.f32 v15, v12;
	v13 =	vsub.f32 v13, v8  }
0x115: {  	v14 =	vsub.f32 v14, v8  }
0x116: {  	s1 =	simm.s32 $0x70;
	v16 =	vmul.f32 v16, v12;
	v15 =	vsub.f32 v15, v8;
	v13 =	vmul.f32 $1.442695020e+00, v13  }
0x117: {  	v20 =	vld [tilespmem:s1+$0x10];
	v14 =	vmul.f32 $1.442695020e+00, v14  }
0x118: {  	v16 =	vsub.f32 v16, v8;
	v15 =	vmul.f32 $1.442695020e+00, v15;
	(erf) = vpow2.f32 v13  }
0x119: {  	v13 =	vmul.f32 v17, v12;
	v17 =	vld [tilespmem:s1+$0x0];
	(erf) = vpow2.f32 v14  }
0x11a: {  	v14 =	vmul.f32 $1.442695020e+00, v16;
	(erf) = vpow2.f32 v15;
	v15 =	vld [tilespmem:s1+$0xFFFFFFF0]  }
0x11b: {  	v13 =	vsub.f32 v13, v8  }
0x11c: {  	v20 =	vmul.f32 v20, v12;
	(erf) = vpow2.f32 v14;
	v14 =	vld [tilespmem:s1+$0xFFFFFFE0]  }
0x11d: {  	v13 =	vmul.f32 $1.442695020e+00, v13  }
0x11e: {  	v20 =	vsub.f32 v20, v8;
	v17 =	vmul.f32 v17, v12  }
0x11f: {  	v21 =	vmul.f32 v15, v12  }
0x120: {  	v62 =	vmul.f32 $1.442695020e+00, v20;
	v17 =	vsub.f32 v17, v8  }
0x121: {  	(erf) = vpow2.f32 v13;
	v19 =	vmul.f32 v14, v12;
	v13 =	vpop (erf);
	v21 =	vsub.f32 v21, v8  }
0x122: {  	v17 =	vmul.f32 $1.442695020e+00, v17;
	v16 =	vshra.s32 v13, $0xF;
	vm1 =	vgt.s32 v13, $0x307FFFFF  }
0x123: {  	v22 =	vld [tilespmem:s1+$0x20];
	v11 =	vadd.f32 v13, v11;
	v13 =	vpop (erf);
	v19 =	vsub.f32 v19, v8;
	vm13 =	vgt.s32 v16, $0x6100  }
0x124: {  	vm12 =	vmmov vm1;
	v18 =	vshra.s32 v13, $0xF;
	v21 =	vmul.f32 $1.442695020e+00, v21  }
0x125: {  	v14 =	vpop (erf);
	v16 =	vnsel vm13, $0x6100, v16;
	v11 =	vadd.f32 v13, v11;
	vm1 =	vgt.s32 v18, $0x6100  }
0x126: {  	v15 =	vpop (erf);
	v19 =	vmul.f32 $1.442695020e+00, v19;
	v23 =	vmin.u32 v16, $0x7F00;
	v18 =	vnsel vm1, $0x6100, v18  }
0x127: {  	v16 =	vshra.s32 v14, $0xF;
	v25 =	vshra.s32 v15, $0xF;
	v11 =	vadd.f32 v14, v11  }
0x128: {  	vm1 =	vgt.s32 v16, $0x6100;
	(erf) = vpow2.f32 v19;
	v19 =	vmul.f32 v22, v12  }
0x129: {  	v18 =	vmin.u32 v18, $0x7F00;
	v24 =	vnsel vm1, $0x6100, v16;
	vm1 =	vgt.s32 v25, $0x6100  }
0x12a: {  	(erf) = vpow2.f32 v21;
	v11 =	vadd.f32 v15, v11;
	v16 =	vpop (erf);
	v21 =	vnsel vm1, $0x6100, v25  }
0x12b: {  	v63 =	vsub.f32 v19, v8;
	(erf) = vpow2.f32 v17;
	v26 =	vshra.s32 v16, $0xF  }
0x12c: {  	v20 =	vmin.u32 v24, $0x7F00;
	v17 =	vadd.s32 $0xFFFF9F00, v23;
	vm13 =	vgt.s32 v26, $0x6100  }
0x12d: {  	v21 =	vmin.u32 v21, $0x7F00;
	(erf) = vpow2.f32 v62;
	v22 =	vnsel vm13, $0x6100, v26  }
0x12e: {  	s5 =	simm.s32 $0x5;
	v11 =	vadd.f32 v16, v11;
	v19 =	vmin.u32 v22, $0x7F00;
	v22 =	vmul.f32 $1.442695020e+00, v63  }
.LBB2_15:
0x12f: {  	s5 =	sadd.s32 $0x5, s5;
	s1 =	sadd.s32 $0x50, s1;
	v18 =	vadd.s32 $0xFFFF9F00, v18;
	v20 =	vadd.s32 $0xFFFF9F00, v20;
	v21 =	vadd.s32 $0xFFFF9F00, v21  }
0x130: {  	vm1 =	vgt.s32 v13, $0x307FFFFF;
	v19 =	vadd.s32 $0xFFFF9F00, v19;
	v23 =	vld [tilespmem:s1+$0xFFFFFFE0];
	p0 =	slt.u32 s5, $0x78;
	(erf) = vpow2.f32 v22  }
0x131: {  	vm15 =	vgt.s32 v14, $0x307FFFFF;
	vm14 =	vgt.s32 v15, $0x307FFFFF;
	vm13 =	vgt.s32 v16, $0x307FFFFF;
	v13 =	vpop (erf)  }
0x132: {  	v15 =	vld [tilespmem:s1+$0xFFFFFFF0];
	v14 =	vshra.s32 v13, $0xF;
	vm2 =	vgt.s32 v13, $0x307FFFFF;
	v11 =	vadd.f32 v13, v11  }
0x133: {  	vm3 =	vgt.s32 v14, $0x6100;
	v13 =	vpop (erf);
	[tilespmem:v17+s17+$0x0] =	vst.idx.add.s32.msk vm12, v2;
	vm12 =	vmmov vm2  }
0x134: {  	v16 =	vld [tilespmem:s1+$0x0];
	v25 =	vnsel vm3, $0x6100, v14;
	v17 =	vshra.s32 v13, $0xF;
	v11 =	vadd.f32 v13, v11  }
0x135: {  	v22 =	vmul.f32 v23, v12;
	v23 =	vld [tilespmem:s1+$0x10];
	v24 =	vmin.u32 v25, $0x7F00;
	vm2 =	vgt.s32 v17, $0x6100;
	v14 =	vpop (erf)  }
0x136: {  	v17 =	vnsel vm2, $0x6100, v17;
	v25 =	vshra.s32 v14, $0xF;
	v11 =	vadd.f32 v14, v11;
	[tilespmem:v18+s17+$0x0] =	vst.idx.add.s32.msk vm1, v2  }
0x137: {  	v18 =	vsub.f32 v22, v8;
	v22 =	vmul.f32 v15, v12;
	v26 =	vld [tilespmem:s1+$0x20];
	vm1 =	vgt.s32 v25, $0x6100;
	v15 =	vpop (erf)  }
0x138: {  	v25 =	vnsel vm1, $0x6100, v25;
	v27 =	vshra.s32 v15, $0xF;
	v11 =	vadd.f32 v15, v11;
	[tilespmem:v20+s17+$0x0] =	vst.idx.add.s32.msk vm15, v2  }
0x139: {  	v18 =	vmul.f32 $1.442695020e+00, v18;
	v20 =	vsub.f32 v22, v8;
	v22 =	vmul.f32 v16, v12;
	v16 =	vpop (erf);
	[tilespmem:v21+s17+$0x0] =	vst.idx.add.s32.msk vm14, v2  }
0x13a: {  	v21 =	vmul.f32 v23, v12;
	v23 =	vshra.s32 v16, $0xF;
	v11 =	vadd.f32 v16, v11;
	[tilespmem:v19+s17+$0x0] =	vst.idx.add.s32.msk vm13, v2  }
0x13b: {  	v19 =	vmul.f32 $1.442695020e+00, v20;
	v20 =	vsub.f32 v22, v8;
	(erf) = vpow2.f32 v18  }
0x13c: {  	vm1 =	vgt.s32 v27, $0x6100;
	vm2 =	vgt.s32 v23, $0x6100;
	v22 =	vmul.f32 v26, v12  }
.Ltmp11:
0x13d: {  	v21 =	vsub.f32 v21, v8;
	v20 =	vmul.f32 $1.442695020e+00, v20;
	(erf) = vpow2.f32 v19;
	(pc) =	sbr.rel @p0 .LBB2_15-.Ltmp11, $4  }
0x13e: {  	v18 =	vmin.u32 v17, $0x7F00;
	v17 =	vnsel vm1, $0x6100, v27;
	v19 =	vnsel vm2, $0x6100, v23  }
0x13f: {  	v23 =	vmul.f32 $1.442695020e+00, v21;
	v22 =	vsub.f32 v22, v8;
	(erf) = vpow2.f32 v20  }
0x140: {  	v21 =	vmin.u32 v17, $0x7F00;
	v19 =	vmin.u32 v19, $0x7F00;
	v20 =	vmin.u32 v25, $0x7F00  }
0x141: {  	v17 =	vadd.s32 $0xFFFF9F00, v24;
	v22 =	vmul.f32 $1.442695020e+00, v22;
	(erf) = vpow2.f32 v23  }
0x142: {  	_ = 	snop  }
0x143: {  	(erf) = vpow2.f32 v22  }
0x144: {  	v18 =	vadd.s32 $0xFFFF9F00, v18;
	vm2 =	vgt.s32 v13, $0x307FFFFF  }
0x145: {  	v20 =	vadd.s32 $0xFFFF9F00, v20;
	v21 =	vadd.s32 $0xFFFF9F00, v21;
	v13 =	vadd.s32 $0xFFFF9F00, v19;
	v19 =	vpop (erf)  }
0x146: {  	vm1 =	vgt.s32 v14, $0x307FFFFF;
	vm15 =	vgt.s32 v15, $0x307FFFFF;
	v14 =	vshra.s32 v19, $0xF  }
0x147: {  	vm13 =	vgt.s32 v16, $0x307FFFFF;
	vm3 =	vgt.s32 v19, $0x307FFFFF;
	vm4 =	vgt.s32 v14, $0x6100;
	v15 =	vpop (erf)  }
0x148: {  	vm14 =	vmmov vm3;
	v14 =	vnsel vm4, $0x6100, v14;
	v16 =	vshra.s32 v15, $0xF;
	v22 =	vpop (erf)  }
0x149: {  	v14 =	vmin.u32 v14, $0x7F00;
	vm3 =	vgt.s32 v16, $0x6100;
	v23 =	vshra.s32 v22, $0xF  }
0x14a: {  	[tilespmem:v18+s17+$0x0] =	vst.idx.add.s32.msk vm2, v2;
	v16 =	vnsel vm3, $0x6100, v16;
	v14 =	vadd.s32 $0xFFFF9F00, v14;
	vm2 =	vgt.s32 v22, $0x307FFFFF;
	v24 =	vpop (erf)  }
0x14b: {  	vm3 =	vgt.s32 v23, $0x6100;
	v16 =	vmin.u32 v16, $0x7F00;
	v25 =	vshra.s32 v24, $0xF  }
0x14c: {  	[tilespmem:v20+s17+$0x0] =	vst.idx.add.s32.msk vm1, v2;
	v23 =	vnsel vm3, $0x6100, v23;
	vm1 =	vgt.s32 v24, $0x307FFFFF;
	v26 =	vpop (erf);
	vm3 =	vgt.s32 v25, $0x6100  }
0x14d: {  	v18 =	vmin.u32 v23, $0x7F00;
	v27 =	vshra.s32 v26, $0xF;
	v25 =	vnsel vm3, $0x6100, v25  }
0x14e: {  	v18 =	vadd.s32 $0xFFFF9F00, v18;
	vm3 =	vgt.s32 v27, $0x6100;
	v20 =	vmin.u32 v25, $0x7F00  }
0x14f: {  	[tilespmem:v17+s17+$0x0] =	vst.idx.add.s32.msk vm12, v2;
	p0 =	seq.s32 s0, $0x18;
	v17 =	vnsel vm3, $0x6100, v27;
	vm3 =	vgt.s32 v15, $0x307FFFFF;
	v20 =	vadd.s32 $0xFFFF9F00, v20  }
0x150: {  	s1 =	sshll.u32 s0, $0x1;
	p2 =	sgt.u32 @!p0 s0, $0x12;
	[tilespmem:v21+s17+$0x0] =	vst.idx.add.s32.msk vm15, v2;
	v16 =	vadd.s32 $0xFFFF9F00, v16;
	vm4 =	vgt.s32 v26, $0x307FFFFF;
	v17 =	vmin.u32 v17, $0x7F00  }
0x151: {  	s5 =	sadd.s32 $0x2, s1;
	p1 =	por !p2, p0;
	[tilespmem:v13+s17+$0x0] =	vst.idx.add.s32.msk vm13, v2;
	v13 =	vadd.s32 $0xFFFF9F00, v17  }
0x152: {  	s6 =	smul.u32 @!p1 $0x7D0, s5;
	[tilespmem:v14+s17+$0x0] =	vst.idx.add.s32.msk vm14, v2  }
0x153: {  	p2 =	por p2, p0;
	[tilespmem:v18+s17+$0x0] =	vst.idx.add.s32.msk vm2, v2  }
0x154: {  	s5 =	smul.u32 @!p2 $0x1F40, s5;
	s6 =	sadd.s32 @!p1 s4, s6;
	[tilespmem:v20+s17+$0x0] =	vst.idx.add.s32.msk vm1, v2  }
0x155: {  	s6 =	sshrl.u32 @!p1 s6, $0x3;
	[tilespmem:v16+s17+$0x0] =	vst.idx.add.s32.msk vm3, v2  }
0x156: {  	s8 =	simm.s32 @!p1 $0x0;
	s5 =	sshra.s32 @!p2 s5, $0x2;
	s6 =	sadd.s32 @!p1 s3, s6;
	[tilespmem:v13+s17+$0x0] =	vst.idx.add.s32.msk vm4, v2  }
0x157: {  	[tilespmem:s8], [sflag:$0x1] =	stream.linear.gather @!p1 [hbm4b:s6+s8], $0x7D0, $0x200038;
	[tilespmem:$0x1DA00] =	vst v63  }
0x158: {  	s5 =	sadd.s32 @!p2 s5, s7;
	s6 =	simm.s32 @!p2 $0x0  }
0x159: {  	[tilespmem:s6], [sflag:$0x1] =	stream.linear.gather @!p2 [spmem:s5], $0x7D0, $0x200038;
	[tilespmem:$0x1DA00] =	vst v63  }
0x15a: {  	_ =	swait.ge [sflag:s15], $0x7D0  }
0x15b: {  	[sflag:s15] =	ssyncset.done $0x0  }
0x15c: {  	s31 =	simm.s32 $0x820;
	[sflag:s15] =	ssyncadd.s32 $0xFFFFF830  }
0x15d: {  	v13 =	vld [tilespmem:s31+$0xFFFFFFE0]  }
0x15e: {  	v14 =	vld [tilespmem:s31+$0xFFFFFFF0]  }
0x15f: {  	v16 =	vld [tilespmem:s31+$0x0];
	_ =	sdelay $0x1  }
0x160: {  	v17 =	vld [tilespmem:s31+$0x10]  }
0x161: {  	v13 =	vmul.f32 v13, v12  }
0x162: {  	v14 =	vmul.f32 v14, v12  }
0x163: {  	v18 =	vld [tilespmem:s31+$0x20];
	v16 =	vmul.f32 v16, v12;
	v13 =	vsub.f32 v13, v8  }
0x164: {  	v11 =	vadd.f32 v19, v11;
	s5 =	simm.s32 $0x870;
	v14 =	vsub.f32 v14, v8  }
0x165: {  	v20 =	vld [tilespmem:s5+$0x10];
	v17 =	vmul.f32 v17, v12;
	v16 =	vsub.f32 v16, v8;
	v13 =	vmul.f32 $1.442695020e+00, v13  }
0x166: {  	v11 =	vadd.f32 v15, v11;
	v14 =	vmul.f32 $1.442695020e+00, v14  }
0x167: {  	v15 =	vmul.f32 $1.442695020e+00, v16;
	v16 =	vsub.f32 v17, v8;
	v17 =	vld [tilespmem:s5+$0x0];
	(erf) = vpow2.f32 v13  }
0x168: {  	v13 =	vmul.f32 v18, v12  }
0x169: {  	v11 =	vadd.f32 v22, v11;
	(erf) = vpow2.f32 v14;
	v14 =	vmul.f32 $1.442695020e+00, v16  }
0x16a: {  	v20 =	vmul.f32 v20, v12;
	v13 =	vsub.f32 v13, v8;
	(erf) = vpow2.f32 v15;
	v15 =	vld [tilespmem:s5+$0xFFFFFFF0]  }
0x16b: {  	v11 =	vadd.f32 v24, v11;
	(erf) = vpow2.f32 v14;
	v14 =	vld [tilespmem:s5+$0xFFFFFFE0]  }
0x16c: {  	v20 =	vsub.f32 v20, v8;
	v17 =	vmul.f32 v17, v12;
	v13 =	vmul.f32 $1.442695020e+00, v13;
	_ =	sdelay $0x1  }
0x16d: {  	v11 =	vadd.f32 v26, v11;
	v62 =	vmul.f32 $1.442695020e+00, v20;
	v17 =	vsub.f32 v17, v8  }
0x16e: {  	(erf) = vpow2.f32 v13;
	v21 =	vmul.f32 v15, v12  }
0x16f: {  	v17 =	vmul.f32 $1.442695020e+00, v17;
	v19 =	vmul.f32 v14, v12;
	v13 =	vpop (erf)  }
0x170: {  	v21 =	vsub.f32 v21, v8;
	v16 =	vshra.s32 v13, $0xF;
	vm1 =	vgt.s32 v13, $0x307FFFFF  }
0x171: {  	v22 =	vld [tilespmem:s5+$0x20];
	v13 =	vadd.f32 v13, v11;
	v11 =	vpop (erf);
	v19 =	vsub.f32 v19, v8;
	vm2 =	vgt.s32 v16, $0x6100  }
0x172: {  	vm12 =	vmmov vm1;
	v18 =	vshra.s32 v11, $0xF;
	v21 =	vmul.f32 $1.442695020e+00, v21  }
0x173: {  	v14 =	vpop (erf);
	v16 =	vnsel vm2, $0x6100, v16;
	v13 =	vadd.f32 v11, v13;
	vm1 =	vgt.s32 v18, $0x6100  }
0x174: {  	v15 =	vpop (erf);
	v19 =	vmul.f32 $1.442695020e+00, v19;
	v23 =	vmin.u32 v16, $0x7F00;
	v18 =	vnsel vm1, $0x6100, v18  }
0x175: {  	v16 =	vshra.s32 v14, $0xF;
	v60 =	vshra.s32 v15, $0xF;
	v13 =	vadd.f32 v14, v13  }
0x176: {  	vm1 =	vgt.s32 v16, $0x6100;
	(erf) = vpow2.f32 v19;
	v19 =	vmul.f32 v22, v12  }
0x177: {  	v18 =	vmin.u32 v18, $0x7F00;
	v59 =	vnsel vm1, $0x6100, v16;
	vm1 =	vgt.s32 v60, $0x6100  }
0x178: {  	(erf) = vpow2.f32 v21;
	v13 =	vadd.f32 v15, v13;
	v16 =	vpop (erf);
	v21 =	vnsel vm1, $0x6100, v60  }
0x179: {  	v63 =	vsub.f32 v19, v8;
	(erf) = vpow2.f32 v17;
	v61 =	vshra.s32 v16, $0xF  }
0x17a: {  	v20 =	vmin.u32 v59, $0x7F00;
	v17 =	vadd.s32 $0xFFFF9F00, v23;
	vm2 =	vgt.s32 v61, $0x6100  }
0x17b: {  	v21 =	vmin.u32 v21, $0x7F00;
	(erf) = vpow2.f32 v62;
	v22 =	vnsel vm2, $0x6100, v61  }
0x17c: {  	s6 =	simm.s32 $0x5;
	v13 =	vadd.f32 v16, v13;
	v19 =	vmin.u32 v22, $0x7F00;
	v22 =	vmul.f32 $1.442695020e+00, v63  }
.LBB2_17:
0x17d: {  	s6 =	sadd.s32 $0x5, s6;
	s5 =	sadd.s32 $0x50, s5;
	v18 =	vadd.s32 $0xFFFF9F00, v18;
	v20 =	vadd.s32 $0xFFFF9F00, v20;
	v21 =	vadd.s32 $0xFFFF9F00, v21  }
0x17e: {  	vm1 =	vgt.s32 v11, $0x307FFFFF;
	v19 =	vadd.s32 $0xFFFF9F00, v19;
	v23 =	vld [tilespmem:s5+$0xFFFFFFE0];
	p3 =	slt.u32 s6, $0x78;
	(erf) = vpow2.f32 v22  }
0x17f: {  	vm15 =	vgt.s32 v14, $0x307FFFFF;
	vm14 =	vgt.s32 v15, $0x307FFFFF;
	vm13 =	vgt.s32 v16, $0x307FFFFF;
	v11 =	vpop (erf)  }
0x180: {  	v15 =	vld [tilespmem:s5+$0xFFFFFFF0];
	v14 =	vshra.s32 v11, $0xF;
	vm2 =	vgt.s32 v11, $0x307FFFFF;
	v13 =	vadd.f32 v11, v13  }
0x181: {  	vm3 =	vgt.s32 v14, $0x6100;
	v11 =	vpop (erf);
	[tilespmem:v17+s17+$0x0] =	vst.idx.add.s32.msk vm12, v2;
	vm12 =	vmmov vm2  }
0x182: {  	v16 =	vld [tilespmem:s5+$0x0];
	v25 =	vnsel vm3, $0x6100, v14;
	v17 =	vshra.s32 v11, $0xF;
	v13 =	vadd.f32 v11, v13  }
0x183: {  	v22 =	vmul.f32 v23, v12;
	v23 =	vld [tilespmem:s5+$0x10];
	v24 =	vmin.u32 v25, $0x7F00;
	vm2 =	vgt.s32 v17, $0x6100;
	v14 =	vpop (erf)  }
0x184: {  	v17 =	vnsel vm2, $0x6100, v17;
	v25 =	vshra.s32 v14, $0xF;
	v13 =	vadd.f32 v14, v13;
	[tilespmem:v18+s17+$0x0] =	vst.idx.add.s32.msk vm1, v2  }
0x185: {  	v18 =	vsub.f32 v22, v8;
	v22 =	vmul.f32 v15, v12;
	v26 =	vld [tilespmem:s5+$0x20];
	vm1 =	vgt.s32 v25, $0x6100;
	v15 =	vpop (erf)  }
0x186: {  	v25 =	vnsel vm1, $0x6100, v25;
	v27 =	vshra.s32 v15, $0xF;
	v13 =	vadd.f32 v15, v13;
	[tilespmem:v20+s17+$0x0] =	vst.idx.add.s32.msk vm15, v2  }
0x187: {  	v18 =	vmul.f32 $1.442695020e+00, v18;
	v20 =	vsub.f32 v22, v8;
	v22 =	vmul.f32 v16, v12;
	v16 =	vpop (erf);
	[tilespmem:v21+s17+$0x0] =	vst.idx.add.s32.msk vm14, v2  }
0x188: {  	v21 =	vmul.f32 v23, v12;
	v23 =	vshra.s32 v16, $0xF;
	v13 =	vadd.f32 v16, v13;
	[tilespmem:v19+s17+$0x0] =	vst.idx.add.s32.msk vm13, v2  }
0x189: {  	v19 =	vmul.f32 $1.442695020e+00, v20;
	v20 =	vsub.f32 v22, v8;
	(erf) = vpow2.f32 v18  }
0x18a: {  	vm1 =	vgt.s32 v27, $0x6100;
	vm2 =	vgt.s32 v23, $0x6100;
	v22 =	vmul.f32 v26, v12  }
.Ltmp12:
0x18b: {  	v21 =	vsub.f32 v21, v8;
	v20 =	vmul.f32 $1.442695020e+00, v20;
	(erf) = vpow2.f32 v19;
	(pc) =	sbr.rel @p3 .LBB2_17-.Ltmp12, $4  }
0x18c: {  	v18 =	vmin.u32 v17, $0x7F00;
	v17 =	vnsel vm1, $0x6100, v27;
	v19 =	vnsel vm2, $0x6100, v23  }
0x18d: {  	v23 =	vmul.f32 $1.442695020e+00, v21;
	v22 =	vsub.f32 v22, v8;
	(erf) = vpow2.f32 v20  }
0x18e: {  	v21 =	vmin.u32 v17, $0x7F00;
	v19 =	vmin.u32 v19, $0x7F00;
	v20 =	vmin.u32 v25, $0x7F00  }
0x18f: {  	v17 =	vadd.s32 $0xFFFF9F00, v24;
	v22 =	vmul.f32 $1.442695020e+00, v22;
	(erf) = vpow2.f32 v23  }
0x190: {  	_ = 	snop  }
0x191: {  	(erf) = vpow2.f32 v22  }
0x192: {  	v18 =	vadd.s32 $0xFFFF9F00, v18;
	vm2 =	vgt.s32 v11, $0x307FFFFF  }
0x193: {  	v20 =	vadd.s32 $0xFFFF9F00, v20;
	v21 =	vadd.s32 $0xFFFF9F00, v21;
	v11 =	vadd.s32 $0xFFFF9F00, v19;
	v58 =	vpop (erf)  }
0x194: {  	vm1 =	vgt.s32 v14, $0x307FFFFF;
	vm15 =	vgt.s32 v15, $0x307FFFFF;
	v14 =	vshra.s32 v58, $0xF  }
0x195: {  	vm13 =	vgt.s32 v16, $0x307FFFFF;
	vm3 =	vgt.s32 v58, $0x307FFFFF;
	vm4 =	vgt.s32 v14, $0x6100;
	v15 =	vpop (erf)  }
0x196: {  	vm14 =	vmmov vm3;
	v14 =	vnsel vm4, $0x6100, v14;
	v59 =	vshra.s32 v15, $0xF;
	v60 =	vpop (erf)  }
0x197: {  	v14 =	vmin.u32 v14, $0x7F00;
	vm3 =	vgt.s32 v59, $0x6100;
	v23 =	vshra.s32 v60, $0xF  }
0x198: {  	[tilespmem:v18+s17+$0x0] =	vst.idx.add.s32.msk vm2, v2;
	v16 =	vnsel vm3, $0x6100, v59;
	v14 =	vadd.s32 $0xFFFF9F00, v14;
	vm2 =	vgt.s32 v60, $0x307FFFFF;
	v24 =	vpop (erf)  }
0x199: {  	vm3 =	vgt.s32 v23, $0x6100;
	v16 =	vmin.u32 v16, $0x7F00;
	v25 =	vshra.s32 v24, $0xF  }
0x19a: {  	[tilespmem:v20+s17+$0x0] =	vst.idx.add.s32.msk vm1, v2;
	v23 =	vnsel vm3, $0x6100, v23;
	vm1 =	vgt.s32 v24, $0x307FFFFF;
	v26 =	vpop (erf);
	vm3 =	vgt.s32 v25, $0x6100  }
0x19b: {  	v62 =	vmin.u32 v23, $0x7F00;
	v27 =	vshra.s32 v26, $0xF;
	v25 =	vnsel vm3, $0x6100, v25  }
0x19c: {  	v18 =	vadd.s32 $0xFFFF9F00, v62;
	vm3 =	vgt.s32 v27, $0x6100;
	v63 =	vmin.u32 v25, $0x7F00  }
0x19d: {  	[tilespmem:v17+s17+$0x0] =	vst.idx.add.s32.msk vm12, v2;
	v61 =	vnsel vm3, $0x6100, v27;
	vm3 =	vgt.s32 v15, $0x307FFFFF;
	v20 =	vadd.s32 $0xFFFF9F00, v63  }
0x19e: {  	[tilespmem:v21+s17+$0x0] =	vst.idx.add.s32.msk vm15, v2;
	v16 =	vadd.s32 $0xFFFF9F00, v16;
	vm4 =	vgt.s32 v26, $0x307FFFFF;
	v17 =	vmin.u32 v61, $0x7F00  }
0x19f: {  	s1 =	sadd.s32 $0x3, s1;
	[tilespmem:v11+s17+$0x0] =	vst.idx.add.s32.msk vm13, v2;
	v11 =	vadd.s32 $0xFFFF9F00, v17  }
0x1a0: {  	s5 =	smul.u32 @!p1 $0x7D0, s1;
	[tilespmem:v14+s17+$0x0] =	vst.idx.add.s32.msk vm14, v2  }
0x1a1: {  	[tilespmem:v18+s17+$0x0] =	vst.idx.add.s32.msk vm2, v2  }
0x1a2: {  	s5 =	sadd.s32 @!p1 s4, s5;
	[tilespmem:v20+s17+$0x0] =	vst.idx.add.s32.msk vm1, v2  }
0x1a3: {  	s6 =	simm.s32 @!p1 $0x0;
	s5 =	sshrl.u32 @!p1 s5, $0x3;
	[tilespmem:v16+s17+$0x0] =	vst.idx.add.s32.msk vm3, v2  }
0x1a4: {  	s8 =	simm.s32 @!p1 $0x800;
	s0 =	sadd.s32 @!p0 $0x1, s0;
	v13 =	vadd.f32 v58, v13;
	s5 =	sadd.s32 @!p1 s3, s5;
	[tilespmem:v11+s17+$0x0] =	vst.idx.add.s32.msk vm4, v2  }
0x1a5: {  	[tilespmem:s8], [sflag:$0x2] =	stream.linear.gather @!p1 [hbm4b:s5+s6], $0x7D0, $0x200038;
	[tilespmem:$0x1DA00] =	vst v63  }
0x1a6: {  	v11 =	vadd.f32 v15, v13;
	p1 =	sne.s32 @!p0 s0, $0x19  }
0x1a7: {  	s1 =	smul.u32 @!p2 $0x1F40, s1;
	p0 =	por p0, !p1  }
.Ltmp13:
0x1a8: {  	v11 =	vadd.f32 v60, v11;
	(pc) =	sbr.rel @!p0 .LBB2_14-.Ltmp13, $4  }
0x1a9: {  	_ = 	snop  }
0x1aa: {  	s1 =	sshra.s32 @!p2 s1, $0x2;
	v11 =	vadd.f32 v24, v11  }
0x1ab: {  	s1 =	sadd.s32 @!p2 s1, s7;
	s5 =	simm.s32 @!p2 $0x800  }
0x1ac: {  	[tilespmem:s5], [sflag:$0x2] =	stream.linear.gather @!p2 [spmem:s1], $0x7D0, $0x200038;
	v11 =	vadd.f32 v26, v11;
	[tilespmem:$0x1DA00] =	vst v63  }
0x1ad: {  	_ =	strace $0x90000049;
	s1 =	simm.s32 $0x10C0  }
0x1ae: {  	v13 =	vld [tilespmem:s1+$0x30]  }
0x1af: {  	v14 =	vld [tilespmem:s1+$0xFFFFFFD0]  }
0x1b0: {  	v15 =	vld [tilespmem:s1+$0xFFFFFFE0]  }
0x1b1: {  	v16 =	vld [tilespmem:s1+$0xFFFFFFF0]  }
0x1b2: {  	v17 =	vld [tilespmem:s1+$0x0]  }
0x1b3: {  	v18 =	vld [tilespmem:s1+$0x10];
	(xrf0) =	vadd.scan.msk.s32 $0xffff, v13  }
0x1b4: {  	v19 =	vld [tilespmem:s1+$0x20];
	(xrf0) =	vadd.scan.msk.s32 $0xffff, v14  }
0x1b5: {  	s5 =	simm.s32 $0x1140;
	v20 =	vld [tilespmem:s1+$0xFFFFFFC0];
	(xrf0) =	vadd.scan.msk.s32 $0xffff, v15  }
0x1b6: {  	v15 =	vld [tilespmem:s5+$0x30];
	(xrf0) =	vadd.scan.msk.s32 $0xffff, v16  }
0x1b7: {  	v21 =	vld [tilespmem:s5+$0xFFFFFFD0];
	(xrf0) =	vadd.scan.msk.s32 $0xffff, v17  }
0x1b8: {  	v22 =	vld [tilespmem:s5+$0xFFFFFFE0];
	(xrf0) =	vadd.scan.msk.s32 $0xffff, v18  }
0x1b9: {  	s0 =	simm.s32 $0x81C0;
	v13 =	vld [tilespmem:s5+$0xFFFFFFF0];
	(xrf0) =	vadd.scan.msk.s32 $0xffff, v19;
	v16, _, _ =	vpop (xrf0)  }
0x1ba: {  	v14 =	vld [tilespmem:s5+$0x0];
	[tilespmem:s0+$0x30] =	vst v16;
	(xrf0) =	vadd.scan.msk.s32 $0xffff, v20;
	v17, _, _ =	vpop (xrf0)  }
0x1bb: {  	v16 =	vld [tilespmem:s5+$0x10];
	(xrf0) =	vadd.scan.msk.s32 $0xffff, v15;
	[tilespmem:s0+$0xFFFFFFD0] =	vst v17;
	v15, _, _ =	vpop (xrf0)  }
0x1bc: {  	v17 =	vld [tilespmem:s5+$0x20];
	(xrf0) =	vadd.scan.msk.s32 $0xffff, v21;
	[tilespmem:s0+$0xFFFFFFE0] =	vst v15;
	v18, _, _ =	vpop (xrf0)  }
0x1bd: {  	s1 =	simm.s32 $0x8;
	v15 =	vld [tilespmem:s5+$0xFFFFFFC0];
	s5 =	simm.s32 $0x11C0;
	(xrf0) =	vadd.scan.msk.s32 $0xffff, v22;
	[tilespmem:s0+$0xFFFFFFF0] =	vst v18;
	v18, _, _ =	vpop (xrf0)  }
.LBB2_20:
0x1be: {  	v19 =	vld [tilespmem:s5+$0x30];
	s1 =	sadd.s32 $0x8, s1;
	(xrf0) =	vadd.scan.msk.s32 $0xffff, v13;
	[tilespmem:s0+$0x0] =	vst v18;
	v13, _, _ =	vpop (xrf0)  }
0x1bf: {  	v18 =	vld [tilespmem:s5+$0xFFFFFFD0];
	p0 =	slt.u32 s1, $0x1E8;
	(xrf0) =	vadd.scan.msk.s32 $0xffff, v14;
	[tilespmem:s0+$0x10] =	vst v13;
	v13, _, _ =	vpop (xrf0)  }
0x1c0: {  	v20 =	vld [tilespmem:s5+$0xFFFFFFE0];
	(xrf0) =	vadd.scan.msk.s32 $0xffff, v16;
	[tilespmem:s0+$0x20] =	vst v13;
	v14, _, _ =	vpop (xrf0)  }
.Ltmp14:
0x1c1: {  	v13 =	vld [tilespmem:s5+$0xFFFFFFF0];
	(xrf0) =	vadd.scan.msk.s32 $0xffff, v17;
	v16, _, _ =	vpop (xrf0);
	[tilespmem:s0+$0xFFFFFFC0] =	vst v14;
	s0 =	sadd.s32 $0x80, s0;
	(pc) =	sbr.rel @p0 .LBB2_20-.Ltmp14, $4  }
0x1c2: {  	v14 =	vld [tilespmem:s5+$0x0];
	[tilespmem:s0+$0x30] =	vst v16;
	(xrf0) =	vadd.scan.msk.s32 $0xffff, v15;
	v15, _, _ =	vpop (xrf0)  }
0x1c3: {  	v16 =	vld [tilespmem:s5+$0x10];
	(xrf0) =	vadd.scan.msk.s32 $0xffff, v19;
	[tilespmem:s0+$0xFFFFFFD0] =	vst v15;
	v15, _, _ =	vpop (xrf0)  }
0x1c4: {  	v17 =	vld [tilespmem:s5+$0x20];
	(xrf0) =	vadd.scan.msk.s32 $0xffff, v18;
	[tilespmem:s0+$0xFFFFFFE0] =	vst v15;
	v18, _, _ =	vpop (xrf0)  }
0x1c5: {  	v15 =	vld [tilespmem:s5+$0xFFFFFFC0];
	s5 =	sadd.s32 $0x80, s5;
	(xrf0) =	vadd.scan.msk.s32 $0xffff, v20;
	[tilespmem:s0+$0xFFFFFFF0] =	vst v18;
	v18, _, _ =	vpop (xrf0)  }
0x1c6: {  	(xrf0) =	vadd.scan.msk.s32 $0xffff, v13;
	v13, _, _ =	vpop (xrf0)  }
0x1c7: {  	(xrf0) =	vadd.scan.msk.s32 $0xffff, v14;
	[tilespmem:s0+$0x10] =	vst v13;
	v13, _, _ =	vpop (xrf0)  }
0x1c8: {  	(xrf0) =	vadd.scan.msk.s32 $0xffff, v16;
	[tilespmem:s0+$0x20] =	vst v13;
	v13, _, _ =	vpop (xrf0)  }
0x1c9: {  	(xrf0) =	vadd.scan.msk.s32 $0xffff, v17;
	v14, _, _ =	vpop (xrf0)  }
0x1ca: {  	s26 =	sadd.s32 $0x80, s0;
	[tilespmem:s0+$0xFFFFFFC0] =	vst v13;
	(xrf0) =	vadd.scan.msk.s32 $0xffff, v15;
	v13, _, _ =	vpop (xrf0)  }
0x1cb: {  	[tilespmem:s26+$0xFFFFFFD0] =	vst v13;
	v13, _, _ =	vpop (xrf0)  }
0x1cc: {  	[tilespmem:s26+$0xFFFFFFE0] =	vst v13;
	v13, _, _ =	vpop (xrf0)  }
0x1cd: {  	[tilespmem:s26+$0xFFFFFFF0] =	vst v13;
	v13, _, _ =	vpop (xrf0)  }
0x1ce: {  	[tilespmem:s26+$0x0] =	vst v13;
	v13, _, _ =	vpop (xrf0)  }
0x1cf: {  	[tilespmem:s26+$0x10] =	vst v13;
	v13, _, _ =	vpop (xrf0)  }
0x1d0: {  	vm1 =	vcmask $0xF14;
	[tilespmem:s26+$0x20] =	vst v13;
	v13, _, _ =	vpop (xrf0)  }
0x1d1: {  	[tilespmem:s26+$0xFFFFFFC0] =	vst v13;
	v13 =	vsel vm1, $0x0, v9  }
0x1d2: {  	(xrf2) =	vadd.scan.msk.f32 $0xffff, v13;
	_ =	sdelay $0x6  }
0x1d3: {  	s30 =	simm.s32 $0x1E0  }
0x1d4: {  	[tilespmem:s26+$0x30] =	vst v14;
	v14 =	vmov s30  }
0x1d5: {  	v14 =	vshll.u32 v14, $0x4  }
0x1d6: {  	v14 =	vor.u32 v3, v14;
	v13, _, _ =	vpop (xrf2)  }
0x1d7: {  	v14 =	vor.u32 $0xF, v14;
	(v2sf) =	vpush v13, $0xF;
	_ =	sdelay $0x3  }
0x1d8: {  	[tilespmem:s0+$0x0] =	vst v18  }
0x1d9: {  	v14 =	vld.idx.msk [tilespmem:v14+s18+$0x0], $0xffff;
	_ =	sdelay $0x4  }
0x1da: {  	v14 =	vperm.xlane v14, v4;
	_ =	sdelay $0x1  }
0x1db: {  	(xrf0) =	vadd.scan.msk.s32 $0xffff, v14;
	_ =	sdelay $0x2  }
0x1dc: {  	s29 =	spop (v2sf)  }
0x1dd: {  	s0 =	scvt.f32.s32 s29;
	_ =	sdelay $0x1  }
0x1de: {  	s5 =	simm.s32 $0x0;
	v15, _, _ =	vpop (xrf0);
	[dreg:$0xc] =	wrdreg s0;
	s0 =	sadd.s32 $0x1, s0  }
0x1df: {  	v15 =	vadd.s32 s5, v15;
	v13 =	vmov s0  }
0x1e0: {  	vm1 =	vge.s32 v15, v13  }
0x1e1: {  	v61 =	vmctz.xlane vm1;
	_ =	sdelay $0x1  }
0x1e2: {  	v16 =	vxor.u32 $0x80000000, v61  }
0x1e3: {  	(xrf0) =	vmax.scan.msk.u32 $0xffff, v16;
	_ =	sdelay $0x5  }
0x1e4: {  	v16, _, _ =	vpop (xrf0)  }
0x1e5: {  	(v2sf) =	vpush v16, $0xF;
	_ =	sdelay $0xe  }
0x1e6: {  	s31 =	spop (v2sf)  }
0x1e7: {  	s1 =	sxor.u32 $0x80000000, s31  }
0x1e8: {  	v15 =	vxor.u32 $0x80000000, v15;
	v62 =	vsel vm1, $0x1, v1;
	v63 =	vmov s1  }
0x1e9: {  	(xrf0) =	vmax.scan.msk.u32 $0xffff, v15;
	v16 =	vor.u32 $0x80000000, v62;
	vm1 =	vgt.s32 v63, v0  }
0x1ea: {  	(xrf0) =	vmax.scan.msk.u32 $0xffff, v16;
	v14 =	vnsel vm1, $0x0, v14  }
0x1eb: {  	(xrf0) =	vadd.scan.msk.s32 $0xffff, v14  }
0x1ec: {  	s8 =	simm.s32 $0x800001DF;
	s10 =	simm.s32 $0x1D0;
	s6 =	simm.s32 $0x0  }
0x1ed: {  	s0 =	simm.s32 $0x800001CF;
	s9 =	ssub.s32 $0x800001EF, s31;
	s1 =	simm.s32 $0x0  }
.LBB2_22:
0x1ee: {  	p0 =	sne.s32 s0, $0x8000000F;
	v14 =	vmov s10  }
0x1ef: {  	v14 =	vshll.u32 v14, $0x4;
	v15, _, _ =	vpop (xrf0)  }
0x1f0: {  	v14 =	vor.u32 v3, v14;
	v16, _, _ =	vpop (xrf0);
	(v2sf) =	vpush v15, $0xF  }
0x1f1: {  	v14 =	vor.u32 $0xF, v14;
	(v2sf) =	vpush v16, $0xF;
	v15, _, _ =	vpop (xrf0)  }
0x1f2: {  	(v2sf) =	vpush v15, $0xF;
	_ =	sdelay $0x3  }
0x1f3: {  	v14 =	vld.idx.msk [tilespmem:v14+s18+$0x0], $0xffff;
	_ =	sdelay $0x5  }
0x1f4: {  	v14 =	vperm.xlane v14, v4;
	_ =	sdelay $0x1  }
0x1f5: {  	(xrf0) =	vadd.scan.msk.s32 $0xffff, v14  }
0x1f6: {  	s10 =	spop (v2sf)  }
0x1f7: {  	s11 =	spop (v2sf)  }
0x1f8: {  	s12 =	spop (v2sf)  }
0x1f9: {  	s10 =	sxor.u32 $0x80000000, s10;
	p1 =	seq.s32 s11, $0x80000001;
	s11 =	sadd.s32 s5, s12  }
0x1fa: {  	p2 =	seq.s32 s1, $0x0;
	s10 =	smov.u32 @p1 s11  }
0x1fb: {  	p1 =	por !p2, !p1;
	v15, _, _ =	vpop (xrf0);
	s5 =	smov.u32 @p2 s10  }
0x1fc: {  	p1 =	por !p1, !p1;
	v15 =	vadd.s32 s5, v15  }
0x1fd: {  	s6 =	smov.u32 @p1 s9;
	s1 =	simm.s32 @p1 $0x1;
	vm12 =	vge.s32 v15, v13  }
0x1fe: {  	v16 =	vmctz.xlane vm12;
	_ =	sdelay $0x1  }
0x1ff: {  	v16 =	vxor.u32 $0x80000000, v16  }
0x200: {  	(xrf0) =	vmax.scan.msk.u32 $0xffff, v16;
	_ =	sdelay $0x5  }
0x201: {  	v16, _, _ =	vpop (xrf0)  }
0x202: {  	(v2sf) =	vpush v16, $0xF;
	_ =	sdelay $0xe  }
0x203: {  	s9 =	spop (v2sf)  }
0x204: {  	s10 =	sxor.u32 $0x80000000, s9;
	s9 =	ssub.s32 s8, s9;
	s8 =	smov.u32 s0  }
0x205: {  	v15 =	vxor.u32 $0x80000000, v15;
	v16 =	vsel vm12, $0x1, v1;
	v17 =	vmov s10  }
.Ltmp15:
0x206: {  	v16 =	vor.u32 $0x80000000, v16;
	vm1 =	vgt.s32 v17, v0;
	(xrf0) =	vmax.scan.msk.u32 $0xffff, v15;
	(pc) =	sbr.rel @p0 .LBB2_22-.Ltmp15, $3  }
0x207: {  	v14 =	vnsel vm1, $0x0, v14;
	(xrf0) =	vmax.scan.msk.u32 $0xffff, v16  }
0x208: {  	(xrf0) =	vadd.scan.msk.s32 $0xffff, v14;
	_ =	sdelay $0x1  }
0x209: {  	s0 =	sadd.s32 $0xFFFFFFF0, s0;
	s10 =	sadd.s32 $0x7FFFFFF1, s8  }
0x20a: {  	_ = 	snop  }
0x20b: {  	v14 =	vmov s10;
	v15, _, _ =	vpop (xrf0)  }
0x20c: {  	v14 =	vshll.u32 v14, $0x4;
	v16, _, _ =	vpop (xrf0);
	(v2sf) =	vpush v15, $0xF  }
0x20d: {  	v14 =	vor.u32 v3, v14;
	(v2sf) =	vpush v16, $0xF;
	v15, _, _ =	vpop (xrf0)  }
0x20e: {  	v14 =	vor.u32 $0xF, v14;
	(v2sf) =	vpush v15, $0xF;
	_ =	sdelay $0x4  }
0x20f: {  	v14 =	vld.idx.msk [tilespmem:v14+s18+$0x0], $0xffff;
	_ =	sdelay $0x4  }
0x210: {  	v14 =	vperm.xlane v14, v4;
	_ =	sdelay $0x1  }
0x211: {  	(xrf0) =	vadd.scan.msk.s32 $0xffff, v14  }
0x212: {  	s0 =	spop (v2sf)  }
0x213: {  	s31 =	spop (v2sf)  }
0x214: {  	s11 =	spop (v2sf)  }
0x215: {  	s0 =	sxor.u32 $0x80000000, s0;
	p0 =	seq.s32 s31, $0x80000001;
	s10 =	sadd.s32 s5, s11  }
0x216: {  	p1 =	seq.s32 s1, $0x0;
	s0 =	smov.u32 @p0 s10  }
0x217: {  	v15, _, _ =	vpop (xrf0);
	s5 =	smov.u32 @p1 s0  }
0x218: {  	v15 =	vadd.s32 s5, v15  }
0x219: {  	vm1 =	vge.s32 v15, v13  }
0x21a: {  	v60 =	vmctz.xlane vm1;
	_ =	sdelay $0x1  }
0x21b: {  	v16 =	vxor.u32 $0x80000000, v60  }
0x21c: {  	(xrf0) =	vmax.scan.msk.u32 $0xffff, v16;
	_ =	sdelay $0x5  }
0x21d: {  	v16, _, _ =	vpop (xrf0)  }
0x21e: {  	(v2sf) =	vpush v16, $0xF;
	_ =	sdelay $0x1  }
0x21f: {  	v15 =	vxor.u32 $0x80000000, v15;
	v61 =	vsel vm1, $0x1, v1  }
0x220: {  	(xrf0) =	vmax.scan.msk.u32 $0xffff, v15;
	v16 =	vor.u32 $0x80000000, v61  }
0x221: {  	(xrf0) =	vmax.scan.msk.u32 $0xffff, v16;
	_ =	sdelay $0x4  }
0x222: {  	v15, _, _ =	vpop (xrf0)  }
0x223: {  	(v2sf) =	vpush v15, $0xF;
	v16, _, _ =	vpop (xrf0)  }
0x224: {  	(v2sf) =	vpush v16, $0xF;
	_ =	sdelay $0x3  }
0x225: {  	s12 =	spop (v2sf)  }
0x226: {  	s16 =	sxor.u32 $0x80000000, s12  }
0x227: {  	v15 =	vmov s16  }
0x228: {  	vm1 =	vgt.s32 v15, v0  }
0x229: {  	v14 =	vnsel vm1, $0x0, v14  }
0x22a: {  	(xrf0) =	vadd.scan.msk.s32 $0xffff, v14;
	_ =	sdelay $0x3  }
0x22b: {  	p0 =	por !p1, !p0  }
0x22c: {  	p0 =	por !p0, !p0;
	s25 =	spop (v2sf)  }
0x22d: {  	s1 =	simm.s32 @p0 $0x1;
	s26 =	spop (v2sf);
	v14, _, _ =	vpop (xrf0)  }
0x22e: {  	p2 =	seq.s32 s1, $0x0;
	p1 =	seq.s32 s26, $0x80000001;
	(v2sf) =	vpush v14, $0xF  }
0x22f: {  	p3 =	por !p2, !p1  }
0x230: {  	s6 =	smov.u32 @p0 s9;
	s0 =	ssub.s32 s8, s12;
	p0 =	por !p3, !p3  }
0x231: {  	s6 =	smov.u32 @p0 s0  }
0x232: {  	s0 =	sshll.u32 s6, $0x4  }
0x233: {  	v14 =	vld [tilespmem:s0+$0x1080];
	_ =	sdelay $0x4  }
0x234: {  	v14 =	vperm.xlane v14, v4;
	_ =	sdelay $0x1  }
0x235: {  	(xrf0) =	vadd.scan.msk.s32 $0xffff, v14;
	_ =	sdelay $0x2  }
0x236: {  	s29 =	spop (v2sf)  }
0x237: {  	s8 =	sxor.u32 $0x80000000, s25;
	s0 =	sadd.s32 s5, s29  }
0x238: {  	s8 =	smov.u32 @p1 s0  }
0x239: {  	v14, _, _ =	vpop (xrf0);
	s5 =	smov.u32 @p2 s8  }
0x23a: {  	v14 =	vadd.s32 s5, v14  }
0x23b: {  	vm1 =	vge.s32 v14, v13  }
0x23c: {  	v13 =	vmctz.xlane vm1;
	_ =	sdelay $0x1  }
0x23d: {  	v13 =	vxor.u32 $0x80000000, v13  }
0x23e: {  	(xrf0) =	vmax.scan.msk.u32 $0xffff, v13;
	_ =	sdelay $0x5  }
0x23f: {  	v13, _, _ =	vpop (xrf0)  }
0x240: {  	(v2sf) =	vpush v13, $0xF;
	_ =	sdelay $0xe  }
0x241: {  	s30 =	spop (v2sf)  }
0x242: {  	s0 =	sxor.u32 $0x80000000, s30  }
0x243: {  	s1 =	simm.s32 @p0 $0x1;
	p0 =	slt.s32 s0, $0xF  }
0x244: {  	s31 =	sshllo.u32 s6, $0x4;
	s0 =	simm.s32 @!p0 $0xF  }
0x245: {  	p0 =	seq.s32 s1, $0x0;
	s0 =	ssub.s32 s31, s0  }
0x246: {  	s0 =	simm.s32 @p0 $0x0  }
0x247: {  	[dreg:$0xd] =	wrdreg s0;
	s0 =	sshll.u32 s0, $0xF  }
0x248: {  	s0 =	sadd.s32 $0x30800000, s0  }
0x249: {  	v13 =	vmov s0  }
0x24a: {  	v14 =	vand.u32 $0x7F8000, v13  }
0x24b: {  	v14 =	vor.u32 $0x3F800000, v14  }
0x24c: {  	v15 =	vmul.f32 $5.000000000e-01, v14  }
0x24d: {  	vm1 =	vgt.f32 v14, $1.414213540e+00  }
0x24e: {  	v14 =	vsel vm1, v15, v14  }
0x24f: {  	v15 =	vadd.f32 $1.000000000e+00, v14;
	_ =	sdelay $0x1  }
0x250: {  	(erf) = vrcp.f32 v15;
	_ =	sdelay $0x7  }
0x251: {  	v14 =	vadd.f32 $-1.000000000e+00, v14  }
0x252: {  	v15 =	vpop (erf)  }
0x253: {  	v14 =	vmul.f32 v15, v14;
	_ =	sdelay $0x1  }
0x254: {  	v15 =	vmul.f32 v14, v14;
	_ =	sdelay $0x1  }
0x255: {  	v62 =	vmul.f32 v15, v6;
	_ =	sdelay $0x1  }
0x256: {  	v16 =	vadd.f32 $1.428571490e-01, v62;
	_ =	sdelay $0x1  }
0x257: {  	v16 =	vmul.f32 v16, v15;
	_ =	sdelay $0x1  }
0x258: {  	v16 =	vadd.f32 $2.000000030e-01, v16;
	_ =	sdelay $0x1  }
0x259: {  	v16 =	vmul.f32 v16, v15;
	_ =	sdelay $0x1  }
0x25a: {  	v17 =	vshrl.u32 v13, $0x17;
	v16 =	vadd.f32 $3.333333430e-01, v16  }
0x25b: {  	v17 =	vand.u32 $0xFF, v17;
	v18 =	vsel vm1, $0x1, v1  }
0x25c: {  	v17 =	vadd.s32 v18, v17;
	v15 =	vmul.f32 v16, v15  }
0x25d: {  	v63 =	vadd.s32 $0xFFFFFF81, v17  }
0x25e: {  	v14 =	vadd.f32 v14, v14;
	v16 =	vcvt.s32.f32 v63;
	v15 =	vadd.f32 $1.000000000e+00, v15;
	_ =	sdelay $0x1  }
0x25f: {  	v14 =	vmul.f32 v15, v14;
	v15 =	vmul.f32 $6.931471820e-01, v16;
	_ =	sdelay $0x1  }
0x260: {  	v14 =	vadd.f32 v14, v15;
	_ =	sdelay $0x1  }
0x261: {  	v14 =	vadd.f32 $-9.999999740e-05, v14;
	_ =	sdelay $0x1  }
0x262: {  	v14 =	vadd.f32 v14, v8;
	_ =	sdelay $0x1  }
0x263: {  	v10 =	vmul.f32 v14, v10;
	_ =	sdelay $0x1  }
0x264: {  	v10 =	vnsel vm0, $0x0, v10  }
0x265: {  	(xrf2) =	vadd.scan.msk.f32 $0xffff, v10;
	_ =	sdelay $0x9  }
0x266: {  	v10, _, _ =	vpop (xrf2)  }
0x267: {  	s5 =	simm.s32 $0x0;
	_ =	strace $0x8000004A  }
0x268: {  	[tilespmem:s5], [sflag:$0x1] =	stream.linear.gather [spmem:s7], $0x7D0, $0x200038;
	[tilespmem:$0x1DA00] =	vst v63  }
0x269: {  	s6 =	simm.s32 $0x7D0;
	s8 =	simm.s32 $0x0  }
0x26a: {  	v14 =	vimm.s32 $0x0;
	v10 =	vbroadcast v10, $0xF;
	[tilespmem:s13], [sflag:$0x2] =	stream.linear.gather [spmem:s28], $0x7D0, $0x200038;
	[tilespmem:$0x1DA00] =	vst v63  }
.LBB2_24:
0x26b: {  	_ =	swait.ge [sflag:s14], $0x7D0  }
0x26c: {  	[sflag:s14] =	ssyncset.done $0x0  }
0x26d: {  	s0 =	simm.s32 $0x0;
	[sflag:s14] =	ssyncadd.s32 $0xFFFFF830  }
0x26e: {  	v15 =	vld [tilespmem:s0+$0x0];
	_ =	sdelay $0x4  }
0x26f: {  	vm2 =	vlt.s32 v14, $0xFE1;
	vm1 =	vge.f32 v15, v10  }
0x270: {  	vm1 =	vmand vm2, vm1  }
0x271: {  	v16 =	vsel vm1, $0x1, v1  }
0x272: {  	(xrf0) =	vadd.scan.msk.s32 $0xffff, v16;
	_ =	sdelay $0x5  }
0x273: {  	v16, _, _ =	vpop (xrf0)  }
0x274: {  	v16 =	vadd.s32 v16, v14  }
0x275: {  	v16 =	vadd.s32 $0xFFFFFFFF, v16;
	_ =	sdelay $0x3  }
0x276: {  	v17 =	vmpcnt.ones.xlane vm1  }
0x277: {  	[tilespmem:v16+s19+$0x0] =	vst.idx.msk vm1, v15;
	v15 =	vor.u32 s5, v0  }
0x278: {  	s31 =	simm.s32 $0x10;
	v14 =	vadd.s32 v14, v17;
	[tilespmem:v16+s20+$0x0] =	vst.idx.msk vm1, v15  }
0x279: {  	s9 =	smov.u32 s5;
	s0 =	simm.s32 $0x80;
	v16 =	vmov v14;
	v15 =	vld [tilespmem:s31+$0x0]  }
.LBB2_25:
0x27a: {  	p0 =	sne.s32 s0, $0x1F00;
	_ =	sdelay $0x3  }
0x27b: {  	vm2 =	vlt.s32 v14, $0xFE1;
	vm1 =	vge.f32 v15, v10  }
0x27c: {  	vm1 =	vmand vm2, vm1  }
0x27d: {  	v17 =	vsel vm1, $0x1, v1;
	v18 =	vmpcnt.ones.xlane vm1  }
0x27e: {  	(xrf0) =	vadd.scan.msk.s32 $0xffff, v17  }
0x27f: {  	v14 =	vadd.s32 v14, v18;
	_ =	sdelay $0x4  }
0x280: {  	v17, _, _ =	vpop (xrf0)  }
0x281: {  	v17 =	vadd.s32 v17, v16;
	v16 =	vmov v14  }
0x282: {  	v17 =	vadd.s32 $0xFFFFFFFF, v17;
	_ =	sdelay $0x2  }
.Ltmp16:
0x283: {  	(pc) =	sbr.rel @p0 .LBB2_25-.Ltmp16, $4  }
0x284: {  	s9 =	sadd.s32 $0x10, s9  }
0x285: {  	[tilespmem:v17+s19+$0x0] =	vst.idx.msk vm1, v15;
	v15 =	vor.u32 s9, v0  }
0x286: {  	s10 =	sshra.s32 s0, $0x2;
	[tilespmem:v17+s20+$0x0] =	vst.idx.msk vm1, v15  }
0x287: {  	s0 =	sadd.s32 $0x40, s0;
	v15 =	vld [tilespmem:s10+$0x0]  }
0x288: {  	_ =	sdelay $0x3  }
0x289: {  	vm2 =	vlt.s32 v14, $0xFE1;
	vm1 =	vge.f32 v15, v10  }
0x28a: {  	vm1 =	vmand vm2, vm1  }
0x28b: {  	v17 =	vsel vm1, $0x1, v1  }
0x28c: {  	(xrf0) =	vadd.scan.msk.s32 $0xffff, v17;
	_ =	sdelay $0x5  }
0x28d: {  	v17, _, _ =	vpop (xrf0)  }
0x28e: {  	p0 =	seq.s32 s8, $0x18;
	v16 =	vadd.s32 v17, v16  }
0x28f: {  	s0 =	sshll.u32 s8, $0x1;
	p2 =	sgt.u32 @!p0 s8, $0x12;
	v16 =	vadd.s32 $0xFFFFFFFF, v16  }
0x290: {  	s10 =	sadd.s32 $0x2, s0;
	p1 =	por !p2, p0  }
0x291: {  	s11 =	smul.u32 @!p1 $0x7D0, s10;
	_ =	sdelay $0x1  }
0x292: {  	s9 =	sadd.s32 $0x10, s9;
	s11 =	sadd.s32 @!p1 s4, s11  }
0x293: {  	p2 =	por p2, p0;
	[tilespmem:v16+s19+$0x0] =	vst.idx.msk vm1, v15;
	v15 =	vor.u32 s9, v0;
	s9 =	sshrl.u32 @!p1 s11, $0x3  }
0x294: {  	s10 =	smul.u32 @!p2 $0x1F40, s10;
	s11 =	simm.s32 @!p1 $0x0;
	[tilespmem:v16+s20+$0x0] =	vst.idx.msk vm1, v15;
	s9 =	sadd.s32 @!p1 s3, s9  }
0x295: {  	[tilespmem:s11], [sflag:$0x1] =	stream.linear.gather @!p1 [hbm4b:s9+s11], $0x7D0, $0x200038;
	[tilespmem:$0x1DA00] =	vst v63  }
0x296: {  	s9 =	sshra.s32 @!p2 s10, $0x2  }
0x297: {  	s10 =	simm.s32 @!p2 $0x0;
	s9 =	sadd.s32 @!p2 s9, s7  }
0x298: {  	[tilespmem:s10], [sflag:$0x1] =	stream.linear.gather @!p2 [spmem:s9], $0x7D0, $0x200038;
	[tilespmem:$0x1DA00] =	vst v63  }
0x299: {  	_ =	swait.ge [sflag:s15], $0x7D0  }
0x29a: {  	[sflag:s15] =	ssyncset.done $0x0  }
0x29b: {  	s30 =	simm.s32 $0x0;
	[sflag:s15] =	ssyncadd.s32 $0xFFFFF830  }
0x29c: {  	v15 =	vld [tilespmem:s30+$0x800];
	_ =	sdelay $0x1  }
0x29d: {  	v16 =	vmpcnt.ones.xlane vm1;
	_ =	sdelay $0x1  }
0x29e: {  	v14 =	vadd.s32 v14, v16  }
0x29f: {  	vm2 =	vlt.s32 v14, $0xFE1;
	vm1 =	vge.f32 v15, v10  }
0x2a0: {  	vm1 =	vmand vm2, vm1  }
0x2a1: {  	v16 =	vsel vm1, $0x1, v1  }
0x2a2: {  	(xrf0) =	vadd.scan.msk.s32 $0xffff, v16;
	_ =	sdelay $0x5  }
0x2a3: {  	v16, _, _ =	vpop (xrf0)  }
0x2a4: {  	v16 =	vadd.s32 v16, v14  }
0x2a5: {  	v16 =	vadd.s32 $0xFFFFFFFF, v16;
	_ =	sdelay $0x3  }
0x2a6: {  	v17 =	vmpcnt.ones.xlane vm1  }
0x2a7: {  	[tilespmem:v16+s19+$0x0] =	vst.idx.msk vm1, v15;
	v15 =	vor.u32 s6, v0  }
0x2a8: {  	s31 =	simm.s32 $0x10;
	v14 =	vadd.s32 v14, v17;
	[tilespmem:v16+s20+$0x0] =	vst.idx.msk vm1, v15  }
0x2a9: {  	s10 =	simm.s32 $0x80;
	s9 =	smov.u32 s6;
	v16 =	vmov v14;
	v15 =	vld [tilespmem:s31+$0x800]  }
.LBB2_27:
0x2aa: {  	p3 =	sne.s32 s10, $0x1F00;
	_ =	sdelay $0x3  }
0x2ab: {  	vm2 =	vlt.s32 v14, $0xFE1;
	vm1 =	vge.f32 v15, v10  }
0x2ac: {  	vm1 =	vmand vm2, vm1  }
0x2ad: {  	v17 =	vsel vm1, $0x1, v1;
	v18 =	vmpcnt.ones.xlane vm1  }
0x2ae: {  	(xrf0) =	vadd.scan.msk.s32 $0xffff, v17  }
0x2af: {  	v14 =	vadd.s32 v14, v18;
	_ =	sdelay $0x4  }
0x2b0: {  	v17, _, _ =	vpop (xrf0)  }
0x2b1: {  	v17 =	vadd.s32 v17, v16;
	v16 =	vmov v14  }
0x2b2: {  	v17 =	vadd.s32 $0xFFFFFFFF, v17;
	_ =	sdelay $0x2  }
.Ltmp17:
0x2b3: {  	(pc) =	sbr.rel @p3 .LBB2_27-.Ltmp17, $4  }
0x2b4: {  	s9 =	sadd.s32 $0x10, s9  }
0x2b5: {  	[tilespmem:v17+s19+$0x0] =	vst.idx.msk vm1, v15;
	v15 =	vor.u32 s9, v0  }
0x2b6: {  	s11 =	sshra.s32 s10, $0x2;
	[tilespmem:v17+s20+$0x0] =	vst.idx.msk vm1, v15  }
0x2b7: {  	s10 =	sadd.s32 $0x40, s10;
	v15 =	vld [tilespmem:s11+$0x800]  }
0x2b8: {  	_ =	sdelay $0x3  }
0x2b9: {  	vm2 =	vlt.s32 v14, $0xFE1;
	vm1 =	vge.f32 v15, v10  }
0x2ba: {  	vm1 =	vmand vm2, vm1  }
0x2bb: {  	v17 =	vsel vm1, $0x1, v1  }
0x2bc: {  	(xrf0) =	vadd.scan.msk.s32 $0xffff, v17;
	_ =	sdelay $0x5  }
0x2bd: {  	v17, _, _ =	vpop (xrf0)  }
0x2be: {  	v16 =	vadd.s32 v17, v16  }
0x2bf: {  	v16 =	vadd.s32 $0xFFFFFFFF, v16  }
0x2c0: {  	s0 =	sadd.s32 $0x3, s0  }
0x2c1: {  	s10 =	smul.u32 @!p1 $0x7D0, s0;
	_ =	sdelay $0x1  }
0x2c2: {  	s9 =	sadd.s32 $0x10, s9;
	s10 =	sadd.s32 @!p1 s4, s10  }
0x2c3: {  	s11 =	simm.s32 @!p1 $0x800;
	s10 =	sshrl.u32 @!p1 s10, $0x3;
	[tilespmem:v16+s19+$0x0] =	vst.idx.msk vm1, v15;
	v15 =	vor.u32 s9, v0  }
0x2c4: {  	s8 =	sadd.s32 @!p0 $0x1, s8;
	s9 =	sadd.s32 @!p1 s3, s10;
	s10 =	simm.s32 @!p1 $0x0;
	[tilespmem:v16+s20+$0x0] =	vst.idx.msk vm1, v15  }
0x2c5: {  	[tilespmem:s11], [sflag:$0x2] =	stream.linear.gather @!p1 [hbm4b:s9+s10], $0x7D0, $0x200038;
	[tilespmem:$0x1DA00] =	vst v63  }
0x2c6: {  	p1 =	sne.s32 @!p0 s8, $0x19  }
0x2c7: {  	s0 =	smul.u32 @!p2 $0x1F40, s0;
	p1 =	por p0, !p1  }
.Ltmp18:
0x2c8: {  	_ = 	snop;
	(pc) =	sbr.rel @!p1 .LBB2_24-.Ltmp18, $4  }
0x2c9: {  	_ = 	snop  }
0x2ca: {  	s5 =	sadd.s32 @!p0 $0xFA0, s5;
	s0 =	sshra.s32 @!p2 s0, $0x2;
	v15 =	vmpcnt.ones.xlane vm1  }
0x2cb: {  	s6 =	sadd.s32 @!p0 $0xFA0, s6;
	s0 =	sadd.s32 @!p2 s0, s7;
	s9 =	simm.s32 @!p2 $0x800  }
0x2cc: {  	v14 =	vadd.s32 v14, v15;
	[tilespmem:s9], [sflag:$0x2] =	stream.linear.gather @!p2 [spmem:s0], $0x7D0, $0x200038;
	[tilespmem:$0x1DA00] =	vst v63  }
0x2cd: {  	vm1 =	vcmask $0x308  }
0x2ce: {  	v10 =	vsel vm1, $0x0, v9;
	vm1 =	vcmask $0x70C  }
0x2cf: {  	(xrf2) =	vadd.scan.msk.f32 $0xffff, v10;
	v10 =	vsel vm1, $0x0, v9;
	vm1 =	vcmask $0xB10  }
0x2d0: {  	(xrf2) =	vadd.scan.msk.f32 $0xffff, v10;
	v9 =	vsel vm1, $0x0, v9  }
0x2d1: {  	(xrf2) =	vadd.scan.msk.f32 $0xffff, v9  }
0x2d2: {  	(xrf2) =	vadd.scan.msk.f32 $0xffff, v11;
	_ =	sdelay $0x6  }
0x2d3: {  	v9, _, _ =	vpop (xrf2)  }
0x2d4: {  	v10, _, _ =	vpop (xrf2)  }
0x2d5: {  	(v2sf) =	vpush v9, $0xF;
	v11, _, _ =	vpop (xrf2)  }
0x2d6: {  	(v2sf) =	vpush v11, $0xF;
	v11, _, _ =	vpop (xrf2)  }
0x2d7: {  	(v2sf) =	vpush v11, $0xF;
	_ =	sdelay $0xc  }
0x2d8: {  	s0 =	spop (v2sf)  }
0x2d9: {  	s16 =	spop (v2sf)  }
0x2da: {  	[dreg:$0xe] =	wrdreg s0;
	s30 =	spop (v2sf)  }
0x2db: {  	[dreg:$0xf] =	wrdreg s30  }
0x2dc: {  	v14 =	vxor.u32 $0x80000000, v14;
	_ =	strace $0x9000004A  }
0x2dd: {  	(xrf0) =	vmax.scan.msk.u32 $0xffff, v14;
	_ =	sdelay $0x5  }
0x2de: {  	v14, _, _ =	vpop (xrf0)  }
0x2df: {  	(v2sf) =	vpush v14, $0xF;
	_ =	sdelay $0xe  }
0x2e0: {  	s4 =	spop (v2sf)  }
0x2e1: {  	s31 =	sadd.s32 $0x8000000F, s4  }
0x2e2: {  	s6 =	sshra.s32 s31, $0x4  }
0x2e3: {  	p0 =	slt.s32 s6, $0x1  }
.Ltmp19:
0x2e4: {  	_ = 	snop;
	(pc) =	sbr.rel @p0 .LBB2_30-.Ltmp19, $1  }
0x2e5: {  	_ =	sdelay $0x3  }
0x2e6: {  	s0 =	simm.s32 $0x4F80  }
0x2e7: {  	v14 =	vld [tilespmem:s0+$0x0];
	_ =	sdelay $0x4  }
0x2e8: {  	v14 =	vmul.f32 v14, v12;
	_ =	sdelay $0x1  }
0x2e9: {  	v14 =	vsub.f32 v14, v8;
	_ =	sdelay $0x1  }
0x2ea: {  	v14 =	vmul.f32 $1.442695020e+00, v14;
	_ =	sdelay $0x1  }
0x2eb: {  	(erf) = vpow2.f32 v14;
	_ =	sdelay $0x7  }
0x2ec: {  	s5 =	sxor.u32 $0x80000000, s4;
	s4 =	simm.s32 $0x0  }
0x2ed: {  	v15 =	vor.u32 s4, v0;
	v14 =	vmov s5;
	v17 =	vpop (erf)  }
0x2ee: {  	vm2 =	vlt.s32 v15, v14;
	vm1 =	vle.s32 v13, v17  }
0x2ef: {  	vm12 =	vmand vm2, vm1  }
0x2f0: {  	v15 =	vsel vm12, $0x1, v1  }
0x2f1: {  	(xrf0) =	vadd.scan.msk.s32 $0xffff, v15;
	_ =	sdelay $0x5  }
0x2f2: {  	v15 =	vimm.s32 $0x0;
	v16, _, _ =	vpop (xrf0)  }
0x2f3: {  	v16 =	vadd.s32 v16, v15  }
0x2f4: {  	v16 =	vadd.s32 $0xFFFFFFFF, v16  }
0x2f5: {  	p0 =	sne.s32 s6, $0x1  }
.Ltmp20:
0x2f6: {  	_ = 	snop;
	(pc) =	sbr.rel @!p0 .LBB2_33-.Ltmp20, $4  }
0x2f7: {  	_ = 	snop  }
0x2f8: {  	v18 =	vmpcnt.ones.xlane vm12  }
0x2f9: {  	s5 =	simm.s32 $0x5F80;
	[tilespmem:v16+s21+$0x0] =	vst.idx.msk vm12, v17  }
0x2fa: {  	s6 =	sadd.s32 $0xFFFFFFFF, s6;
	v15 =	vadd.s32 v15, v18;
	v17 =	vld [tilespmem:s5+$0x0]  }
.LBB2_32:
0x2fb: {  	_ =	sdelay $0x3  }
0x2fc: {  	s0 =	sadd.s32 $0x10, s0;
	s5 =	sadd.s32 $0x10, s5;
	s4 =	sadd.s32 $0x10, s4;
	[tilespmem:v16+s22+$0x0] =	vst.idx.msk vm12, v17;
	v16 =	vmov v15  }
0x2fd: {  	p0 =	sne.s32 s6, $0x1;
	s6 =	sadd.s32 $0xFFFFFFFF, s6;
	v17 =	vld [tilespmem:s0+$0x0];
	_ =	sdelay $0x4  }
0x2fe: {  	v17 =	vmul.f32 v17, v12;
	_ =	sdelay $0x1  }
0x2ff: {  	v17 =	vsub.f32 v17, v8;
	_ =	sdelay $0x1  }
0x300: {  	v17 =	vmul.f32 $1.442695020e+00, v17;
	_ =	sdelay $0x1  }
0x301: {  	(erf) = vpow2.f32 v17;
	_ =	sdelay $0x8  }
0x302: {  	v17 =	vor.u32 s4, v0;
	v18 =	vpop (erf)  }
0x303: {  	vm2 =	vlt.s32 v17, v14;
	vm1 =	vle.s32 v13, v18  }
0x304: {  	vm12 =	vmand vm2, vm1  }
0x305: {  	v17 =	vsel vm12, $0x1, v1;
	v19 =	vmpcnt.ones.xlane vm12  }
0x306: {  	(xrf0) =	vadd.scan.msk.s32 $0xffff, v17  }
0x307: {  	v15 =	vadd.s32 v15, v19;
	_ =	sdelay $0x4  }
0x308: {  	v17, _, _ =	vpop (xrf0)  }
0x309: {  	v16 =	vadd.s32 v17, v16  }
0x30a: {  	v16 =	vadd.s32 $0xFFFFFFFF, v16;
	_ =	sdelay $0x1  }
.Ltmp21:
0x30b: {  	(pc) =	sbr.rel @p0 .LBB2_32-.Ltmp21, $3  }
0x30c: {  	_ =	sdelay $0x1  }
0x30d: {  	[tilespmem:v16+s21+$0x0] =	vst.idx.msk vm12, v18  }
0x30e: {  	v17 =	vld [tilespmem:s5+$0x0]  }
.LBB2_33:
0x30f: {  	_ = 	snop  }
.Ltmp22:
0x310: {  	_ = 	snop;
	(pc) =	sbr.rel .LBB2_34-.Ltmp22, $2  }
0x311: {  	_ =	sdelay $0x2  }
0x312: {  	v12 =	vxor.u32 $0x80000000, v15;
	[tilespmem:v16+s22+$0x0] =	vst.idx.msk vm12, v17  }
.LBB2_30:
0x313: {  	v12 =	vimm.s32 $0x80000000  }
.LBB2_34:
0x314: {  	(xrf0) =	vmax.scan.msk.u32 $0xffff, v12;
	_ =	sdelay $0x5  }
0x315: {  	v12, _, _ =	vpop (xrf0)  }
0x316: {  	(v2sf) =	vpush v12, $0xF;
	_ =	sdelay $0xe  }
0x317: {  	s4 =	spop (v2sf)  }
0x318: {  	s25 =	sxor.u32 $0x80000000, s4  }
0x319: {  	p0 =	sgt.s32 s25, $0xFE0  }
0x31a: {  	v12 =	vimm.s32 @!p0 $0x0  }
0x31b: {  	[tilespmem:s25+$0x2F80] =	vst @!p0 v12  }
0x31c: {  	s0 =	sadd.s32 @!p0 $0x80000010, s4;
	[tilespmem:s25+$0x3F80] =	vst @!p0 v12  }
0x31d: {  	[tilespmem:s0+$0x2F80] =	vst @!p0 v12  }
0x31e: {  	[tilespmem:s0+$0x3F80] =	vst @!p0 v12  }
0x31f: {  	_ =	strace $0x8000004B;
	[tilespmem:$0x7F80] =	vst v1  }
0x320: {  	[tilespmem:$0x7F90] =	vst v1  }
0x321: {  	[tilespmem:$0x7FA0] =	vst v1  }
0x322: {  	[tilespmem:$0x7FB0] =	vst v1  }
0x323: {  	[tilespmem:$0x7FC0] =	vst v1  }
0x324: {  	[tilespmem:$0x7FD0] =	vst v1  }
0x325: {  	s31 =	sadd.s32 $0x8000000F, s4;
	[tilespmem:$0x7FE0] =	vst v1  }
0x326: {  	s5 =	sshra.s32 s31, $0x4;
	s0 =	sshrl.u32 s31, $0x1F;
	[tilespmem:$0x7FF0] =	vst v1  }
0x327: {  	[tilespmem:$0x8000] =	vst v1;
	s0 =	sadd.s32 s0, s5  }
0x328: {  	[tilespmem:$0x8010] =	vst v1;
	s6 =	sand.u32 $0xFFFFFFFE, s0  }
0x329: {  	[tilespmem:$0x8020] =	vst v1;
	p2 =	slt.s32 s6, $0x1  }
.Ltmp23:
0x32a: {  	[tilespmem:$0x8030] =	vst v1;
	(pc) =	sbr.rel @p2 .LBB2_42-.Ltmp23, $4  }
0x32b: {  	[tilespmem:$0x8040] =	vst v1  }
0x32c: {  	[tilespmem:$0x8050] =	vst v1  }
0x32d: {  	[tilespmem:$0x8060] =	vst v1  }
0x32e: {  	[dreg:$0x10] =	wrdreg s4;
	[tilespmem:$0x8070] =	vst v1  }
0x32f: {  	p1 =	sgt.s32 s6, $0x2  }
.Ltmp24:
0x330: {  	_ = 	snop;
	(pc) =	sbr.rel @!p1 .LBB2_36-.Ltmp24, $4  }
0x331: {  	_ = 	snop  }
0x332: {  	s0 =	simm.s32 $0x2F90  }
0x333: {  	v16 =	vld [tilespmem:s0+$0x0]  }
0x334: {  	p0 =	por $0x0, $0x0;
	v12 =	vld [tilespmem:s0+$0xFFFFFFF0]  }
0x335: {  	p1 =	sgt.s32 s6, $0x4  }
.Ltmp25:
0x336: {  	_ = 	snop;
	(pc) =	sbr.rel @!p1 .LBB2_38-.Ltmp25, $4  }
0x337: {  	_ = 	snop  }
0x338: {  	s0 =	simm.s32 $0x2FB0  }
0x339: {  	v15 =	vld [tilespmem:s0+$0x0];
	v14 =	vandn.u32 $0xFF, v12  }
0x33a: {  	s4 =	simm.s32 $0x4;
	p0 =	por $0x1, $0x1;
	v13 =	vandn.u32 $0xFF, v16;
	v12 =	vld [tilespmem:s0+$0xFFFFFFF0]  }
.LBB2_39:
0x33b: {  	s4 =	sadd.s32 $0x2, s4  }
0x33c: {  	p1 =	slt.s32 s4, s6  }
.Ltmp26:
0x33d: {  	_ = 	snop;
	(pc) =	sbr.rel @p1 .LBB2_39-.Ltmp26, $4  }
0x33e: {  	s0 =	sadd.s32 $0x20, s0;
	[tilespmem:v14+s23+$0x0] =	vst.idx.add.s32.msk $0xffff, v2  }
0x33f: {  	v16 =	vandn.u32 $0xFF, v15;
	v15 =	vld [tilespmem:s0+$0x0]  }
0x340: {  	v14 =	vandn.u32 $0xFF, v12;
	v12 =	vld [tilespmem:s0+$0xFFFFFFF0]  }
0x341: {  	[tilespmem:v13+s23+$0x0] =	vst.idx.add.s32.msk $0xffff, v2;
	v13 =	vmov v16  }
0x342: {  	_ =	sdelay $0x1  }
0x343: {  	v16 =	vmov v15  }
.LBB2_41:
0x344: {  	_ = 	snop  }
0x345: {  	v12 =	vandn.u32 $0xFF, v12  }
0x346: {  	v15 =	vandn.u32 $0xFF, v16;
	_ =	sdelay $0x1  }
0x347: {  	[tilespmem:v14+s23+$0x0] =	vst.idx.add.s32.msk @p0 $0xffff, v2  }
0x348: {  	[tilespmem:v13+s23+$0x0] =	vst.idx.add.s32.msk @p0 $0xffff, v2  }
0x349: {  	[tilespmem:v12+s23+$0x0] =	vst.idx.add.s32.msk $0xffff, v2  }
0x34a: {  	[tilespmem:v15+s23+$0x0] =	vst.idx.add.s32.msk $0xffff, v2  }
.LBB2_42:
0x34b: {  	s0 =	ssub.s32 s5, s6  }
0x34c: {  	p0 =	sgt.s32 s0, $0x0  }
0x34d: {  	s0 =	sshll.u32 @p0 s6, $0x6  }
0x34e: {  	s8 =	sshra.s32 @p0 s0, $0x2  }
0x34f: {  	v12 =	vld @p0 [tilespmem:s8+$0x2F80];
	_ =	sdelay $0x4  }
0x350: {  	v12 =	vandn.u32 @p0 $0xFF, v12;
	_ =	sdelay $0x3  }
0x351: {  	v13 =	vimm.s32 @p0 $0x1;
	s0 =	simm.s32 @p0 $0x7F80  }
0x352: {  	s9 =	simm.s32 $0x0;
	[tilespmem:v12+s0+$0x0] =	vst.idx.add.s32.msk @p0 $0xffff, v13  }
0x353: {  	v19 =	vld [tilespmem:s9+$0x7F80];
	_ =	sdelay $0x4  }
0x354: {  	s0 =	simm.s32 $0x10;
	(xrf0) =	vadd.scan.msk.s32 $0xffff, v19  }
0x355: {  	v13 =	vld [tilespmem:s0+$0x7F80];
	_ =	sdelay $0x2  }
0x356: {  	s11 =	simm.s32 $0x20  }
0x357: {  	v12 =	vld [tilespmem:s11+$0x7F80]  }
0x358: {  	v20, _, _ =	vpop (xrf0);
	(xrf0) =	vadd.scan.msk.s32 $0xffff, v13;
	_ =	sdelay $0x1  }
0x359: {  	v14 =	vxor.u32 $0x80000000, v20  }
0x35a: {  	(xrf0) =	vmax.scan.msk.u32 $0xffff, v14  }
0x35b: {  	(xrf0) =	vadd.scan.msk.s32 $0xffff, v12  }
0x35c: {  	s4 =	simm.s32 $0x30  }
0x35d: {  	v14 =	vld [tilespmem:s4+$0x7F80];
	v16, _, _ =	vpop (xrf0)  }
0x35e: {  	v15 =	vxor.u32 $0x80000000, v16;
	_ =	sdelay $0x1  }
0x35f: {  	v17, _, _ =	vpop (xrf0)  }
0x360: {  	(xrf0) =	vmax.scan.msk.u32 $0xffff, v15;
	v15, _, _ =	vpop (xrf0)  }
0x361: {  	(xrf0) =	vadd.scan.msk.s32 $0xffff, v14;
	v18 =	vxor.u32 $0x80000000, v15  }
0x362: {  	(xrf0) =	vmax.scan.msk.u32 $0xffff, v18;
	_ =	sdelay $0x2  }
0x363: {  	(v2sf) =	vpush v17, $0xF  }
0x364: {  	v21, _, _ =	vpop (xrf0)  }
0x365: {  	v17, _, _ =	vpop (xrf0)  }
0x366: {  	s12 =	simm.s32 $0x40;
	(v2sf) =	vpush v21, $0xF;
	v22, _, _ =	vpop (xrf0)  }
0x367: {  	v18 =	vld [tilespmem:s12+$0x7F80];
	(v2sf) =	vpush v22, $0xF;
	_ =	sdelay $0x4  }
0x368: {  	s29 =	simm.s32 $0x0;
	s26 =	simm.s32 $0x50;
	(xrf0) =	vadd.scan.msk.s32 $0xffff, v18  }
0x369: {  	v23 =	vsub.s32 s29, v19;
	v19 =	vld [tilespmem:s26+$0x7F80];
	v21 =	vxor.u32 $0x80000000, v17  }
0x36a: {  	(xrf0) =	vmax.scan.msk.u32 $0xffff, v21  }
0x36b: {  	s10 =	simm.s32 $0x180;
	v20 =	vadd.s32 v20, v23  }
.LBB2_43:
0x36c: {  	s30 =	sshra.s32 s10, $0x2  }
0x36d: {  	[tilespmem:s9+$0x8080] =	vst v20;
	s9 =	smov.u32 s0;
	s0 =	smov.u32 s11;
	p1 =	seq.s32 s10, $0x3C0  }
.Ltmp27:
0x36e: {  	s10 =	sadd.s32 $0x40, s10;
	(xrf0) =	vadd.scan.msk.s32 $0xffff, v19;
	v21, _, _ =	vpop (xrf0);
	s11 =	spop (v2sf);
	(pc) =	sbr.rel @!p1 .LBB2_43-.Ltmp27, $4  }
0x36f: {  	v22 =	vmov v19;
	v23 =	vxor.u32 $0x80000000, v21;
	s29 =	sadd.s32 s11, s29;
	v19 =	vld [tilespmem:s30+$0x7F80];
	s11 =	smov.u32 s4;
	s4 =	smov.u32 s12  }
0x370: {  	s12 =	smov.u32 s26;
	s26 =	smov.u32 s30;
	(xrf0) =	vmax.scan.msk.u32 $0xffff, v23;
	v20, _, _ =	vpop (xrf0);
	s29 =	sadd.s32 $0x80000000, s29  }
0x371: {  	(v2sf) =	vpush v20, $0xF;
	v20 =	vsub.s32 s29, v13;
	v13 =	vmovc v12;
	v12 =	vmovc v14;
	v14 =	vmov v18  }
0x372: {  	v18 =	vmovc v22;
	v20 =	vadd.s32 v16, v20;
	v16 =	vmovc v15;
	v15 =	vmov v17;
	v17 =	vmov v21  }
0x373: {  	_ = 	snop  }
0x374: {  	(xrf0) =	vadd.scan.msk.s32 $0xffff, v19  }
0x375: {  	v21, _, _ =	vpop (xrf0)  }
0x376: {  	v22 =	vxor.u32 $0x80000000, v21  }
0x377: {  	(xrf0) =	vmax.scan.msk.u32 $0xffff, v22;
	_ =	sdelay $0x1  }
0x378: {  	v55, _, _ =	vpop (xrf0)  }
0x379: {  	v23, _, _ =	vpop (xrf0)  }
0x37a: {  	v24 =	vxor.u32 $0x80000000, v23  }
0x37b: {  	(v2sf) =	vpush v55, $0xF;
	(xrf0) =	vmax.scan.msk.u32 $0xffff, v24  }
0x37c: {  	v56, _, _ =	vpop (xrf0)  }
0x37d: {  	(v2sf) =	vpush v56, $0xF;
	_ =	sdelay $0x3  }
0x37e: {  	v57, _, _ =	vpop (xrf0)  }
0x37f: {  	(v2sf) =	vpush v57, $0xF;
	_ =	sdelay $0x1  }
0x380: {  	s10 =	spop (v2sf)  }
0x381: {  	s10 =	sadd.s32 s10, s29  }
0x382: {  	s30 =	spop (v2sf);
	s10 =	sadd.s32 $0x80000000, s10  }
0x383: {  	s29 =	sadd.s32 s30, s10  }
0x384: {  	s29 =	sadd.s32 $0x80000000, s29;
	s30 =	spop (v2sf)  }
0x385: {  	s30 =	sadd.s32 s30, s29  }
0x386: {  	s30 =	sadd.s32 $0x80000000, s30;
	s31 =	spop (v2sf)  }
0x387: {  	v13 =	vsub.s32 s10, v13;
	s31 =	sadd.s32 s31, s30  }
0x388: {  	[tilespmem:s9+$0x8080] =	vst v20;
	p1 =	sgt.s32 s5, $0x0;
	v13 =	vadd.s32 v16, v13;
	v12 =	vsub.s32 s29, v12;
	s31 =	sadd.s32 $0x80000000, s31;
	s29 =	spop (v2sf)  }
.Ltmp28:
0x389: {  	[tilespmem:s0+$0x8080] =	vst v13;
	v12 =	vadd.s32 v15, v12;
	v58 =	vsub.s32 s30, v14;
	s30 =	sadd.s32 s29, s31;
	(pc) =	sbr.rel @!p1 .LBB2_48-.Ltmp28, $4  }
0x38a: {  	[tilespmem:s11+$0x8080] =	vst v12;
	v59 =	vadd.s32 v17, v58;
	v60 =	vsub.s32 s31, v18;
	s0 =	sadd.s32 $0x80000000, s30  }
0x38b: {  	[tilespmem:s4+$0x8080] =	vst v59;
	v61 =	vadd.s32 v21, v60;
	v62 =	vsub.s32 s0, v19  }
0x38c: {  	[tilespmem:s12+$0x8080] =	vst v61;
	v63 =	vadd.s32 v23, v62  }
0x38d: {  	[tilespmem:s26+$0x8080] =	vst v63;
	s31 =	spop (v2sf)  }
0x38e: {  	p3 =	sne.s32 s5, $0x1  }
.Ltmp29:
0x38f: {  	_ = 	snop;
	(pc) =	sbr.rel @!p3 .LBB2_47-.Ltmp29, $4  }
0x390: {  	s0 =	simm.s32 $0x2F80  }
0x391: {  	v12 =	vld [tilespmem:s0+$0x0]  }
0x392: {  	s4 =	simm.s32 $0x3F80  }
0x393: {  	s9 =	sadd.s32 $0xFFFFFFFF, s5;
	v13 =	vld [tilespmem:s4+$0x0]  }
.LBB2_46:
0x394: {  	p3 =	sne.s32 s9, $0x1;
	_ =	sdelay $0x1  }
0x395: {  	v14 =	vandn.u32 $0xFF, v12  }
0x396: {  	(xrf1) =	vunique.msk.u32 $0xffff, v14;
	_ =	sdelay $0x8  }
0x397: {  	v15 =	vld.idx.msk [tilespmem:v14+s24+$0x0], $0xffff;
	_ =	sdelay $0x4  }
0x398: {  	_, v16, vm1 =	vpop (xrf1)  }
0x399: {  	v15 =	vadd.s32 v16, v15  }
0x39a: {  	v15 =	vadd.s32 $0xFFFFFFFF, v15;
	_ =	sdelay $0x4  }
0x39b: {  	[tilespmem:v15+s19+$0x0] =	vst.idx.msk $0xffff, v12  }
.Ltmp30:
0x39c: {  	[tilespmem:v15+s20+$0x0] =	vst.idx.msk $0xffff, v13;
	(pc) =	sbr.rel @p3 .LBB2_46-.Ltmp30, $4  }
0x39d: {  	s0 =	sadd.s32 $0x10, s0;
	[tilespmem:v14+s24+$0x0] =	vst.idx.add.s32.msk vm1, v16  }
0x39e: {  	s4 =	sadd.s32 $0x10, s4;
	v12 =	vld [tilespmem:s0+$0x0]  }
0x39f: {  	v13 =	vld [tilespmem:s4+$0x0]  }
0x3a0: {  	s9 =	sadd.s32 $0xFFFFFFFF, s9  }
.LBB2_47:
0x3a1: {  	_ =	sdelay $0x1  }
0x3a2: {  	v14 =	vandn.u32 $0xFF, v12  }
0x3a3: {  	(xrf1) =	vunique.msk.u32 $0xffff, v14;
	_ =	sdelay $0x9  }
0x3a4: {  	v15 =	vld.idx.msk [tilespmem:v14+s24+$0x0], $0xffff;
	_ =	sdelay $0x3  }
0x3a5: {  	_, v16, vm1 =	vpop (xrf1)  }
0x3a6: {  	v15 =	vadd.s32 v16, v15  }
0x3a7: {  	v15 =	vadd.s32 $0xFFFFFFFF, v15;
	_ =	sdelay $0x4  }
0x3a8: {  	[tilespmem:v15+s19+$0x0] =	vst.idx.msk $0xffff, v12  }
0x3a9: {  	[tilespmem:v15+s20+$0x0] =	vst.idx.msk $0xffff, v13  }
0x3aa: {  	[tilespmem:v14+s24+$0x0] =	vst.idx.add.s32.msk vm1, v16  }
.LBB2_48:
0x3ab: {  	[tilespmem:$0x7F80] =	vst v1  }
0x3ac: {  	[tilespmem:$0x7F90] =	vst v1  }
0x3ad: {  	[tilespmem:$0x7FA0] =	vst v1  }
0x3ae: {  	[tilespmem:$0x7FB0] =	vst v1  }
0x3af: {  	[tilespmem:$0x7FC0] =	vst v1  }
0x3b0: {  	[tilespmem:$0x7FD0] =	vst v1  }
0x3b1: {  	[tilespmem:$0x7FE0] =	vst v1  }
0x3b2: {  	[tilespmem:$0x7FF0] =	vst v1  }
0x3b3: {  	[tilespmem:$0x8000] =	vst v1  }
0x3b4: {  	[tilespmem:$0x8010] =	vst v1  }
0x3b5: {  	[tilespmem:$0x8020] =	vst v1  }
.Ltmp31:
0x3b6: {  	[tilespmem:$0x8030] =	vst v1;
	(pc) =	sbr.rel @p2 .LBB2_58-.Ltmp31, $4  }
0x3b7: {  	[tilespmem:$0x8040] =	vst v1  }
0x3b8: {  	[tilespmem:$0x8050] =	vst v1  }
0x3b9: {  	[tilespmem:$0x8060] =	vst v1  }
0x3ba: {  	[tilespmem:$0x8070] =	vst v1  }
0x3bb: {  	p5 =	sgt.s32 s6, $0x2  }
.Ltmp32:
0x3bc: {  	_ = 	snop;
	(pc) =	sbr.rel @!p5 .LBB2_50-.Ltmp32, $4  }
0x3bd: {  	_ = 	snop  }
0x3be: {  	s0 =	simm.s32 $0x4F90  }
0x3bf: {  	v17 =	vld [tilespmem:s0+$0x0]  }
0x3c0: {  	p3 =	por $0x0, $0x0;
	p4 =	por $0x0, $0x0;
	v12 =	vld [tilespmem:s0+$0xFFFFFFF0]  }
0x3c1: {  	p5 =	sgt.s32 s6, $0x4  }
.Ltmp33:
0x3c2: {  	_ = 	snop;
	(pc) =	sbr.rel @!p5 .LBB2_52-.Ltmp33, $4  }
0x3c3: {  	_ = 	snop  }
0x3c4: {  	s0 =	simm.s32 $0x4FB0  }
0x3c5: {  	v16 =	vld [tilespmem:s0+$0x0];
	v13 =	vxor.u32 $0xFFFFFFFF, v12  }
0x3c6: {  	p3 =	por $0x1, $0x1;
	v18 =	vxor.u32 $0xFFFFFFFF, v17;
	v12 =	vld [tilespmem:s0+$0xFFFFFFF0];
	v15 =	vshrl.u32 v13, $0x8  }
0x3c7: {  	p5 =	sgt.s32 s6, $0x6  }
.Ltmp34:
0x3c8: {  	_ = 	snop;
	(pc) =	sbr.rel @!p5 .LBB2_54-.Ltmp34, $4  }
0x3c9: {  	s0 =	simm.s32 $0x4FD0;
	v14 =	vshrl.u32 v18, $0x8;
	v13 =	vand.u32 $0xFF, v15  }
0x3ca: {  	v17 =	vld [tilespmem:s0+$0x0];
	v14 =	vand.u32 $0xFF, v14  }
0x3cb: {  	v15 =	vxor.u32 $0xFFFFFFFF, v12  }
0x3cc: {  	s4 =	simm.s32 $0x6;
	p4 =	por $0x1, $0x1;
	v18 =	vxor.u32 $0xFFFFFFFF, v16;
	v12 =	vld [tilespmem:s0+$0xFFFFFFF0];
	v15 =	vshrl.u32 v15, $0x8  }
.LBB2_55:
0x3cd: {  	s4 =	sadd.s32 $0x2, s4  }
0x3ce: {  	v18 =	vshrl.u32 v18, $0x8;
	[tilespmem:v13+s23+$0x0] =	vst.idx.add.s32.msk $0xffff, v2;
	p5 =	slt.s32 s4, s6  }
.Ltmp35:
0x3cf: {  	s0 =	sadd.s32 $0x20, s0;
	v13 =	vand.u32 $0xFF, v15;
	[tilespmem:v14+s23+$0x0] =	vst.idx.add.s32.msk $0xffff, v2;
	v14 =	vand.u32 $0xFF, v18;
	v16 =	vmov v17;
	(pc) =	sbr.rel @p5 .LBB2_55-.Ltmp35, $3  }
0x3d0: {  	v17 =	vld [tilespmem:s0+$0x0];
	_ =	sdelay $0x1  }
0x3d1: {  	v15 =	vxor.u32 $0xFFFFFFFF, v12  }
0x3d2: {  	v18 =	vxor.u32 $0xFFFFFFFF, v16;
	v12 =	vld [tilespmem:s0+$0xFFFFFFF0];
	v15 =	vshrl.u32 v15, $0x8  }
0x3d3: {  	_ = 	snop  }
0x3d4: {  	v16 =	vmov v17  }
.LBB2_57:
0x3d5: {  	v17 =	vshrl.u32 @p3 v18, $0x8;
	v15 =	vand.u32 @p3 $0xFF, v15  }
0x3d6: {  	v16 =	vxor.u32 $0xFFFFFFFF, v16;
	v17 =	vand.u32 @p3 $0xFF, v17;
	v15 =	vpsel p3, v15, v0  }
0x3d7: {  	v16 =	vshrl.u32 v16, $0x8;
	v12 =	vxor.u32 $0xFFFFFFFF, v12;
	v17 =	vpsel p3, v17, v0  }
0x3d8: {  	v63 =	vand.u32 $0xFF, v16;
	v12 =	vshrl.u32 v12, $0x8  }
0x3d9: {  	[tilespmem:v13+s23+$0x0] =	vst.idx.add.s32.msk @p4 $0xffff, v2;
	v12 =	vand.u32 $0xFF, v12  }
0x3da: {  	[tilespmem:v14+s23+$0x0] =	vst.idx.add.s32.msk @p4 $0xffff, v2  }
0x3db: {  	[tilespmem:v15+s23+$0x0] =	vst.idx.add.s32.msk @p3 $0xffff, v2  }
0x3dc: {  	[tilespmem:v17+s23+$0x0] =	vst.idx.add.s32.msk @p3 $0xffff, v2  }
0x3dd: {  	[tilespmem:v63+s23+$0x0] =	vst.idx.add.s32.msk $0xffff, v2  }
0x3de: {  	[tilespmem:v12+s23+$0x0] =	vst.idx.add.s32.msk $0xffff, v2  }
.LBB2_58:
0x3df: {  	v12 =	vld @p0 [tilespmem:s8+$0x4F80];
	_ =	sdelay $0x4  }
0x3e0: {  	v12 =	vxor.u32 @p0 $0xFFFFFFFF, v12  }
0x3e1: {  	v12 =	vshrl.u32 @p0 v12, $0x8  }
0x3e2: {  	v12 =	vand.u32 @p0 $0xFF, v12;
	_ =	sdelay $0x3  }
0x3e3: {  	v13 =	vimm.s32 @p0 $0x1;
	s0 =	simm.s32 @p0 $0x7F80  }
0x3e4: {  	s9 =	simm.s32 $0x0;
	[tilespmem:v12+s0+$0x0] =	vst.idx.add.s32.msk @p0 $0xffff, v13  }
0x3e5: {  	v19 =	vld [tilespmem:s9+$0x7F80];
	_ =	sdelay $0x4  }
0x3e6: {  	s0 =	simm.s32 $0x10;
	(xrf0) =	vadd.scan.msk.s32 $0xffff, v19  }
0x3e7: {  	v13 =	vld [tilespmem:s0+$0x7F80];
	_ =	sdelay $0x2  }
0x3e8: {  	s11 =	simm.s32 $0x20  }
0x3e9: {  	v12 =	vld [tilespmem:s11+$0x7F80]  }
0x3ea: {  	v20, _, _ =	vpop (xrf0);
	(xrf0) =	vadd.scan.msk.s32 $0xffff, v13;
	_ =	sdelay $0x1  }
0x3eb: {  	v14 =	vxor.u32 $0x80000000, v20  }
0x3ec: {  	(xrf0) =	vmax.scan.msk.u32 $0xffff, v14  }
0x3ed: {  	(xrf0) =	vadd.scan.msk.s32 $0xffff, v12  }
0x3ee: {  	s4 =	simm.s32 $0x30  }
0x3ef: {  	v14 =	vld [tilespmem:s4+$0x7F80];
	v16, _, _ =	vpop (xrf0)  }
0x3f0: {  	v15 =	vxor.u32 $0x80000000, v16;
	_ =	sdelay $0x1  }
0x3f1: {  	v17, _, _ =	vpop (xrf0)  }
0x3f2: {  	(xrf0) =	vmax.scan.msk.u32 $0xffff, v15;
	v15, _, _ =	vpop (xrf0)  }
0x3f3: {  	(xrf0) =	vadd.scan.msk.s32 $0xffff, v14;
	v18 =	vxor.u32 $0x80000000, v15  }
0x3f4: {  	(xrf0) =	vmax.scan.msk.u32 $0xffff, v18;
	_ =	sdelay $0x2  }
0x3f5: {  	(v2sf) =	vpush v17, $0xF  }
0x3f6: {  	v21, _, _ =	vpop (xrf0)  }
0x3f7: {  	v17, _, _ =	vpop (xrf0)  }
0x3f8: {  	s12 =	simm.s32 $0x40;
	(v2sf) =	vpush v21, $0xF;
	v22, _, _ =	vpop (xrf0)  }
0x3f9: {  	v18 =	vld [tilespmem:s12+$0x7F80];
	(v2sf) =	vpush v22, $0xF;
	_ =	sdelay $0x4  }
0x3fa: {  	s29 =	simm.s32 $0x0;
	s26 =	simm.s32 $0x50;
	(xrf0) =	vadd.scan.msk.s32 $0xffff, v18  }
0x3fb: {  	v23 =	vsub.s32 s29, v19;
	v19 =	vld [tilespmem:s26+$0x7F80];
	v21 =	vxor.u32 $0x80000000, v17  }
0x3fc: {  	(xrf0) =	vmax.scan.msk.u32 $0xffff, v21  }
0x3fd: {  	s10 =	simm.s32 $0x180;
	v20 =	vadd.s32 v20, v23  }
.LBB2_59:
0x3fe: {  	s30 =	sshra.s32 s10, $0x2  }
0x3ff: {  	[tilespmem:s9+$0x8080] =	vst v20;
	s9 =	smov.u32 s0;
	s0 =	smov.u32 s11;
	p3 =	seq.s32 s10, $0x3C0  }
.Ltmp36:
0x400: {  	s10 =	sadd.s32 $0x40, s10;
	(xrf0) =	vadd.scan.msk.s32 $0xffff, v19;
	v21, _, _ =	vpop (xrf0);
	s11 =	spop (v2sf);
	(pc) =	sbr.rel @!p3 .LBB2_59-.Ltmp36, $4  }
0x401: {  	v22 =	vmov v19;
	v23 =	vxor.u32 $0x80000000, v21;
	s29 =	sadd.s32 s11, s29;
	v19 =	vld [tilespmem:s30+$0x7F80];
	s11 =	smov.u32 s4;
	s4 =	smov.u32 s12  }
0x402: {  	s12 =	smov.u32 s26;
	s26 =	smov.u32 s30;
	(xrf0) =	vmax.scan.msk.u32 $0xffff, v23;
	v20, _, _ =	vpop (xrf0);
	s29 =	sadd.s32 $0x80000000, s29  }
0x403: {  	(v2sf) =	vpush v20, $0xF;
	v20 =	vsub.s32 s29, v13;
	v13 =	vmovc v12;
	v12 =	vmovc v14;
	v14 =	vmov v18  }
0x404: {  	v18 =	vmovc v22;
	v20 =	vadd.s32 v16, v20;
	v16 =	vmovc v15;
	v15 =	vmov v17;
	v17 =	vmov v21  }
0x405: {  	_ = 	snop  }
0x406: {  	(xrf0) =	vadd.scan.msk.s32 $0xffff, v19  }
0x407: {  	v21, _, _ =	vpop (xrf0)  }
0x408: {  	v22 =	vxor.u32 $0x80000000, v21  }
0x409: {  	(xrf0) =	vmax.scan.msk.u32 $0xffff, v22;
	_ =	sdelay $0x1  }
0x40a: {  	v55, _, _ =	vpop (xrf0)  }
0x40b: {  	v23, _, _ =	vpop (xrf0)  }
0x40c: {  	v24 =	vxor.u32 $0x80000000, v23  }
0x40d: {  	(v2sf) =	vpush v55, $0xF;
	(xrf0) =	vmax.scan.msk.u32 $0xffff, v24  }
0x40e: {  	v56, _, _ =	vpop (xrf0)  }
0x40f: {  	(v2sf) =	vpush v56, $0xF;
	_ =	sdelay $0x3  }
0x410: {  	v57, _, _ =	vpop (xrf0)  }
0x411: {  	(v2sf) =	vpush v57, $0xF;
	_ =	sdelay $0x1  }
0x412: {  	s10 =	spop (v2sf)  }
0x413: {  	s10 =	sadd.s32 s10, s29  }
0x414: {  	s30 =	spop (v2sf);
	s10 =	sadd.s32 $0x80000000, s10  }
0x415: {  	s29 =	sadd.s32 s30, s10  }
0x416: {  	s29 =	sadd.s32 $0x80000000, s29;
	s30 =	spop (v2sf)  }
0x417: {  	s30 =	sadd.s32 s30, s29  }
0x418: {  	s30 =	sadd.s32 $0x80000000, s30;
	s31 =	spop (v2sf)  }
0x419: {  	v13 =	vsub.s32 s10, v13;
	s31 =	sadd.s32 s31, s30  }
0x41a: {  	[tilespmem:s9+$0x8080] =	vst v20;
	v13 =	vadd.s32 v16, v13;
	v12 =	vsub.s32 s29, v12;
	s31 =	sadd.s32 $0x80000000, s31;
	s29 =	spop (v2sf)  }
.Ltmp37:
0x41b: {  	[tilespmem:s0+$0x8080] =	vst v13;
	v12 =	vadd.s32 v15, v12;
	v58 =	vsub.s32 s30, v14;
	s30 =	sadd.s32 s29, s31;
	(pc) =	sbr.rel @!p1 .LBB2_64-.Ltmp37, $4  }
0x41c: {  	[tilespmem:s11+$0x8080] =	vst v12;
	v59 =	vadd.s32 v17, v58;
	v60 =	vsub.s32 s31, v18;
	s0 =	sadd.s32 $0x80000000, s30  }
0x41d: {  	[tilespmem:s4+$0x8080] =	vst v59;
	v61 =	vadd.s32 v21, v60;
	v62 =	vsub.s32 s0, v19  }
0x41e: {  	[tilespmem:s12+$0x8080] =	vst v61;
	v63 =	vadd.s32 v23, v62  }
0x41f: {  	[tilespmem:s26+$0x8080] =	vst v63;
	s31 =	spop (v2sf)  }
0x420: {  	p3 =	sne.s32 s5, $0x1  }
.Ltmp38:
0x421: {  	_ = 	snop;
	(pc) =	sbr.rel @!p3 .LBB2_63-.Ltmp38, $4  }
0x422: {  	s0 =	simm.s32 $0x4F80  }
0x423: {  	v12 =	vld [tilespmem:s0+$0x0]  }
0x424: {  	s4 =	simm.s32 $0x5F80  }
0x425: {  	s9 =	sadd.s32 $0xFFFFFFFF, s5;
	v13 =	vld [tilespmem:s4+$0x0]  }
.LBB2_62:
0x426: {  	p3 =	sne.s32 s9, $0x1;
	_ =	sdelay $0x1  }
0x427: {  	v14 =	vxor.u32 $0xFFFFFFFF, v12  }
0x428: {  	v14 =	vshrl.u32 v14, $0x8  }
0x429: {  	v14 =	vand.u32 $0xFF, v14  }
0x42a: {  	(xrf1) =	vunique.msk.u32 $0xffff, v14;
	_ =	sdelay $0x8  }
0x42b: {  	v15 =	vld.idx.msk [tilespmem:v14+s24+$0x0], $0xffff;
	_ =	sdelay $0x4  }
0x42c: {  	_, v16, vm1 =	vpop (xrf1)  }
0x42d: {  	v15 =	vadd.s32 v16, v15  }
0x42e: {  	v15 =	vadd.s32 $0xFFFFFFFF, v15;
	_ =	sdelay $0x4  }
0x42f: {  	[tilespmem:v15+s21+$0x0] =	vst.idx.msk $0xffff, v12  }
.Ltmp39:
0x430: {  	[tilespmem:v15+s22+$0x0] =	vst.idx.msk $0xffff, v13;
	(pc) =	sbr.rel @p3 .LBB2_62-.Ltmp39, $4  }
0x431: {  	s0 =	sadd.s32 $0x10, s0;
	[tilespmem:v14+s24+$0x0] =	vst.idx.add.s32.msk vm1, v16  }
0x432: {  	s4 =	sadd.s32 $0x10, s4;
	v12 =	vld [tilespmem:s0+$0x0]  }
0x433: {  	v13 =	vld [tilespmem:s4+$0x0]  }
0x434: {  	s9 =	sadd.s32 $0xFFFFFFFF, s9  }
.LBB2_63:
0x435: {  	_ =	sdelay $0x1  }
0x436: {  	v14 =	vxor.u32 $0xFFFFFFFF, v12  }
0x437: {  	v14 =	vshrl.u32 v14, $0x8  }
0x438: {  	v14 =	vand.u32 $0xFF, v14  }
0x439: {  	(xrf1) =	vunique.msk.u32 $0xffff, v14;
	_ =	sdelay $0x9  }
0x43a: {  	v15 =	vld.idx.msk [tilespmem:v14+s24+$0x0], $0xffff;
	_ =	sdelay $0x3  }
0x43b: {  	_, v16, vm1 =	vpop (xrf1)  }
0x43c: {  	v15 =	vadd.s32 v16, v15  }
0x43d: {  	v15 =	vadd.s32 $0xFFFFFFFF, v15;
	_ =	sdelay $0x4  }
0x43e: {  	[tilespmem:v15+s21+$0x0] =	vst.idx.msk $0xffff, v12  }
0x43f: {  	[tilespmem:v15+s22+$0x0] =	vst.idx.msk $0xffff, v13  }
0x440: {  	[tilespmem:v14+s24+$0x0] =	vst.idx.add.s32.msk vm1, v16  }
.LBB2_64:
0x441: {  	[tilespmem:$0x7F80] =	vst v1  }
0x442: {  	[tilespmem:$0x7F90] =	vst v1  }
0x443: {  	[tilespmem:$0x7FA0] =	vst v1  }
0x444: {  	[tilespmem:$0x7FB0] =	vst v1  }
0x445: {  	[tilespmem:$0x7FC0] =	vst v1  }
0x446: {  	[tilespmem:$0x7FD0] =	vst v1  }
0x447: {  	[tilespmem:$0x7FE0] =	vst v1  }
0x448: {  	[tilespmem:$0x7FF0] =	vst v1  }
0x449: {  	[tilespmem:$0x8000] =	vst v1  }
0x44a: {  	[tilespmem:$0x8010] =	vst v1  }
0x44b: {  	[tilespmem:$0x8020] =	vst v1  }
.Ltmp40:
0x44c: {  	[tilespmem:$0x8030] =	vst v1;
	(pc) =	sbr.rel @p2 .LBB2_74-.Ltmp40, $4  }
0x44d: {  	[tilespmem:$0x8040] =	vst v1  }
0x44e: {  	[tilespmem:$0x8050] =	vst v1  }
0x44f: {  	[tilespmem:$0x8060] =	vst v1  }
0x450: {  	[tilespmem:$0x8070] =	vst v1  }
0x451: {  	p5 =	sgt.s32 s6, $0x2  }
.Ltmp41:
0x452: {  	_ = 	snop;
	(pc) =	sbr.rel @!p5 .LBB2_66-.Ltmp41, $4  }
0x453: {  	_ = 	snop  }
0x454: {  	s0 =	simm.s32 $0x2F90  }
0x455: {  	v17 =	vld [tilespmem:s0+$0x0]  }
0x456: {  	p3 =	por $0x0, $0x0;
	p4 =	por $0x0, $0x0;
	v12 =	vld [tilespmem:s0+$0xFFFFFFF0]  }
0x457: {  	p5 =	sgt.s32 s6, $0x4  }
.Ltmp42:
0x458: {  	_ = 	snop;
	(pc) =	sbr.rel @!p5 .LBB2_68-.Ltmp42, $4  }
0x459: {  	_ = 	snop  }
0x45a: {  	s0 =	simm.s32 $0x2FB0  }
0x45b: {  	v16 =	vld [tilespmem:s0+$0x0];
	v13 =	vxor.u32 $0xFFFFFFFF, v12  }
0x45c: {  	p3 =	por $0x1, $0x1;
	v18 =	vxor.u32 $0xFFFFFFFF, v17;
	v12 =	vld [tilespmem:s0+$0xFFFFFFF0];
	v15 =	vshrl.u32 v13, $0x10  }
0x45d: {  	p5 =	sgt.s32 s6, $0x6  }
.Ltmp43:
0x45e: {  	_ = 	snop;
	(pc) =	sbr.rel @!p5 .LBB2_70-.Ltmp43, $4  }
0x45f: {  	s0 =	simm.s32 $0x2FD0;
	v14 =	vshrl.u32 v18, $0x10;
	v13 =	vand.u32 $0xFF, v15  }
0x460: {  	v17 =	vld [tilespmem:s0+$0x0];
	v14 =	vand.u32 $0xFF, v14  }
0x461: {  	v15 =	vxor.u32 $0xFFFFFFFF, v12  }
0x462: {  	s4 =	simm.s32 $0x6;
	p4 =	por $0x1, $0x1;
	v18 =	vxor.u32 $0xFFFFFFFF, v16;
	v12 =	vld [tilespmem:s0+$0xFFFFFFF0];
	v15 =	vshrl.u32 v15, $0x10  }
.LBB2_71:
0x463: {  	s4 =	sadd.s32 $0x2, s4  }
0x464: {  	v18 =	vshrl.u32 v18, $0x10;
	[tilespmem:v13+s23+$0x0] =	vst.idx.add.s32.msk $0xffff, v2;
	p5 =	slt.s32 s4, s6  }
.Ltmp44:
0x465: {  	s0 =	sadd.s32 $0x20, s0;
	v13 =	vand.u32 $0xFF, v15;
	[tilespmem:v14+s23+$0x0] =	vst.idx.add.s32.msk $0xffff, v2;
	v14 =	vand.u32 $0xFF, v18;
	v16 =	vmov v17;
	(pc) =	sbr.rel @p5 .LBB2_71-.Ltmp44, $3  }
0x466: {  	v17 =	vld [tilespmem:s0+$0x0];
	_ =	sdelay $0x1  }
0x467: {  	v15 =	vxor.u32 $0xFFFFFFFF, v12  }
0x468: {  	v18 =	vxor.u32 $0xFFFFFFFF, v16;
	v12 =	vld [tilespmem:s0+$0xFFFFFFF0];
	v15 =	vshrl.u32 v15, $0x10  }
0x469: {  	_ = 	snop  }
0x46a: {  	v16 =	vmov v17  }
.LBB2_73:
0x46b: {  	v17 =	vshrl.u32 @p3 v18, $0x10;
	v15 =	vand.u32 @p3 $0xFF, v15  }
0x46c: {  	v16 =	vxor.u32 $0xFFFFFFFF, v16;
	v17 =	vand.u32 @p3 $0xFF, v17;
	v15 =	vpsel p3, v15, v0  }
0x46d: {  	v16 =	vshrl.u32 v16, $0x10;
	v12 =	vxor.u32 $0xFFFFFFFF, v12;
	v17 =	vpsel p3, v17, v0  }
0x46e: {  	v63 =	vand.u32 $0xFF, v16;
	v12 =	vshrl.u32 v12, $0x10  }
0x46f: {  	[tilespmem:v13+s23+$0x0] =	vst.idx.add.s32.msk @p4 $0xffff, v2;
	v12 =	vand.u32 $0xFF, v12  }
0x470: {  	[tilespmem:v14+s23+$0x0] =	vst.idx.add.s32.msk @p4 $0xffff, v2  }
0x471: {  	[tilespmem:v15+s23+$0x0] =	vst.idx.add.s32.msk @p3 $0xffff, v2  }
0x472: {  	[tilespmem:v17+s23+$0x0] =	vst.idx.add.s32.msk @p3 $0xffff, v2  }
0x473: {  	[tilespmem:v63+s23+$0x0] =	vst.idx.add.s32.msk $0xffff, v2  }
0x474: {  	[tilespmem:v12+s23+$0x0] =	vst.idx.add.s32.msk $0xffff, v2  }
.LBB2_74:
0x475: {  	v12 =	vld @p0 [tilespmem:s8+$0x2F80];
	_ =	sdelay $0x4  }
0x476: {  	v12 =	vxor.u32 @p0 $0xFFFFFFFF, v12  }
0x477: {  	v12 =	vshrl.u32 @p0 v12, $0x10  }
0x478: {  	v12 =	vand.u32 @p0 $0xFF, v12;
	_ =	sdelay $0x3  }
0x479: {  	v13 =	vimm.s32 @p0 $0x1;
	s0 =	simm.s32 @p0 $0x7F80  }
0x47a: {  	s9 =	simm.s32 $0x0;
	[tilespmem:v12+s0+$0x0] =	vst.idx.add.s32.msk @p0 $0xffff, v13  }
0x47b: {  	v19 =	vld [tilespmem:s9+$0x7F80];
	_ =	sdelay $0x4  }
0x47c: {  	s0 =	simm.s32 $0x10;
	(xrf0) =	vadd.scan.msk.s32 $0xffff, v19  }
0x47d: {  	v13 =	vld [tilespmem:s0+$0x7F80];
	_ =	sdelay $0x2  }
0x47e: {  	s11 =	simm.s32 $0x20  }
0x47f: {  	v12 =	vld [tilespmem:s11+$0x7F80]  }
0x480: {  	v20, _, _ =	vpop (xrf0);
	(xrf0) =	vadd.scan.msk.s32 $0xffff, v13;
	_ =	sdelay $0x1  }
0x481: {  	v14 =	vxor.u32 $0x80000000, v20  }
0x482: {  	(xrf0) =	vmax.scan.msk.u32 $0xffff, v14  }
0x483: {  	(xrf0) =	vadd.scan.msk.s32 $0xffff, v12  }
0x484: {  	s4 =	simm.s32 $0x30  }
0x485: {  	v14 =	vld [tilespmem:s4+$0x7F80];
	v16, _, _ =	vpop (xrf0)  }
0x486: {  	v15 =	vxor.u32 $0x80000000, v16;
	_ =	sdelay $0x1  }
0x487: {  	v17, _, _ =	vpop (xrf0)  }
0x488: {  	(xrf0) =	vmax.scan.msk.u32 $0xffff, v15;
	v15, _, _ =	vpop (xrf0)  }
0x489: {  	(xrf0) =	vadd.scan.msk.s32 $0xffff, v14;
	v18 =	vxor.u32 $0x80000000, v15  }
0x48a: {  	(xrf0) =	vmax.scan.msk.u32 $0xffff, v18;
	_ =	sdelay $0x2  }
0x48b: {  	(v2sf) =	vpush v17, $0xF  }
0x48c: {  	v21, _, _ =	vpop (xrf0)  }
0x48d: {  	v17, _, _ =	vpop (xrf0)  }
0x48e: {  	s12 =	simm.s32 $0x40;
	(v2sf) =	vpush v21, $0xF;
	v22, _, _ =	vpop (xrf0)  }
0x48f: {  	v18 =	vld [tilespmem:s12+$0x7F80];
	(v2sf) =	vpush v22, $0xF;
	_ =	sdelay $0x4  }
0x490: {  	s29 =	simm.s32 $0x0;
	s26 =	simm.s32 $0x50;
	(xrf0) =	vadd.scan.msk.s32 $0xffff, v18  }
0x491: {  	v23 =	vsub.s32 s29, v19;
	v19 =	vld [tilespmem:s26+$0x7F80];
	v21 =	vxor.u32 $0x80000000, v17  }
0x492: {  	(xrf0) =	vmax.scan.msk.u32 $0xffff, v21  }
0x493: {  	s10 =	simm.s32 $0x180;
	v20 =	vadd.s32 v20, v23  }
.LBB2_75:
0x494: {  	s30 =	sshra.s32 s10, $0x2  }
0x495: {  	[tilespmem:s9+$0x8080] =	vst v20;
	s9 =	smov.u32 s0;
	s0 =	smov.u32 s11;
	p3 =	seq.s32 s10, $0x3C0  }
.Ltmp45:
0x496: {  	s10 =	sadd.s32 $0x40, s10;
	(xrf0) =	vadd.scan.msk.s32 $0xffff, v19;
	v21, _, _ =	vpop (xrf0);
	s11 =	spop (v2sf);
	(pc) =	sbr.rel @!p3 .LBB2_75-.Ltmp45, $4  }
0x497: {  	v22 =	vmov v19;
	v23 =	vxor.u32 $0x80000000, v21;
	s29 =	sadd.s32 s11, s29;
	v19 =	vld [tilespmem:s30+$0x7F80];
	s11 =	smov.u32 s4;
	s4 =	smov.u32 s12  }
0x498: {  	s12 =	smov.u32 s26;
	s26 =	smov.u32 s30;
	(xrf0) =	vmax.scan.msk.u32 $0xffff, v23;
	v20, _, _ =	vpop (xrf0);
	s29 =	sadd.s32 $0x80000000, s29  }
0x499: {  	(v2sf) =	vpush v20, $0xF;
	v20 =	vsub.s32 s29, v13;
	v13 =	vmovc v12;
	v12 =	vmovc v14;
	v14 =	vmov v18  }
0x49a: {  	v18 =	vmovc v22;
	v20 =	vadd.s32 v16, v20;
	v16 =	vmovc v15;
	v15 =	vmov v17;
	v17 =	vmov v21  }
0x49b: {  	_ = 	snop  }
0x49c: {  	(xrf0) =	vadd.scan.msk.s32 $0xffff, v19  }
0x49d: {  	v21, _, _ =	vpop (xrf0)  }
0x49e: {  	v22 =	vxor.u32 $0x80000000, v21  }
0x49f: {  	(xrf0) =	vmax.scan.msk.u32 $0xffff, v22;
	_ =	sdelay $0x1  }
0x4a0: {  	v55, _, _ =	vpop (xrf0)  }
0x4a1: {  	v23, _, _ =	vpop (xrf0)  }
0x4a2: {  	v24 =	vxor.u32 $0x80000000, v23  }
0x4a3: {  	(v2sf) =	vpush v55, $0xF;
	(xrf0) =	vmax.scan.msk.u32 $0xffff, v24  }
0x4a4: {  	v56, _, _ =	vpop (xrf0)  }
0x4a5: {  	(v2sf) =	vpush v56, $0xF;
	_ =	sdelay $0x3  }
0x4a6: {  	v57, _, _ =	vpop (xrf0)  }
0x4a7: {  	(v2sf) =	vpush v57, $0xF;
	_ =	sdelay $0x1  }
0x4a8: {  	s10 =	spop (v2sf)  }
0x4a9: {  	s10 =	sadd.s32 s10, s29  }
0x4aa: {  	s30 =	spop (v2sf);
	s10 =	sadd.s32 $0x80000000, s10  }
0x4ab: {  	s29 =	sadd.s32 s30, s10  }
0x4ac: {  	s29 =	sadd.s32 $0x80000000, s29;
	s30 =	spop (v2sf)  }
0x4ad: {  	s30 =	sadd.s32 s30, s29  }
0x4ae: {  	s30 =	sadd.s32 $0x80000000, s30;
	s31 =	spop (v2sf)  }
0x4af: {  	v13 =	vsub.s32 s10, v13;
	s31 =	sadd.s32 s31, s30  }
0x4b0: {  	[tilespmem:s9+$0x8080] =	vst v20;
	v13 =	vadd.s32 v16, v13;
	v12 =	vsub.s32 s29, v12;
	s31 =	sadd.s32 $0x80000000, s31;
	s29 =	spop (v2sf)  }
.Ltmp46:
0x4b1: {  	[tilespmem:s0+$0x8080] =	vst v13;
	v12 =	vadd.s32 v15, v12;
	v58 =	vsub.s32 s30, v14;
	s30 =	sadd.s32 s29, s31;
	(pc) =	sbr.rel @!p1 .LBB2_80-.Ltmp46, $4  }
0x4b2: {  	[tilespmem:s11+$0x8080] =	vst v12;
	v59 =	vadd.s32 v17, v58;
	v60 =	vsub.s32 s31, v18;
	s0 =	sadd.s32 $0x80000000, s30  }
0x4b3: {  	[tilespmem:s4+$0x8080] =	vst v59;
	v61 =	vadd.s32 v21, v60;
	v62 =	vsub.s32 s0, v19  }
0x4b4: {  	[tilespmem:s12+$0x8080] =	vst v61;
	v63 =	vadd.s32 v23, v62  }
0x4b5: {  	[tilespmem:s26+$0x8080] =	vst v63;
	s31 =	spop (v2sf)  }
0x4b6: {  	p3 =	sne.s32 s5, $0x1  }
.Ltmp47:
0x4b7: {  	_ = 	snop;
	(pc) =	sbr.rel @!p3 .LBB2_79-.Ltmp47, $4  }
0x4b8: {  	s0 =	simm.s32 $0x2F80  }
0x4b9: {  	v12 =	vld [tilespmem:s0+$0x0]  }
0x4ba: {  	s4 =	simm.s32 $0x3F80  }
0x4bb: {  	s9 =	sadd.s32 $0xFFFFFFFF, s5;
	v13 =	vld [tilespmem:s4+$0x0]  }
.LBB2_78:
0x4bc: {  	p3 =	sne.s32 s9, $0x1;
	_ =	sdelay $0x1  }
0x4bd: {  	v14 =	vxor.u32 $0xFFFFFFFF, v12  }
0x4be: {  	v14 =	vshrl.u32 v14, $0x10  }
0x4bf: {  	v14 =	vand.u32 $0xFF, v14  }
0x4c0: {  	(xrf1) =	vunique.msk.u32 $0xffff, v14;
	_ =	sdelay $0x8  }
0x4c1: {  	v15 =	vld.idx.msk [tilespmem:v14+s24+$0x0], $0xffff;
	_ =	sdelay $0x4  }
0x4c2: {  	_, v16, vm1 =	vpop (xrf1)  }
0x4c3: {  	v15 =	vadd.s32 v16, v15  }
0x4c4: {  	v15 =	vadd.s32 $0xFFFFFFFF, v15;
	_ =	sdelay $0x4  }
0x4c5: {  	[tilespmem:v15+s19+$0x0] =	vst.idx.msk $0xffff, v12  }
.Ltmp48:
0x4c6: {  	[tilespmem:v15+s20+$0x0] =	vst.idx.msk $0xffff, v13;
	(pc) =	sbr.rel @p3 .LBB2_78-.Ltmp48, $4  }
0x4c7: {  	s0 =	sadd.s32 $0x10, s0;
	[tilespmem:v14+s24+$0x0] =	vst.idx.add.s32.msk vm1, v16  }
0x4c8: {  	s4 =	sadd.s32 $0x10, s4;
	v12 =	vld [tilespmem:s0+$0x0]  }
0x4c9: {  	v13 =	vld [tilespmem:s4+$0x0]  }
0x4ca: {  	s9 =	sadd.s32 $0xFFFFFFFF, s9  }
.LBB2_79:
0x4cb: {  	_ =	sdelay $0x1  }
0x4cc: {  	v14 =	vxor.u32 $0xFFFFFFFF, v12  }
0x4cd: {  	v14 =	vshrl.u32 v14, $0x10  }
0x4ce: {  	v14 =	vand.u32 $0xFF, v14  }
0x4cf: {  	(xrf1) =	vunique.msk.u32 $0xffff, v14;
	_ =	sdelay $0x9  }
0x4d0: {  	v15 =	vld.idx.msk [tilespmem:v14+s24+$0x0], $0xffff;
	_ =	sdelay $0x3  }
0x4d1: {  	_, v16, vm1 =	vpop (xrf1)  }
0x4d2: {  	v15 =	vadd.s32 v16, v15  }
0x4d3: {  	v15 =	vadd.s32 $0xFFFFFFFF, v15;
	_ =	sdelay $0x4  }
0x4d4: {  	[tilespmem:v15+s19+$0x0] =	vst.idx.msk $0xffff, v12  }
0x4d5: {  	[tilespmem:v15+s20+$0x0] =	vst.idx.msk $0xffff, v13  }
0x4d6: {  	[tilespmem:v14+s24+$0x0] =	vst.idx.add.s32.msk vm1, v16  }
.LBB2_80:
0x4d7: {  	[tilespmem:$0x7F80] =	vst v1  }
0x4d8: {  	[tilespmem:$0x7F90] =	vst v1  }
0x4d9: {  	[tilespmem:$0x7FA0] =	vst v1  }
0x4da: {  	[tilespmem:$0x7FB0] =	vst v1  }
0x4db: {  	[tilespmem:$0x7FC0] =	vst v1  }
0x4dc: {  	[tilespmem:$0x7FD0] =	vst v1  }
0x4dd: {  	[tilespmem:$0x7FE0] =	vst v1  }
0x4de: {  	[tilespmem:$0x7FF0] =	vst v1  }
0x4df: {  	[tilespmem:$0x8000] =	vst v1  }
0x4e0: {  	[tilespmem:$0x8010] =	vst v1  }
0x4e1: {  	[tilespmem:$0x8020] =	vst v1  }
.Ltmp49:
0x4e2: {  	[tilespmem:$0x8030] =	vst v1;
	(pc) =	sbr.rel @p2 .LBB2_88-.Ltmp49, $4  }
0x4e3: {  	[tilespmem:$0x8040] =	vst v1  }
0x4e4: {  	[tilespmem:$0x8050] =	vst v1  }
0x4e5: {  	[tilespmem:$0x8060] =	vst v1  }
0x4e6: {  	[tilespmem:$0x8070] =	vst v1  }
0x4e7: {  	p4 =	sgt.s32 s6, $0x2  }
.Ltmp50:
0x4e8: {  	_ = 	snop;
	(pc) =	sbr.rel @!p4 .LBB2_82-.Ltmp50, $4  }
0x4e9: {  	_ = 	snop  }
0x4ea: {  	s0 =	simm.s32 $0x4F90  }
0x4eb: {  	v13 =	vld [tilespmem:s0+$0xFFFFFFF0]  }
0x4ec: {  	p2 =	por $0x0, $0x0;
	p3 =	por $0x0, $0x0;
	v12 =	vld [tilespmem:s0+$0x0]  }
0x4ed: {  	p4 =	sgt.s32 s6, $0x4  }
.Ltmp51:
0x4ee: {  	_ = 	snop;
	(pc) =	sbr.rel @!p4 .LBB2_84-.Ltmp51, $4  }
0x4ef: {  	_ = 	snop  }
0x4f0: {  	s0 =	simm.s32 $0x4FB0;
	v14 =	vxor.u32 $0xFFFFFFFF, v13;
	vm12 =	vlt.s32 v13, $0x0  }
0x4f1: {  	v13 =	vld [tilespmem:s0+$0xFFFFFFF0];
	v14 =	vshrl.u32 v14, $0x18;
	v15 =	vxor.u32 $0xFFFFFFFF, v12;
	vm1 =	vlt.s32 v12, $0x0  }
0x4f2: {  	p2 =	por $0x1, $0x1;
	v12 =	vld [tilespmem:s0+$0x0];
	v16 =	vand.u32 $0x7F, v14;
	v18 =	vshrl.u32 v15, $0x18;
	v17 =	vsel vm1, $0x0, v5  }
0x4f3: {  	p4 =	sgt.s32 s6, $0x6  }
.Ltmp52:
0x4f4: {  	v14 =	vsel vm12, $0x0, v5;
	(pc) =	sbr.rel @!p4 .LBB2_87-.Ltmp52, $4  }
0x4f5: {  	v15 =	vand.u32 $0x7F, v18;
	v14 =	vor.u32 v16, v14  }
0x4f6: {  	s0 =	simm.s32 $0x4FD0;
	v15 =	vor.u32 v15, v17;
	v16 =	vxor.u32 $0xFFFFFFFF, v13;
	vm12 =	vlt.s32 v13, $0x0  }
0x4f7: {  	v13 =	vld [tilespmem:s0+$0xFFFFFFF0];
	v16 =	vshrl.u32 v16, $0x18;
	v17 =	vxor.u32 $0xFFFFFFFF, v12;
	vm1 =	vlt.s32 v12, $0x0  }
0x4f8: {  	s4 =	simm.s32 $0x6;
	p3 =	por $0x1, $0x1;
	v12 =	vld [tilespmem:s0+$0x0];
	v16 =	vand.u32 $0x7F, v16;
	v18 =	vshrl.u32 v17, $0x18;
	v17 =	vsel vm1, $0x0, v5  }
.LBB2_86:
0x4f9: {  	s4 =	sadd.s32 $0x2, s4  }
0x4fa: {  	v19 =	vsel vm12, $0x0, v5;
	v18 =	vand.u32 $0x7F, v18;
	[tilespmem:v14+s23+$0x0] =	vst.idx.add.s32.msk $0xffff, v2;
	p4 =	slt.s32 s4, s6  }
.Ltmp53:
0x4fb: {  	v14 =	vor.u32 v16, v19;
	[tilespmem:v15+s23+$0x0] =	vst.idx.add.s32.msk $0xffff, v2;
	v15 =	vor.u32 v18, v17;
	(pc) =	sbr.rel @p4 .LBB2_86-.Ltmp53, $4  }
0x4fc: {  	_ = 	snop  }
0x4fd: {  	s0 =	sadd.s32 $0x20, s0;
	v16 =	vxor.u32 $0xFFFFFFFF, v13;
	vm12 =	vlt.s32 v13, $0x0  }
0x4fe: {  	v13 =	vld [tilespmem:s0+$0xFFFFFFF0];
	v16 =	vshrl.u32 v16, $0x18;
	v17 =	vxor.u32 $0xFFFFFFFF, v12;
	vm1 =	vlt.s32 v12, $0x0  }
0x4ff: {  	v12 =	vld [tilespmem:s0+$0x0];
	v16 =	vand.u32 $0x7F, v16;
	v18 =	vshrl.u32 v17, $0x18;
	v17 =	vsel vm1, $0x0, v5  }
.LBB2_87:
0x500: {  	v18 =	vand.u32 @p2 $0x7F, v18  }
0x501: {  	v19 =	vsel @p2 vm12, $0x0, v5;
	v17 =	vor.u32 @p2 v18, v17  }
0x502: {  	v16 =	vor.u32 @p2 v16, v19;
	v17 =	vpsel p2, v17, v0  }
0x503: {  	v56 =	vxor.u32 $0xFFFFFFFF, v13;
	vm1 =	vlt.s32 v13, $0x0;
	v13 =	vpsel p2, v16, v0  }
0x504: {  	v57 =	vshrl.u32 v56, $0x18;
	v58 =	vxor.u32 $0xFFFFFFFF, v12;
	vm2 =	vlt.s32 v12, $0x0  }
0x505: {  	v61 =	vsel vm1, $0x0, v5;
	v59 =	vand.u32 $0x7F, v57;
	v60 =	vshrl.u32 v58, $0x18  }
0x506: {  	v62 =	vsel vm2, $0x0, v5;
	v16 =	vand.u32 $0x7F, v60;
	v12 =	vor.u32 v59, v61  }
0x507: {  	[tilespmem:v14+s23+$0x0] =	vst.idx.add.s32.msk @p3 $0xffff, v2;
	v63 =	vor.u32 v16, v62  }
0x508: {  	[tilespmem:v15+s23+$0x0] =	vst.idx.add.s32.msk @p3 $0xffff, v2  }
0x509: {  	[tilespmem:v17+s23+$0x0] =	vst.idx.add.s32.msk @p2 $0xffff, v2  }
0x50a: {  	[tilespmem:v13+s23+$0x0] =	vst.idx.add.s32.msk @p2 $0xffff, v2  }
0x50b: {  	[tilespmem:v12+s23+$0x0] =	vst.idx.add.s32.msk $0xffff, v2  }
0x50c: {  	[tilespmem:v63+s23+$0x0] =	vst.idx.add.s32.msk $0xffff, v2  }
.LBB2_88:
0x50d: {  	v12 =	vld @p0 [tilespmem:s8+$0x4F80];
	_ =	sdelay $0x4  }
0x50e: {  	v13 =	vxor.u32 @p0 $0xFFFFFFFF, v12  }
0x50f: {  	vm1 =	vlt.s32 @p0 v12, $0x0;
	v12 =	vimm.s32 @p0 $0x80;
	v13 =	vshrl.u32 @p0 v13, $0x18  }
0x510: {  	v12 =	vsel @p0 vm1, $0x0, v12;
	v13 =	vand.u32 @p0 $0x7F, v13  }
0x511: {  	v12 =	vor.u32 @p0 v13, v12;
	_ =	sdelay $0x3  }
0x512: {  	s0 =	simm.s32 @p0 $0x7F80;
	v13 =	vimm.s32 @p0 $0x1  }
0x513: {  	s6 =	simm.s32 $0x0;
	[tilespmem:v12+s0+$0x0] =	vst.idx.add.s32.msk @p0 $0xffff, v13  }
0x514: {  	v19 =	vld [tilespmem:s6+$0x7F80];
	_ =	sdelay $0x4  }
0x515: {  	s0 =	simm.s32 $0x10;
	(xrf0) =	vadd.scan.msk.s32 $0xffff, v19  }
0x516: {  	v13 =	vld [tilespmem:s0+$0x7F80];
	_ =	sdelay $0x2  }
0x517: {  	s8 =	simm.s32 $0x20  }
0x518: {  	v12 =	vld [tilespmem:s8+$0x7F80]  }
0x519: {  	v20, _, _ =	vpop (xrf0);
	(xrf0) =	vadd.scan.msk.s32 $0xffff, v13;
	_ =	sdelay $0x1  }
0x51a: {  	v14 =	vxor.u32 $0x80000000, v20  }
0x51b: {  	(xrf0) =	vmax.scan.msk.u32 $0xffff, v14  }
0x51c: {  	(xrf0) =	vadd.scan.msk.s32 $0xffff, v12  }
0x51d: {  	s4 =	simm.s32 $0x30  }
0x51e: {  	v14 =	vld [tilespmem:s4+$0x7F80];
	v16, _, _ =	vpop (xrf0)  }
0x51f: {  	v15 =	vxor.u32 $0x80000000, v16;
	_ =	sdelay $0x1  }
0x520: {  	v17, _, _ =	vpop (xrf0)  }
0x521: {  	(xrf0) =	vmax.scan.msk.u32 $0xffff, v15;
	v15, _, _ =	vpop (xrf0)  }
0x522: {  	(xrf0) =	vadd.scan.msk.s32 $0xffff, v14;
	v18 =	vxor.u32 $0x80000000, v15  }
0x523: {  	(xrf0) =	vmax.scan.msk.u32 $0xffff, v18;
	_ =	sdelay $0x2  }
0x524: {  	(v2sf) =	vpush v17, $0xF  }
0x525: {  	v21, _, _ =	vpop (xrf0)  }
0x526: {  	v17, _, _ =	vpop (xrf0)  }
0x527: {  	s9 =	simm.s32 $0x40;
	(v2sf) =	vpush v21, $0xF;
	v22, _, _ =	vpop (xrf0)  }
0x528: {  	v18 =	vld [tilespmem:s9+$0x7F80];
	(v2sf) =	vpush v22, $0xF;
	_ =	sdelay $0x4  }
0x529: {  	s12 =	simm.s32 $0x0;
	s11 =	simm.s32 $0x50;
	(xrf0) =	vadd.scan.msk.s32 $0xffff, v18  }
0x52a: {  	v23 =	vsub.s32 s12, v19;
	v19 =	vld [tilespmem:s11+$0x7F80];
	v21 =	vxor.u32 $0x80000000, v17  }
0x52b: {  	(xrf0) =	vmax.scan.msk.u32 $0xffff, v21  }
0x52c: {  	s10 =	simm.s32 $0x180;
	v20 =	vadd.s32 v20, v23  }
.LBB2_89:
0x52d: {  	s26 =	sshra.s32 s10, $0x2  }
0x52e: {  	[tilespmem:s6+$0x8080] =	vst v20;
	s6 =	smov.u32 s0;
	s0 =	smov.u32 s8;
	p0 =	seq.s32 s10, $0x3C0  }
.Ltmp54:
0x52f: {  	s10 =	sadd.s32 $0x40, s10;
	(xrf0) =	vadd.scan.msk.s32 $0xffff, v19;
	v21, _, _ =	vpop (xrf0);
	s8 =	spop (v2sf);
	(pc) =	sbr.rel @!p0 .LBB2_89-.Ltmp54, $4  }
0x530: {  	v22 =	vmov v19;
	v23 =	vxor.u32 $0x80000000, v21;
	s12 =	sadd.s32 s8, s12;
	v19 =	vld [tilespmem:s26+$0x7F80];
	s8 =	smov.u32 s4;
	s4 =	smov.u32 s9  }
0x531: {  	s9 =	smov.u32 s11;
	s11 =	smov.u32 s26;
	(xrf0) =	vmax.scan.msk.u32 $0xffff, v23;
	v20, _, _ =	vpop (xrf0);
	s12 =	sadd.s32 $0x80000000, s12  }
0x532: {  	(v2sf) =	vpush v20, $0xF;
	v20 =	vsub.s32 s12, v13;
	v13 =	vmovc v12;
	v12 =	vmovc v14;
	v14 =	vmov v18  }
0x533: {  	v18 =	vmovc v22;
	v20 =	vadd.s32 v16, v20;
	v16 =	vmovc v15;
	v15 =	vmov v17;
	v17 =	vmov v21  }
0x534: {  	_ = 	snop  }
0x535: {  	(xrf0) =	vadd.scan.msk.s32 $0xffff, v19  }
0x536: {  	v21, _, _ =	vpop (xrf0)  }
0x537: {  	v22 =	vxor.u32 $0x80000000, v21  }
0x538: {  	(xrf0) =	vmax.scan.msk.u32 $0xffff, v22;
	_ =	sdelay $0x1  }
0x539: {  	v55, _, _ =	vpop (xrf0)  }
0x53a: {  	v23, _, _ =	vpop (xrf0)  }
0x53b: {  	v24 =	vxor.u32 $0x80000000, v23  }
0x53c: {  	(v2sf) =	vpush v55, $0xF;
	(xrf0) =	vmax.scan.msk.u32 $0xffff, v24  }
0x53d: {  	v56, _, _ =	vpop (xrf0)  }
0x53e: {  	(v2sf) =	vpush v56, $0xF;
	_ =	sdelay $0x3  }
0x53f: {  	v57, _, _ =	vpop (xrf0)  }
0x540: {  	(v2sf) =	vpush v57, $0xF;
	_ =	sdelay $0x1  }
0x541: {  	s10 =	spop (v2sf)  }
0x542: {  	s10 =	sadd.s32 s10, s12  }
0x543: {  	s30 =	spop (v2sf);
	s10 =	sadd.s32 $0x80000000, s10  }
0x544: {  	s12 =	sadd.s32 s30, s10  }
0x545: {  	s12 =	sadd.s32 $0x80000000, s12;
	s26 =	spop (v2sf)  }
0x546: {  	s26 =	sadd.s32 s26, s12  }
0x547: {  	s26 =	sadd.s32 $0x80000000, s26;
	s29 =	spop (v2sf)  }
0x548: {  	v13 =	vsub.s32 s10, v13;
	s31 =	sadd.s32 s29, s26  }
0x549: {  	[tilespmem:s6+$0x8080] =	vst v20;
	v13 =	vadd.s32 v16, v13;
	v12 =	vsub.s32 s12, v12;
	s12 =	sadd.s32 $0x80000000, s31;
	s29 =	spop (v2sf)  }
.Ltmp55:
0x54a: {  	[tilespmem:s0+$0x8080] =	vst v13;
	v12 =	vadd.s32 v15, v12;
	v58 =	vsub.s32 s26, v14;
	s30 =	sadd.s32 s29, s12;
	(pc) =	sbr.rel @!p1 .LBB2_94-.Ltmp55, $4  }
0x54b: {  	[tilespmem:s8+$0x8080] =	vst v12;
	v59 =	vadd.s32 v17, v58;
	v60 =	vsub.s32 s12, v18;
	s0 =	sadd.s32 $0x80000000, s30  }
0x54c: {  	[tilespmem:s4+$0x8080] =	vst v59;
	v61 =	vadd.s32 v21, v60;
	v62 =	vsub.s32 s0, v19  }
0x54d: {  	[tilespmem:s9+$0x8080] =	vst v61;
	v63 =	vadd.s32 v23, v62  }
0x54e: {  	[tilespmem:s11+$0x8080] =	vst v63;
	s31 =	spop (v2sf)  }
0x54f: {  	p0 =	sne.s32 s5, $0x1  }
.Ltmp56:
0x550: {  	_ = 	snop;
	(pc) =	sbr.rel @!p0 .LBB2_93-.Ltmp56, $4  }
0x551: {  	s0 =	simm.s32 $0x4F80  }
0x552: {  	v12 =	vld [tilespmem:s0+$0x0]  }
0x553: {  	s4 =	simm.s32 $0x5F80  }
0x554: {  	s6 =	sadd.s32 $0xFFFFFFFF, s5;
	v13 =	vld [tilespmem:s4+$0x0]  }
.LBB2_92:
0x555: {  	p0 =	sne.s32 s6, $0x1;
	_ =	sdelay $0x1  }
0x556: {  	v14 =	vxor.u32 $0xFFFFFFFF, v12  }
0x557: {  	v14 =	vshrl.u32 v14, $0x18  }
0x558: {  	(xrf1) =	vunique.msk.u32 $0xffff, v14;
	_ =	sdelay $0x1  }
0x559: {  	vm1 =	vlt.s32 v12, $0x0  }
0x55a: {  	v15 =	vsel vm1, $0x0, v5;
	v14 =	vand.u32 $0x7F, v14  }
0x55b: {  	v14 =	vor.u32 v14, v15;
	_ =	sdelay $0x4  }
0x55c: {  	v15 =	vld.idx.msk [tilespmem:v14+s24+$0x0], $0xffff;
	_ =	sdelay $0x4  }
0x55d: {  	_, v16, vm1 =	vpop (xrf1)  }
0x55e: {  	v15 =	vadd.s32 v16, v15  }
0x55f: {  	v15 =	vadd.s32 $0xFFFFFFFF, v15;
	_ =	sdelay $0x4  }
0x560: {  	[tilespmem:v15+s21+$0x0] =	vst.idx.msk $0xffff, v12  }
.Ltmp57:
0x561: {  	[tilespmem:v15+s22+$0x0] =	vst.idx.msk $0xffff, v13;
	(pc) =	sbr.rel @p0 .LBB2_92-.Ltmp57, $4  }
0x562: {  	s0 =	sadd.s32 $0x10, s0;
	[tilespmem:v14+s24+$0x0] =	vst.idx.add.s32.msk vm1, v16  }
0x563: {  	s4 =	sadd.s32 $0x10, s4;
	v12 =	vld [tilespmem:s0+$0x0]  }
0x564: {  	v13 =	vld [tilespmem:s4+$0x0]  }
0x565: {  	s6 =	sadd.s32 $0xFFFFFFFF, s6  }
.LBB2_93:
0x566: {  	_ =	sdelay $0x1  }
0x567: {  	v14 =	vxor.u32 $0xFFFFFFFF, v12  }
0x568: {  	v14 =	vshrl.u32 v14, $0x18  }
0x569: {  	(xrf1) =	vunique.msk.u32 $0xffff, v14;
	_ =	sdelay $0x2  }
0x56a: {  	vm1 =	vlt.s32 v12, $0x0  }
0x56b: {  	v15 =	vsel vm1, $0x0, v5;
	v14 =	vand.u32 $0x7F, v14  }
0x56c: {  	v14 =	vor.u32 v14, v15;
	_ =	sdelay $0x4  }
0x56d: {  	v15 =	vld.idx.msk [tilespmem:v14+s24+$0x0], $0xffff;
	_ =	sdelay $0x3  }
0x56e: {  	_, v16, vm1 =	vpop (xrf1)  }
0x56f: {  	v15 =	vadd.s32 v16, v15  }
0x570: {  	v15 =	vadd.s32 $0xFFFFFFFF, v15;
	_ =	sdelay $0x4  }
0x571: {  	[tilespmem:v15+s21+$0x0] =	vst.idx.msk $0xffff, v12  }
0x572: {  	[tilespmem:v15+s22+$0x0] =	vst.idx.msk $0xffff, v13  }
0x573: {  	[tilespmem:v14+s24+$0x0] =	vst.idx.add.s32.msk vm1, v16  }
.LBB2_94:
0x574: {  	v11 =	vbroadcast v11, $0xF  }
0x575: {  	_ =	strace $0x9000004B  }
0x576: {  	(erf) = vrcp.f32 v11;
	_ =	sdelay $0x4  }
0x577: {  	v13 =	vld [tilespmem:$0x2F80];
	_ =	sdelay $0x3  }
0x578: {  	v12 =	vpop (erf)  }
0x579: {  	v10 =	vbroadcast v10, $0xF;
	v13 =	vmul.f32 v13, v12;
	_ =	sdelay $0x1  }
0x57a: {  	v10 =	vmul.f32 v13, v10;
	_ =	sdelay $0x1  }
0x57b: {  	v10 =	vnsel vm0, $0x0, v10  }
0x57c: {  	(xrf2) =	vadd.scan.msk.f32 $0xffff, v10;
	_ =	sdelay $0x5  }
0x57d: {  	p0 =	slt.s32 s5, $0x1  }
.Ltmp58:
0x57e: {  	_ = 	snop;
	(pc) =	sbr.rel @p0 .LBB2_106-.Ltmp58, $3  }
0x57f: {  	_ =	sdelay $0x1  }
0x580: {  	v10, _, _ =	vpop (xrf2)  }
0x581: {  	s9 =	simm.s32 $0x0;
	s8 =	simm.s32 $0x0;
	s6 =	simm.s32 $0x0;
	v10 =	vbroadcast v10, $0xF  }
0x582: {  	p4 =	sne.s32 s5, $0x1  }
.Ltmp59:
0x583: {  	_ = 	snop;
	(pc) =	sbr.rel @!p4 .LBB2_96-.Ltmp59, $4  }
0x584: {  	_ = 	snop  }
0x585: {  	s29 =	simm.f32 $0.0e+00;
	s11 =	simm.s32 $0x2F80  }
0x586: {  	s6 =	simm.s32 $0x6F80;
	s8 =	simm.s32 $0x0;
	s0 =	sadd.s32 $0xFFFFFFFF, s5  }
0x587: {  	v13 =	vmov s25;
	v9 =	vbroadcast v9, $0xF;
	p1 =	por $0x0, $0x0;
	p2 =	por $0x0, $0x0;
	p3 =	por $0x0, $0x0  }
0x588: {  	p4 =	sne.s32 s0, $0x1  }
.Ltmp60:
0x589: {  	_ = 	snop;
	(pc) =	sbr.rel @!p4 .LBB2_98-.Ltmp60, $2  }
0x58a: {  	_ =	sdelay $0x2  }
0x58b: {  	s0 =	sadd.s32 $0xFFFFFFFF, s0;
	p1 =	por $0x1, $0x1  }
0x58c: {  	v14 =	vld [tilespmem:s11+$0x0];
	_ =	sdelay $0x4  }
0x58d: {  	v14 =	vmul.f32 v14, v12;
	_ =	sdelay $0x1  }
0x58e: {  	(xrf2) =	vadd.scan.msk.f32 $0xffff, v14;
	_ =	sdelay $0x3  }
0x58f: {  	v15 =	vor.u32 s8, v0  }
0x590: {  	vm12 =	vlt.s32 v15, v13;
	vm1 =	vge.f32 v14, v10  }
0x591: {  	vm1 =	vmand vm12, vm1  }
0x592: {  	v15 =	vsel vm1, $0x1, v1  }
0x593: {  	(xrf0) =	vadd.scan.msk.s32 $0xffff, v15;
	_ =	sdelay $0x1  }
0x594: {  	p4 =	sne.s32 s0, $0x1;
	v15, _, _ =	vpop (xrf2)  }
.Ltmp61:
0x595: {  	v15 =	vadd.f32 s29, v15;
	(pc) =	sbr.rel @!p4 .LBB2_100-.Ltmp61, $4  }
0x596: {  	_ = 	snop  }
0x597: {  	v14 =	vsub.f32 v15, v14  }
0x598: {  	v16, _, _ =	vpop (xrf0)  }
0x599: {  	s10 =	sadd.s32 $0xFFFFFFFF, s0;
	p2 =	por $0x1, $0x1;
	(v2sf) =	vpush v16, $0xF;
	[tilespmem:s6+$0x0] =	vst v15;
	(xrf0) =	vmax.scan.msk.f32 $0xffff, v15;
	vm13 =	vle.f32 v14, v9  }
0x59a: {  	_ = 	snop  }
0x59b: {  	vm1 =	vmand vm12, vm13  }
0x59c: {  	v14 =	vsel vm1, $0x1, v1  }
0x59d: {  	s4 =	simm.s32 $0x2F90;
	(xrf0) =	vadd.scan.msk.s32 $0xffff, v14  }
0x59e: {  	v15 =	vld [tilespmem:s4+$0x0]  }
0x59f: {  	v14, _, _ =	vpop (xrf0)  }
0x5a0: {  	(v2sf) =	vpush v14, $0xF;
	_ =	sdelay $0x2  }
0x5a1: {  	s0 =	simm.s32 $0x10;
	v14 =	vmul.f32 v15, v12;
	v15, _, _ =	vpop (xrf0)  }
0x5a2: {  	(v2sf) =	vpush v15, $0xF;
	v15 =	vor.u32 s0, v0  }
0x5a3: {  	(xrf2) =	vadd.scan.msk.f32 $0xffff, v14;
	vm1 =	vge.f32 v14, v10;
	vm14 =	vlt.s32 v15, v13  }
0x5a4: {  	vm1 =	vmand vm14, vm1  }
0x5a5: {  	v15 =	vsel vm1, $0x1, v1  }
0x5a6: {  	(xrf0) =	vadd.scan.msk.s32 $0xffff, v15;
	_ =	sdelay $0x5  }
0x5a7: {  	s12 =	spop (v2sf);
	v16, _, _ =	vpop (xrf0)  }
0x5a8: {  	p4 =	sne.s32 s10, $0x1;
	v15, _, _ =	vpop (xrf2);
	(v2sf) =	vpush v16, $0xF;
	s26 =	spop (v2sf)  }
.Ltmp62:
0x5a9: {  	v15 =	vadd.f32 s26, v15;
	(pc) =	sbr.rel @!p4 .LBB2_102-.Ltmp62, $4  }
0x5aa: {  	_ = 	snop  }
0x5ab: {  	v14 =	vsub.f32 v15, v14;
	(xrf0) =	vmax.scan.msk.f32 $0xffff, v15  }
0x5ac: {  	s30 =	simm.s32 $0x6F90;
	s10 =	sadd.s32 $0xFFFFFFFF, s10;
	p3 =	por $0x1, $0x1  }
0x5ad: {  	s31 =	sadd.s32 $0x0, s12;
	s26 =	simm.s32 $0x0;
	[tilespmem:s30+$0x0] =	vst v15;
	s12 =	spop (v2sf);
	vm15 =	vle.f32 v14, v9  }
.LBB2_103:
0x5ae: {  	p4 =	sne.s32 s10, $0x1;
	vm1 =	vmand vm14, vm15;
	s26 =	sadd.s32 s26, s12  }
0x5af: {  	s4 =	sadd.s32 $0x10, s4;
	v16 =	vsel vm1, $0x1, v1  }
0x5b0: {  	v15 =	vld [tilespmem:s4+$0x0];
	(xrf0) =	vadd.scan.msk.s32 $0xffff, v16  }
0x5b1: {  	v14, _, _ =	vpop (xrf0)  }
0x5b2: {  	(v2sf) =	vpush v14, $0xF;
	_ =	sdelay $0x2  }
0x5b3: {  	s0 =	sadd.s32 $0x10, s0;
	v14 =	vmul.f32 v15, v12  }
0x5b4: {  	v15 =	vor.u32 s0, v0;
	v16, _, _ =	vpop (xrf0)  }
0x5b5: {  	vm14 =	vlt.s32 v15, v13;
	vm1 =	vge.f32 v14, v10;
	(xrf2) =	vadd.scan.msk.f32 $0xffff, v14;
	(v2sf) =	vpush v16, $0xF;
	s12 =	spop (v2sf)  }
0x5b6: {  	vm1 =	vmand vm14, vm1;
	s31 =	sadd.s32 s31, s12  }
0x5b7: {  	v15 =	vsel vm1, $0x1, v1  }
0x5b8: {  	(xrf0) =	vadd.scan.msk.s32 $0xffff, v15;
	_ =	sdelay $0x5  }
0x5b9: {  	v15, _, _ =	vpop (xrf0)  }
0x5ba: {  	v16, _, _ =	vpop (xrf2);
	(v2sf) =	vpush v15, $0xF;
	s12 =	spop (v2sf)  }
.Ltmp63:
0x5bb: {  	v15 =	vadd.f32 s12, v16;
	(pc) =	sbr.rel @p4 .LBB2_103-.Ltmp63, $3  }
0x5bc: {  	s30 =	sadd.s32 $0x10, s30  }
0x5bd: {  	[tilespmem:s30+$0x0] =	vst v15;
	v14 =	vsub.f32 v15, v14;
	(xrf0) =	vmax.scan.msk.f32 $0xffff, v15;
	_ =	sdelay $0x1  }
0x5be: {  	s10 =	sadd.s32 $0xFFFFFFFF, s10;
	vm15 =	vle.f32 v14, v9;
	s12 =	spop (v2sf)  }
0x5bf: {  	s13 =	smov.u32 s16  }
.LBB2_105:
0x5c0: {  	s4 =	sadd.s32 @p2 $0x10, s4;
	s10 =	simm.s32 $0x2F80  }
0x5c1: {  	s10 =	smov.u32 @p2 s4  }
0x5c2: {  	v14 =	vld @p1 [tilespmem:s10+$0x0];
	v15, _, _ =	vpop @p2 (xrf0)  }
0x5c3: {  	(v2sf) =	vpush @p2 v15, $0xF;
	_ =	sdelay $0x3  }
0x5c4: {  	v14 =	vmul.f32 @p1 v14, v12;
	_ =	sdelay $0x1  }
0x5c5: {  	(xrf2) =	vadd.scan.msk.f32 @p1 $0xffff, v14;
	_ =	sdelay $0x5  }
0x5c6: {  	s0 =	sadd.s32 @p2 $0x10, s0;
	s4 =	simm.s32 $0x0  }
0x5c7: {  	s4 =	smov.u32 @p2 s0  }
0x5c8: {  	v15 =	vor.u32 @p1 s4, v0;
	s0 =	spop @p2 (v2sf)  }
0x5c9: {  	vm1 =	vmand @p2 vm14, vm15;
	s16 =	simm.f32 $0.0e+00;
	vm2 =	vlt.s32 @p1 v15, v13;
	vm3 =	vge.f32 @p1 v14, v10;
	s28 =	spop @p2 (v2sf)  }
0x5ca: {  	v15 =	vsel @p2 vm1, $0x1, v1;
	vm1 =	vmand @p1 vm2, vm3;
	s16 =	smov.u32 @p2 s28;
	v16, _, _ =	vpop @p1 (xrf2)  }
0x5cb: {  	(xrf0) =	vadd.scan.msk.s32 @p2 $0xffff, v15;
	v15 =	vsel @p1 vm1, $0x1, v1;
	v16 =	vadd.f32 @p1 s16, v16  }
0x5cc: {  	(xrf0) =	vadd.scan.msk.s32 @p1 $0xffff, v15  }
0x5cd: {  	(xrf0) =	vmax.scan.msk.f32 @p1 $0xffff, v16;
	_ =	sdelay $0x2  }
0x5ce: {  	s28 =	simm.s32 $0x6F80;
	s16 =	sadd.s32 @p2 $0x10, s30  }
0x5cf: {  	s10 =	sadd.s32 @p1 $0x10, s10;
	v15, _, _ =	vpop @p2 (xrf0);
	s28 =	smov.u32 @p2 s16  }
0x5d0: {  	s11 =	smov.u32 @p1 s10;
	(v2sf) =	vpush @p2 v15, $0xF;
	v15, _, _ =	vpop @p1 (xrf0);
	[tilespmem:s28+$0x0] =	vst @p1 v16  }
0x5d1: {  	(v2sf) =	vpush @p1 v15, $0xF;
	v15 =	vld [tilespmem:s11+$0x0];
	v17, _, _ =	vpop @p1 (xrf0)  }
0x5d2: {  	(v2sf) =	vpush @p1 v17, $0xF;
	_ =	sdelay $0x3  }
0x5d3: {  	v15 =	vmul.f32 v15, v12;
	_ =	sdelay $0x1  }
0x5d4: {  	(xrf2) =	vadd.scan.msk.f32 $0xffff, v15;
	_ =	sdelay $0x4  }
0x5d5: {  	v14 =	vsub.f32 @p1 v16, v14;
	_ =	sdelay $0x1  }
0x5d6: {  	vm1 =	vle.f32 @p1 v14, v9;
	s10 =	spop @p2 (v2sf)  }
0x5d7: {  	vm12 =	vmmov @p1 vm2;
	vm13 =	vmmov @p1 vm1;
	s11 =	spop @p1 (v2sf)  }
0x5d8: {  	vm1 =	vmand @p1 vm12, vm13;
	s16 =	spop @p1 (v2sf)  }
0x5d9: {  	s4 =	sadd.s32 @p1 $0x10, s4;
	v14 =	vsel @p1 vm1, $0x1, v1;
	v62, _, _ =	vpop (xrf2);
	s29 =	smov.u32 @p1 s16;
	s16 =	simm.s32 $0x0  }
0x5da: {  	(xrf0) =	vadd.scan.msk.s32 @p1 $0xffff, v14;
	s16 =	smov.u32 @p1 s4;
	v14 =	vadd.f32 s29, v62  }
0x5db: {  	v63 =	vor.u32 s16, v0  }
0x5dc: {  	vm2 =	vge.f32 v15, v10;
	vm1 =	vlt.s32 v63, v13;
	v13 =	vsub.f32 v14, v15  }
0x5dd: {  	vm2 =	vmand vm1, vm2  }
0x5de: {  	v15 =	vsel vm2, $0x1, v1;
	vm2 =	vle.f32 v13, v9  }
0x5df: {  	(xrf0) =	vadd.scan.msk.s32 $0xffff, v15;
	vm1 =	vmand vm1, vm2  }
0x5e0: {  	v9, _, _ =	vpop @p1 (xrf0);
	(xrf0) =	vmax.scan.msk.f32 $0xffff, v14;
	v13 =	vsel vm1, $0x1, v1  }
0x5e1: {  	(xrf0) =	vadd.scan.msk.s32 $0xffff, v13;
	_ =	sdelay $0x3  }
0x5e2: {  	(v2sf) =	vpush @p1 v9, $0xF;
	v9, _, _ =	vpop (xrf0)  }
0x5e3: {  	(v2sf) =	vpush v9, $0xF;
	v9, _, _ =	vpop (xrf0)  }
0x5e4: {  	(v2sf) =	vpush v9, $0xF;
	v9, _, _ =	vpop (xrf0)  }
0x5e5: {  	(v2sf) =	vpush v9, $0xF;
	_ =	sdelay $0x6  }
0x5e6: {  	s12 =	sadd.s32 @p3 s26, s12  }
0x5e7: {  	s26 =	simm.s32 $0x0;
	s0 =	sadd.s32 @p2 s31, s0;
	s16 =	simm.s32 $0x0  }
0x5e8: {  	s26 =	smov.u32 @p2 s0;
	s10 =	smov.u32 @p2 s10;
	s16 =	smov.u32 @p3 s12  }
0x5e9: {  	s0 =	sadd.s32 @p2 s16, s10;
	s10 =	sadd.s32 @p1 s26, s11  }
0x5ea: {  	s11 =	sadd.s32 @p1 $0x10, s28;
	s28 =	rddreg [dreg:$0x7];
	s16 =	smov.u32 s13  }
0x5eb: {  	s6 =	smov.u32 @p1 s11;
	s11 =	simm.s32 $0x0;
	s4 =	spop @p1 (v2sf)  }
0x5ec: {  	s11 =	smov.u32 @p2 s0;
	s4 =	smov.u32 @p1 s4;
	s30 =	spop (v2sf)  }
0x5ed: {  	s0 =	simm.s32 $0x0;
	s4 =	sadd.s32 @p1 s11, s4;
	s31 =	spop (v2sf)  }
0x5ee: {  	s0 =	smov.u32 @p1 s10;
	s8 =	smov.u32 @p1 s4;
	s10 =	spop (v2sf)  }
0x5ef: {  	s13 =	simm.s32 $0x800;
	[tilespmem:s6+$0x0] =	vst v14;
	s6 =	sadd.s32 s0, s30;
	s8 =	sadd.s32 s8, s10  }
.LBB2_106:
0x5f0: {  	p1 =	slt.s32 s8, s25;
	s0 =	smov.u32 s8  }
0x5f1: {  	s10 =	rddreg [dreg:$0xc];
	s0 =	simm.s32 @!p1 $0x40000000  }
0x5f2: {  	p2 =	slt.s32 s6, s25;
	s4 =	smov.u32 s6;
	p3 =	slt.s32 s10, s0  }
0x5f3: {  	s4 =	simm.s32 @!p2 $0x40000000;
	s0 =	smov.u32 @p3 s10  }
0x5f4: {  	p2 =	slt.s32 s0, s4  }
0x5f5: {  	s4 =	smov.u32 @p2 s0  }
0x5f6: {  	s29 =	smov.u32 s25;
	p2 =	slt.s32 s4, s25  }
0x5f7: {  	s29 =	smov.u32 @p2 s4  }
0x5f8: {  	s11 =	sadd.s32 $0xFFFFFFFF, s29  }
0x5f9: {  	v9 =	vmov s11;
	_ =	sdelay $0x3  }
0x5fa: {  	s30 =	simm.s32 $0x6F80  }
0x5fb: {  	v9 =	vld.idx.msk [tilespmem:v9+s30+$0x0], $0xffff;
	_ =	sdelay $0x4  }
0x5fc: {  	(xrf0) =	vmax.scan.msk.f32 $0xffff, v9;
	_ =	sdelay $0x5  }
0x5fd: {  	v9, _, _ =	vpop (xrf0)  }
0x5fe: {  	(v2sf) =	vpush v9, $0xF;
	_ =	sdelay $0xb  }
.Ltmp64:
0x5ff: {  	_ = 	snop;
	(pc) =	sbr.rel @p0 .LBB2_119-.Ltmp64, $3  }
0x600: {  	_ =	sdelay $0x1  }
0x601: {  	s31 =	spop (v2sf)  }
0x602: {  	s4 =	smul.f32 s31, s16  }
0x603: {  	s0 =	simm.s32 $0x6F80  }
0x604: {  	p5 =	sne.s32 s5, $0x1;
	v15 =	vld [tilespmem:s0+$0x0]  }
.Ltmp65:
0x605: {  	_ = 	snop;
	(pc) =	sbr.rel @!p5 .LBB2_108-.Ltmp65, $4  }
0x606: {  	_ = 	snop  }
0x607: {  	s9 =	simm.s32 $0x0  }
0x608: {  	v14 =	vmov s29;
	p0 =	por $0x0, $0x0;
	p2 =	por $0x0, $0x0;
	p3 =	por $0x0, $0x0;
	v13 =	vmov s4;
	v16 =	vor.u32 s9, v0  }
0x609: {  	p4 =	por $0x0, $0x0;
	s0 =	sadd.s32 $0xFFFFFFFF, s5;
	s5 =	simm.s32 $0x6F90;
	vm13 =	vlt.s32 v16, v14;
	vm12 =	vlt.f32 v15, v13  }
0x60a: {  	v15 =	vld [tilespmem:s5+$0x0];
	p5 =	sne.s32 s0, $0x1  }
.Ltmp66:
0x60b: {  	_ = 	snop;
	(pc) =	sbr.rel @!p5 .LBB2_110-.Ltmp66, $4  }
0x60c: {  	_ = 	snop  }
0x60d: {  	vm1 =	vmand vm13, vm12;
	s31 =	simm.s32 $0x10  }
0x60e: {  	v16 =	vsel vm1, $0x1, v1;
	v17 =	vor.u32 s31, v0  }
0x60f: {  	s0 =	sadd.s32 $0xFFFFFFFF, s0;
	s5 =	simm.s32 $0x6FA0;
	p0 =	por $0x1, $0x1;
	(xrf0) =	vadd.scan.msk.s32 $0xffff, v16;
	vm13 =	vlt.s32 v17, v14;
	vm12 =	vlt.f32 v15, v13  }
0x610: {  	_ =	sdelay $0x4  }
0x611: {  	v17, _, _ =	vpop (xrf0)  }
0x612: {  	(v2sf) =	vpush v17, $0xF;
	_ =	sdelay $0x8  }
0x613: {  	v15 =	vld [tilespmem:s5+$0x0];
	p5 =	sne.s32 s0, $0x1  }
.Ltmp67:
0x614: {  	_ = 	snop;
	(pc) =	sbr.rel @!p5 .LBB2_112-.Ltmp67, $4  }
0x615: {  	_ = 	snop  }
0x616: {  	vm1 =	vmand vm13, vm12;
	s31 =	simm.s32 $0x20  }
0x617: {  	v16 =	vsel vm1, $0x1, v1;
	v18 =	vor.u32 s31, v0  }
0x618: {  	s0 =	sadd.s32 $0xFFFFFFFF, s0;
	s5 =	simm.s32 $0x6FB0;
	p2 =	por $0x1, $0x1;
	vm13 =	vlt.s32 v18, v14;
	(xrf0) =	vadd.scan.msk.s32 $0xffff, v16;
	vm12 =	vlt.f32 v15, v13  }
0x619: {  	_ =	sdelay $0x4  }
0x61a: {  	v17, _, _ =	vpop (xrf0)  }
0x61b: {  	(v2sf) =	vpush v17, $0xF;
	_ =	sdelay $0x3  }
0x61c: {  	v15 =	vld [tilespmem:s5+$0x0];
	p5 =	sne.s32 s0, $0x1  }
.Ltmp68:
0x61d: {  	_ = 	snop;
	(pc) =	sbr.rel @!p5 .LBB2_114-.Ltmp68, $4  }
0x61e: {  	_ = 	snop  }
0x61f: {  	vm1 =	vmand vm13, vm12;
	s31 =	simm.s32 $0x30  }
0x620: {  	v16 =	vsel vm1, $0x1, v1;
	v18 =	vor.u32 s31, v0  }
0x621: {  	s0 =	sadd.s32 $0xFFFFFFFF, s0;
	s5 =	simm.s32 $0x6FC0;
	p3 =	por $0x1, $0x1;
	vm13 =	vlt.s32 v18, v14;
	(xrf0) =	vadd.scan.msk.s32 $0xffff, v16;
	vm12 =	vlt.f32 v15, v13  }
0x622: {  	_ =	sdelay $0x4  }
0x623: {  	v17, _, _ =	vpop (xrf0)  }
0x624: {  	(v2sf) =	vpush v17, $0xF;
	_ =	sdelay $0x3  }
0x625: {  	v15 =	vld [tilespmem:s5+$0x0];
	vm1 =	vmand vm13, vm12;
	p5 =	sne.s32 s0, $0x1  }
.Ltmp69:
0x626: {  	v16 =	vsel vm1, $0x1, v1;
	(pc) =	sbr.rel @!p5 .LBB2_116-.Ltmp69, $4  }
0x627: {  	(xrf0) =	vadd.scan.msk.s32 $0xffff, v16  }
0x628: {  	s5 =	simm.s32 $0x40  }
0x629: {  	s10 =	sadd.s32 $0xFFFFFFFF, s0;
	v18 =	vor.u32 s5, v0  }
0x62a: {  	s12 =	simm.s32 $0x6FD0;
	p4 =	por $0x1, $0x1;
	s0 =	simm.s32 $0x0;
	vm13 =	vlt.s32 v18, v14;
	vm12 =	vlt.f32 v15, v13  }
.LBB2_117:
0x62b: {  	v15 =	vld [tilespmem:s12+$0x0];
	p5 =	sne.s32 s10, $0x1;
	s10 =	sadd.s32 $0xFFFFFFFF, s10;
	vm1 =	vmand vm13, vm12;
	s16 =	spop (v2sf)  }
.Ltmp70:
0x62c: {  	v17 =	vsel vm1, $0x1, v1;
	s0 =	sadd.s32 s0, s16;
	(pc) =	sbr.rel @p5 .LBB2_117-.Ltmp70, $4  }
0x62d: {  	(xrf0) =	vadd.scan.msk.s32 $0xffff, v17;
	v16, _, _ =	vpop (xrf0)  }
0x62e: {  	s5 =	sadd.s32 $0x10, s5;
	(v2sf) =	vpush v16, $0xF  }
0x62f: {  	v16 =	vor.u32 s5, v0  }
0x630: {  	s12 =	sadd.s32 $0x10, s12;
	vm13 =	vlt.s32 v16, v14;
	vm12 =	vlt.f32 v15, v13  }
.LBB2_118:
0x631: {  	vm1 =	vmand vm13, vm12  }
0x632: {  	v13 =	vsel vm1, $0x1, v1  }
0x633: {  	(xrf0) =	vadd.scan.msk.s32 $0xffff, v13;
	_ =	sdelay $0x3  }
0x634: {  	v13, _, _ =	vpop @p0 (xrf0)  }
0x635: {  	(v2sf) =	vpush @p0 v13, $0xF  }
0x636: {  	v13, _, _ =	vpop (xrf0)  }
0x637: {  	(v2sf) =	vpush v13, $0xF;
	_ =	sdelay $0x6  }
0x638: {  	s5 =	spop @p4 (v2sf)  }
0x639: {  	s0 =	sadd.s32 @p4 s0, s5;
	s5 =	simm.s32 $0x0  }
0x63a: {  	s5 =	smov.u32 @p4 s0;
	s0 =	spop @p3 (v2sf)  }
0x63b: {  	s0 =	sadd.s32 @p3 s5, s0;
	s5 =	simm.s32 $0x0  }
0x63c: {  	s5 =	smov.u32 @p3 s0;
	s0 =	spop @p2 (v2sf)  }
0x63d: {  	s0 =	sadd.s32 @p2 s5, s0;
	s5 =	simm.s32 $0x0  }
0x63e: {  	s5 =	smov.u32 @p2 s0;
	s0 =	spop @p0 (v2sf)  }
0x63f: {  	s0 =	sadd.s32 @p0 s5, s0  }
0x640: {  	s9 =	smov.u32 @p0 s0;
	s31 =	spop (v2sf)  }
0x641: {  	s9 =	sadd.s32 s9, s31  }
.LBB2_119:
0x642: {  	s0 =	sadd.s32 $0xFFFFFFFF, s8  }
0x643: {  	v13 =	vmov s0;
	_ =	sdelay $0x3  }
0x644: {  	s31 =	simm.s32 $0x6F80  }
0x645: {  	v13 =	vld.idx.msk [tilespmem:v13+s31+$0x0], $0xffff;
	_ =	sdelay $0x4  }
0x646: {  	(xrf0) =	vmax.scan.msk.f32 $0xffff, v13;
	_ =	sdelay $0x5  }
0x647: {  	v14, _, _ =	vpop (xrf0)  }
0x648: {  	(v2sf) =	vpush v14, $0xF;
	_ =	sdelay $0x3  }
0x649: {  	p0 =	slt.s32 s9, s11  }
0x64a: {  	s11 =	smov.u32 @p0 s9  }
0x64b: {  	v13 =	vmov s11;
	_ =	sdelay $0x4  }
.Ltmp71:
0x64c: {  	v16 =	vld.idx.msk [tilespmem:v13+s21+$0x0], $0xffff;
	(pc) =	sbr.rel @p1 .LBB2_123-.Ltmp71, $2  }
0x64d: {  	_ =	sdelay $0x2  }
0x64e: {  	s5 =	simm.f32 $1.000000000e+00;
	s9 =	simm.f32 $1.000000000e+00;
	v15 =	vld.idx.msk [tilespmem:v13+s22+$0x0], $0xffff;
	s0 =	spop (v2sf)  }
0x64f: {  	s5 =	rddreg [dreg:$0x10]  }
0x650: {  	s5 =	sadd.s32 $0x7FFFFFFF, s5  }
0x651: {  	v17 =	vmov s5;
	_ =	sdelay $0x3  }
0x652: {  	s26 =	simm.s32 $0x6F80  }
0x653: {  	v17 =	vld.idx.msk [tilespmem:v17+s26+$0x0], $0xffff;
	_ =	sdelay $0x4  }
0x654: {  	(xrf0) =	vmax.scan.msk.f32 $0xffff, v17;
	_ =	sdelay $0x5  }
0x655: {  	v17, _, _ =	vpop (xrf0)  }
0x656: {  	(v2sf) =	vpush v17, $0xF;
	_ =	sdelay $0xa  }
0x657: {  	s9 =	rddreg [dreg:$0xe]  }
0x658: {  	s10 =	rddreg [dreg:$0xf]  }
0x659: {  	s9 =	smul.f32 s10, s9  }
0x65a: {  	s31 =	rddreg [dreg:$0xd]  }
0x65b: {  	s5 =	sadd.s32 $0xFFFFFFFF, s31;
	v18 =	vmov s9;
	s9 =	simm.s32 $0x0;
	s30 =	spop (v2sf)  }
0x65c: {  	v17 =	vmov s5;
	s5 =	simm.f32 $1.000000000e+00;
	s11 =	smul.f32 s30, s10;
	s10 =	simm.s32 $0x0  }
.LBB2_121:
0x65d: {  	v19 =	vor.u32 s9, v0  }
0x65e: {  	v19 =	vsub.s32 v17, v19  }
0x65f: {  	vm1 =	vgt.s32 v19, $0x0  }
0x660: {  	v20 =	vnsel vm1, $0x0, v19;
	_ =	sdelay $0x4  }
0x661: {  	v20 =	vld.idx.msk [tilespmem:v20+s17+$0x0], $0xffff;
	_ =	sdelay $0x4  }
0x662: {  	v21 =	vshll.u32 v19, $0xF;
	v20 =	vcvt.s32.f32 v20  }
0x663: {  	v21 =	vadd.s32 $0x30804000, v21  }
0x664: {  	v20 =	vmul.f32 v20, v21  }
0x665: {  	vm12 =	vgt.s32 v19, $0xFFFFFFFF  }
0x666: {  	v19 =	vnsel vm12, $0x0, v20  }
0x667: {  	(xrf2) =	vadd.scan.msk.f32 $0xffff, v19;
	_ =	sdelay $0x9  }
0x668: {  	v20, _, _ =	vpop (xrf2)  }
0x669: {  	v20 =	vadd.f32 s11, v20;
	_ =	sdelay $0x1  }
0x66a: {  	(erf) = vrcp.f32 v21;
	vm1 =	vgt.f32 v20, v18  }
0x66b: {  	vm1 =	vmand vm12, vm1  }
0x66c: {  	v22 =	vsel vm1, $0x1, v1;
	v23 =	vmctz.xlane vm1  }
0x66d: {  	v22 =	vor.u32 $0x80000000, v22  }
0x66e: {  	(xrf0) =	vmax.scan.msk.u32 $0xffff, v22;
	v58 =	vxor.u32 $0x80000000, v23  }
0x66f: {  	(xrf0) =	vmax.scan.msk.u32 $0xffff, v58;
	_ =	sdelay $0x2  }
0x670: {  	v19 =	vsub.f32 v20, v19  }
0x671: {  	v61 =	vpop (erf)  }
0x672: {  	v24 =	vsub.f32 v18, v19;
	v59, _, _ =	vpop (xrf0)  }
0x673: {  	v60, _, _ =	vpop (xrf0);
	(v2sf) =	vpush v59, $0xF  }
0x674: {  	v22 =	vmul.f32 v24, v61;
	(v2sf) =	vpush v60, $0xF;
	_ =	sdelay $0x1  }
0x675: {  	v62 =	vtrunc.f32 v22  }
0x676: {  	v23 =	vcvt.f32.s32 v62;
	_ =	sdelay $0x1  }
0x677: {  	v23 =	vcvt.s32.f32 v23;
	_ =	sdelay $0x1  }
0x678: {  	vm1 =	vgt.f32 v22, v23  }
0x679: {  	v22 =	vsel vm1, $0x3F800000, v7  }
0x67a: {  	v22 =	vadd.f32 v23, v22;
	_ =	sdelay $0x1  }
0x67b: {  	v22 =	vadd.f32 $1.000000000e+00, v22;
	_ =	sdelay $0x1  }
0x67c: {  	v21 =	vmul.f32 v21, v22  }
0x67d: {  	s11 =	spop (v2sf)  }
0x67e: {  	v19 =	vadd.f32 v21, v19;
	s12 =	spop (v2sf)  }
0x67f: {  	s12 =	sxor.u32 $0x80000000, s12  }
0x680: {  	v19 =	vmul.f32 v19, v12;
	v63 =	vmov s12  }
0x681: {  	vm1 =	veq.s32 v63, v0  }
0x682: {  	v19 =	vnsel vm1, $0x0, v19  }
0x683: {  	(xrf2) =	vadd.scan.msk.f32 $0xffff, v19;
	_ =	sdelay $0x2  }
0x684: {  	v19 =	vsel vm12, $0x1, v1  }
0x685: {  	v19 =	vor.u32 $0x80000000, v19  }
0x686: {  	(xrf0) =	vmax.scan.msk.u32 $0xffff, v19;
	_ =	sdelay $0x4  }
0x687: {  	v19, _, _ =	vpop (xrf2)  }
0x688: {  	(v2sf) =	vpush v19, $0xF;
	v19, _, _ =	vpop (xrf0)  }
0x689: {  	(v2sf) =	vpush v19, $0xF;
	_ =	sdelay $0x2  }
0x68a: {  	(xrf0) =	vmax.scan.msk.f32 $0xffff, v20;
	_ =	sdelay $0x5  }
0x68b: {  	v19, _, _ =	vpop (xrf0)  }
0x68c: {  	(v2sf) =	vpush v19, $0xF;
	_ =	sdelay $0x3  }
0x68d: {  	s12 =	spop (v2sf)  }
0x68e: {  	s16 =	spop (v2sf)  }
0x68f: {  	p0 =	seq.s32 s16, $0x80000000  }
0x690: {  	p2 =	sgt.u32 @!p0 s10, $0x1EE  }
0x691: {  	p2 =	por p0, p2  }
0x692: {  	p3 =	sne.s32 @!p2 s11, $0x80000001  }
0x693: {  	p3 =	por p2, !p3  }
.Ltmp72:
0x694: {  	_ = 	snop;
	(pc) =	sbr.rel @!p3 .LBB2_121-.Ltmp72, $3  }
0x695: {  	_ =	sdelay $0x1  }
0x696: {  	s9 =	sadd.s32 $0x10, s9;
	p4 =	seq.s32 s11, $0x80000001  }
0x697: {  	s5 =	smov.u32 @p4 s12;
	s10 =	sadd.s32 $0x1, s10;
	s11 =	spop (v2sf)  }
.Ltmp73:
0x698: {  	_ = 	snop;
	(pc) =	sbr.rel .LBB2_122-.Ltmp73, $1  }
0x699: {  	_ =	sdelay $0x3  }
.LBB2_36:
.Ltmp74:
0x69a: {  	(pc) =	sbr.rel .LBB2_41-.Ltmp74, $2  }
0x69b: {  	_ =	sdelay $0x2  }
0x69c: {  	_ = 	snop  }
.LBB2_50:
.Ltmp75:
0x69d: {  	(pc) =	sbr.rel .LBB2_57-.Ltmp75, $2  }
0x69e: {  	_ =	sdelay $0x2  }
0x69f: {  	v16 =	vmov v17  }
.LBB2_66:
.Ltmp76:
0x6a0: {  	(pc) =	sbr.rel .LBB2_73-.Ltmp76, $2  }
0x6a1: {  	_ =	sdelay $0x2  }
0x6a2: {  	v16 =	vmov v17  }
.LBB2_82:
.Ltmp77:
0x6a3: {  	(pc) =	sbr.rel .LBB2_87-.Ltmp77, $2  }
0x6a4: {  	_ =	sdelay $0x2  }
0x6a5: {  	_ = 	snop  }
.LBB2_96:
.Ltmp78:
0x6a6: {  	(pc) =	sbr.rel .LBB2_105-.Ltmp78, $3  }
0x6a7: {  	_ =	sdelay $0x1  }
0x6a8: {  	s13 =	smov.u32 s16;
	s26 =	simm.s32 $0x0;
	s4 =	simm.s32 $0x2F80  }
0x6a9: {  	s0 =	simm.s32 $0x0;
	s31 =	simm.s32 $0x0;
	s30 =	simm.s32 $0x6F80  }
.LBB2_108:
.Ltmp79:
0x6aa: {  	(pc) =	sbr.rel .LBB2_118-.Ltmp79, $2  }
0x6ab: {  	_ =	sdelay $0x2  }
0x6ac: {  	s0 =	simm.s32 $0x0  }
.LBB2_38:
.Ltmp80:
0x6ad: {  	(pc) =	sbr.rel .LBB2_41-.Ltmp80, $2  }
0x6ae: {  	_ =	sdelay $0x2  }
0x6af: {  	v16 =	vmov v15  }
.LBB2_52:
.Ltmp81:
0x6b0: {  	(pc) =	sbr.rel .LBB2_57-.Ltmp81, $2  }
0x6b1: {  	_ =	sdelay $0x2  }
0x6b2: {  	_ = 	snop  }
.LBB2_68:
.Ltmp82:
0x6b3: {  	(pc) =	sbr.rel .LBB2_73-.Ltmp82, $2  }
0x6b4: {  	_ =	sdelay $0x2  }
0x6b5: {  	_ = 	snop  }
.LBB2_84:
.Ltmp83:
0x6b6: {  	(pc) =	sbr.rel .LBB2_87-.Ltmp83, $2  }
0x6b7: {  	_ =	sdelay $0x2  }
0x6b8: {  	_ = 	snop  }
.LBB2_98:
.Ltmp84:
0x6b9: {  	(pc) =	sbr.rel .LBB2_105-.Ltmp84, $3  }
0x6ba: {  	_ =	sdelay $0x1  }
0x6bb: {  	s13 =	smov.u32 s16;
	s26 =	simm.s32 $0x0;
	s4 =	simm.s32 $0x2F80  }
0x6bc: {  	s0 =	simm.s32 $0x0;
	s31 =	simm.s32 $0x0;
	s30 =	simm.s32 $0x6F80  }
.LBB2_110:
.Ltmp85:
0x6bd: {  	(pc) =	sbr.rel .LBB2_118-.Ltmp85, $2  }
0x6be: {  	_ =	sdelay $0x2  }
0x6bf: {  	s0 =	simm.s32 $0x0  }
.LBB2_54:
.Ltmp86:
0x6c0: {  	(pc) =	sbr.rel .LBB2_57-.Ltmp86, $2  }
0x6c1: {  	_ =	sdelay $0x2  }
0x6c2: {  	v16 =	vmov v17  }
.LBB2_70:
.Ltmp87:
0x6c3: {  	(pc) =	sbr.rel .LBB2_73-.Ltmp87, $2  }
0x6c4: {  	_ =	sdelay $0x2  }
0x6c5: {  	v16 =	vmov v17  }
.LBB2_100:
.Ltmp88:
0x6c6: {  	(pc) =	sbr.rel .LBB2_105-.Ltmp88, $3  }
0x6c7: {  	_ =	sdelay $0x1  }
0x6c8: {  	s13 =	smov.u32 s16;
	s26 =	simm.s32 $0x0;
	s4 =	simm.s32 $0x2F80  }
0x6c9: {  	vm14 =	vmmov vm12;
	vm15 =	vmmov vm13;
	s0 =	simm.s32 $0x0;
	s31 =	simm.s32 $0x0;
	s30 =	simm.s32 $0x6F80  }
.LBB2_112:
.Ltmp89:
0x6ca: {  	(pc) =	sbr.rel .LBB2_118-.Ltmp89, $2  }
0x6cb: {  	_ =	sdelay $0x2  }
0x6cc: {  	s0 =	simm.s32 $0x0  }
.LBB2_102:
.Ltmp90:
0x6cd: {  	(pc) =	sbr.rel .LBB2_105-.Ltmp90, $2  }
0x6ce: {  	_ =	sdelay $0x2  }
0x6cf: {  	s13 =	smov.u32 s16;
	s26 =	simm.s32 $0x0  }
.LBB2_114:
.Ltmp91:
0x6d0: {  	(pc) =	sbr.rel .LBB2_118-.Ltmp91, $2  }
0x6d1: {  	_ =	sdelay $0x3  }
0x6d2: {  	s0 =	simm.s32 $0x0  }
.LBB2_116:
.Ltmp92:
0x6d3: {  	(pc) =	sbr.rel .LBB2_118-.Ltmp92, $2  }
0x6d4: {  	_ =	sdelay $0x2  }
0x6d5: {  	s0 =	simm.s32 $0x0  }
.LBB2_125:
0x6d6: {  	_ =	sfence.sel $0x180000  }
0x6d7: {  	[bflag:$0x0] =	sbarrier.arrive $0xFFFF  }
0x6d8: {  	_ =	strace $0x90000047  }
0x6d9: {  	s0 =	stileid.u32;
	[bflag:$0x2] =	sbarrier.arrive $0xFFFF  }
0x6da: {  	p0 =	sne.s32 s0, $0x0;
	s0 =	rddreg [dreg:$0x2]  }
0x6db: {  	s0 =	sadd.s32 @!p0 $0x100000, s0  }
0x6dc: {  	[sflag:s0] =	ssyncadd.tile.s32 @!p0 $0x1;
	_ =	shalt  }
.Lfunc_end2:
_tile_overlayer_lowered:
.L_overlay_start_2:
0x6dd: {  	(tag) =	ssettag $0x2  }
0x6de: {  	s0 =	rddreg [dreg:$0x0];
	s2 =	stileid.u32  }
0x6df: {  	s1 =	rddreg [dreg:$0x1];
	p0 =	sne.s32 s2, $0x0  }
0x6e0: {  	s3 =	rddreg [dreg:$0x2];
	[bflag:$0x3] =	sbarrier.arrive $0xFFFF;
	s2 =	simm.s32 @!p0 $0x1C05  }
0x6e1: {  	[timem:s3], [sflag:s2] =	dma.local @!p0 [hbm:s0], s1  }
0x6e2: {  	s0 =	simm.s32 @!p0 $0x5  }
0x6e3: {  	_ =	swait.ge @!p0 [sflag:s0], s1  }
0x6e4: {  	s1 =	ssub.s32 @!p0 $0x0, s1;
	[sflag:s0] =	ssyncset.done @!p0 $0x0  }
0x6e5: {  	[sflag:s0] =	ssyncadd.s32 @!p0 s1  }
0x6e6: {  	[bflag:$0x3] =	sbarrier.arrive $0xFFFF  }
0x6e7: {  	_ =	shalt  }

</sc_bundles>
